<compile_context>
chip_gen: v7x
topology: tpu7x:2x2x1
jax: 0.10.2.dev20260603
libtpu: 0.0.44.dev20260713+nightly
codegen_flags: <defaults>
</compile_context>

<pallas_src>
import functools

import jax
import jax.numpy as jnp
from jax import lax
from jax.experimental import pallas as pl
from jax.experimental.pallas import tpu as pltpu
from jax.experimental.pallas import tpu_sc as plsc

N = 10000
E = 320000
F_IN = 128
HID = 128
NCLS = 16
NGRAPH = 64

NW = 32
CH = 128
_MCHUNK = 6400

ROWS_PAD = 10240
DUMMY = N
EPAD_N = 10240
MP_NODE = 12288
GROWS_PAD = 128
MP_G = 2048


def _mesh():
    return plsc.VectorSubcoreMesh(core_axis_name="c", subcore_axis_name="s")


def _zero_fill(ref, nrows):
    zv = jnp.zeros((16,), jnp.float32)

    def body(i, _):
        r = i // 8
        col = (i % 8) * 16
        ref[r, pl.ds(col, 16)] = zv
        return 0

    lax.fori_loop(0, nrows * 8, body, 0)


def _zero_fill_1d(ref, nwords):
    zv = jnp.zeros((16,), jnp.float32)

    def body(i, _):
        ref[pl.ds(i * 16, 16)] = zv
        return 0

    lax.fori_loop(0, nwords // 16, body, 0)


def _make_segsum_rows(rows_pad, e_pad):
    nchunk_total = e_pad // CH
    zr = rows_pad // 16
    zstep = min(zr, 64)
    nsc = 16

    @functools.partial(
        pl.kernel,
        mesh=plsc.VectorSubcoreMesh(
            core_axis_name="c", subcore_axis_name="s", num_cores=1
        ),
        out_type=jax.ShapeDtypeStruct((rows_pad, 128), jnp.float32),
        scratch_types=[
            pltpu.VMEM((CH,), jnp.int32),
            pltpu.VMEM((CH,), jnp.int32),
            pltpu.VMEM((CH, 128), jnp.float32),
            pltpu.VMEM((64, 128), jnp.float32),
            pltpu.VMEM_SHARED((rows_pad, 128), jnp.float32),
        ],
    )
    def k(table, srcidx, dstidx, out, sbuf, dbuf, rows, zbuf, acc):
        s = lax.axis_index("s")
        _zero_fill(zbuf, zstep)

        def zcp(t, _):
            pltpu.sync_copy(
                zbuf.at[pl.ds(0, zstep)], acc.at[pl.ds(s * zr + t * zstep, zstep)]
            )
            return 0

        lax.fori_loop(0, zr // zstep, zcp, 0)
        plsc.subcore_barrier()

        def chunk(i, _):
            base = (s + i * nsc) * CH
            pltpu.sync_copy(srcidx.at[pl.ds(base, CH)], sbuf)
            pltpu.sync_copy(dstidx.at[pl.ds(base, CH)], dbuf)
            pltpu.sync_copy(table.at[sbuf], rows)
            pltpu.sync_copy(rows, acc.at[dbuf], add=True)
            return 0

        nchunk = (nchunk_total - s + nsc - 1) // nsc
        lax.fori_loop(0, nchunk, chunk, 0)
        plsc.subcore_barrier()
        pltpu.sync_copy(acc.at[pl.ds(s * zr, zr)], out.at[pl.ds(s * zr, zr)])

    return k


def _make_segsum_scalar(mp, e_pad):
    nchunk_total = e_pad // CH
    zw = mp // 16

    @functools.partial(
        pl.kernel,
        mesh=_mesh(),
        out_type=jax.ShapeDtypeStruct((2, mp), jnp.float32),
        scratch_types=[
            pltpu.VMEM((CH,), jnp.int32),
            pltpu.VMEM((CH,), jnp.float32),
            pltpu.VMEM((zw,), jnp.float32),
            pltpu.VMEM_SHARED((mp,), jnp.float32),
        ],
    )
    def k(vals, idx, out, ibuf, vbuf, zbuf, acc):
        c = lax.axis_index("c")
        s = lax.axis_index("s")
        wid = c * 16 + s
        _zero_fill_1d(zbuf, zw)
        pltpu.sync_copy(zbuf, acc.at[pl.ds(s * zw, zw)])
        plsc.subcore_barrier()

        def chunk(i, _):
            base = (wid + i * NW) * CH
            pltpu.sync_copy(idx.at[pl.ds(base, CH)], ibuf)
            pltpu.sync_copy(vals.at[pl.ds(base, CH)], vbuf)
            pltpu.sync_copy(vbuf, acc.at[ibuf], add=True)
            return 0

        nchunk = (nchunk_total - wid + NW - 1) // NW
        lax.fori_loop(0, nchunk, chunk, 0)
        plsc.subcore_barrier()
        pltpu.sync_copy(acc.at[pl.ds(s * zw, zw)], out.at[c].at[pl.ds(s * zw, zw)])

    return k


def _make_relabel():
    nchunk_total = E // CH
    zw = MP_NODE // 16

    @functools.partial(
        pl.kernel,
        mesh=_mesh(),
        out_type=(
            jax.ShapeDtypeStruct((E,), jnp.int32),
            jax.ShapeDtypeStruct((E,), jnp.int32),
            jax.ShapeDtypeStruct((2, MP_NODE), jnp.float32),
        ),
        scratch_types=[
            pltpu.VMEM((N,), jnp.int32),
            pltpu.VMEM((CH,), jnp.int32),
            pltpu.VMEM((CH,), jnp.int32),
            pltpu.VMEM((CH,), jnp.int32),
            pltpu.VMEM((CH,), jnp.int32),
            pltpu.VMEM((CH,), jnp.float32),
            pltpu.VMEM((zw,), jnp.float32),
            pltpu.VMEM_SHARED((MP_NODE,), jnp.float32),
        ],
    )
    def k(rep, srcidx, dstidx, ns_out, nd_out, deg_out,
          repbuf, sbuf, dbuf, nsbuf, ndbuf, onebuf, zbuf, acc):
        c = lax.axis_index("c")
        s = lax.axis_index("s")
        wid = c * 16 + s
        _zero_fill_1d(zbuf, zw)
        pltpu.sync_copy(zbuf, acc.at[pl.ds(s * zw, zw)])
        pltpu.sync_copy(rep, repbuf)
        plsc.subcore_barrier()

        def chunk(i, _):
            base = (wid + i * NW) * CH
            pltpu.sync_copy(srcidx.at[pl.ds(base, CH)], sbuf)
            pltpu.sync_copy(dstidx.at[pl.ds(base, CH)], dbuf)

            def vec(j, _2):
                su = sbuf[pl.ds(j * 16, 16)]
                dv = dbuf[pl.ds(j * 16, 16)]
                ns = plsc.load_gather(repbuf, [su])
                nd = plsc.load_gather(repbuf, [dv])
                keep = ns != nd
                ndeff = jnp.where(keep, nd, DUMMY)
                one = jnp.where(keep, 1.0, 0.0)
                nsbuf[pl.ds(j * 16, 16)] = ns
                ndbuf[pl.ds(j * 16, 16)] = ndeff
                onebuf[pl.ds(j * 16, 16)] = one
                return 0

            lax.fori_loop(0, CH // 16, vec, 0)
            pltpu.sync_copy(nsbuf, ns_out.at[pl.ds(base, CH)])
            pltpu.sync_copy(ndbuf, nd_out.at[pl.ds(base, CH)])
            pltpu.sync_copy(onebuf, acc.at[ndbuf], add=True)
            return 0

        nchunk = (nchunk_total - wid + NW - 1) // NW
        lax.fori_loop(0, nchunk, chunk, 0)
        plsc.subcore_barrier()
        pltpu.sync_copy(acc.at[pl.ds(s * zw, zw)], deg_out.at[c].at[pl.ds(s * zw, zw)])

    return k


_segsum_lap = _make_segsum_rows(ROWS_PAD, E)
_segsum_pool = _make_segsum_rows(ROWS_PAD, EPAD_N)
_segsum_graph = _make_segsum_rows(GROWS_PAD, EPAD_N)
_segsum_deg = _make_segsum_scalar(MP_NODE, E)
_segsum_cnt = _make_segsum_scalar(MP_NODE, EPAD_N)
_segsum_gcnt = _make_segsum_scalar(MP_G, EPAD_N)
_relabel = _make_relabel()


def _match_body(edges_ref, m_ref):
    step = pl.program_id(0)

    @pl.when(step == 0)
    def _init():
        def initb(i, _):
            m_ref[i] = -1
            return 0

        lax.fori_loop(0, N, initb, 0, unroll=8)

    def body(i, _):
        u = edges_ref[0, i]
        v = edges_ref[1, i]
        mu = m_ref[u]
        mv = m_ref[v]
        ok = (u != v) & (mu < 0) & (mv < 0)
        m_ref[u] = jnp.where(ok, v, mu)
        m_ref[v] = jnp.where(ok, u, mv)
        return 0

    lax.fori_loop(0, _MCHUNK, body, 0)


def _graclus_pallas(edge_index):
    return pl.pallas_call(
        _match_body,
        grid=(E // _MCHUNK,),
        in_specs=[
            pl.BlockSpec((2, _MCHUNK), lambda i: (0, i), memory_space=pltpu.SMEM),
        ],
        out_specs=pl.BlockSpec(memory_space=pltpu.SMEM),
        out_shape=jax.ShapeDtypeStruct((N,), jnp.int32),
    )(edge_index)


_RB = 400


def _tc_call(body, nout, extra_full_inputs, blocked_inputs, out_shapes):
    grid = (N // _RB,)
    in_specs = []
    for shp in blocked_inputs:
        in_specs.append(
            pl.BlockSpec(
                (_RB,) + shp[1:], lambda i, n=len(shp) - 1: (i,) + (0,) * n
            )
        )
    for shp in extra_full_inputs:
        in_specs.append(pl.BlockSpec(shp, lambda i, n=len(shp): (0,) * n))
    out_specs = [
        pl.BlockSpec((_RB,) + shp[1:], lambda i, n=len(shp) - 1: (i,) + (0,) * n)
        for shp in out_shapes
    ]
    return pl.pallas_call(
        body,
        grid=grid,
        in_specs=in_specs,
        out_specs=out_specs if nout > 1 else out_specs[0],
        out_shape=[jax.ShapeDtypeStruct(s, jnp.float32) for s in out_shapes]
        if nout > 1
        else jax.ShapeDtypeStruct(out_shapes[0], jnp.float32),
    )


def _dis_from_deg(deg):
    return jnp.where(deg > 0, lax.rsqrt(jnp.maximum(deg, 1.0)), 0.0)


def _stage1_body(deg0_ref, deg1_ref, x_ref, w0_ref, dis_ref, g_ref, out0_ref):
    deg = deg0_ref[...] + deg1_ref[...]
    dis = _dis_from_deg(deg)
    dis_ref[...] = dis
    g_ref[...] = x_ref[...] * dis
    out0_ref[...] = jnp.dot(x_ref[...], w0_ref[...], preferred_element_type=jnp.float32)


def _stage2_body(s_ref, dis_ref, out0_ref, w1_ref, g1_ref, acc_ref, tx1_ref):
    dis = dis_ref[...]
    tx1 = -dis * s_ref[...]
    g1_ref[...] = dis * tx1
    tx1_ref[...] = tx1
    acc_ref[...] = out0_ref[...] + jnp.dot(tx1, w1_ref[...], preferred_element_type=jnp.float32)


def _stage3_body(s_ref, dis_ref, x_ref, acc_ref, w2_ref, b_ref, h_ref):
    dis = dis_ref[...]
    tx2 = -2.0 * dis * s_ref[...] - x_ref[...]
    pre = acc_ref[...] + jnp.dot(tx2, w2_ref[...], preferred_element_type=jnp.float32) + b_ref[...]
    h_ref[...] = jnp.maximum(pre, 0.0)


def _pool_body(hs_ref, cnt0_ref, cnt1_ref, rep_ref, iota_ref, hc_ref, valid_ref):
    cnt = cnt0_ref[...] + cnt1_ref[...]
    hc_ref[...] = hs_ref[...] / jnp.maximum(cnt, 1.0)
    valid_ref[...] = jnp.where(rep_ref[...] == iota_ref[...], 1.0, 0.0)


def _final_body(p_ref, g0_ref, g1_ref, wfc_ref, bfc_ref, out_ref):
    gcnt = g0_ref[...] + g1_ref[...]
    pooled = p_ref[...] / jnp.maximum(gcnt, 1.0)
    logits = jnp.dot(pooled, wfc_ref[...], preferred_element_type=jnp.float32) + bfc_ref[...]
    mx = jnp.max(logits, axis=1, keepdims=True)
    sh = logits - mx
    lse = jnp.log(jnp.sum(jnp.exp(sh), axis=1, keepdims=True))
    out_ref[...] = sh - lse


def _cheb_layer(x, g_table_src, src, dst, deg_parts, W, b):
    dis, g0, out0 = _tc_call(
        _stage1_body, 3,
        extra_full_inputs=[(128, 128)],
        blocked_inputs=[(N, 1), (N, 1), (N, 128)],
        out_shapes=[(N, 1), (N, 128), (N, 128)],
    )(deg_parts[0], deg_parts[1], x, W[0])

    s1 = g_table_src(g0, src, dst)
    g1, acc, _tx1 = _tc_call(
        _stage2_body, 3,
        extra_full_inputs=[(128, 128)],
        blocked_inputs=[(N, 128), (N, 1), (N, 128)],
        out_shapes=[(N, 128), (N, 128), (N, 128)],
    )(s1, dis, out0, W[1])

    s2 = g_table_src(g1, src, dst)
    h = _tc_call(
        _stage3_body, 1,
        extra_full_inputs=[(128, 128), (1, 128)],
        blocked_inputs=[(N, 128), (N, 1), (N, 128), (N, 128)],
        out_shapes=[(N, 128)],
    )(s2, dis, x, acc, W[2], b.reshape(1, 128))
    return h



def _make_gather_words(e_pad):
    nchunk_total = e_pad // CH

    @functools.partial(
        pl.kernel,
        mesh=_mesh(),
        out_type=jax.ShapeDtypeStruct((e_pad,), jnp.int32),
        scratch_types=[
            pltpu.VMEM((CH,), jnp.int32),
            pltpu.VMEM((CH,), jnp.int32),
        ],
    )
    def k(table, idx, out, ibuf, obuf):
        c = lax.axis_index("c")
        s = lax.axis_index("s")
        wid = c * 16 + s

        def chunk(i, _):
            base = (wid + i * NW) * CH
            pltpu.sync_copy(idx.at[pl.ds(base, CH)], ibuf)
            pltpu.sync_copy(table.at[ibuf], obuf)
            pltpu.sync_copy(obuf, out.at[pl.ds(base, CH)])
            return 0

        nchunk = (nchunk_total - wid + NW - 1) // NW
        lax.fori_loop(0, nchunk, chunk, 0)

    return k


_gather_words = _make_gather_words(E)
_ER = 2500


def _mask_body(ns_ref, nd_ref, ndeff_ref, emask_ref):
    ns = ns_ref[...]
    nd = nd_ref[...]
    keep = ns != nd
    ndeff_ref[...] = jnp.where(keep, nd, DUMMY)
    emask_ref[...] = jnp.where(keep, 1.0, 0.0)


def _edge_mask(ns, nd):
    ns2 = ns.reshape(_ER, 128)
    nd2 = nd.reshape(_ER, 128)
    ndeff, emask = pl.pallas_call(
        _mask_body,
        out_shape=[
            jax.ShapeDtypeStruct((_ER, 128), jnp.int32),
            jax.ShapeDtypeStruct((_ER, 128), jnp.float32),
        ],
    )(ns2, nd2)
    return ndeff.reshape(E), emask.reshape(E)


def kernel(x, edge_index, batch, w1, b1, w2, b2, wfc, bfc):
    src = edge_index[0]
    dst = edge_index[1]
    ones_e = jnp.ones((E,), jnp.float32)

    deg1 = _segsum_deg(ones_e, dst)
    deg1p = (deg1[0, :N].reshape(N, 1), deg1[1, :N].reshape(N, 1))

    def lap1(g, sidx, didx):
        return _segsum_lap(g, sidx, didx)[:N, :]

    h = _cheb_layer(x, lap1, src, dst, deg1p, w1, b1)

    m = _graclus_pallas(edge_index)
    idx = jnp.arange(N, dtype=jnp.int32)
    match = jnp.where(m < 0, idx, m)
    rep = jnp.minimum(idx, match)

    rep_pad = jnp.concatenate([rep, jnp.full((EPAD_N - N,), DUMMY, jnp.int32)])
    iota_pad = jnp.concatenate([idx, jnp.zeros((EPAD_N - N,), jnp.int32)])
    ones_n = jnp.ones((EPAD_N,), jnp.float32)

    counts = _segsum_cnt(ones_n, rep_pad)
    hsum = _segsum_pool(h, iota_pad, rep_pad)[:N, :]
    hc, valid = _tc_call(
        _pool_body, 2,
        extra_full_inputs=[],
        blocked_inputs=[(N, 128), (N, 1), (N, 1), (N, 1), (N, 1)],
        out_shapes=[(N, 128), (N, 1)],
    )(
        hsum,
        counts[0, :N].reshape(N, 1), counts[1, :N].reshape(N, 1),
        rep.reshape(N, 1).astype(jnp.float32), idx.reshape(N, 1).astype(jnp.float32),
    )

    ns = _gather_words(rep, src)
    nd2c = _gather_words(rep, dst)
    ndeff, emask = _edge_mask(ns, nd2c)
    deg2 = _segsum_deg(emask, nd2c)
    deg2p = (deg2[0, :N].reshape(N, 1), deg2[1, :N].reshape(N, 1))

    h2 = _cheb_layer(hc, lap1, ns, ndeff, deg2p, w2, b2)

    batch_pad = jnp.concatenate(
        [batch, jnp.full((EPAD_N - N,), NGRAPH, jnp.int32)]
    )
    valid_pad = jnp.concatenate([valid.reshape(N), jnp.zeros((EPAD_N - N,), jnp.float32)])
    gcnt = _segsum_gcnt(valid_pad, batch_pad)
    psum = _segsum_graph(h2, iota_pad, batch_pad)[:NGRAPH, :]

    out = pl.pallas_call(
        _final_body,
        out_shape=jax.ShapeDtypeStruct((NGRAPH, NCLS), jnp.float32),
    )(
        psum,
        gcnt[0, :NGRAPH].reshape(NGRAPH, 1), gcnt[1, :NGRAPH].reshape(NGRAPH, 1),
        wfc, bfc.reshape(1, NCLS),
    )
    return out

# --- scband reference (transcript-rebuilt; emitter-appended) ---
"""Pipeline reference for scband-graph-cheb-net-with-coarsening-37400575213799 (READ-ONLY COPY).

The authoritative reference and input builder live on the scoring server;
editing this copy changes nothing except your own understanding.
"""

import jax, jax.numpy as jnp
import numpy as np

N = 10000
E = 320000
F_IN = 128
HID = 128
NCLS = 16
K = 3
NGRAPH = 64


def setup_inputs(seed: int = 0) -> dict:
    key = jax.random.key(seed)
    ks = jax.random.split(key, 9)
    x = jax.random.normal(ks[0], (N, F_IN), dtype=jnp.float32)
    edge_index = jax.random.randint(ks[1], (2, E), 0, N, dtype=jnp.int32)
    batch = jnp.sort(jax.random.randint(ks[2], (N,), 0, NGRAPH, dtype=jnp.int32))
    w1 = jax.random.normal(ks[3], (K, F_IN, HID), dtype=jnp.float32) * 0.05
    b1 = jnp.zeros((HID,), dtype=jnp.float32)
    w2 = jax.random.normal(ks[4], (K, HID, HID), dtype=jnp.float32) * 0.05
    b2 = jnp.zeros((HID,), dtype=jnp.float32)
    wfc = jax.random.normal(ks[5], (HID, NCLS), dtype=jnp.float32) * 0.05
    bfc = jnp.zeros((NCLS,), dtype=jnp.float32)
    return {"x": x, "edge_index": edge_index, "batch": batch, "w1": w1, "b1": b1, "w2": w2, "b2": b2, "wfc": wfc, "bfc": bfc}


def cheb_conv(x, src, dst, W, b, mask=None):
    # PyG ChebConv with sym normalization and lambda_max=2: L_hat = L - I = -D^{-1/2} A D^{-1/2}
    n = x.shape[0]
    ones = jnp.ones(src.shape[0], jnp.float32) if mask is None else mask
    deg = jax.ops.segment_sum(ones, dst, num_segments=n)
    dis = jnp.where(deg > 0, 1.0 / jnp.sqrt(jnp.maximum(deg, 1.0)), 0.0)
    w = -dis[src] * dis[dst]
    if mask is not None:
        w = w * mask

    def lap(h):
        return jax.ops.segment_sum(w[:, None] * h[src], dst, num_segments=n)

    Tx0 = x
    out = Tx0 @ W[0]
    Tx1 = lap(Tx0)
    out = out + Tx1 @ W[1]
    Tx2 = 2.0 * lap(Tx1) - Tx0
    out = out + Tx2 @ W[2]
    return out + b


def graclus_clusters(src, dst, n):
    # Deterministic greedy edge matching (graclus-style pairwise coarsening).
    match0 = jnp.full((n,), -1, dtype=jnp.int32)

    def body(e, m):
        u = src[e]
        v = dst[e]
        ok = (u != v) & (m[u] < 0) & (m[v] < 0)
        m = m.at[u].set(jnp.where(ok, v, m[u]))
        m = m.at[v].set(jnp.where(ok, u, m[v]))
        return m

    match = jax.lax.fori_loop(0, src.shape[0], body, match0)
    idx = jnp.arange(n, dtype=jnp.int32)
    match = jnp.where(match < 0, idx, match)
    rep = jnp.minimum(idx, match)
    return rep


def reference(x, edge_index, batch, w1, b1, w2, b2, wfc, bfc):
    n = x.shape[0]
    src = edge_index[0]
    dst = edge_index[1]
    h = jax.nn.relu(cheb_conv(x, src, dst, w1, b1))
    # coarsen_graclus: cluster assignment via representative node index (fixed label space of size n),
    # mean-pool features, relabel edges with a zero-weight mask for intra-cluster edges
    rep = graclus_clusters(src, dst, n)
    counts = jax.ops.segment_sum(jnp.ones(n, jnp.float32), rep, num_segments=n)
    hc = jax.ops.segment_sum(h, rep, num_segments=n) / jnp.maximum(counts, 1.0)[:, None]
    ns = rep[src]
    nd = rep[dst]
    emask = (ns != nd).astype(jnp.float32)
    h2 = jax.nn.relu(cheb_conv(hc, ns, nd, w2, b2, emask))
    # global_mean_pool over batch of each cluster's representative node
    valid = (rep == jnp.arange(n, dtype=jnp.int32)).astype(jnp.float32)
    gcnt = jax.ops.segment_sum(valid, batch, num_segments=NGRAPH)
    pooled = jax.ops.segment_sum(h2, batch, num_segments=NGRAPH) / jnp.maximum(gcnt, 1.0)[:, None]
    logits = pooled @ wfc + bfc
    return jax.nn.log_softmax(logits, axis=1)

if __name__ == "__main__":
    import jax
    _d = setup_inputs()
    print(jax.jit(kernel)(*tuple(_d.values())))

</pallas_src>

<mosaic_0001>
#map = affine_map<(d0, d1) -> (0, 0)>
#map1 = affine_map<(d0, d1) -> (0)>
module attributes {stable_mosaic.version = 14 : i64} {
  func.func @k(%arg0: i32, %arg1: i32, %arg2: memref<10000x128xf32, #tpu.memory_space<hbm>>, %arg3: memref<320000xi32, #tpu.memory_space<hbm>>, %arg4: memref<320000xi32, #tpu.memory_space<hbm>>, %arg5: memref<10240x128xf32, #tpu.memory_space<hbm>>, %arg6: memref<128xi32, #tpu.memory_space<vmem>>, %arg7: memref<128xi32, #tpu.memory_space<vmem>>, %arg8: memref<128x128xf32, #tpu.memory_space<vmem>>, %arg9: memref<64x128xf32, #tpu.memory_space<vmem>>, %arg10: memref<10240x128xf32, #tpu.memory_space<vmem_shared>>) attributes {dimension_semantics = [#tpu.dimension_semantics<core_parallel>, #tpu.dimension_semantics<subcore_parallel>], iteration_bounds = array<i64: 1, 16>, scalar_prefetch = 0 : i64, scratch_operands = 5 : i64, tpu.core_type = #tpu.core_type<sc_vector_subcore>, window_params = [{transform_indices = #map}, {transform_indices = #map1}, {transform_indices = #map1}, {transform_indices = #map}]} {
    %broadcast_in_dim3A = arith.constant 0.000000e+00 : f32
    %broadcast_in_dim3A_0 = vector.broadcast %broadcast_in_dim3A : f32 to vector<16xf32>
    %scan3A = arith.constant 0 : i32
    %scan3A_1 = arith.constant 0 : i32
    %scan3A_2 = arith.constant 512 : i32
    %scan3A_3 = arith.addi %scan3A_1, %scan3A_2 : i32
    %scan3A_4 = arith.constant 1 : i32
    %scan3A_5 = scf.for %scan3A_50 = %scan3A_1 to %scan3A_3 step %scan3A_4 iter_args(%scan3A_51 = %scan3A) -> (i32)  : i32 {
      %jit3A_52 = arith.constant 8 : i32
      %div3A_53 = arith.divsi %scan3A_50, %jit3A_52 : i32
      %sign3A_54 = arith.constant 0 : i32
      %sign3A_55 = arith.cmpi sgt, %scan3A_50, %sign3A_54 : i32
      %sign3A_56 = arith.extui %sign3A_55 : i1 to i32
      %sign3A_57 = arith.constant 0 : i32
      %sign3A_58 = arith.cmpi slt, %scan3A_50, %sign3A_57 : i32
      %sign3A_59 = arith.extui %sign3A_58 : i1 to i32
      %sign3A_60 = arith.subi %sign3A_56, %sign3A_59 : i32
      %sign3A_61 = arith.constant 0 : i32
      %sign3A_62 = arith.cmpi sgt, %jit3A_52, %sign3A_61 : i32
      %sign3A_63 = arith.extui %sign3A_62 : i1 to i32
      %sign3A_64 = arith.constant 0 : i32
      %sign3A_65 = arith.cmpi slt, %jit3A_52, %sign3A_64 : i32
      %sign3A_66 = arith.extui %sign3A_65 : i1 to i32
      %sign3A_67 = arith.subi %sign3A_63, %sign3A_66 : i32
      %ne3A_68 = arith.cmpi ne, %sign3A_60, %sign3A_67 : i32
      %rem3A_69 = arith.remsi %scan3A_50, %jit3A_52 : i32
      %ne3A_70 = arith.constant 0 : i32
      %ne3A_71 = arith.cmpi ne, %rem3A_69, %ne3A_70 : i32
      %and3A_72 = arith.andi %ne3A_68, %ne3A_71 : i1
      %sub3A_73 = arith.constant 1 : i32
      %sub3A_74 = arith.subi %div3A_53, %sub3A_73 : i32
      %select_n3A_75 = arith.select %and3A_72, %sub3A_74, %div3A_53 : i32
      %jit3A_76 = arith.constant 8 : i32
      %eq3A = arith.constant 0 : i32
      %eq3A_77 = arith.cmpi eq, %jit3A_76, %eq3A : i32
      %jit3A_78 = arith.constant 1 : i32
      %select_n3A_79 = arith.select %eq3A_77, %jit3A_78, %jit3A_76 : i32
      %rem3A_80 = arith.remsi %scan3A_50, %select_n3A_79 : i32
      %ne3A_81 = arith.constant 0 : i32
      %ne3A_82 = arith.cmpi ne, %rem3A_80, %ne3A_81 : i32
      %lt3A = arith.constant 0 : i32
      %lt3A_83 = arith.cmpi slt, %rem3A_80, %lt3A : i32
      %lt3A_84 = arith.constant 0 : i32
      %lt3A_85 = arith.cmpi slt, %select_n3A_79, %lt3A_84 : i32
      %ne3A_86 = arith.xori %lt3A_83, %lt3A_85 : i1
      %and3A_87 = arith.andi %ne3A_86, %ne3A_82 : i1
      %add3A_88 = arith.addi %rem3A_80, %select_n3A_79 : i32
      %select_n3A_89 = arith.select %and3A_87, %add3A_88, %rem3A_80 : i32
      %mul3A_90 = arith.constant 16 : i32
      %mul3A_91 = arith.muli %select_n3A_89, %mul3A_90 : i32
      %swap3A = arith.index_cast %select_n3A_75 : i32 to index
      %swap3A_92 = arith.index_cast %mul3A_91 : i32 to index
      %swap3A_93 = tpu.vector_load %arg9[%swap3A, %swap3A_92] {strides = array<i32>} : memref<64x128xf32, #tpu.memory_space<vmem>>, vector<1x16xf32>,
      %swap3A_94 = vector.shape_cast %swap3A_93 : vector<1x16xf32> to vector<16xf32>
      %swap3A_95 = vector.shape_cast %broadcast_in_dim3A_0 : vector<16xf32> to vector<1x16xf32>
      tpu.vector_store %arg9[%swap3A, %swap3A_92], %swap3A_95 {strides = array<i32>} : memref<64x128xf32, #tpu.memory_space<vmem>>, vector<1x16xf32>,
      %scan3A_96 = arith.constant 0 : i32
      scf.yield %scan3A_96 : i32
    }
    %scan3A_6 = arith.constant 512 : i32
    %scan3A_7 = arith.constant 0 : i32
    %scan3A_8 = arith.constant 0 : i32
    %scan3A_9 = arith.constant 10 : i32
    %scan3A_10 = arith.addi %scan3A_8, %scan3A_9 : i32
    %scan3A_11 = arith.constant 1 : i32
    %scan3A_12 = scf.for %scan3A_50 = %scan3A_8 to %scan3A_10 step %scan3A_11 iter_args(%scan3A_51 = %scan3A_7) -> (i32)  : i32 {
      %mul3A_52 = arith.constant 640 : i32
      %mul3A_53 = arith.muli %arg1, %mul3A_52 : i32
      %mul3A_54 = arith.constant 64 : i32
      %mul3A_55 = arith.muli %scan3A_50, %mul3A_54 : i32
      %add3A_56 = arith.addi %mul3A_53, %mul3A_55 : i32
      "tpu.region"() ({
        %run_scoped3A = tpu.sem_alloc : memref<!tpu.dma_semaphore, #tpu.memory_space<semaphore_mem>>
        %dma_start3A = arith.constant 0 : i32
        %dma_start3A_58 = arith.constant 0 : i32
        %dma_start3A_59 = tpu.memref_slice %arg9[%dma_start3A, %dma_start3A_58] : memref<64x128xf32, #tpu.memory_space<vmem>> -> memref<64x128xf32, #tpu.memory_space<vmem>>
        %dma_start3A_60 = arith.constant 0 : i32
        %dma_start3A_61 = tpu.memref_slice %arg10[%add3A_56, %dma_start3A_60] : memref<10240x128xf32, #tpu.memory_space<vmem_shared>> -> memref<64x128xf32, #tpu.memory_space<vmem_shared>>
        %dma_start3A_62 = arith.constant 0 : i32
        %dma_start3A_63 = tpu.memref_slice %arg10[%add3A_56, %dma_start3A_62] : memref<10240x128xf32, #tpu.memory_space<vmem_shared>> -> memref<64x128xf32, #tpu.memory_space<vmem_shared>>
        %dma_start3A_64 = arith.constant 0 : i32
        %dma_start3A_65 = arith.constant 0 : i32
        %dma_start3A_66 = tpu.memref_slice %arg9[%dma_start3A_64, %dma_start3A_65] : memref<64x128xf32, #tpu.memory_space<vmem>> -> memref<64x128xf32, #tpu.memory_space<vmem>>
        tpu.enqueue_dma source(%dma_start3A_66 : memref<64x128xf32, #tpu.memory_space<vmem>>) target(%dma_start3A_63 : memref<64x128xf32, #tpu.memory_space<vmem_shared>>) target_semaphore(%run_scoped3A : memref<!tpu.dma_semaphore, #tpu.memory_space<semaphore_mem>>)
        %dma_wait3A = arith.constant 0 : i32
        %dma_wait3A_67 = arith.constant 0 : i32
        %dma_wait3A_68 = tpu.memref_slice %arg9[%dma_wait3A, %dma_wait3A_67] : memref<64x128xf32, #tpu.memory_space<vmem>> -> memref<64x128xf32, #tpu.memory_space<vmem>>
        %dma_wait3A_69 = arith.constant 0 : i32
        %dma_wait3A_70 = tpu.memref_slice %arg10[%add3A_56, %dma_wait3A_69] : memref<10240x128xf32, #tpu.memory_space<vmem_shared>> -> memref<64x128xf32, #tpu.memory_space<vmem_shared>>
        %dma_wait3A_71 = arith.constant 0 : i32
        %dma_wait3A_72 = tpu.memref_slice %arg10[%add3A_56, %dma_wait3A_71] : memref<10240x128xf32, #tpu.memory_space<vmem_shared>> -> memref<64x128xf32, #tpu.memory_space<vmem_shared>>
        %dma_wait3A_73 = arith.constant 0 : i32
        %dma_wait3A_74 = arith.constant 0 : i32
        %dma_wait3A_75 = tpu.memref_slice %arg9[%dma_wait3A_73, %dma_wait3A_74] : memref<64x128xf32, #tpu.memory_space<vmem>> -> memref<64x128xf32, #tpu.memory_space<vmem>>
        tpu.wait_dma2 semaphore(%run_scoped3A : memref<!tpu.dma_semaphore, #tpu.memory_space<semaphore_mem>>) src(%dma_wait3A_75 : memref<64x128xf32, #tpu.memory_space<vmem>>) dst(%dma_wait3A_72 : memref<64x128xf32, #tpu.memory_space<vmem_shared>>)
        tpu.yield
      }) : () -> ()
      %scan3A_57 = arith.constant 0 : i32
      scf.yield %scan3A_57 : i32
    }
    %scan3A_13 = arith.constant 10 : i32
    %barrier3A = arith.constant 0 : index
    tpu.barrier barrier_id(%barrier3A)
    %sub3A = arith.constant 2500 : i32
    %sub3A_14 = arith.subi %sub3A, %arg1 : i32
    %add3A = arith.constant 16 : i32
    %add3A_15 = arith.addi %sub3A_14, %add3A : i32
    %sub3A_16 = arith.constant 1 : i32
    %sub3A_17 = arith.subi %add3A_15, %sub3A_16 : i32
    %jit3A = arith.constant 16 : i32
    %div3A = arith.divsi %sub3A_17, %jit3A : i32
    %sign3A = arith.constant 0 : i32
    %sign3A_18 = arith.cmpi sgt, %sub3A_17, %sign3A : i32
    %sign3A_19 = arith.extui %sign3A_18 : i1 to i32
    %sign3A_20 = arith.constant 0 : i32
    %sign3A_21 = arith.cmpi slt, %sub3A_17, %sign3A_20 : i32
    %sign3A_22 = arith.extui %sign3A_21 : i1 to i32
    %sign3A_23 = arith.subi %sign3A_19, %sign3A_22 : i32
    %sign3A_24 = arith.constant 0 : i32
    %sign3A_25 = arith.cmpi sgt, %jit3A, %sign3A_24 : i32
    %sign3A_26 = arith.extui %sign3A_25 : i1 to i32
    %sign3A_27 = arith.constant 0 : i32
    %sign3A_28 = arith.cmpi slt, %jit3A, %sign3A_27 : i32
    %sign3A_29 = arith.extui %sign3A_28 : i1 to i32
    %sign3A_30 = arith.subi %sign3A_26, %sign3A_29 : i32
    %ne3A = arith.cmpi ne, %sign3A_23, %sign3A_30 : i32
    %rem3A = arith.remsi %sub3A_17, %jit3A : i32
    %ne3A_31 = arith.constant 0 : i32
    %ne3A_32 = arith.cmpi ne, %rem3A, %ne3A_31 : i32
    %and3A = arith.andi %ne3A, %ne3A_32 : i1
    %sub3A_33 = arith.constant 1 : i32
    %sub3A_34 = arith.subi %div3A, %sub3A_33 : i32
    %select_n3A = arith.select %and3A, %sub3A_34, %div3A : i32
    %while3A = arith.constant 0 : i32
    %while3A_35 = arith.constant 0 : i32
    %while3A_36 = arith.subi %select_n3A, %while3A : i32
    %while3A_37 = arith.addi %while3A, %while3A_36 : i32
    %while3A_38 = arith.constant 1 : i32
    %while3A_39 = arith.divsi %while3A_36, %while3A_38 : i32
    %while3A_40 = arith.muli %while3A_39, %while3A_38 : i32
    %while3A_41 = arith.addi %while3A, %while3A_40 : i32
    %while3A_42 = arith.constant 1 : i32
    %while3A_43 = scf.for %while3A_50 = %while3A to %while3A_41 step %while3A_42 iter_args(%while3A_51 = %while3A_35) -> (i32)  : i32 {
      %mul3A_52 = arith.constant 16 : i32
      %mul3A_53 = arith.muli %while3A_50, %mul3A_52 : i32
      %add3A_54 = arith.addi %arg1, %mul3A_53 : i32
      %mul3A_55 = arith.constant 128 : i32
      %mul3A_56 = arith.muli %add3A_54, %mul3A_55 : i32
      "tpu.region"() ({
        %run_scoped3A = tpu.sem_alloc : memref<!tpu.dma_semaphore, #tpu.memory_space<semaphore_mem>>
        %dma_start3A = tpu.memref_slice %arg3[%mul3A_56] : memref<320000xi32, #tpu.memory_space<hbm>> -> memref<128xi32, #tpu.memory_space<hbm>>
        %dma_start3A_58 = tpu.memref_slice %arg3[%mul3A_56] : memref<320000xi32, #tpu.memory_space<hbm>> -> memref<128xi32, #tpu.memory_space<hbm>>
        tpu.enqueue_dma source(%dma_start3A_58 : memref<128xi32, #tpu.memory_space<hbm>>) target(%arg6 : memref<128xi32, #tpu.memory_space<vmem>>) target_semaphore(%run_scoped3A : memref<!tpu.dma_semaphore, #tpu.memory_space<semaphore_mem>>)
        %dma_wait3A = tpu.memref_slice %arg3[%mul3A_56] : memref<320000xi32, #tpu.memory_space<hbm>> -> memref<128xi32, #tpu.memory_space<hbm>>
        %dma_wait3A_59 = tpu.memref_slice %arg3[%mul3A_56] : memref<320000xi32, #tpu.memory_space<hbm>> -> memref<128xi32, #tpu.memory_space<hbm>>
        tpu.wait_dma2 semaphore(%run_scoped3A : memref<!tpu.dma_semaphore, #tpu.memory_space<semaphore_mem>>) src(%dma_wait3A_59 : memref<128xi32, #tpu.memory_space<hbm>>) dst(%arg6 : memref<128xi32, #tpu.memory_space<vmem>>)
        tpu.yield
      }) : () -> ()
      "tpu.region"() ({
        %run_scoped3A = tpu.sem_alloc : memref<!tpu.dma_semaphore, #tpu.memory_space<semaphore_mem>>
        %dma_start3A = tpu.memref_slice %arg4[%mul3A_56] : memref<320000xi32, #tpu.memory_space<hbm>> -> memref<128xi32, #tpu.memory_space<hbm>>
        %dma_start3A_58 = tpu.memref_slice %arg4[%mul3A_56] : memref<320000xi32, #tpu.memory_space<hbm>> -> memref<128xi32, #tpu.memory_space<hbm>>
        tpu.enqueue_dma source(%dma_start3A_58 : memref<128xi32, #tpu.memory_space<hbm>>) target(%arg7 : memref<128xi32, #tpu.memory_space<vmem>>) target_semaphore(%run_scoped3A : memref<!tpu.dma_semaphore, #tpu.memory_space<semaphore_mem>>)
        %dma_wait3A = tpu.memref_slice %arg4[%mul3A_56] : memref<320000xi32, #tpu.memory_space<hbm>> -> memref<128xi32, #tpu.memory_space<hbm>>
        %dma_wait3A_59 = tpu.memref_slice %arg4[%mul3A_56] : memref<320000xi32, #tpu.memory_space<hbm>> -> memref<128xi32, #tpu.memory_space<hbm>>
        tpu.wait_dma2 semaphore(%run_scoped3A : memref<!tpu.dma_semaphore, #tpu.memory_space<semaphore_mem>>) src(%dma_wait3A_59 : memref<128xi32, #tpu.memory_space<hbm>>) dst(%arg7 : memref<128xi32, #tpu.memory_space<vmem>>)
        tpu.yield
      }) : () -> ()
      "tpu.region"() ({
        %run_scoped3A = tpu.sem_alloc : memref<!tpu.dma_semaphore, #tpu.memory_space<semaphore_mem>>
        %dma_start3A = arith.constant 0 : i32
        %dma_start3A_58 = arith.constant 0 : i32
        %dma_start3A_59 = tpu.memref_slice %arg2[%dma_start3A, %dma_start3A_58] : memref<10000x128xf32, #tpu.memory_space<hbm>> -> memref<10000x128xf32, #tpu.memory_space<hbm>>
        tpu.enqueue_indirect_dma source(%dma_start3A_59 : memref<10000x128xf32, #tpu.memory_space<hbm>>) target(%arg8 : memref<128x128xf32, #tpu.memory_space<vmem>>) offsets(%arg6 : memref<128xi32, #tpu.memory_space<vmem>>) semaphore(%run_scoped3A : memref<!tpu.dma_semaphore, #tpu.memory_space<semaphore_mem>>)
        %dma_wait3A = arith.constant 0 : i32
        %dma_wait3A_60 = arith.constant 0 : i32
        %dma_wait3A_61 = tpu.memref_slice %arg2[%dma_wait3A, %dma_wait3A_60] : memref<10000x128xf32, #tpu.memory_space<hbm>> -> memref<10000x128xf32, #tpu.memory_space<hbm>>
        tpu.wait_indirect_dma semaphore(%run_scoped3A : memref<!tpu.dma_semaphore, #tpu.memory_space<semaphore_mem>>) src(%dma_wait3A_61 : memref<10000x128xf32, #tpu.memory_space<hbm>>) dst(%arg8 : memref<128x128xf32, #tpu.memory_space<vmem>>)
        tpu.yield
      }) : () -> ()
      "tpu.region"() ({
        %run_scoped3A = tpu.sem_alloc : memref<!tpu.dma_semaphore, #tpu.memory_space<semaphore_mem>>
        %dma_start3A = arith.constant 0 : i32
        %dma_start3A_58 = arith.constant 0 : i32
        %dma_start3A_59 = tpu.memref_slice %arg10[%dma_start3A, %dma_start3A_58] : memref<10240x128xf32, #tpu.memory_space<vmem_shared>> -> memref<10240x128xf32, #tpu.memory_space<vmem_shared>>
        tpu.enqueue_indirect_dma source(%arg8 : memref<128x128xf32, #tpu.memory_space<vmem>>) target(%dma_start3A_59 : memref<10240x128xf32, #tpu.memory_space<vmem_shared>>) offsets(%arg7 : memref<128xi32, #tpu.memory_space<vmem>>) semaphore(%run_scoped3A : memref<!tpu.dma_semaphore, #tpu.memory_space<semaphore_mem>>) {add = true}
        %dma_wait3A = arith.constant 0 : i32
        %dma_wait3A_60 = arith.constant 0 : i32
        %dma_wait3A_61 = tpu.memref_slice %arg10[%dma_wait3A, %dma_wait3A_60] : memref<10240x128xf32, #tpu.memory_space<vmem_shared>> -> memref<10240x128xf32, #tpu.memory_space<vmem_shared>>
        tpu.wait_indirect_dma semaphore(%run_scoped3A : memref<!tpu.dma_semaphore, #tpu.memory_space<semaphore_mem>>) src(%arg8 : memref<128x128xf32, #tpu.memory_space<vmem>>) dst(%dma_wait3A_61 : memref<10240x128xf32, #tpu.memory_space<vmem_shared>>)
        tpu.yield
      }) : () -> ()
      %while3A_57 = arith.constant 0 : i32
      scf.yield %while3A_57 : i32
    }
    %while3A_44 = arith.constant 1 : i32
    %while3A_45 = scf.for %while3A_50 = %while3A_41 to %while3A_37 step %while3A_44 iter_args(%while3A_51 = %while3A_43) -> (i32)  : i32 {
      %mul3A_52 = arith.constant 16 : i32
      %mul3A_53 = arith.muli %while3A_50, %mul3A_52 : i32
      %add3A_54 = arith.addi %arg1, %mul3A_53 : i32
      %mul3A_55 = arith.constant 128 : i32
      %mul3A_56 = arith.muli %add3A_54, %mul3A_55 : i32
      "tpu.region"() ({
        %run_scoped3A = tpu.sem_alloc : memref<!tpu.dma_semaphore, #tpu.memory_space<semaphore_mem>>
        %dma_start3A = tpu.memref_slice %arg3[%mul3A_56] : memref<320000xi32, #tpu.memory_space<hbm>> -> memref<128xi32, #tpu.memory_space<hbm>>
        %dma_start3A_58 = tpu.memref_slice %arg3[%mul3A_56] : memref<320000xi32, #tpu.memory_space<hbm>> -> memref<128xi32, #tpu.memory_space<hbm>>
        tpu.enqueue_dma source(%dma_start3A_58 : memref<128xi32, #tpu.memory_space<hbm>>) target(%arg6 : memref<128xi32, #tpu.memory_space<vmem>>) target_semaphore(%run_scoped3A : memref<!tpu.dma_semaphore, #tpu.memory_space<semaphore_mem>>)
        %dma_wait3A = tpu.memref_slice %arg3[%mul3A_56] : memref<320000xi32, #tpu.memory_space<hbm>> -> memref<128xi32, #tpu.memory_space<hbm>>
        %dma_wait3A_59 = tpu.memref_slice %arg3[%mul3A_56] : memref<320000xi32, #tpu.memory_space<hbm>> -> memref<128xi32, #tpu.memory_space<hbm>>
        tpu.wait_dma2 semaphore(%run_scoped3A : memref<!tpu.dma_semaphore, #tpu.memory_space<semaphore_mem>>) src(%dma_wait3A_59 : memref<128xi32, #tpu.memory_space<hbm>>) dst(%arg6 : memref<128xi32, #tpu.memory_space<vmem>>)
        tpu.yield
      }) : () -> ()
      "tpu.region"() ({
        %run_scoped3A = tpu.sem_alloc : memref<!tpu.dma_semaphore, #tpu.memory_space<semaphore_mem>>
        %dma_start3A = tpu.memref_slice %arg4[%mul3A_56] : memref<320000xi32, #tpu.memory_space<hbm>> -> memref<128xi32, #tpu.memory_space<hbm>>
        %dma_start3A_58 = tpu.memref_slice %arg4[%mul3A_56] : memref<320000xi32, #tpu.memory_space<hbm>> -> memref<128xi32, #tpu.memory_space<hbm>>
        tpu.enqueue_dma source(%dma_start3A_58 : memref<128xi32, #tpu.memory_space<hbm>>) target(%arg7 : memref<128xi32, #tpu.memory_space<vmem>>) target_semaphore(%run_scoped3A : memref<!tpu.dma_semaphore, #tpu.memory_space<semaphore_mem>>)
        %dma_wait3A = tpu.memref_slice %arg4[%mul3A_56] : memref<320000xi32, #tpu.memory_space<hbm>> -> memref<128xi32, #tpu.memory_space<hbm>>
        %dma_wait3A_59 = tpu.memref_slice %arg4[%mul3A_56] : memref<320000xi32, #tpu.memory_space<hbm>> -> memref<128xi32, #tpu.memory_space<hbm>>
        tpu.wait_dma2 semaphore(%run_scoped3A : memref<!tpu.dma_semaphore, #tpu.memory_space<semaphore_mem>>) src(%dma_wait3A_59 : memref<128xi32, #tpu.memory_space<hbm>>) dst(%arg7 : memref<128xi32, #tpu.memory_space<vmem>>)
        tpu.yield
      }) : () -> ()
      "tpu.region"() ({
        %run_scoped3A = tpu.sem_alloc : memref<!tpu.dma_semaphore, #tpu.memory_space<semaphore_mem>>
        %dma_start3A = arith.constant 0 : i32
        %dma_start3A_58 = arith.constant 0 : i32
        %dma_start3A_59 = tpu.memref_slice %arg2[%dma_start3A, %dma_start3A_58] : memref<10000x128xf32, #tpu.memory_space<hbm>> -> memref<10000x128xf32, #tpu.memory_space<hbm>>
        tpu.enqueue_indirect_dma source(%dma_start3A_59 : memref<10000x128xf32, #tpu.memory_space<hbm>>) target(%arg8 : memref<128x128xf32, #tpu.memory_space<vmem>>) offsets(%arg6 : memref<128xi32, #tpu.memory_space<vmem>>) semaphore(%run_scoped3A : memref<!tpu.dma_semaphore, #tpu.memory_space<semaphore_mem>>)
        %dma_wait3A = arith.constant 0 : i32
        %dma_wait3A_60 = arith.constant 0 : i32
        %dma_wait3A_61 = tpu.memref_slice %arg2[%dma_wait3A, %dma_wait3A_60] : memref<10000x128xf32, #tpu.memory_space<hbm>> -> memref<10000x128xf32, #tpu.memory_space<hbm>>
        tpu.wait_indirect_dma semaphore(%run_scoped3A : memref<!tpu.dma_semaphore, #tpu.memory_space<semaphore_mem>>) src(%dma_wait3A_61 : memref<10000x128xf32, #tpu.memory_space<hbm>>) dst(%arg8 : memref<128x128xf32, #tpu.memory_space<vmem>>)
        tpu.yield
      }) : () -> ()
      "tpu.region"() ({
        %run_scoped3A = tpu.sem_alloc : memref<!tpu.dma_semaphore, #tpu.memory_space<semaphore_mem>>
        %dma_start3A = arith.constant 0 : i32
        %dma_start3A_58 = arith.constant 0 : i32
        %dma_start3A_59 = tpu.memref_slice %arg10[%dma_start3A, %dma_start3A_58] : memref<10240x128xf32, #tpu.memory_space<vmem_shared>> -> memref<10240x128xf32, #tpu.memory_space<vmem_shared>>
        tpu.enqueue_indirect_dma source(%arg8 : memref<128x128xf32, #tpu.memory_space<vmem>>) target(%dma_start3A_59 : memref<10240x128xf32, #tpu.memory_space<vmem_shared>>) offsets(%arg7 : memref<128xi32, #tpu.memory_space<vmem>>) semaphore(%run_scoped3A : memref<!tpu.dma_semaphore, #tpu.memory_space<semaphore_mem>>) {add = true}
        %dma_wait3A = arith.constant 0 : i32
        %dma_wait3A_60 = arith.constant 0 : i32
        %dma_wait3A_61 = tpu.memref_slice %arg10[%dma_wait3A, %dma_wait3A_60] : memref<10240x128xf32, #tpu.memory_space<vmem_shared>> -> memref<10240x128xf32, #tpu.memory_space<vmem_shared>>
        tpu.wait_indirect_dma semaphore(%run_scoped3A : memref<!tpu.dma_semaphore, #tpu.memory_space<semaphore_mem>>) src(%arg8 : memref<128x128xf32, #tpu.memory_space<vmem>>) dst(%dma_wait3A_61 : memref<10240x128xf32, #tpu.memory_space<vmem_shared>>)
        tpu.yield
      }) : () -> ()
      %while3A_57 = arith.constant 0 : i32
      scf.yield %while3A_57 : i32
    }
    %barrier3A_46 = arith.constant 0 : index
    tpu.barrier barrier_id(%barrier3A_46)
    %mul3A = arith.constant 640 : i32
    %mul3A_47 = arith.muli %arg1, %mul3A : i32
    %mul3A_48 = arith.constant 640 : i32
    %mul3A_49 = arith.muli %arg1, %mul3A_48 : i32
    "tpu.region"() ({
      %run_scoped3A = tpu.sem_alloc : memref<!tpu.dma_semaphore, #tpu.memory_space<semaphore_mem>>
      %dma_start3A = arith.constant 0 : i32
      %dma_start3A_50 = tpu.memref_slice %arg5[%mul3A_49, %dma_start3A] : memref<10240x128xf32, #tpu.memory_space<hbm>> -> memref<640x128xf32, #tpu.memory_space<hbm>>
      %dma_start3A_51 = arith.constant 0 : i32
      %dma_start3A_52 = tpu.memref_slice %arg10[%mul3A_47, %dma_start3A_51] : memref<10240x128xf32, #tpu.memory_space<vmem_shared>> -> memref<640x128xf32, #tpu.memory_space<vmem_shared>>
      tpu.enqueue_dma source(%dma_start3A_52 : memref<640x128xf32, #tpu.memory_space<vmem_shared>>) target(%dma_start3A_50 : memref<640x128xf32, #tpu.memory_space<hbm>>) target_semaphore(%run_scoped3A : memref<!tpu.dma_semaphore, #tpu.memory_space<semaphore_mem>>)
      %dma_wait3A = arith.constant 0 : i32
      %dma_wait3A_53 = tpu.memref_slice %arg5[%mul3A_49, %dma_wait3A] : memref<10240x128xf32, #tpu.memory_space<hbm>> -> memref<640x128xf32, #tpu.memory_space<hbm>>
      %dma_wait3A_54 = arith.constant 0 : i32
      %dma_wait3A_55 = tpu.memref_slice %arg10[%mul3A_47, %dma_wait3A_54] : memref<10240x128xf32, #tpu.memory_space<vmem_shared>> -> memref<640x128xf32, #tpu.memory_space<vmem_shared>>
      tpu.wait_dma2 semaphore(%run_scoped3A : memref<!tpu.dma_semaphore, #tpu.memory_space<semaphore_mem>>) src(%dma_wait3A_55 : memref<640x128xf32, #tpu.memory_space<vmem_shared>>) dst(%dma_wait3A_53 : memref<640x128xf32, #tpu.memory_space<hbm>>)
      tpu.yield
    }) : () -> ()
    return
  }
}

#map = affine_map<(d0, d1) -> (0)>
#map1 = affine_map<(d0, d1) -> (0, 0)>
module attributes {stable_mosaic.version = 14 : i64} {
  func.func @k(%arg0: i32, %arg1: i32, %arg2: memref<320000xf32, #tpu.memory_space<hbm>>, %arg3: memref<320000xi32, #tpu.memory_space<hbm>>, %arg4: memref<2x12288xf32, #tpu.memory_space<hbm>>, %arg5: memref<128xi32, #tpu.memory_space<vmem>>, %arg6: memref<128xf32, #tpu.memory_space<vmem>>, %arg7: memref<768xf32, #tpu.memory_space<vmem>>, %arg8: memref<12288xf32, #tpu.memory_space<vmem_shared>>) attributes {dimension_semantics = [#tpu.dimension_semantics<core_parallel>, #tpu.dimension_semantics<subcore_parallel>], iteration_bounds = array<i64: 2, 16>, scalar_prefetch = 0 : i64, scratch_operands = 4 : i64, tpu.core_type = #tpu.core_type<sc_vector_subcore>, window_params = [{transform_indices = #map}, {transform_indices = #map}, {transform_indices = #map1}]} {
    %mul3A = arith.constant 16 : i32
    %mul3A_0 = arith.muli %arg0, %mul3A : i32
    %add3A = arith.addi %mul3A_0, %arg1 : i32
    %broadcast_in_dim3A = arith.constant 0.000000e+00 : f32
    %broadcast_in_dim3A_1 = vector.broadcast %broadcast_in_dim3A : f32 to vector<16xf32>
    %scan3A = arith.constant 0 : i32
    %scan3A_2 = arith.constant 0 : i32
    %scan3A_3 = arith.constant 48 : i32
    %scan3A_4 = arith.addi %scan3A_2, %scan3A_3 : i32
    %scan3A_5 = arith.constant 1 : i32
    %scan3A_6 = scf.for %scan3A_48 = %scan3A_2 to %scan3A_4 step %scan3A_5 iter_args(%scan3A_49 = %scan3A) -> (i32)  : i32 {
      %mul3A_50 = arith.constant 16 : i32
      %mul3A_51 = arith.muli %scan3A_48, %mul3A_50 : i32
      %swap3A = arith.index_cast %mul3A_51 : i32 to index
      %swap3A_52 = tpu.vector_load %arg7[%swap3A] {strides = array<i32>} : memref<768xf32, #tpu.memory_space<vmem>>, vector<16xf32>,
      %swap3A_53 = vector.shape_cast %swap3A_52 : vector<16xf32> to vector<16xf32>
      %swap3A_54 = vector.shape_cast %broadcast_in_dim3A_1 : vector<16xf32> to vector<16xf32>
      tpu.vector_store %arg7[%swap3A], %swap3A_54 {strides = array<i32>} : memref<768xf32, #tpu.memory_space<vmem>>, vector<16xf32>,
      %scan3A_55 = arith.constant 0 : i32
      scf.yield %scan3A_55 : i32
    }
    %scan3A_7 = arith.constant 48 : i32
    %mul3A_8 = arith.constant 768 : i32
    %mul3A_9 = arith.muli %arg1, %mul3A_8 : i32
    "tpu.region"() ({
      %run_scoped3A = tpu.sem_alloc : memref<!tpu.dma_semaphore, #tpu.memory_space<semaphore_mem>>
      %dma_start3A = tpu.memref_slice %arg8[%mul3A_9] : memref<12288xf32, #tpu.memory_space<vmem_shared>> -> memref<768xf32, #tpu.memory_space<vmem_shared>>
      %dma_start3A_48 = tpu.memref_slice %arg8[%mul3A_9] : memref<12288xf32, #tpu.memory_space<vmem_shared>> -> memref<768xf32, #tpu.memory_space<vmem_shared>>
      tpu.enqueue_dma source(%arg7 : memref<768xf32, #tpu.memory_space<vmem>>) target(%dma_start3A_48 : memref<768xf32, #tpu.memory_space<vmem_shared>>) target_semaphore(%run_scoped3A : memref<!tpu.dma_semaphore, #tpu.memory_space<semaphore_mem>>)
      %dma_wait3A = tpu.memref_slice %arg8[%mul3A_9] : memref<12288xf32, #tpu.memory_space<vmem_shared>> -> memref<768xf32, #tpu.memory_space<vmem_shared>>
      %dma_wait3A_49 = tpu.memref_slice %arg8[%mul3A_9] : memref<12288xf32, #tpu.memory_space<vmem_shared>> -> memref<768xf32, #tpu.memory_space<vmem_shared>>
      tpu.wait_dma2 semaphore(%run_scoped3A : memref<!tpu.dma_semaphore, #tpu.memory_space<semaphore_mem>>) src(%arg7 : memref<768xf32, #tpu.memory_space<vmem>>) dst(%dma_wait3A_49 : memref<768xf32, #tpu.memory_space<vmem_shared>>)
      tpu.yield
    }) : () -> ()
    %barrier3A = arith.constant 0 : index
    tpu.barrier barrier_id(%barrier3A)
    %sub3A = arith.constant 2500 : i32
    %sub3A_10 = arith.subi %sub3A, %add3A : i32
    %add3A_11 = arith.constant 32 : i32
    %add3A_12 = arith.addi %sub3A_10, %add3A_11 : i32
    %sub3A_13 = arith.constant 1 : i32
    %sub3A_14 = arith.subi %add3A_12, %sub3A_13 : i32
    %jit3A = arith.constant 32 : i32
    %div3A = arith.divsi %sub3A_14, %jit3A : i32
    %sign3A = arith.constant 0 : i32
    %sign3A_15 = arith.cmpi sgt, %sub3A_14, %sign3A : i32
    %sign3A_16 = arith.extui %sign3A_15 : i1 to i32
    %sign3A_17 = arith.constant 0 : i32
    %sign3A_18 = arith.cmpi slt, %sub3A_14, %sign3A_17 : i32
    %sign3A_19 = arith.extui %sign3A_18 : i1 to i32
    %sign3A_20 = arith.subi %sign3A_16, %sign3A_19 : i32
    %sign3A_21 = arith.constant 0 : i32
    %sign3A_22 = arith.cmpi sgt, %jit3A, %sign3A_21 : i32
    %sign3A_23 = arith.extui %sign3A_22 : i1 to i32
    %sign3A_24 = arith.constant 0 : i32
    %sign3A_25 = arith.cmpi slt, %jit3A, %sign3A_24 : i32
    %sign3A_26 = arith.extui %sign3A_25 : i1 to i32
    %sign3A_27 = arith.subi %sign3A_23, %sign3A_26 : i32
    %ne3A = arith.cmpi ne, %sign3A_20, %sign3A_27 : i32
    %rem3A = arith.remsi %sub3A_14, %jit3A : i32
    %ne3A_28 = arith.constant 0 : i32
    %ne3A_29 = arith.cmpi ne, %rem3A, %ne3A_28 : i32
    %and3A = arith.andi %ne3A, %ne3A_29 : i1
    %sub3A_30 = arith.constant 1 : i32
    %sub3A_31 = arith.subi %div3A, %sub3A_30 : i32
    %select_n3A = arith.select %and3A, %sub3A_31, %div3A : i32
    %while3A = arith.constant 0 : i32
    %while3A_32 = arith.constant 0 : i32
    %while3A_33 = arith.subi %select_n3A, %while3A : i32
    %while3A_34 = arith.addi %while3A, %while3A_33 : i32
    %while3A_35 = arith.constant 1 : i32
    %while3A_36 = arith.divsi %while3A_33, %while3A_35 : i32
    %while3A_37 = arith.muli %while3A_36, %while3A_35 : i32
    %while3A_38 = arith.addi %while3A, %while3A_37 : i32
    %while3A_39 = arith.constant 1 : i32
    %while3A_40 = scf.for %while3A_48 = %while3A to %while3A_38 step %while3A_39 iter_args(%while3A_49 = %while3A_32) -> (i32)  : i32 {
      %mul3A_50 = arith.constant 32 : i32
      %mul3A_51 = arith.muli %while3A_48, %mul3A_50 : i32
      %add3A_52 = arith.addi %add3A, %mul3A_51 : i32
      %mul3A_53 = arith.constant 128 : i32
      %mul3A_54 = arith.muli %add3A_52, %mul3A_53 : i32
      "tpu.region"() ({
        %run_scoped3A = tpu.sem_alloc : memref<!tpu.dma_semaphore, #tpu.memory_space<semaphore_mem>>
        %dma_start3A = tpu.memref_slice %arg3[%mul3A_54] : memref<320000xi32, #tpu.memory_space<hbm>> -> memref<128xi32, #tpu.memory_space<hbm>>
        %dma_start3A_56 = tpu.memref_slice %arg3[%mul3A_54] : memref<320000xi32, #tpu.memory_space<hbm>> -> memref<128xi32, #tpu.memory_space<hbm>>
        tpu.enqueue_dma source(%dma_start3A_56 : memref<128xi32, #tpu.memory_space<hbm>>) target(%arg5 : memref<128xi32, #tpu.memory_space<vmem>>) target_semaphore(%run_scoped3A : memref<!tpu.dma_semaphore, #tpu.memory_space<semaphore_mem>>)
        %dma_wait3A = tpu.memref_slice %arg3[%mul3A_54] : memref<320000xi32, #tpu.memory_space<hbm>> -> memref<128xi32, #tpu.memory_space<hbm>>
        %dma_wait3A_57 = tpu.memref_slice %arg3[%mul3A_54] : memref<320000xi32, #tpu.memory_space<hbm>> -> memref<128xi32, #tpu.memory_space<hbm>>
        tpu.wait_dma2 semaphore(%run_scoped3A : memref<!tpu.dma_semaphore, #tpu.memory_space<semaphore_mem>>) src(%dma_wait3A_57 : memref<128xi32, #tpu.memory_space<hbm>>) dst(%arg5 : memref<128xi32, #tpu.memory_space<vmem>>)
        tpu.yield
      }) : () -> ()
      "tpu.region"() ({
        %run_scoped3A = tpu.sem_alloc : memref<!tpu.dma_semaphore, #tpu.memory_space<semaphore_mem>>
        %dma_start3A = tpu.memref_slice %arg2[%mul3A_54] : memref<320000xf32, #tpu.memory_space<hbm>> -> memref<128xf32, #tpu.memory_space<hbm>>
        %dma_start3A_56 = tpu.memref_slice %arg2[%mul3A_54] : memref<320000xf32, #tpu.memory_space<hbm>> -> memref<128xf32, #tpu.memory_space<hbm>>
        tpu.enqueue_dma source(%dma_start3A_56 : memref<128xf32, #tpu.memory_space<hbm>>) target(%arg6 : memref<128xf32, #tpu.memory_space<vmem>>) target_semaphore(%run_scoped3A : memref<!tpu.dma_semaphore, #tpu.memory_space<semaphore_mem>>)
        %dma_wait3A = tpu.memref_slice %arg2[%mul3A_54] : memref<320000xf32, #tpu.memory_space<hbm>> -> memref<128xf32, #tpu.memory_space<hbm>>
        %dma_wait3A_57 = tpu.memref_slice %arg2[%mul3A_54] : memref<320000xf32, #tpu.memory_space<hbm>> -> memref<128xf32, #tpu.memory_space<hbm>>
        tpu.wait_dma2 semaphore(%run_scoped3A : memref<!tpu.dma_semaphore, #tpu.memory_space<semaphore_mem>>) src(%dma_wait3A_57 : memref<128xf32, #tpu.memory_space<hbm>>) dst(%arg6 : memref<128xf32, #tpu.memory_space<vmem>>)
        tpu.yield
      }) : () -> ()
      "tpu.region"() ({
        %run_scoped3A = tpu.sem_alloc : memref<!tpu.dma_semaphore, #tpu.memory_space<semaphore_mem>>
        %dma_start3A = arith.constant 0 : i32
        %dma_start3A_56 = tpu.memref_slice %arg8[%dma_start3A] : memref<12288xf32, #tpu.memory_space<vmem_shared>> -> memref<12288xf32, #tpu.memory_space<vmem_shared>>
        tpu.enqueue_indirect_dma source(%arg6 : memref<128xf32, #tpu.memory_space<vmem>>) target(%dma_start3A_56 : memref<12288xf32, #tpu.memory_space<vmem_shared>>) offsets(%arg5 : memref<128xi32, #tpu.memory_space<vmem>>) semaphore(%run_scoped3A : memref<!tpu.dma_semaphore, #tpu.memory_space<semaphore_mem>>) {add = true}
        %dma_wait3A = arith.constant 0 : i32
        %dma_wait3A_57 = tpu.memref_slice %arg8[%dma_wait3A] : memref<12288xf32, #tpu.memory_space<vmem_shared>> -> memref<12288xf32, #tpu.memory_space<vmem_shared>>
        tpu.wait_indirect_dma semaphore(%run_scoped3A : memref<!tpu.dma_semaphore, #tpu.memory_space<semaphore_mem>>) src(%arg6 : memref<128xf32, #tpu.memory_space<vmem>>) dst(%dma_wait3A_57 : memref<12288xf32, #tpu.memory_space<vmem_shared>>)
        tpu.yield
      }) : () -> ()
      %while3A_55 = arith.constant 0 : i32
      scf.yield %while3A_55 : i32
    }
    %while3A_41 = arith.constant 1 : i32
    %while3A_42 = scf.for %while3A_48 = %while3A_38 to %while3A_34 step %while3A_41 iter_args(%while3A_49 = %while3A_40) -> (i32)  : i32 {
      %mul3A_50 = arith.constant 32 : i32
      %mul3A_51 = arith.muli %while3A_48, %mul3A_50 : i32
      %add3A_52 = arith.addi %add3A, %mul3A_51 : i32
      %mul3A_53 = arith.constant 128 : i32
      %mul3A_54 = arith.muli %add3A_52, %mul3A_53 : i32
      "tpu.region"() ({
        %run_scoped3A = tpu.sem_alloc : memref<!tpu.dma_semaphore, #tpu.memory_space<semaphore_mem>>
        %dma_start3A = tpu.memref_slice %arg3[%mul3A_54] : memref<320000xi32, #tpu.memory_space<hbm>> -> memref<128xi32, #tpu.memory_space<hbm>>
        %dma_start3A_56 = tpu.memref_slice %arg3[%mul3A_54] : memref<320000xi32, #tpu.memory_space<hbm>> -> memref<128xi32, #tpu.memory_space<hbm>>
        tpu.enqueue_dma source(%dma_start3A_56 : memref<128xi32, #tpu.memory_space<hbm>>) target(%arg5 : memref<128xi32, #tpu.memory_space<vmem>>) target_semaphore(%run_scoped3A : memref<!tpu.dma_semaphore, #tpu.memory_space<semaphore_mem>>)
        %dma_wait3A = tpu.memref_slice %arg3[%mul3A_54] : memref<320000xi32, #tpu.memory_space<hbm>> -> memref<128xi32, #tpu.memory_space<hbm>>
        %dma_wait3A_57 = tpu.memref_slice %arg3[%mul3A_54] : memref<320000xi32, #tpu.memory_space<hbm>> -> memref<128xi32, #tpu.memory_space<hbm>>
        tpu.wait_dma2 semaphore(%run_scoped3A : memref<!tpu.dma_semaphore, #tpu.memory_space<semaphore_mem>>) src(%dma_wait3A_57 : memref<128xi32, #tpu.memory_space<hbm>>) dst(%arg5 : memref<128xi32, #tpu.memory_space<vmem>>)
        tpu.yield
      }) : () -> ()
      "tpu.region"() ({
        %run_scoped3A = tpu.sem_alloc : memref<!tpu.dma_semaphore, #tpu.memory_space<semaphore_mem>>
        %dma_start3A = tpu.memref_slice %arg2[%mul3A_54] : memref<320000xf32, #tpu.memory_space<hbm>> -> memref<128xf32, #tpu.memory_space<hbm>>
        %dma_start3A_56 = tpu.memref_slice %arg2[%mul3A_54] : memref<320000xf32, #tpu.memory_space<hbm>> -> memref<128xf32, #tpu.memory_space<hbm>>
        tpu.enqueue_dma source(%dma_start3A_56 : memref<128xf32, #tpu.memory_space<hbm>>) target(%arg6 : memref<128xf32, #tpu.memory_space<vmem>>) target_semaphore(%run_scoped3A : memref<!tpu.dma_semaphore, #tpu.memory_space<semaphore_mem>>)
        %dma_wait3A = tpu.memref_slice %arg2[%mul3A_54] : memref<320000xf32, #tpu.memory_space<hbm>> -> memref<128xf32, #tpu.memory_space<hbm>>
        %dma_wait3A_57 = tpu.memref_slice %arg2[%mul3A_54] : memref<320000xf32, #tpu.memory_space<hbm>> -> memref<128xf32, #tpu.memory_space<hbm>>
        tpu.wait_dma2 semaphore(%run_scoped3A : memref<!tpu.dma_semaphore, #tpu.memory_space<semaphore_mem>>) src(%dma_wait3A_57 : memref<128xf32, #tpu.memory_space<hbm>>) dst(%arg6 : memref<128xf32, #tpu.memory_space<vmem>>)
        tpu.yield
      }) : () -> ()
      "tpu.region"() ({
        %run_scoped3A = tpu.sem_alloc : memref<!tpu.dma_semaphore, #tpu.memory_space<semaphore_mem>>
        %dma_start3A = arith.constant 0 : i32
        %dma_start3A_56 = tpu.memref_slice %arg8[%dma_start3A] : memref<12288xf32, #tpu.memory_space<vmem_shared>> -> memref<12288xf32, #tpu.memory_space<vmem_shared>>
        tpu.enqueue_indirect_dma source(%arg6 : memref<128xf32, #tpu.memory_space<vmem>>) target(%dma_start3A_56 : memref<12288xf32, #tpu.memory_space<vmem_shared>>) offsets(%arg5 : memref<128xi32, #tpu.memory_space<vmem>>) semaphore(%run_scoped3A : memref<!tpu.dma_semaphore, #tpu.memory_space<semaphore_mem>>) {add = true}
        %dma_wait3A = arith.constant 0 : i32
        %dma_wait3A_57 = tpu.memref_slice %arg8[%dma_wait3A] : memref<12288xf32, #tpu.memory_space<vmem_shared>> -> memref<12288xf32, #tpu.memory_space<vmem_shared>>
        tpu.wait_indirect_dma semaphore(%run_scoped3A : memref<!tpu.dma_semaphore, #tpu.memory_space<semaphore_mem>>) src(%arg6 : memref<128xf32, #tpu.memory_space<vmem>>) dst(%dma_wait3A_57 : memref<12288xf32, #tpu.memory_space<vmem_shared>>)
        tpu.yield
      }) : () -> ()
      %while3A_55 = arith.constant 0 : i32
      scf.yield %while3A_55 : i32
    }
    %barrier3A_43 = arith.constant 0 : index
    tpu.barrier barrier_id(%barrier3A_43)
    %mul3A_44 = arith.constant 768 : i32
    %mul3A_45 = arith.muli %arg1, %mul3A_44 : i32
    %mul3A_46 = arith.constant 768 : i32
    %mul3A_47 = arith.muli %arg1, %mul3A_46 : i32
    "tpu.region"() ({
      %run_scoped3A = tpu.sem_alloc : memref<!tpu.dma_semaphore, #tpu.memory_space<semaphore_mem>>
      %dma_start3A = arith.constant 0 : i32
      %dma_start3A_48 = tpu.memref_slice %arg4[%arg0, %dma_start3A] : memref<2x12288xf32, #tpu.memory_space<hbm>> -> memref<1x12288xf32, #tpu.memory_space<hbm>>
      %dma_start3A_49 = tpu.memref_squeeze %dma_start3A_48 : memref<1x12288xf32, #tpu.memory_space<hbm>> -> memref<12288xf32, #tpu.memory_space<hbm>>
      %dma_start3A_50 = tpu.memref_slice %dma_start3A_49[%mul3A_47] : memref<12288xf32, #tpu.memory_space<hbm>> -> memref<768xf32, #tpu.memory_space<hbm>>
      %dma_start3A_51 = tpu.memref_slice %arg8[%mul3A_45] : memref<12288xf32, #tpu.memory_space<vmem_shared>> -> memref<768xf32, #tpu.memory_space<vmem_shared>>
      tpu.enqueue_dma source(%dma_start3A_51 : memref<768xf32, #tpu.memory_space<vmem_shared>>) target(%dma_start3A_50 : memref<768xf32, #tpu.memory_space<hbm>>) target_semaphore(%run_scoped3A : memref<!tpu.dma_semaphore, #tpu.memory_space<semaphore_mem>>)
      %dma_wait3A = arith.constant 0 : i32
      %dma_wait3A_52 = tpu.memref_slice %arg4[%arg0, %dma_wait3A] : memref<2x12288xf32, #tpu.memory_space<hbm>> -> memref<1x12288xf32, #tpu.memory_space<hbm>>
      %dma_wait3A_53 = tpu.memref_squeeze %dma_wait3A_52 : memref<1x12288xf32, #tpu.memory_space<hbm>> -> memref<12288xf32, #tpu.memory_space<hbm>>
      %dma_wait3A_54 = tpu.memref_slice %dma_wait3A_53[%mul3A_47] : memref<12288xf32, #tpu.memory_space<hbm>> -> memref<768xf32, #tpu.memory_space<hbm>>
      %dma_wait3A_55 = tpu.memref_slice %arg8[%mul3A_45] : memref<12288xf32, #tpu.memory_space<vmem_shared>> -> memref<768xf32, #tpu.memory_space<vmem_shared>>
      tpu.wait_dma2 semaphore(%run_scoped3A : memref<!tpu.dma_semaphore, #tpu.memory_space<semaphore_mem>>) src(%dma_wait3A_55 : memref<768xf32, #tpu.memory_space<vmem_shared>>) dst(%dma_wait3A_54 : memref<768xf32, #tpu.memory_space<hbm>>)
      tpu.yield
    }) : () -> ()
    return
  }
}

#map = affine_map<(d0, d1) -> (0)>
module attributes {stable_mosaic.version = 14 : i64} {
  func.func @k(%arg0: i32, %arg1: i32, %arg2: memref<10000xi32, #tpu.memory_space<hbm>>, %arg3: memref<320000xi32, #tpu.memory_space<hbm>>, %arg4: memref<320000xi32, #tpu.memory_space<hbm>>, %arg5: memref<128xi32, #tpu.memory_space<vmem>>, %arg6: memref<128xi32, #tpu.memory_space<vmem>>) attributes {dimension_semantics = [#tpu.dimension_semantics<core_parallel>, #tpu.dimension_semantics<subcore_parallel>], iteration_bounds = array<i64: 2, 16>, scalar_prefetch = 0 : i64, scratch_operands = 2 : i64, tpu.core_type = #tpu.core_type<sc_vector_subcore>, window_params = [{transform_indices = #map}, {transform_indices = #map}, {transform_indices = #map}]} {
    %mul3A = arith.constant 16 : i32
    %mul3A_0 = arith.muli %arg0, %mul3A : i32
    %add3A = arith.addi %mul3A_0, %arg1 : i32
    %sub3A = arith.constant 2500 : i32
    %sub3A_1 = arith.subi %sub3A, %add3A : i32
    %add3A_2 = arith.constant 32 : i32
    %add3A_3 = arith.addi %sub3A_1, %add3A_2 : i32
    %sub3A_4 = arith.constant 1 : i32
    %sub3A_5 = arith.subi %add3A_3, %sub3A_4 : i32
    %jit3A = arith.constant 32 : i32
    %div3A = arith.divsi %sub3A_5, %jit3A : i32
    %sign3A = arith.constant 0 : i32
    %sign3A_6 = arith.cmpi sgt, %sub3A_5, %sign3A : i32
    %sign3A_7 = arith.extui %sign3A_6 : i1 to i32
    %sign3A_8 = arith.constant 0 : i32
    %sign3A_9 = arith.cmpi slt, %sub3A_5, %sign3A_8 : i32
    %sign3A_10 = arith.extui %sign3A_9 : i1 to i32
    %sign3A_11 = arith.subi %sign3A_7, %sign3A_10 : i32
    %sign3A_12 = arith.constant 0 : i32
    %sign3A_13 = arith.cmpi sgt, %jit3A, %sign3A_12 : i32
    %sign3A_14 = arith.extui %sign3A_13 : i1 to i32
    %sign3A_15 = arith.constant 0 : i32
    %sign3A_16 = arith.cmpi slt, %jit3A, %sign3A_15 : i32
    %sign3A_17 = arith.extui %sign3A_16 : i1 to i32
    %sign3A_18 = arith.subi %sign3A_14, %sign3A_17 : i32
    %ne3A = arith.cmpi ne, %sign3A_11, %sign3A_18 : i32
    %rem3A = arith.remsi %sub3A_5, %jit3A : i32
    %ne3A_19 = arith.constant 0 : i32
    %ne3A_20 = arith.cmpi ne, %rem3A, %ne3A_19 : i32
    %and3A = arith.andi %ne3A, %ne3A_20 : i1
    %sub3A_21 = arith.constant 1 : i32
    %sub3A_22 = arith.subi %div3A, %sub3A_21 : i32
    %select_n3A = arith.select %and3A, %sub3A_22, %div3A : i32
    %while3A = arith.constant 0 : i32
    %while3A_23 = arith.constant 0 : i32
    %while3A_24 = arith.subi %select_n3A, %while3A : i32
    %while3A_25 = arith.addi %while3A, %while3A_24 : i32
    %while3A_26 = arith.constant 1 : i32
    %while3A_27 = arith.divsi %while3A_24, %while3A_26 : i32
    %while3A_28 = arith.muli %while3A_27, %while3A_26 : i32
    %while3A_29 = arith.addi %while3A, %while3A_28 : i32
    %while3A_30 = arith.constant 1 : i32
    %while3A_31 = scf.for %while3A_34 = %while3A to %while3A_29 step %while3A_30 iter_args(%while3A_35 = %while3A_23) -> (i32)  : i32 {
      %mul3A_36 = arith.constant 32 : i32
      %mul3A_37 = arith.muli %while3A_34, %mul3A_36 : i32
      %add3A_38 = arith.addi %add3A, %mul3A_37 : i32
      %mul3A_39 = arith.constant 128 : i32
      %mul3A_40 = arith.muli %add3A_38, %mul3A_39 : i32
      "tpu.region"() ({
        %run_scoped3A = tpu.sem_alloc : memref<!tpu.dma_semaphore, #tpu.memory_space<semaphore_mem>>
        %dma_start3A = tpu.memref_slice %arg3[%mul3A_40] : memref<320000xi32, #tpu.memory_space<hbm>> -> memref<128xi32, #tpu.memory_space<hbm>>
        %dma_start3A_42 = tpu.memref_slice %arg3[%mul3A_40] : memref<320000xi32, #tpu.memory_space<hbm>> -> memref<128xi32, #tpu.memory_space<hbm>>
        tpu.enqueue_dma source(%dma_start3A_42 : memref<128xi32, #tpu.memory_space<hbm>>) target(%arg5 : memref<128xi32, #tpu.memory_space<vmem>>) target_semaphore(%run_scoped3A : memref<!tpu.dma_semaphore, #tpu.memory_space<semaphore_mem>>)
        %dma_wait3A = tpu.memref_slice %arg3[%mul3A_40] : memref<320000xi32, #tpu.memory_space<hbm>> -> memref<128xi32, #tpu.memory_space<hbm>>
        %dma_wait3A_43 = tpu.memref_slice %arg3[%mul3A_40] : memref<320000xi32, #tpu.memory_space<hbm>> -> memref<128xi32, #tpu.memory_space<hbm>>
        tpu.wait_dma2 semaphore(%run_scoped3A : memref<!tpu.dma_semaphore, #tpu.memory_space<semaphore_mem>>) src(%dma_wait3A_43 : memref<128xi32, #tpu.memory_space<hbm>>) dst(%arg5 : memref<128xi32, #tpu.memory_space<vmem>>)
        tpu.yield
      }) : () -> ()
      "tpu.region"() ({
        %run_scoped3A = tpu.sem_alloc : memref<!tpu.dma_semaphore, #tpu.memory_space<semaphore_mem>>
        %dma_start3A = arith.constant 0 : i32
        %dma_start3A_42 = tpu.memref_slice %arg2[%dma_start3A] : memref<10000xi32, #tpu.memory_space<hbm>> -> memref<10000xi32, #tpu.memory_space<hbm>>
        tpu.enqueue_indirect_dma source(%dma_start3A_42 : memref<10000xi32, #tpu.memory_space<hbm>>) target(%arg6 : memref<128xi32, #tpu.memory_space<vmem>>) offsets(%arg5 : memref<128xi32, #tpu.memory_space<vmem>>) semaphore(%run_scoped3A : memref<!tpu.dma_semaphore, #tpu.memory_space<semaphore_mem>>)
        %dma_wait3A = arith.constant 0 : i32
        %dma_wait3A_43 = tpu.memref_slice %arg2[%dma_wait3A] : memref<10000xi32, #tpu.memory_space<hbm>> -> memref<10000xi32, #tpu.memory_space<hbm>>
        tpu.wait_indirect_dma semaphore(%run_scoped3A : memref<!tpu.dma_semaphore, #tpu.memory_space<semaphore_mem>>) src(%dma_wait3A_43 : memref<10000xi32, #tpu.memory_space<hbm>>) dst(%arg6 : memref<128xi32, #tpu.memory_space<vmem>>)
        tpu.yield
      }) : () -> ()
      "tpu.region"() ({
        %run_scoped3A = tpu.sem_alloc : memref<!tpu.dma_semaphore, #tpu.memory_space<semaphore_mem>>
        %dma_start3A = tpu.memref_slice %arg4[%mul3A_40] : memref<320000xi32, #tpu.memory_space<hbm>> -> memref<128xi32, #tpu.memory_space<hbm>>
        %dma_start3A_42 = tpu.memref_slice %arg4[%mul3A_40] : memref<320000xi32, #tpu.memory_space<hbm>> -> memref<128xi32, #tpu.memory_space<hbm>>
        tpu.enqueue_dma source(%arg6 : memref<128xi32, #tpu.memory_space<vmem>>) target(%dma_start3A_42 : memref<128xi32, #tpu.memory_space<hbm>>) target_semaphore(%run_scoped3A : memref<!tpu.dma_semaphore, #tpu.memory_space<semaphore_mem>>)
        %dma_wait3A = tpu.memref_slice %arg4[%mul3A_40] : memref<320000xi32, #tpu.memory_space<hbm>> -> memref<128xi32, #tpu.memory_space<hbm>>
        %dma_wait3A_43 = tpu.memref_slice %arg4[%mul3A_40] : memref<320000xi32, #tpu.memory_space<hbm>> -> memref<128xi32, #tpu.memory_space<hbm>>
        tpu.wait_dma2 semaphore(%run_scoped3A : memref<!tpu.dma_semaphore, #tpu.memory_space<semaphore_mem>>) src(%arg6 : memref<128xi32, #tpu.memory_space<vmem>>) dst(%dma_wait3A_43 : memref<128xi32, #tpu.memory_space<hbm>>)
        tpu.yield
      }) : () -> ()
      %while3A_41 = arith.constant 0 : i32
      scf.yield %while3A_41 : i32
    }
    %while3A_32 = arith.constant 1 : i32
    %while3A_33 = scf.for %while3A_34 = %while3A_29 to %while3A_25 step %while3A_32 iter_args(%while3A_35 = %while3A_31) -> (i32)  : i32 {
      %mul3A_36 = arith.constant 32 : i32
      %mul3A_37 = arith.muli %while3A_34, %mul3A_36 : i32
      %add3A_38 = arith.addi %add3A, %mul3A_37 : i32
      %mul3A_39 = arith.constant 128 : i32
      %mul3A_40 = arith.muli %add3A_38, %mul3A_39 : i32
      "tpu.region"() ({
        %run_scoped3A = tpu.sem_alloc : memref<!tpu.dma_semaphore, #tpu.memory_space<semaphore_mem>>
        %dma_start3A = tpu.memref_slice %arg3[%mul3A_40] : memref<320000xi32, #tpu.memory_space<hbm>> -> memref<128xi32, #tpu.memory_space<hbm>>
        %dma_start3A_42 = tpu.memref_slice %arg3[%mul3A_40] : memref<320000xi32, #tpu.memory_space<hbm>> -> memref<128xi32, #tpu.memory_space<hbm>>
        tpu.enqueue_dma source(%dma_start3A_42 : memref<128xi32, #tpu.memory_space<hbm>>) target(%arg5 : memref<128xi32, #tpu.memory_space<vmem>>) target_semaphore(%run_scoped3A : memref<!tpu.dma_semaphore, #tpu.memory_space<semaphore_mem>>)
        %dma_wait3A = tpu.memref_slice %arg3[%mul3A_40] : memref<320000xi32, #tpu.memory_space<hbm>> -> memref<128xi32, #tpu.memory_space<hbm>>
        %dma_wait3A_43 = tpu.memref_slice %arg3[%mul3A_40] : memref<320000xi32, #tpu.memory_space<hbm>> -> memref<128xi32, #tpu.memory_space<hbm>>
        tpu.wait_dma2 semaphore(%run_scoped3A : memref<!tpu.dma_semaphore, #tpu.memory_space<semaphore_mem>>) src(%dma_wait3A_43 : memref<128xi32, #tpu.memory_space<hbm>>) dst(%arg5 : memref<128xi32, #tpu.memory_space<vmem>>)
        tpu.yield
      }) : () -> ()
      "tpu.region"() ({
        %run_scoped3A = tpu.sem_alloc : memref<!tpu.dma_semaphore, #tpu.memory_space<semaphore_mem>>
        %dma_start3A = arith.constant 0 : i32
        %dma_start3A_42 = tpu.memref_slice %arg2[%dma_start3A] : memref<10000xi32, #tpu.memory_space<hbm>> -> memref<10000xi32, #tpu.memory_space<hbm>>
        tpu.enqueue_indirect_dma source(%dma_start3A_42 : memref<10000xi32, #tpu.memory_space<hbm>>) target(%arg6 : memref<128xi32, #tpu.memory_space<vmem>>) offsets(%arg5 : memref<128xi32, #tpu.memory_space<vmem>>) semaphore(%run_scoped3A : memref<!tpu.dma_semaphore, #tpu.memory_space<semaphore_mem>>)
        %dma_wait3A = arith.constant 0 : i32
        %dma_wait3A_43 = tpu.memref_slice %arg2[%dma_wait3A] : memref<10000xi32, #tpu.memory_space<hbm>> -> memref<10000xi32, #tpu.memory_space<hbm>>
        tpu.wait_indirect_dma semaphore(%run_scoped3A : memref<!tpu.dma_semaphore, #tpu.memory_space<semaphore_mem>>) src(%dma_wait3A_43 : memref<10000xi32, #tpu.memory_space<hbm>>) dst(%arg6 : memref<128xi32, #tpu.memory_space<vmem>>)
        tpu.yield
      }) : () -> ()
      "tpu.region"() ({
        %run_scoped3A = tpu.sem_alloc : memref<!tpu.dma_semaphore, #tpu.memory_space<semaphore_mem>>
        %dma_start3A = tpu.memref_slice %arg4[%mul3A_40] : memref<320000xi32, #tpu.memory_space<hbm>> -> memref<128xi32, #tpu.memory_space<hbm>>
        %dma_start3A_42 = tpu.memref_slice %arg4[%mul3A_40] : memref<320000xi32, #tpu.memory_space<hbm>> -> memref<128xi32, #tpu.memory_space<hbm>>
        tpu.enqueue_dma source(%arg6 : memref<128xi32, #tpu.memory_space<vmem>>) target(%dma_start3A_42 : memref<128xi32, #tpu.memory_space<hbm>>) target_semaphore(%run_scoped3A : memref<!tpu.dma_semaphore, #tpu.memory_space<semaphore_mem>>)
        %dma_wait3A = tpu.memref_slice %arg4[%mul3A_40] : memref<320000xi32, #tpu.memory_space<hbm>> -> memref<128xi32, #tpu.memory_space<hbm>>
        %dma_wait3A_43 = tpu.memref_slice %arg4[%mul3A_40] : memref<320000xi32, #tpu.memory_space<hbm>> -> memref<128xi32, #tpu.memory_space<hbm>>
        tpu.wait_dma2 semaphore(%run_scoped3A : memref<!tpu.dma_semaphore, #tpu.memory_space<semaphore_mem>>) src(%arg6 : memref<128xi32, #tpu.memory_space<vmem>>) dst(%dma_wait3A_43 : memref<128xi32, #tpu.memory_space<hbm>>)
        tpu.yield
      }) : () -> ()
      %while3A_41 = arith.constant 0 : i32
      scf.yield %while3A_41 : i32
    }
    return
  }
}

#map = affine_map<(d0, d1) -> (0)>
module attributes {stable_mosaic.version = 14 : i64} {
  func.func @k(%arg0: i32, %arg1: i32, %arg2: memref<10000xi32, #tpu.memory_space<hbm>>, %arg3: memref<320000xi32, #tpu.memory_space<hbm>>, %arg4: memref<320000xi32, #tpu.memory_space<hbm>>, %arg5: memref<128xi32, #tpu.memory_space<vmem>>, %arg6: memref<128xi32, #tpu.memory_space<vmem>>) attributes {dimension_semantics = [#tpu.dimension_semantics<core_parallel>, #tpu.dimension_semantics<subcore_parallel>], iteration_bounds = array<i64: 2, 16>, scalar_prefetch = 0 : i64, scratch_operands = 2 : i64, tpu.core_type = #tpu.core_type<sc_vector_subcore>, window_params = [{transform_indices = #map}, {transform_indices = #map}, {transform_indices = #map}]} {
    %mul3A = arith.constant 16 : i32
    %mul3A_0 = arith.muli %arg0, %mul3A : i32
    %add3A = arith.addi %mul3A_0, %arg1 : i32
    %sub3A = arith.constant 2500 : i32
    %sub3A_1 = arith.subi %sub3A, %add3A : i32
    %add3A_2 = arith.constant 32 : i32
    %add3A_3 = arith.addi %sub3A_1, %add3A_2 : i32
    %sub3A_4 = arith.constant 1 : i32
    %sub3A_5 = arith.subi %add3A_3, %sub3A_4 : i32
    %jit3A = arith.constant 32 : i32
    %div3A = arith.divsi %sub3A_5, %jit3A : i32
    %sign3A = arith.constant 0 : i32
    %sign3A_6 = arith.cmpi sgt, %sub3A_5, %sign3A : i32
    %sign3A_7 = arith.extui %sign3A_6 : i1 to i32
    %sign3A_8 = arith.constant 0 : i32
    %sign3A_9 = arith.cmpi slt, %sub3A_5, %sign3A_8 : i32
    %sign3A_10 = arith.extui %sign3A_9 : i1 to i32
    %sign3A_11 = arith.subi %sign3A_7, %sign3A_10 : i32
    %sign3A_12 = arith.constant 0 : i32
    %sign3A_13 = arith.cmpi sgt, %jit3A, %sign3A_12 : i32
    %sign3A_14 = arith.extui %sign3A_13 : i1 to i32
    %sign3A_15 = arith.constant 0 : i32
    %sign3A_16 = arith.cmpi slt, %jit3A, %sign3A_15 : i32
    %sign3A_17 = arith.extui %sign3A_16 : i1 to i32
    %sign3A_18 = arith.subi %sign3A_14, %sign3A_17 : i32
    %ne3A = arith.cmpi ne, %sign3A_11, %sign3A_18 : i32
    %rem3A = arith.remsi %sub3A_5, %jit3A : i32
    %ne3A_19 = arith.constant 0 : i32
    %ne3A_20 = arith.cmpi ne, %rem3A, %ne3A_19 : i32
    %and3A = arith.andi %ne3A, %ne3A_20 : i1
    %sub3A_21 = arith.constant 1 : i32
    %sub3A_22 = arith.subi %div3A, %sub3A_21 : i32
    %select_n3A = arith.select %and3A, %sub3A_22, %div3A : i32
    %while3A = arith.constant 0 : i32
    %while3A_23 = arith.constant 0 : i32
    %while3A_24 = arith.subi %select_n3A, %while3A : i32
    %while3A_25 = arith.addi %while3A, %while3A_24 : i32
    %while3A_26 = arith.constant 1 : i32
    %while3A_27 = arith.divsi %while3A_24, %while3A_26 : i32
    %while3A_28 = arith.muli %while3A_27, %while3A_26 : i32
    %while3A_29 = arith.addi %while3A, %while3A_28 : i32
    %while3A_30 = arith.constant 1 : i32
    %while3A_31 = scf.for %while3A_34 = %while3A to %while3A_29 step %while3A_30 iter_args(%while3A_35 = %while3A_23) -> (i32)  : i32 {
      %mul3A_36 = arith.constant 32 : i32
      %mul3A_37 = arith.muli %while3A_34, %mul3A_36 : i32
      %add3A_38 = arith.addi %add3A, %mul3A_37 : i32
      %mul3A_39 = arith.constant 128 : i32
      %mul3A_40 = arith.muli %add3A_38, %mul3A_39 : i32
      "tpu.region"() ({
        %run_scoped3A = tpu.sem_alloc : memref<!tpu.dma_semaphore, #tpu.memory_space<semaphore_mem>>
        %dma_start3A = tpu.memref_slice %arg3[%mul3A_40] : memref<320000xi32, #tpu.memory_space<hbm>> -> memref<128xi32, #tpu.memory_space<hbm>>
        %dma_start3A_42 = tpu.memref_slice %arg3[%mul3A_40] : memref<320000xi32, #tpu.memory_space<hbm>> -> memref<128xi32, #tpu.memory_space<hbm>>
        tpu.enqueue_dma source(%dma_start3A_42 : memref<128xi32, #tpu.memory_space<hbm>>) target(%arg5 : memref<128xi32, #tpu.memory_space<vmem>>) target_semaphore(%run_scoped3A : memref<!tpu.dma_semaphore, #tpu.memory_space<semaphore_mem>>)
        %dma_wait3A = tpu.memref_slice %arg3[%mul3A_40] : memref<320000xi32, #tpu.memory_space<hbm>> -> memref<128xi32, #tpu.memory_space<hbm>>
        %dma_wait3A_43 = tpu.memref_slice %arg3[%mul3A_40] : memref<320000xi32, #tpu.memory_space<hbm>> -> memref<128xi32, #tpu.memory_space<hbm>>
        tpu.wait_dma2 semaphore(%run_scoped3A : memref<!tpu.dma_semaphore, #tpu.memory_space<semaphore_mem>>) src(%dma_wait3A_43 : memref<128xi32, #tpu.memory_space<hbm>>) dst(%arg5 : memref<128xi32, #tpu.memory_space<vmem>>)
        tpu.yield
      }) : () -> ()
      "tpu.region"() ({
        %run_scoped3A = tpu.sem_alloc : memref<!tpu.dma_semaphore, #tpu.memory_space<semaphore_mem>>
        %dma_start3A = arith.constant 0 : i32
        %dma_start3A_42 = tpu.memref_slice %arg2[%dma_start3A] : memref<10000xi32, #tpu.memory_space<hbm>> -> memref<10000xi32, #tpu.memory_space<hbm>>
        tpu.enqueue_indirect_dma source(%dma_start3A_42 : memref<10000xi32, #tpu.memory_space<hbm>>) target(%arg6 : memref<128xi32, #tpu.memory_space<vmem>>) offsets(%arg5 : memref<128xi32, #tpu.memory_space<vmem>>) semaphore(%run_scoped3A : memref<!tpu.dma_semaphore, #tpu.memory_space<semaphore_mem>>)
        %dma_wait3A = arith.constant 0 : i32
        %dma_wait3A_43 = tpu.memref_slice %arg2[%dma_wait3A] : memref<10000xi32, #tpu.memory_space<hbm>> -> memref<10000xi32, #tpu.memory_space<hbm>>
        tpu.wait_indirect_dma semaphore(%run_scoped3A : memref<!tpu.dma_semaphore, #tpu.memory_space<semaphore_mem>>) src(%dma_wait3A_43 : memref<10000xi32, #tpu.memory_space<hbm>>) dst(%arg6 : memref<128xi32, #tpu.memory_space<vmem>>)
        tpu.yield
      }) : () -> ()
      "tpu.region"() ({
        %run_scoped3A = tpu.sem_alloc : memref<!tpu.dma_semaphore, #tpu.memory_space<semaphore_mem>>
        %dma_start3A = tpu.memref_slice %arg4[%mul3A_40] : memref<320000xi32, #tpu.memory_space<hbm>> -> memref<128xi32, #tpu.memory_space<hbm>>
        %dma_start3A_42 = tpu.memref_slice %arg4[%mul3A_40] : memref<320000xi32, #tpu.memory_space<hbm>> -> memref<128xi32, #tpu.memory_space<hbm>>
        tpu.enqueue_dma source(%arg6 : memref<128xi32, #tpu.memory_space<vmem>>) target(%dma_start3A_42 : memref<128xi32, #tpu.memory_space<hbm>>) target_semaphore(%run_scoped3A : memref<!tpu.dma_semaphore, #tpu.memory_space<semaphore_mem>>)
        %dma_wait3A = tpu.memref_slice %arg4[%mul3A_40] : memref<320000xi32, #tpu.memory_space<hbm>> -> memref<128xi32, #tpu.memory_space<hbm>>
        %dma_wait3A_43 = tpu.memref_slice %arg4[%mul3A_40] : memref<320000xi32, #tpu.memory_space<hbm>> -> memref<128xi32, #tpu.memory_space<hbm>>
        tpu.wait_dma2 semaphore(%run_scoped3A : memref<!tpu.dma_semaphore, #tpu.memory_space<semaphore_mem>>) src(%arg6 : memref<128xi32, #tpu.memory_space<vmem>>) dst(%dma_wait3A_43 : memref<128xi32, #tpu.memory_space<hbm>>)
        tpu.yield
      }) : () -> ()
      %while3A_41 = arith.constant 0 : i32
      scf.yield %while3A_41 : i32
    }
    %while3A_32 = arith.constant 1 : i32
    %while3A_33 = scf.for %while3A_34 = %while3A_29 to %while3A_25 step %while3A_32 iter_args(%while3A_35 = %while3A_31) -> (i32)  : i32 {
      %mul3A_36 = arith.constant 32 : i32
      %mul3A_37 = arith.muli %while3A_34, %mul3A_36 : i32
      %add3A_38 = arith.addi %add3A, %mul3A_37 : i32
      %mul3A_39 = arith.constant 128 : i32
      %mul3A_40 = arith.muli %add3A_38, %mul3A_39 : i32
      "tpu.region"() ({
        %run_scoped3A = tpu.sem_alloc : memref<!tpu.dma_semaphore, #tpu.memory_space<semaphore_mem>>
        %dma_start3A = tpu.memref_slice %arg3[%mul3A_40] : memref<320000xi32, #tpu.memory_space<hbm>> -> memref<128xi32, #tpu.memory_space<hbm>>
        %dma_start3A_42 = tpu.memref_slice %arg3[%mul3A_40] : memref<320000xi32, #tpu.memory_space<hbm>> -> memref<128xi32, #tpu.memory_space<hbm>>
        tpu.enqueue_dma source(%dma_start3A_42 : memref<128xi32, #tpu.memory_space<hbm>>) target(%arg5 : memref<128xi32, #tpu.memory_space<vmem>>) target_semaphore(%run_scoped3A : memref<!tpu.dma_semaphore, #tpu.memory_space<semaphore_mem>>)
        %dma_wait3A = tpu.memref_slice %arg3[%mul3A_40] : memref<320000xi32, #tpu.memory_space<hbm>> -> memref<128xi32, #tpu.memory_space<hbm>>
        %dma_wait3A_43 = tpu.memref_slice %arg3[%mul3A_40] : memref<320000xi32, #tpu.memory_space<hbm>> -> memref<128xi32, #tpu.memory_space<hbm>>
        tpu.wait_dma2 semaphore(%run_scoped3A : memref<!tpu.dma_semaphore, #tpu.memory_space<semaphore_mem>>) src(%dma_wait3A_43 : memref<128xi32, #tpu.memory_space<hbm>>) dst(%arg5 : memref<128xi32, #tpu.memory_space<vmem>>)
        tpu.yield
      }) : () -> ()
      "tpu.region"() ({
        %run_scoped3A = tpu.sem_alloc : memref<!tpu.dma_semaphore, #tpu.memory_space<semaphore_mem>>
        %dma_start3A = arith.constant 0 : i32
        %dma_start3A_42 = tpu.memref_slice %arg2[%dma_start3A] : memref<10000xi32, #tpu.memory_space<hbm>> -> memref<10000xi32, #tpu.memory_space<hbm>>
        tpu.enqueue_indirect_dma source(%dma_start3A_42 : memref<10000xi32, #tpu.memory_space<hbm>>) target(%arg6 : memref<128xi32, #tpu.memory_space<vmem>>) offsets(%arg5 : memref<128xi32, #tpu.memory_space<vmem>>) semaphore(%run_scoped3A : memref<!tpu.dma_semaphore, #tpu.memory_space<semaphore_mem>>)
        %dma_wait3A = arith.constant 0 : i32
        %dma_wait3A_43 = tpu.memref_slice %arg2[%dma_wait3A] : memref<10000xi32, #tpu.memory_space<hbm>> -> memref<10000xi32, #tpu.memory_space<hbm>>
        tpu.wait_indirect_dma semaphore(%run_scoped3A : memref<!tpu.dma_semaphore, #tpu.memory_space<semaphore_mem>>) src(%dma_wait3A_43 : memref<10000xi32, #tpu.memory_space<hbm>>) dst(%arg6 : memref<128xi32, #tpu.memory_space<vmem>>)
        tpu.yield
      }) : () -> ()
      "tpu.region"() ({
        %run_scoped3A = tpu.sem_alloc : memref<!tpu.dma_semaphore, #tpu.memory_space<semaphore_mem>>
        %dma_start3A = tpu.memref_slice %arg4[%mul3A_40] : memref<320000xi32, #tpu.memory_space<hbm>> -> memref<128xi32, #tpu.memory_space<hbm>>
        %dma_start3A_42 = tpu.memref_slice %arg4[%mul3A_40] : memref<320000xi32, #tpu.memory_space<hbm>> -> memref<128xi32, #tpu.memory_space<hbm>>
        tpu.enqueue_dma source(%arg6 : memref<128xi32, #tpu.memory_space<vmem>>) target(%dma_start3A_42 : memref<128xi32, #tpu.memory_space<hbm>>) target_semaphore(%run_scoped3A : memref<!tpu.dma_semaphore, #tpu.memory_space<semaphore_mem>>)
        %dma_wait3A = tpu.memref_slice %arg4[%mul3A_40] : memref<320000xi32, #tpu.memory_space<hbm>> -> memref<128xi32, #tpu.memory_space<hbm>>
        %dma_wait3A_43 = tpu.memref_slice %arg4[%mul3A_40] : memref<320000xi32, #tpu.memory_space<hbm>> -> memref<128xi32, #tpu.memory_space<hbm>>
        tpu.wait_dma2 semaphore(%run_scoped3A : memref<!tpu.dma_semaphore, #tpu.memory_space<semaphore_mem>>) src(%arg6 : memref<128xi32, #tpu.memory_space<vmem>>) dst(%dma_wait3A_43 : memref<128xi32, #tpu.memory_space<hbm>>)
        tpu.yield
      }) : () -> ()
      %while3A_41 = arith.constant 0 : i32
      scf.yield %while3A_41 : i32
    }
    return
  }
}

#map = affine_map<(d0, d1) -> (0, 0)>
#map1 = affine_map<(d0, d1) -> (0)>
module attributes {stable_mosaic.version = 14 : i64} {
  func.func @k(%arg0: i32, %arg1: i32, %arg2: memref<10000x128xf32, #tpu.memory_space<hbm>>, %arg3: memref<320000xi32, #tpu.memory_space<hbm>>, %arg4: memref<320000xi32, #tpu.memory_space<hbm>>, %arg5: memref<10240x128xf32, #tpu.memory_space<hbm>>, %arg6: memref<128xi32, #tpu.memory_space<vmem>>, %arg7: memref<128xi32, #tpu.memory_space<vmem>>, %arg8: memref<128x128xf32, #tpu.memory_space<vmem>>, %arg9: memref<64x128xf32, #tpu.memory_space<vmem>>, %arg10: memref<10240x128xf32, #tpu.memory_space<vmem_shared>>) attributes {dimension_semantics = [#tpu.dimension_semantics<core_parallel>, #tpu.dimension_semantics<subcore_parallel>], iteration_bounds = array<i64: 1, 16>, scalar_prefetch = 0 : i64, scratch_operands = 5 : i64, tpu.core_type = #tpu.core_type<sc_vector_subcore>, window_params = [{transform_indices = #map}, {transform_indices = #map1}, {transform_indices = #map1}, {transform_indices = #map}]} {
    %broadcast_in_dim3A = arith.constant 0.000000e+00 : f32
    %broadcast_in_dim3A_0 = vector.broadcast %broadcast_in_dim3A : f32 to vector<16xf32>
    %scan3A = arith.constant 0 : i32
    %scan3A_1 = arith.constant 0 : i32
    %scan3A_2 = arith.constant 512 : i32
    %scan3A_3 = arith.addi %scan3A_1, %scan3A_2 : i32
    %scan3A_4 = arith.constant 1 : i32
    %scan3A_5 = scf.for %scan3A_50 = %scan3A_1 to %scan3A_3 step %scan3A_4 iter_args(%scan3A_51 = %scan3A) -> (i32)  : i32 {
      %jit3A_52 = arith.constant 8 : i32
      %div3A_53 = arith.divsi %scan3A_50, %jit3A_52 : i32
      %sign3A_54 = arith.constant 0 : i32
      %sign3A_55 = arith.cmpi sgt, %scan3A_50, %sign3A_54 : i32
      %sign3A_56 = arith.extui %sign3A_55 : i1 to i32
      %sign3A_57 = arith.constant 0 : i32
      %sign3A_58 = arith.cmpi slt, %scan3A_50, %sign3A_57 : i32
      %sign3A_59 = arith.extui %sign3A_58 : i1 to i32
      %sign3A_60 = arith.subi %sign3A_56, %sign3A_59 : i32
      %sign3A_61 = arith.constant 0 : i32
      %sign3A_62 = arith.cmpi sgt, %jit3A_52, %sign3A_61 : i32
      %sign3A_63 = arith.extui %sign3A_62 : i1 to i32
      %sign3A_64 = arith.constant 0 : i32
      %sign3A_65 = arith.cmpi slt, %jit3A_52, %sign3A_64 : i32
      %sign3A_66 = arith.extui %sign3A_65 : i1 to i32
      %sign3A_67 = arith.subi %sign3A_63, %sign3A_66 : i32
      %ne3A_68 = arith.cmpi ne, %sign3A_60, %sign3A_67 : i32
      %rem3A_69 = arith.remsi %scan3A_50, %jit3A_52 : i32
      %ne3A_70 = arith.constant 0 : i32
      %ne3A_71 = arith.cmpi ne, %rem3A_69, %ne3A_70 : i32
      %and3A_72 = arith.andi %ne3A_68, %ne3A_71 : i1
      %sub3A_73 = arith.constant 1 : i32
      %sub3A_74 = arith.subi %div3A_53, %sub3A_73 : i32
      %select_n3A_75 = arith.select %and3A_72, %sub3A_74, %div3A_53 : i32
      %jit3A_76 = arith.constant 8 : i32
      %eq3A = arith.constant 0 : i32
      %eq3A_77 = arith.cmpi eq, %jit3A_76, %eq3A : i32
      %jit3A_78 = arith.constant 1 : i32
      %select_n3A_79 = arith.select %eq3A_77, %jit3A_78, %jit3A_76 : i32
      %rem3A_80 = arith.remsi %scan3A_50, %select_n3A_79 : i32
      %ne3A_81 = arith.constant 0 : i32
      %ne3A_82 = arith.cmpi ne, %rem3A_80, %ne3A_81 : i32
      %lt3A = arith.constant 0 : i32
      %lt3A_83 = arith.cmpi slt, %rem3A_80, %lt3A : i32
      %lt3A_84 = arith.constant 0 : i32
      %lt3A_85 = arith.cmpi slt, %select_n3A_79, %lt3A_84 : i32
      %ne3A_86 = arith.xori %lt3A_83, %lt3A_85 : i1
      %and3A_87 = arith.andi %ne3A_86, %ne3A_82 : i1
      %add3A_88 = arith.addi %rem3A_80, %select_n3A_79 : i32
      %select_n3A_89 = arith.select %and3A_87, %add3A_88, %rem3A_80 : i32
      %mul3A_90 = arith.constant 16 : i32
      %mul3A_91 = arith.muli %select_n3A_89, %mul3A_90 : i32
      %swap3A = arith.index_cast %select_n3A_75 : i32 to index
      %swap3A_92 = arith.index_cast %mul3A_91 : i32 to index
      %swap3A_93 = tpu.vector_load %arg9[%swap3A, %swap3A_92] {strides = array<i32>} : memref<64x128xf32, #tpu.memory_space<vmem>>, vector<1x16xf32>,
      %swap3A_94 = vector.shape_cast %swap3A_93 : vector<1x16xf32> to vector<16xf32>
      %swap3A_95 = vector.shape_cast %broadcast_in_dim3A_0 : vector<16xf32> to vector<1x16xf32>
      tpu.vector_store %arg9[%swap3A, %swap3A_92], %swap3A_95 {strides = array<i32>} : memref<64x128xf32, #tpu.memory_space<vmem>>, vector<1x16xf32>,
      %scan3A_96 = arith.constant 0 : i32
      scf.yield %scan3A_96 : i32
    }
    %scan3A_6 = arith.constant 512 : i32
    %scan3A_7 = arith.constant 0 : i32
    %scan3A_8 = arith.constant 0 : i32
    %scan3A_9 = arith.constant 10 : i32
    %scan3A_10 = arith.addi %scan3A_8, %scan3A_9 : i32
    %scan3A_11 = arith.constant 1 : i32
    %scan3A_12 = scf.for %scan3A_50 = %scan3A_8 to %scan3A_10 step %scan3A_11 iter_args(%scan3A_51 = %scan3A_7) -> (i32)  : i32 {
      %mul3A_52 = arith.constant 640 : i32
      %mul3A_53 = arith.muli %arg1, %mul3A_52 : i32
      %mul3A_54 = arith.constant 64 : i32
      %mul3A_55 = arith.muli %scan3A_50, %mul3A_54 : i32
      %add3A_56 = arith.addi %mul3A_53, %mul3A_55 : i32
      "tpu.region"() ({
        %run_scoped3A = tpu.sem_alloc : memref<!tpu.dma_semaphore, #tpu.memory_space<semaphore_mem>>
        %dma_start3A = arith.constant 0 : i32
        %dma_start3A_58 = arith.constant 0 : i32
        %dma_start3A_59 = tpu.memref_slice %arg9[%dma_start3A, %dma_start3A_58] : memref<64x128xf32, #tpu.memory_space<vmem>> -> memref<64x128xf32, #tpu.memory_space<vmem>>
        %dma_start3A_60 = arith.constant 0 : i32
        %dma_start3A_61 = tpu.memref_slice %arg10[%add3A_56, %dma_start3A_60] : memref<10240x128xf32, #tpu.memory_space<vmem_shared>> -> memref<64x128xf32, #tpu.memory_space<vmem_shared>>
        %dma_start3A_62 = arith.constant 0 : i32
        %dma_start3A_63 = tpu.memref_slice %arg10[%add3A_56, %dma_start3A_62] : memref<10240x128xf32, #tpu.memory_space<vmem_shared>> -> memref<64x128xf32, #tpu.memory_space<vmem_shared>>
        %dma_start3A_64 = arith.constant 0 : i32
        %dma_start3A_65 = arith.constant 0 : i32
        %dma_start3A_66 = tpu.memref_slice %arg9[%dma_start3A_64, %dma_start3A_65] : memref<64x128xf32, #tpu.memory_space<vmem>> -> memref<64x128xf32, #tpu.memory_space<vmem>>
        tpu.enqueue_dma source(%dma_start3A_66 : memref<64x128xf32, #tpu.memory_space<vmem>>) target(%dma_start3A_63 : memref<64x128xf32, #tpu.memory_space<vmem_shared>>) target_semaphore(%run_scoped3A : memref<!tpu.dma_semaphore, #tpu.memory_space<semaphore_mem>>)
        %dma_wait3A = arith.constant 0 : i32
        %dma_wait3A_67 = arith.constant 0 : i32
        %dma_wait3A_68 = tpu.memref_slice %arg9[%dma_wait3A, %dma_wait3A_67] : memref<64x128xf32, #tpu.memory_space<vmem>> -> memref<64x128xf32, #tpu.memory_space<vmem>>
        %dma_wait3A_69 = arith.constant 0 : i32
        %dma_wait3A_70 = tpu.memref_slice %arg10[%add3A_56, %dma_wait3A_69] : memref<10240x128xf32, #tpu.memory_space<vmem_shared>> -> memref<64x128xf32, #tpu.memory_space<vmem_shared>>
        %dma_wait3A_71 = arith.constant 0 : i32
        %dma_wait3A_72 = tpu.memref_slice %arg10[%add3A_56, %dma_wait3A_71] : memref<10240x128xf32, #tpu.memory_space<vmem_shared>> -> memref<64x128xf32, #tpu.memory_space<vmem_shared>>
        %dma_wait3A_73 = arith.constant 0 : i32
        %dma_wait3A_74 = arith.constant 0 : i32
        %dma_wait3A_75 = tpu.memref_slice %arg9[%dma_wait3A_73, %dma_wait3A_74] : memref<64x128xf32, #tpu.memory_space<vmem>> -> memref<64x128xf32, #tpu.memory_space<vmem>>
        tpu.wait_dma2 semaphore(%run_scoped3A : memref<!tpu.dma_semaphore, #tpu.memory_space<semaphore_mem>>) src(%dma_wait3A_75 : memref<64x128xf32, #tpu.memory_space<vmem>>) dst(%dma_wait3A_72 : memref<64x128xf32, #tpu.memory_space<vmem_shared>>)
        tpu.yield
      }) : () -> ()
      %scan3A_57 = arith.constant 0 : i32
      scf.yield %scan3A_57 : i32
    }
    %scan3A_13 = arith.constant 10 : i32
    %barrier3A = arith.constant 0 : index
    tpu.barrier barrier_id(%barrier3A)
    %sub3A = arith.constant 2500 : i32
    %sub3A_14 = arith.subi %sub3A, %arg1 : i32
    %add3A = arith.constant 16 : i32
    %add3A_15 = arith.addi %sub3A_14, %add3A : i32
    %sub3A_16 = arith.constant 1 : i32
    %sub3A_17 = arith.subi %add3A_15, %sub3A_16 : i32
    %jit3A = arith.constant 16 : i32
    %div3A = arith.divsi %sub3A_17, %jit3A : i32
    %sign3A = arith.constant 0 : i32
    %sign3A_18 = arith.cmpi sgt, %sub3A_17, %sign3A : i32
    %sign3A_19 = arith.extui %sign3A_18 : i1 to i32
    %sign3A_20 = arith.constant 0 : i32
    %sign3A_21 = arith.cmpi slt, %sub3A_17, %sign3A_20 : i32
    %sign3A_22 = arith.extui %sign3A_21 : i1 to i32
    %sign3A_23 = arith.subi %sign3A_19, %sign3A_22 : i32
    %sign3A_24 = arith.constant 0 : i32
    %sign3A_25 = arith.cmpi sgt, %jit3A, %sign3A_24 : i32
    %sign3A_26 = arith.extui %sign3A_25 : i1 to i32
    %sign3A_27 = arith.constant 0 : i32
    %sign3A_28 = arith.cmpi slt, %jit3A, %sign3A_27 : i32
    %sign3A_29 = arith.extui %sign3A_28 : i1 to i32
    %sign3A_30 = arith.subi %sign3A_26, %sign3A_29 : i32
    %ne3A = arith.cmpi ne, %sign3A_23, %sign3A_30 : i32
    %rem3A = arith.remsi %sub3A_17, %jit3A : i32
    %ne3A_31 = arith.constant 0 : i32
    %ne3A_32 = arith.cmpi ne, %rem3A, %ne3A_31 : i32
    %and3A = arith.andi %ne3A, %ne3A_32 : i1
    %sub3A_33 = arith.constant 1 : i32
    %sub3A_34 = arith.subi %div3A, %sub3A_33 : i32
    %select_n3A = arith.select %and3A, %sub3A_34, %div3A : i32
    %while3A = arith.constant 0 : i32
    %while3A_35 = arith.constant 0 : i32
    %while3A_36 = arith.subi %select_n3A, %while3A : i32
    %while3A_37 = arith.addi %while3A, %while3A_36 : i32
    %while3A_38 = arith.constant 1 : i32
    %while3A_39 = arith.divsi %while3A_36, %while3A_38 : i32
    %while3A_40 = arith.muli %while3A_39, %while3A_38 : i32
    %while3A_41 = arith.addi %while3A, %while3A_40 : i32
    %while3A_42 = arith.constant 1 : i32
    %while3A_43 = scf.for %while3A_50 = %while3A to %while3A_41 step %while3A_42 iter_args(%while3A_51 = %while3A_35) -> (i32)  : i32 {
      %mul3A_52 = arith.constant 16 : i32
      %mul3A_53 = arith.muli %while3A_50, %mul3A_52 : i32
      %add3A_54 = arith.addi %arg1, %mul3A_53 : i32
      %mul3A_55 = arith.constant 128 : i32
      %mul3A_56 = arith.muli %add3A_54, %mul3A_55 : i32
      "tpu.region"() ({
        %run_scoped3A = tpu.sem_alloc : memref<!tpu.dma_semaphore, #tpu.memory_space<semaphore_mem>>
        %dma_start3A = tpu.memref_slice %arg3[%mul3A_56] : memref<320000xi32, #tpu.memory_space<hbm>> -> memref<128xi32, #tpu.memory_space<hbm>>
        %dma_start3A_58 = tpu.memref_slice %arg3[%mul3A_56] : memref<320000xi32, #tpu.memory_space<hbm>> -> memref<128xi32, #tpu.memory_space<hbm>>
        tpu.enqueue_dma source(%dma_start3A_58 : memref<128xi32, #tpu.memory_space<hbm>>) target(%arg6 : memref<128xi32, #tpu.memory_space<vmem>>) target_semaphore(%run_scoped3A : memref<!tpu.dma_semaphore, #tpu.memory_space<semaphore_mem>>)
        %dma_wait3A = tpu.memref_slice %arg3[%mul3A_56] : memref<320000xi32, #tpu.memory_space<hbm>> -> memref<128xi32, #tpu.memory_space<hbm>>
        %dma_wait3A_59 = tpu.memref_slice %arg3[%mul3A_56] : memref<320000xi32, #tpu.memory_space<hbm>> -> memref<128xi32, #tpu.memory_space<hbm>>
        tpu.wait_dma2 semaphore(%run_scoped3A : memref<!tpu.dma_semaphore, #tpu.memory_space<semaphore_mem>>) src(%dma_wait3A_59 : memref<128xi32, #tpu.memory_space<hbm>>) dst(%arg6 : memref<128xi32, #tpu.memory_space<vmem>>)
        tpu.yield
      }) : () -> ()
      "tpu.region"() ({
        %run_scoped3A = tpu.sem_alloc : memref<!tpu.dma_semaphore, #tpu.memory_space<semaphore_mem>>
        %dma_start3A = tpu.memref_slice %arg4[%mul3A_56] : memref<320000xi32, #tpu.memory_space<hbm>> -> memref<128xi32, #tpu.memory_space<hbm>>
        %dma_start3A_58 = tpu.memref_slice %arg4[%mul3A_56] : memref<320000xi32, #tpu.memory_space<hbm>> -> memref<128xi32, #tpu.memory_space<hbm>>
        tpu.enqueue_dma source(%dma_start3A_58 : memref<128xi32, #tpu.memory_space<hbm>>) target(%arg7 : memref<128xi32, #tpu.memory_space<vmem>>) target_semaphore(%run_scoped3A : memref<!tpu.dma_semaphore, #tpu.memory_space<semaphore_mem>>)
        %dma_wait3A = tpu.memref_slice %arg4[%mul3A_56] : memref<320000xi32, #tpu.memory_space<hbm>> -> memref<128xi32, #tpu.memory_space<hbm>>
        %dma_wait3A_59 = tpu.memref_slice %arg4[%mul3A_56] : memref<320000xi32, #tpu.memory_space<hbm>> -> memref<128xi32, #tpu.memory_space<hbm>>
        tpu.wait_dma2 semaphore(%run_scoped3A : memref<!tpu.dma_semaphore, #tpu.memory_space<semaphore_mem>>) src(%dma_wait3A_59 : memref<128xi32, #tpu.memory_space<hbm>>) dst(%arg7 : memref<128xi32, #tpu.memory_space<vmem>>)
        tpu.yield
      }) : () -> ()
      "tpu.region"() ({
        %run_scoped3A = tpu.sem_alloc : memref<!tpu.dma_semaphore, #tpu.memory_space<semaphore_mem>>
        %dma_start3A = arith.constant 0 : i32
        %dma_start3A_58 = arith.constant 0 : i32
        %dma_start3A_59 = tpu.memref_slice %arg2[%dma_start3A, %dma_start3A_58] : memref<10000x128xf32, #tpu.memory_space<hbm>> -> memref<10000x128xf32, #tpu.memory_space<hbm>>
        tpu.enqueue_indirect_dma source(%dma_start3A_59 : memref<10000x128xf32, #tpu.memory_space<hbm>>) target(%arg8 : memref<128x128xf32, #tpu.memory_space<vmem>>) offsets(%arg6 : memref<128xi32, #tpu.memory_space<vmem>>) semaphore(%run_scoped3A : memref<!tpu.dma_semaphore, #tpu.memory_space<semaphore_mem>>)
        %dma_wait3A = arith.constant 0 : i32
        %dma_wait3A_60 = arith.constant 0 : i32
        %dma_wait3A_61 = tpu.memref_slice %arg2[%dma_wait3A, %dma_wait3A_60] : memref<10000x128xf32, #tpu.memory_space<hbm>> -> memref<10000x128xf32, #tpu.memory_space<hbm>>
        tpu.wait_indirect_dma semaphore(%run_scoped3A : memref<!tpu.dma_semaphore, #tpu.memory_space<semaphore_mem>>) src(%dma_wait3A_61 : memref<10000x128xf32, #tpu.memory_space<hbm>>) dst(%arg8 : memref<128x128xf32, #tpu.memory_space<vmem>>)
        tpu.yield
      }) : () -> ()
      "tpu.region"() ({
        %run_scoped3A = tpu.sem_alloc : memref<!tpu.dma_semaphore, #tpu.memory_space<semaphore_mem>>
        %dma_start3A = arith.constant 0 : i32
        %dma_start3A_58 = arith.constant 0 : i32
        %dma_start3A_59 = tpu.memref_slice %arg10[%dma_start3A, %dma_start3A_58] : memref<10240x128xf32, #tpu.memory_space<vmem_shared>> -> memref<10240x128xf32, #tpu.memory_space<vmem_shared>>
        tpu.enqueue_indirect_dma source(%arg8 : memref<128x128xf32, #tpu.memory_space<vmem>>) target(%dma_start3A_59 : memref<10240x128xf32, #tpu.memory_space<vmem_shared>>) offsets(%arg7 : memref<128xi32, #tpu.memory_space<vmem>>) semaphore(%run_scoped3A : memref<!tpu.dma_semaphore, #tpu.memory_space<semaphore_mem>>) {add = true}
        %dma_wait3A = arith.constant 0 : i32
        %dma_wait3A_60 = arith.constant 0 : i32
        %dma_wait3A_61 = tpu.memref_slice %arg10[%dma_wait3A, %dma_wait3A_60] : memref<10240x128xf32, #tpu.memory_space<vmem_shared>> -> memref<10240x128xf32, #tpu.memory_space<vmem_shared>>
        tpu.wait_indirect_dma semaphore(%run_scoped3A : memref<!tpu.dma_semaphore, #tpu.memory_space<semaphore_mem>>) src(%arg8 : memref<128x128xf32, #tpu.memory_space<vmem>>) dst(%dma_wait3A_61 : memref<10240x128xf32, #tpu.memory_space<vmem_shared>>)
        tpu.yield
      }) : () -> ()
      %while3A_57 = arith.constant 0 : i32
      scf.yield %while3A_57 : i32
    }
    %while3A_44 = arith.constant 1 : i32
    %while3A_45 = scf.for %while3A_50 = %while3A_41 to %while3A_37 step %while3A_44 iter_args(%while3A_51 = %while3A_43) -> (i32)  : i32 {
      %mul3A_52 = arith.constant 16 : i32
      %mul3A_53 = arith.muli %while3A_50, %mul3A_52 : i32
      %add3A_54 = arith.addi %arg1, %mul3A_53 : i32
      %mul3A_55 = arith.constant 128 : i32
      %mul3A_56 = arith.muli %add3A_54, %mul3A_55 : i32
      "tpu.region"() ({
        %run_scoped3A = tpu.sem_alloc : memref<!tpu.dma_semaphore, #tpu.memory_space<semaphore_mem>>
        %dma_start3A = tpu.memref_slice %arg3[%mul3A_56] : memref<320000xi32, #tpu.memory_space<hbm>> -> memref<128xi32, #tpu.memory_space<hbm>>
        %dma_start3A_58 = tpu.memref_slice %arg3[%mul3A_56] : memref<320000xi32, #tpu.memory_space<hbm>> -> memref<128xi32, #tpu.memory_space<hbm>>
        tpu.enqueue_dma source(%dma_start3A_58 : memref<128xi32, #tpu.memory_space<hbm>>) target(%arg6 : memref<128xi32, #tpu.memory_space<vmem>>) target_semaphore(%run_scoped3A : memref<!tpu.dma_semaphore, #tpu.memory_space<semaphore_mem>>)
        %dma_wait3A = tpu.memref_slice %arg3[%mul3A_56] : memref<320000xi32, #tpu.memory_space<hbm>> -> memref<128xi32, #tpu.memory_space<hbm>>
        %dma_wait3A_59 = tpu.memref_slice %arg3[%mul3A_56] : memref<320000xi32, #tpu.memory_space<hbm>> -> memref<128xi32, #tpu.memory_space<hbm>>
        tpu.wait_dma2 semaphore(%run_scoped3A : memref<!tpu.dma_semaphore, #tpu.memory_space<semaphore_mem>>) src(%dma_wait3A_59 : memref<128xi32, #tpu.memory_space<hbm>>) dst(%arg6 : memref<128xi32, #tpu.memory_space<vmem>>)
        tpu.yield
      }) : () -> ()
      "tpu.region"() ({
        %run_scoped3A = tpu.sem_alloc : memref<!tpu.dma_semaphore, #tpu.memory_space<semaphore_mem>>
        %dma_start3A = tpu.memref_slice %arg4[%mul3A_56] : memref<320000xi32, #tpu.memory_space<hbm>> -> memref<128xi32, #tpu.memory_space<hbm>>
        %dma_start3A_58 = tpu.memref_slice %arg4[%mul3A_56] : memref<320000xi32, #tpu.memory_space<hbm>> -> memref<128xi32, #tpu.memory_space<hbm>>
        tpu.enqueue_dma source(%dma_start3A_58 : memref<128xi32, #tpu.memory_space<hbm>>) target(%arg7 : memref<128xi32, #tpu.memory_space<vmem>>) target_semaphore(%run_scoped3A : memref<!tpu.dma_semaphore, #tpu.memory_space<semaphore_mem>>)
        %dma_wait3A = tpu.memref_slice %arg4[%mul3A_56] : memref<320000xi32, #tpu.memory_space<hbm>> -> memref<128xi32, #tpu.memory_space<hbm>>
        %dma_wait3A_59 = tpu.memref_slice %arg4[%mul3A_56] : memref<320000xi32, #tpu.memory_space<hbm>> -> memref<128xi32, #tpu.memory_space<hbm>>
        tpu.wait_dma2 semaphore(%run_scoped3A : memref<!tpu.dma_semaphore, #tpu.memory_space<semaphore_mem>>) src(%dma_wait3A_59 : memref<128xi32, #tpu.memory_space<hbm>>) dst(%arg7 : memref<128xi32, #tpu.memory_space<vmem>>)
        tpu.yield
      }) : () -> ()
      "tpu.region"() ({
        %run_scoped3A = tpu.sem_alloc : memref<!tpu.dma_semaphore, #tpu.memory_space<semaphore_mem>>
        %dma_start3A = arith.constant 0 : i32
        %dma_start3A_58 = arith.constant 0 : i32
        %dma_start3A_59 = tpu.memref_slice %arg2[%dma_start3A, %dma_start3A_58] : memref<10000x128xf32, #tpu.memory_space<hbm>> -> memref<10000x128xf32, #tpu.memory_space<hbm>>
        tpu.enqueue_indirect_dma source(%dma_start3A_59 : memref<10000x128xf32, #tpu.memory_space<hbm>>) target(%arg8 : memref<128x128xf32, #tpu.memory_space<vmem>>) offsets(%arg6 : memref<128xi32, #tpu.memory_space<vmem>>) semaphore(%run_scoped3A : memref<!tpu.dma_semaphore, #tpu.memory_space<semaphore_mem>>)
        %dma_wait3A = arith.constant 0 : i32
        %dma_wait3A_60 = arith.constant 0 : i32
        %dma_wait3A_61 = tpu.memref_slice %arg2[%dma_wait3A, %dma_wait3A_60] : memref<10000x128xf32, #tpu.memory_space<hbm>> -> memref<10000x128xf32, #tpu.memory_space<hbm>>
        tpu.wait_indirect_dma semaphore(%run_scoped3A : memref<!tpu.dma_semaphore, #tpu.memory_space<semaphore_mem>>) src(%dma_wait3A_61 : memref<10000x128xf32, #tpu.memory_space<hbm>>) dst(%arg8 : memref<128x128xf32, #tpu.memory_space<vmem>>)
        tpu.yield
      }) : () -> ()
      "tpu.region"() ({
        %run_scoped3A = tpu.sem_alloc : memref<!tpu.dma_semaphore, #tpu.memory_space<semaphore_mem>>
        %dma_start3A = arith.constant 0 : i32
        %dma_start3A_58 = arith.constant 0 : i32
        %dma_start3A_59 = tpu.memref_slice %arg10[%dma_start3A, %dma_start3A_58] : memref<10240x128xf32, #tpu.memory_space<vmem_shared>> -> memref<10240x128xf32, #tpu.memory_space<vmem_shared>>
        tpu.enqueue_indirect_dma source(%arg8 : memref<128x128xf32, #tpu.memory_space<vmem>>) target(%dma_start3A_59 : memref<10240x128xf32, #tpu.memory_space<vmem_shared>>) offsets(%arg7 : memref<128xi32, #tpu.memory_space<vmem>>) semaphore(%run_scoped3A : memref<!tpu.dma_semaphore, #tpu.memory_space<semaphore_mem>>) {add = true}
        %dma_wait3A = arith.constant 0 : i32
        %dma_wait3A_60 = arith.constant 0 : i32
        %dma_wait3A_61 = tpu.memref_slice %arg10[%dma_wait3A, %dma_wait3A_60] : memref<10240x128xf32, #tpu.memory_space<vmem_shared>> -> memref<10240x128xf32, #tpu.memory_space<vmem_shared>>
        tpu.wait_indirect_dma semaphore(%run_scoped3A : memref<!tpu.dma_semaphore, #tpu.memory_space<semaphore_mem>>) src(%arg8 : memref<128x128xf32, #tpu.memory_space<vmem>>) dst(%dma_wait3A_61 : memref<10240x128xf32, #tpu.memory_space<vmem_shared>>)
        tpu.yield
      }) : () -> ()
      %while3A_57 = arith.constant 0 : i32
      scf.yield %while3A_57 : i32
    }
    %barrier3A_46 = arith.constant 0 : index
    tpu.barrier barrier_id(%barrier3A_46)
    %mul3A = arith.constant 640 : i32
    %mul3A_47 = arith.muli %arg1, %mul3A : i32
    %mul3A_48 = arith.constant 640 : i32
    %mul3A_49 = arith.muli %arg1, %mul3A_48 : i32
    "tpu.region"() ({
      %run_scoped3A = tpu.sem_alloc : memref<!tpu.dma_semaphore, #tpu.memory_space<semaphore_mem>>
      %dma_start3A = arith.constant 0 : i32
      %dma_start3A_50 = tpu.memref_slice %arg5[%mul3A_49, %dma_start3A] : memref<10240x128xf32, #tpu.memory_space<hbm>> -> memref<640x128xf32, #tpu.memory_space<hbm>>
      %dma_start3A_51 = arith.constant 0 : i32
      %dma_start3A_52 = tpu.memref_slice %arg10[%mul3A_47, %dma_start3A_51] : memref<10240x128xf32, #tpu.memory_space<vmem_shared>> -> memref<640x128xf32, #tpu.memory_space<vmem_shared>>
      tpu.enqueue_dma source(%dma_start3A_52 : memref<640x128xf32, #tpu.memory_space<vmem_shared>>) target(%dma_start3A_50 : memref<640x128xf32, #tpu.memory_space<hbm>>) target_semaphore(%run_scoped3A : memref<!tpu.dma_semaphore, #tpu.memory_space<semaphore_mem>>)
      %dma_wait3A = arith.constant 0 : i32
      %dma_wait3A_53 = tpu.memref_slice %arg5[%mul3A_49, %dma_wait3A] : memref<10240x128xf32, #tpu.memory_space<hbm>> -> memref<640x128xf32, #tpu.memory_space<hbm>>
      %dma_wait3A_54 = arith.constant 0 : i32
      %dma_wait3A_55 = tpu.memref_slice %arg10[%mul3A_47, %dma_wait3A_54] : memref<10240x128xf32, #tpu.memory_space<vmem_shared>> -> memref<640x128xf32, #tpu.memory_space<vmem_shared>>
      tpu.wait_dma2 semaphore(%run_scoped3A : memref<!tpu.dma_semaphore, #tpu.memory_space<semaphore_mem>>) src(%dma_wait3A_55 : memref<640x128xf32, #tpu.memory_space<vmem_shared>>) dst(%dma_wait3A_53 : memref<640x128xf32, #tpu.memory_space<hbm>>)
      tpu.yield
    }) : () -> ()
    return
  }
}

#map = affine_map<(d0, d1) -> (0)>
#map1 = affine_map<(d0, d1) -> (0, 0)>
module attributes {stable_mosaic.version = 14 : i64} {
  func.func @k(%arg0: i32, %arg1: i32, %arg2: memref<10240xf32, #tpu.memory_space<hbm>>, %arg3: memref<10240xi32, #tpu.memory_space<hbm>>, %arg4: memref<2x12288xf32, #tpu.memory_space<hbm>>, %arg5: memref<128xi32, #tpu.memory_space<vmem>>, %arg6: memref<128xf32, #tpu.memory_space<vmem>>, %arg7: memref<768xf32, #tpu.memory_space<vmem>>, %arg8: memref<12288xf32, #tpu.memory_space<vmem_shared>>) attributes {dimension_semantics = [#tpu.dimension_semantics<core_parallel>, #tpu.dimension_semantics<subcore_parallel>], iteration_bounds = array<i64: 2, 16>, scalar_prefetch = 0 : i64, scratch_operands = 4 : i64, tpu.core_type = #tpu.core_type<sc_vector_subcore>, window_params = [{transform_indices = #map}, {transform_indices = #map}, {transform_indices = #map1}]} {
    %mul3A = arith.constant 16 : i32
    %mul3A_0 = arith.muli %arg0, %mul3A : i32
    %add3A = arith.addi %mul3A_0, %arg1 : i32
    %broadcast_in_dim3A = arith.constant 0.000000e+00 : f32
    %broadcast_in_dim3A_1 = vector.broadcast %broadcast_in_dim3A : f32 to vector<16xf32>
    %scan3A = arith.constant 0 : i32
    %scan3A_2 = arith.constant 0 : i32
    %scan3A_3 = arith.constant 48 : i32
    %scan3A_4 = arith.addi %scan3A_2, %scan3A_3 : i32
    %scan3A_5 = arith.constant 1 : i32
    %scan3A_6 = scf.for %scan3A_48 = %scan3A_2 to %scan3A_4 step %scan3A_5 iter_args(%scan3A_49 = %scan3A) -> (i32)  : i32 {
      %mul3A_50 = arith.constant 16 : i32
      %mul3A_51 = arith.muli %scan3A_48, %mul3A_50 : i32
      %swap3A = arith.index_cast %mul3A_51 : i32 to index
      %swap3A_52 = tpu.vector_load %arg7[%swap3A] {strides = array<i32>} : memref<768xf32, #tpu.memory_space<vmem>>, vector<16xf32>,
      %swap3A_53 = vector.shape_cast %swap3A_52 : vector<16xf32> to vector<16xf32>
      %swap3A_54 = vector.shape_cast %broadcast_in_dim3A_1 : vector<16xf32> to vector<16xf32>
      tpu.vector_store %arg7[%swap3A], %swap3A_54 {strides = array<i32>} : memref<768xf32, #tpu.memory_space<vmem>>, vector<16xf32>,
      %scan3A_55 = arith.constant 0 : i32
      scf.yield %scan3A_55 : i32
    }
    %scan3A_7 = arith.constant 48 : i32
    %mul3A_8 = arith.constant 768 : i32
    %mul3A_9 = arith.muli %arg1, %mul3A_8 : i32
    "tpu.region"() ({
      %run_scoped3A = tpu.sem_alloc : memref<!tpu.dma_semaphore, #tpu.memory_space<semaphore_mem>>
      %dma_start3A = tpu.memref_slice %arg8[%mul3A_9] : memref<12288xf32, #tpu.memory_space<vmem_shared>> -> memref<768xf32, #tpu.memory_space<vmem_shared>>
      %dma_start3A_48 = tpu.memref_slice %arg8[%mul3A_9] : memref<12288xf32, #tpu.memory_space<vmem_shared>> -> memref<768xf32, #tpu.memory_space<vmem_shared>>
      tpu.enqueue_dma source(%arg7 : memref<768xf32, #tpu.memory_space<vmem>>) target(%dma_start3A_48 : memref<768xf32, #tpu.memory_space<vmem_shared>>) target_semaphore(%run_scoped3A : memref<!tpu.dma_semaphore, #tpu.memory_space<semaphore_mem>>)
      %dma_wait3A = tpu.memref_slice %arg8[%mul3A_9] : memref<12288xf32, #tpu.memory_space<vmem_shared>> -> memref<768xf32, #tpu.memory_space<vmem_shared>>
      %dma_wait3A_49 = tpu.memref_slice %arg8[%mul3A_9] : memref<12288xf32, #tpu.memory_space<vmem_shared>> -> memref<768xf32, #tpu.memory_space<vmem_shared>>
      tpu.wait_dma2 semaphore(%run_scoped3A : memref<!tpu.dma_semaphore, #tpu.memory_space<semaphore_mem>>) src(%arg7 : memref<768xf32, #tpu.memory_space<vmem>>) dst(%dma_wait3A_49 : memref<768xf32, #tpu.memory_space<vmem_shared>>)
      tpu.yield
    }) : () -> ()
    %barrier3A = arith.constant 0 : index
    tpu.barrier barrier_id(%barrier3A)
    %sub3A = arith.constant 80 : i32
    %sub3A_10 = arith.subi %sub3A, %add3A : i32
    %add3A_11 = arith.constant 32 : i32
    %add3A_12 = arith.addi %sub3A_10, %add3A_11 : i32
    %sub3A_13 = arith.constant 1 : i32
    %sub3A_14 = arith.subi %add3A_12, %sub3A_13 : i32
    %jit3A = arith.constant 32 : i32
    %div3A = arith.divsi %sub3A_14, %jit3A : i32
    %sign3A = arith.constant 0 : i32
    %sign3A_15 = arith.cmpi sgt, %sub3A_14, %sign3A : i32
    %sign3A_16 = arith.extui %sign3A_15 : i1 to i32
    %sign3A_17 = arith.constant 0 : i32
    %sign3A_18 = arith.cmpi slt, %sub3A_14, %sign3A_17 : i32
    %sign3A_19 = arith.extui %sign3A_18 : i1 to i32
    %sign3A_20 = arith.subi %sign3A_16, %sign3A_19 : i32
    %sign3A_21 = arith.constant 0 : i32
    %sign3A_22 = arith.cmpi sgt, %jit3A, %sign3A_21 : i32
    %sign3A_23 = arith.extui %sign3A_22 : i1 to i32
    %sign3A_24 = arith.constant 0 : i32
    %sign3A_25 = arith.cmpi slt, %jit3A, %sign3A_24 : i32
    %sign3A_26 = arith.extui %sign3A_25 : i1 to i32
    %sign3A_27 = arith.subi %sign3A_23, %sign3A_26 : i32
    %ne3A = arith.cmpi ne, %sign3A_20, %sign3A_27 : i32
    %rem3A = arith.remsi %sub3A_14, %jit3A : i32
    %ne3A_28 = arith.constant 0 : i32
    %ne3A_29 = arith.cmpi ne, %rem3A, %ne3A_28 : i32
    %and3A = arith.andi %ne3A, %ne3A_29 : i1
    %sub3A_30 = arith.constant 1 : i32
    %sub3A_31 = arith.subi %div3A, %sub3A_30 : i32
    %select_n3A = arith.select %and3A, %sub3A_31, %div3A : i32
    %while3A = arith.constant 0 : i32
    %while3A_32 = arith.constant 0 : i32
    %while3A_33 = arith.subi %select_n3A, %while3A : i32
    %while3A_34 = arith.addi %while3A, %while3A_33 : i32
    %while3A_35 = arith.constant 1 : i32
    %while3A_36 = arith.divsi %while3A_33, %while3A_35 : i32
    %while3A_37 = arith.muli %while3A_36, %while3A_35 : i32
    %while3A_38 = arith.addi %while3A, %while3A_37 : i32
    %while3A_39 = arith.constant 1 : i32
    %while3A_40 = scf.for %while3A_48 = %while3A to %while3A_38 step %while3A_39 iter_args(%while3A_49 = %while3A_32) -> (i32)  : i32 {
      %mul3A_50 = arith.constant 32 : i32
      %mul3A_51 = arith.muli %while3A_48, %mul3A_50 : i32
      %add3A_52 = arith.addi %add3A, %mul3A_51 : i32
      %mul3A_53 = arith.constant 128 : i32
      %mul3A_54 = arith.muli %add3A_52, %mul3A_53 : i32
      "tpu.region"() ({
        %run_scoped3A = tpu.sem_alloc : memref<!tpu.dma_semaphore, #tpu.memory_space<semaphore_mem>>
        %dma_start3A = tpu.memref_slice %arg3[%mul3A_54] : memref<10240xi32, #tpu.memory_space<hbm>> -> memref<128xi32, #tpu.memory_space<hbm>>
        %dma_start3A_56 = tpu.memref_slice %arg3[%mul3A_54] : memref<10240xi32, #tpu.memory_space<hbm>> -> memref<128xi32, #tpu.memory_space<hbm>>
        tpu.enqueue_dma source(%dma_start3A_56 : memref<128xi32, #tpu.memory_space<hbm>>) target(%arg5 : memref<128xi32, #tpu.memory_space<vmem>>) target_semaphore(%run_scoped3A : memref<!tpu.dma_semaphore, #tpu.memory_space<semaphore_mem>>)
        %dma_wait3A = tpu.memref_slice %arg3[%mul3A_54] : memref<10240xi32, #tpu.memory_space<hbm>> -> memref<128xi32, #tpu.memory_space<hbm>>
        %dma_wait3A_57 = tpu.memref_slice %arg3[%mul3A_54] : memref<10240xi32, #tpu.memory_space<hbm>> -> memref<128xi32, #tpu.memory_space<hbm>>
        tpu.wait_dma2 semaphore(%run_scoped3A : memref<!tpu.dma_semaphore, #tpu.memory_space<semaphore_mem>>) src(%dma_wait3A_57 : memref<128xi32, #tpu.memory_space<hbm>>) dst(%arg5 : memref<128xi32, #tpu.memory_space<vmem>>)
        tpu.yield
      }) : () -> ()
      "tpu.region"() ({
        %run_scoped3A = tpu.sem_alloc : memref<!tpu.dma_semaphore, #tpu.memory_space<semaphore_mem>>
        %dma_start3A = tpu.memref_slice %arg2[%mul3A_54] : memref<10240xf32, #tpu.memory_space<hbm>> -> memref<128xf32, #tpu.memory_space<hbm>>
        %dma_start3A_56 = tpu.memref_slice %arg2[%mul3A_54] : memref<10240xf32, #tpu.memory_space<hbm>> -> memref<128xf32, #tpu.memory_space<hbm>>
        tpu.enqueue_dma source(%dma_start3A_56 : memref<128xf32, #tpu.memory_space<hbm>>) target(%arg6 : memref<128xf32, #tpu.memory_space<vmem>>) target_semaphore(%run_scoped3A : memref<!tpu.dma_semaphore, #tpu.memory_space<semaphore_mem>>)
        %dma_wait3A = tpu.memref_slice %arg2[%mul3A_54] : memref<10240xf32, #tpu.memory_space<hbm>> -> memref<128xf32, #tpu.memory_space<hbm>>
        %dma_wait3A_57 = tpu.memref_slice %arg2[%mul3A_54] : memref<10240xf32, #tpu.memory_space<hbm>> -> memref<128xf32, #tpu.memory_space<hbm>>
        tpu.wait_dma2 semaphore(%run_scoped3A : memref<!tpu.dma_semaphore, #tpu.memory_space<semaphore_mem>>) src(%dma_wait3A_57 : memref<128xf32, #tpu.memory_space<hbm>>) dst(%arg6 : memref<128xf32, #tpu.memory_space<vmem>>)
        tpu.yield
      }) : () -> ()
      "tpu.region"() ({
        %run_scoped3A = tpu.sem_alloc : memref<!tpu.dma_semaphore, #tpu.memory_space<semaphore_mem>>
        %dma_start3A = arith.constant 0 : i32
        %dma_start3A_56 = tpu.memref_slice %arg8[%dma_start3A] : memref<12288xf32, #tpu.memory_space<vmem_shared>> -> memref<12288xf32, #tpu.memory_space<vmem_shared>>
        tpu.enqueue_indirect_dma source(%arg6 : memref<128xf32, #tpu.memory_space<vmem>>) target(%dma_start3A_56 : memref<12288xf32, #tpu.memory_space<vmem_shared>>) offsets(%arg5 : memref<128xi32, #tpu.memory_space<vmem>>) semaphore(%run_scoped3A : memref<!tpu.dma_semaphore, #tpu.memory_space<semaphore_mem>>) {add = true}
        %dma_wait3A = arith.constant 0 : i32
        %dma_wait3A_57 = tpu.memref_slice %arg8[%dma_wait3A] : memref<12288xf32, #tpu.memory_space<vmem_shared>> -> memref<12288xf32, #tpu.memory_space<vmem_shared>>
        tpu.wait_indirect_dma semaphore(%run_scoped3A : memref<!tpu.dma_semaphore, #tpu.memory_space<semaphore_mem>>) src(%arg6 : memref<128xf32, #tpu.memory_space<vmem>>) dst(%dma_wait3A_57 : memref<12288xf32, #tpu.memory_space<vmem_shared>>)
        tpu.yield
      }) : () -> ()
      %while3A_55 = arith.constant 0 : i32
      scf.yield %while3A_55 : i32
    }
    %while3A_41 = arith.constant 1 : i32
    %while3A_42 = scf.for %while3A_48 = %while3A_38 to %while3A_34 step %while3A_41 iter_args(%while3A_49 = %while3A_40) -> (i32)  : i32 {
      %mul3A_50 = arith.constant 32 : i32
      %mul3A_51 = arith.muli %while3A_48, %mul3A_50 : i32
      %add3A_52 = arith.addi %add3A, %mul3A_51 : i32
      %mul3A_53 = arith.constant 128 : i32
      %mul3A_54 = arith.muli %add3A_52, %mul3A_53 : i32
      "tpu.region"() ({
        %run_scoped3A = tpu.sem_alloc : memref<!tpu.dma_semaphore, #tpu.memory_space<semaphore_mem>>
        %dma_start3A = tpu.memref_slice %arg3[%mul3A_54] : memref<10240xi32, #tpu.memory_space<hbm>> -> memref<128xi32, #tpu.memory_space<hbm>>
        %dma_start3A_56 = tpu.memref_slice %arg3[%mul3A_54] : memref<10240xi32, #tpu.memory_space<hbm>> -> memref<128xi32, #tpu.memory_space<hbm>>
        tpu.enqueue_dma source(%dma_start3A_56 : memref<128xi32, #tpu.memory_space<hbm>>) target(%arg5 : memref<128xi32, #tpu.memory_space<vmem>>) target_semaphore(%run_scoped3A : memref<!tpu.dma_semaphore, #tpu.memory_space<semaphore_mem>>)
        %dma_wait3A = tpu.memref_slice %arg3[%mul3A_54] : memref<10240xi32, #tpu.memory_space<hbm>> -> memref<128xi32, #tpu.memory_space<hbm>>
        %dma_wait3A_57 = tpu.memref_slice %arg3[%mul3A_54] : memref<10240xi32, #tpu.memory_space<hbm>> -> memref<128xi32, #tpu.memory_space<hbm>>
        tpu.wait_dma2 semaphore(%run_scoped3A : memref<!tpu.dma_semaphore, #tpu.memory_space<semaphore_mem>>) src(%dma_wait3A_57 : memref<128xi32, #tpu.memory_space<hbm>>) dst(%arg5 : memref<128xi32, #tpu.memory_space<vmem>>)
        tpu.yield
      }) : () -> ()
      "tpu.region"() ({
        %run_scoped3A = tpu.sem_alloc : memref<!tpu.dma_semaphore, #tpu.memory_space<semaphore_mem>>
        %dma_start3A = tpu.memref_slice %arg2[%mul3A_54] : memref<10240xf32, #tpu.memory_space<hbm>> -> memref<128xf32, #tpu.memory_space<hbm>>
        %dma_start3A_56 = tpu.memref_slice %arg2[%mul3A_54] : memref<10240xf32, #tpu.memory_space<hbm>> -> memref<128xf32, #tpu.memory_space<hbm>>
        tpu.enqueue_dma source(%dma_start3A_56 : memref<128xf32, #tpu.memory_space<hbm>>) target(%arg6 : memref<128xf32, #tpu.memory_space<vmem>>) target_semaphore(%run_scoped3A : memref<!tpu.dma_semaphore, #tpu.memory_space<semaphore_mem>>)
        %dma_wait3A = tpu.memref_slice %arg2[%mul3A_54] : memref<10240xf32, #tpu.memory_space<hbm>> -> memref<128xf32, #tpu.memory_space<hbm>>
        %dma_wait3A_57 = tpu.memref_slice %arg2[%mul3A_54] : memref<10240xf32, #tpu.memory_space<hbm>> -> memref<128xf32, #tpu.memory_space<hbm>>
        tpu.wait_dma2 semaphore(%run_scoped3A : memref<!tpu.dma_semaphore, #tpu.memory_space<semaphore_mem>>) src(%dma_wait3A_57 : memref<128xf32, #tpu.memory_space<hbm>>) dst(%arg6 : memref<128xf32, #tpu.memory_space<vmem>>)
        tpu.yield
      }) : () -> ()
      "tpu.region"() ({
        %run_scoped3A = tpu.sem_alloc : memref<!tpu.dma_semaphore, #tpu.memory_space<semaphore_mem>>
        %dma_start3A = arith.constant 0 : i32
        %dma_start3A_56 = tpu.memref_slice %arg8[%dma_start3A] : memref<12288xf32, #tpu.memory_space<vmem_shared>> -> memref<12288xf32, #tpu.memory_space<vmem_shared>>
        tpu.enqueue_indirect_dma source(%arg6 : memref<128xf32, #tpu.memory_space<vmem>>) target(%dma_start3A_56 : memref<12288xf32, #tpu.memory_space<vmem_shared>>) offsets(%arg5 : memref<128xi32, #tpu.memory_space<vmem>>) semaphore(%run_scoped3A : memref<!tpu.dma_semaphore, #tpu.memory_space<semaphore_mem>>) {add = true}
        %dma_wait3A = arith.constant 0 : i32
        %dma_wait3A_57 = tpu.memref_slice %arg8[%dma_wait3A] : memref<12288xf32, #tpu.memory_space<vmem_shared>> -> memref<12288xf32, #tpu.memory_space<vmem_shared>>
        tpu.wait_indirect_dma semaphore(%run_scoped3A : memref<!tpu.dma_semaphore, #tpu.memory_space<semaphore_mem>>) src(%arg6 : memref<128xf32, #tpu.memory_space<vmem>>) dst(%dma_wait3A_57 : memref<12288xf32, #tpu.memory_space<vmem_shared>>)
        tpu.yield
      }) : () -> ()
      %while3A_55 = arith.constant 0 : i32
      scf.yield %while3A_55 : i32
    }
    %barrier3A_43 = arith.constant 0 : index
    tpu.barrier barrier_id(%barrier3A_43)
    %mul3A_44 = arith.constant 768 : i32
    %mul3A_45 = arith.muli %arg1, %mul3A_44 : i32
    %mul3A_46 = arith.constant 768 : i32
    %mul3A_47 = arith.muli %arg1, %mul3A_46 : i32
    "tpu.region"() ({
      %run_scoped3A = tpu.sem_alloc : memref<!tpu.dma_semaphore, #tpu.memory_space<semaphore_mem>>
      %dma_start3A = arith.constant 0 : i32
      %dma_start3A_48 = tpu.memref_slice %arg4[%arg0, %dma_start3A] : memref<2x12288xf32, #tpu.memory_space<hbm>> -> memref<1x12288xf32, #tpu.memory_space<hbm>>
      %dma_start3A_49 = tpu.memref_squeeze %dma_start3A_48 : memref<1x12288xf32, #tpu.memory_space<hbm>> -> memref<12288xf32, #tpu.memory_space<hbm>>
      %dma_start3A_50 = tpu.memref_slice %dma_start3A_49[%mul3A_47] : memref<12288xf32, #tpu.memory_space<hbm>> -> memref<768xf32, #tpu.memory_space<hbm>>
      %dma_start3A_51 = tpu.memref_slice %arg8[%mul3A_45] : memref<12288xf32, #tpu.memory_space<vmem_shared>> -> memref<768xf32, #tpu.memory_space<vmem_shared>>
      tpu.enqueue_dma source(%dma_start3A_51 : memref<768xf32, #tpu.memory_space<vmem_shared>>) target(%dma_start3A_50 : memref<768xf32, #tpu.memory_space<hbm>>) target_semaphore(%run_scoped3A : memref<!tpu.dma_semaphore, #tpu.memory_space<semaphore_mem>>)
      %dma_wait3A = arith.constant 0 : i32
      %dma_wait3A_52 = tpu.memref_slice %arg4[%arg0, %dma_wait3A] : memref<2x12288xf32, #tpu.memory_space<hbm>> -> memref<1x12288xf32, #tpu.memory_space<hbm>>
      %dma_wait3A_53 = tpu.memref_squeeze %dma_wait3A_52 : memref<1x12288xf32, #tpu.memory_space<hbm>> -> memref<12288xf32, #tpu.memory_space<hbm>>
      %dma_wait3A_54 = tpu.memref_slice %dma_wait3A_53[%mul3A_47] : memref<12288xf32, #tpu.memory_space<hbm>> -> memref<768xf32, #tpu.memory_space<hbm>>
      %dma_wait3A_55 = tpu.memref_slice %arg8[%mul3A_45] : memref<12288xf32, #tpu.memory_space<vmem_shared>> -> memref<768xf32, #tpu.memory_space<vmem_shared>>
      tpu.wait_dma2 semaphore(%run_scoped3A : memref<!tpu.dma_semaphore, #tpu.memory_space<semaphore_mem>>) src(%dma_wait3A_55 : memref<768xf32, #tpu.memory_space<vmem_shared>>) dst(%dma_wait3A_54 : memref<768xf32, #tpu.memory_space<hbm>>)
      tpu.yield
    }) : () -> ()
    return
  }
}

#map = affine_map<(d0, d1) -> (0)>
#map1 = affine_map<(d0, d1) -> (0, 0)>
module attributes {stable_mosaic.version = 14 : i64} {
  func.func @k(%arg0: i32, %arg1: i32, %arg2: memref<320000xf32, #tpu.memory_space<hbm>>, %arg3: memref<320000xi32, #tpu.memory_space<hbm>>, %arg4: memref<2x12288xf32, #tpu.memory_space<hbm>>, %arg5: memref<128xi32, #tpu.memory_space<vmem>>, %arg6: memref<128xf32, #tpu.memory_space<vmem>>, %arg7: memref<768xf32, #tpu.memory_space<vmem>>, %arg8: memref<12288xf32, #tpu.memory_space<vmem_shared>>) attributes {dimension_semantics = [#tpu.dimension_semantics<core_parallel>, #tpu.dimension_semantics<subcore_parallel>], iteration_bounds = array<i64: 2, 16>, scalar_prefetch = 0 : i64, scratch_operands = 4 : i64, tpu.core_type = #tpu.core_type<sc_vector_subcore>, window_params = [{transform_indices = #map}, {transform_indices = #map}, {transform_indices = #map1}]} {
    %mul3A = arith.constant 16 : i32
    %mul3A_0 = arith.muli %arg0, %mul3A : i32
    %add3A = arith.addi %mul3A_0, %arg1 : i32
    %broadcast_in_dim3A = arith.constant 0.000000e+00 : f32
    %broadcast_in_dim3A_1 = vector.broadcast %broadcast_in_dim3A : f32 to vector<16xf32>
    %scan3A = arith.constant 0 : i32
    %scan3A_2 = arith.constant 0 : i32
    %scan3A_3 = arith.constant 48 : i32
    %scan3A_4 = arith.addi %scan3A_2, %scan3A_3 : i32
    %scan3A_5 = arith.constant 1 : i32
    %scan3A_6 = scf.for %scan3A_48 = %scan3A_2 to %scan3A_4 step %scan3A_5 iter_args(%scan3A_49 = %scan3A) -> (i32)  : i32 {
      %mul3A_50 = arith.constant 16 : i32
      %mul3A_51 = arith.muli %scan3A_48, %mul3A_50 : i32
      %swap3A = arith.index_cast %mul3A_51 : i32 to index
      %swap3A_52 = tpu.vector_load %arg7[%swap3A] {strides = array<i32>} : memref<768xf32, #tpu.memory_space<vmem>>, vector<16xf32>,
      %swap3A_53 = vector.shape_cast %swap3A_52 : vector<16xf32> to vector<16xf32>
      %swap3A_54 = vector.shape_cast %broadcast_in_dim3A_1 : vector<16xf32> to vector<16xf32>
      tpu.vector_store %arg7[%swap3A], %swap3A_54 {strides = array<i32>} : memref<768xf32, #tpu.memory_space<vmem>>, vector<16xf32>,
      %scan3A_55 = arith.constant 0 : i32
      scf.yield %scan3A_55 : i32
    }
    %scan3A_7 = arith.constant 48 : i32
    %mul3A_8 = arith.constant 768 : i32
    %mul3A_9 = arith.muli %arg1, %mul3A_8 : i32
    "tpu.region"() ({
      %run_scoped3A = tpu.sem_alloc : memref<!tpu.dma_semaphore, #tpu.memory_space<semaphore_mem>>
      %dma_start3A = tpu.memref_slice %arg8[%mul3A_9] : memref<12288xf32, #tpu.memory_space<vmem_shared>> -> memref<768xf32, #tpu.memory_space<vmem_shared>>
      %dma_start3A_48 = tpu.memref_slice %arg8[%mul3A_9] : memref<12288xf32, #tpu.memory_space<vmem_shared>> -> memref<768xf32, #tpu.memory_space<vmem_shared>>
      tpu.enqueue_dma source(%arg7 : memref<768xf32, #tpu.memory_space<vmem>>) target(%dma_start3A_48 : memref<768xf32, #tpu.memory_space<vmem_shared>>) target_semaphore(%run_scoped3A : memref<!tpu.dma_semaphore, #tpu.memory_space<semaphore_mem>>)
      %dma_wait3A = tpu.memref_slice %arg8[%mul3A_9] : memref<12288xf32, #tpu.memory_space<vmem_shared>> -> memref<768xf32, #tpu.memory_space<vmem_shared>>
      %dma_wait3A_49 = tpu.memref_slice %arg8[%mul3A_9] : memref<12288xf32, #tpu.memory_space<vmem_shared>> -> memref<768xf32, #tpu.memory_space<vmem_shared>>
      tpu.wait_dma2 semaphore(%run_scoped3A : memref<!tpu.dma_semaphore, #tpu.memory_space<semaphore_mem>>) src(%arg7 : memref<768xf32, #tpu.memory_space<vmem>>) dst(%dma_wait3A_49 : memref<768xf32, #tpu.memory_space<vmem_shared>>)
      tpu.yield
    }) : () -> ()
    %barrier3A = arith.constant 0 : index
    tpu.barrier barrier_id(%barrier3A)
    %sub3A = arith.constant 2500 : i32
    %sub3A_10 = arith.subi %sub3A, %add3A : i32
    %add3A_11 = arith.constant 32 : i32
    %add3A_12 = arith.addi %sub3A_10, %add3A_11 : i32
    %sub3A_13 = arith.constant 1 : i32
    %sub3A_14 = arith.subi %add3A_12, %sub3A_13 : i32
    %jit3A = arith.constant 32 : i32
    %div3A = arith.divsi %sub3A_14, %jit3A : i32
    %sign3A = arith.constant 0 : i32
    %sign3A_15 = arith.cmpi sgt, %sub3A_14, %sign3A : i32
    %sign3A_16 = arith.extui %sign3A_15 : i1 to i32
    %sign3A_17 = arith.constant 0 : i32
    %sign3A_18 = arith.cmpi slt, %sub3A_14, %sign3A_17 : i32
    %sign3A_19 = arith.extui %sign3A_18 : i1 to i32
    %sign3A_20 = arith.subi %sign3A_16, %sign3A_19 : i32
    %sign3A_21 = arith.constant 0 : i32
    %sign3A_22 = arith.cmpi sgt, %jit3A, %sign3A_21 : i32
    %sign3A_23 = arith.extui %sign3A_22 : i1 to i32
    %sign3A_24 = arith.constant 0 : i32
    %sign3A_25 = arith.cmpi slt, %jit3A, %sign3A_24 : i32
    %sign3A_26 = arith.extui %sign3A_25 : i1 to i32
    %sign3A_27 = arith.subi %sign3A_23, %sign3A_26 : i32
    %ne3A = arith.cmpi ne, %sign3A_20, %sign3A_27 : i32
    %rem3A = arith.remsi %sub3A_14, %jit3A : i32
    %ne3A_28 = arith.constant 0 : i32
    %ne3A_29 = arith.cmpi ne, %rem3A, %ne3A_28 : i32
    %and3A = arith.andi %ne3A, %ne3A_29 : i1
    %sub3A_30 = arith.constant 1 : i32
    %sub3A_31 = arith.subi %div3A, %sub3A_30 : i32
    %select_n3A = arith.select %and3A, %sub3A_31, %div3A : i32
    %while3A = arith.constant 0 : i32
    %while3A_32 = arith.constant 0 : i32
    %while3A_33 = arith.subi %select_n3A, %while3A : i32
    %while3A_34 = arith.addi %while3A, %while3A_33 : i32
    %while3A_35 = arith.constant 1 : i32
    %while3A_36 = arith.divsi %while3A_33, %while3A_35 : i32
    %while3A_37 = arith.muli %while3A_36, %while3A_35 : i32
    %while3A_38 = arith.addi %while3A, %while3A_37 : i32
    %while3A_39 = arith.constant 1 : i32
    %while3A_40 = scf.for %while3A_48 = %while3A to %while3A_38 step %while3A_39 iter_args(%while3A_49 = %while3A_32) -> (i32)  : i32 {
      %mul3A_50 = arith.constant 32 : i32
      %mul3A_51 = arith.muli %while3A_48, %mul3A_50 : i32
      %add3A_52 = arith.addi %add3A, %mul3A_51 : i32
      %mul3A_53 = arith.constant 128 : i32
      %mul3A_54 = arith.muli %add3A_52, %mul3A_53 : i32
      "tpu.region"() ({
        %run_scoped3A = tpu.sem_alloc : memref<!tpu.dma_semaphore, #tpu.memory_space<semaphore_mem>>
        %dma_start3A = tpu.memref_slice %arg3[%mul3A_54] : memref<320000xi32, #tpu.memory_space<hbm>> -> memref<128xi32, #tpu.memory_space<hbm>>
        %dma_start3A_56 = tpu.memref_slice %arg3[%mul3A_54] : memref<320000xi32, #tpu.memory_space<hbm>> -> memref<128xi32, #tpu.memory_space<hbm>>
        tpu.enqueue_dma source(%dma_start3A_56 : memref<128xi32, #tpu.memory_space<hbm>>) target(%arg5 : memref<128xi32, #tpu.memory_space<vmem>>) target_semaphore(%run_scoped3A : memref<!tpu.dma_semaphore, #tpu.memory_space<semaphore_mem>>)
        %dma_wait3A = tpu.memref_slice %arg3[%mul3A_54] : memref<320000xi32, #tpu.memory_space<hbm>> -> memref<128xi32, #tpu.memory_space<hbm>>
        %dma_wait3A_57 = tpu.memref_slice %arg3[%mul3A_54] : memref<320000xi32, #tpu.memory_space<hbm>> -> memref<128xi32, #tpu.memory_space<hbm>>
        tpu.wait_dma2 semaphore(%run_scoped3A : memref<!tpu.dma_semaphore, #tpu.memory_space<semaphore_mem>>) src(%dma_wait3A_57 : memref<128xi32, #tpu.memory_space<hbm>>) dst(%arg5 : memref<128xi32, #tpu.memory_space<vmem>>)
        tpu.yield
      }) : () -> ()
      "tpu.region"() ({
        %run_scoped3A = tpu.sem_alloc : memref<!tpu.dma_semaphore, #tpu.memory_space<semaphore_mem>>
        %dma_start3A = tpu.memref_slice %arg2[%mul3A_54] : memref<320000xf32, #tpu.memory_space<hbm>> -> memref<128xf32, #tpu.memory_space<hbm>>
        %dma_start3A_56 = tpu.memref_slice %arg2[%mul3A_54] : memref<320000xf32, #tpu.memory_space<hbm>> -> memref<128xf32, #tpu.memory_space<hbm>>
        tpu.enqueue_dma source(%dma_start3A_56 : memref<128xf32, #tpu.memory_space<hbm>>) target(%arg6 : memref<128xf32, #tpu.memory_space<vmem>>) target_semaphore(%run_scoped3A : memref<!tpu.dma_semaphore, #tpu.memory_space<semaphore_mem>>)
        %dma_wait3A = tpu.memref_slice %arg2[%mul3A_54] : memref<320000xf32, #tpu.memory_space<hbm>> -> memref<128xf32, #tpu.memory_space<hbm>>
        %dma_wait3A_57 = tpu.memref_slice %arg2[%mul3A_54] : memref<320000xf32, #tpu.memory_space<hbm>> -> memref<128xf32, #tpu.memory_space<hbm>>
        tpu.wait_dma2 semaphore(%run_scoped3A : memref<!tpu.dma_semaphore, #tpu.memory_space<semaphore_mem>>) src(%dma_wait3A_57 : memref<128xf32, #tpu.memory_space<hbm>>) dst(%arg6 : memref<128xf32, #tpu.memory_space<vmem>>)
        tpu.yield
      }) : () -> ()
      "tpu.region"() ({
        %run_scoped3A = tpu.sem_alloc : memref<!tpu.dma_semaphore, #tpu.memory_space<semaphore_mem>>
        %dma_start3A = arith.constant 0 : i32
        %dma_start3A_56 = tpu.memref_slice %arg8[%dma_start3A] : memref<12288xf32, #tpu.memory_space<vmem_shared>> -> memref<12288xf32, #tpu.memory_space<vmem_shared>>
        tpu.enqueue_indirect_dma source(%arg6 : memref<128xf32, #tpu.memory_space<vmem>>) target(%dma_start3A_56 : memref<12288xf32, #tpu.memory_space<vmem_shared>>) offsets(%arg5 : memref<128xi32, #tpu.memory_space<vmem>>) semaphore(%run_scoped3A : memref<!tpu.dma_semaphore, #tpu.memory_space<semaphore_mem>>) {add = true}
        %dma_wait3A = arith.constant 0 : i32
        %dma_wait3A_57 = tpu.memref_slice %arg8[%dma_wait3A] : memref<12288xf32, #tpu.memory_space<vmem_shared>> -> memref<12288xf32, #tpu.memory_space<vmem_shared>>
        tpu.wait_indirect_dma semaphore(%run_scoped3A : memref<!tpu.dma_semaphore, #tpu.memory_space<semaphore_mem>>) src(%arg6 : memref<128xf32, #tpu.memory_space<vmem>>) dst(%dma_wait3A_57 : memref<12288xf32, #tpu.memory_space<vmem_shared>>)
        tpu.yield
      }) : () -> ()
      %while3A_55 = arith.constant 0 : i32
      scf.yield %while3A_55 : i32
    }
    %while3A_41 = arith.constant 1 : i32
    %while3A_42 = scf.for %while3A_48 = %while3A_38 to %while3A_34 step %while3A_41 iter_args(%while3A_49 = %while3A_40) -> (i32)  : i32 {
      %mul3A_50 = arith.constant 32 : i32
      %mul3A_51 = arith.muli %while3A_48, %mul3A_50 : i32
      %add3A_52 = arith.addi %add3A, %mul3A_51 : i32
      %mul3A_53 = arith.constant 128 : i32
      %mul3A_54 = arith.muli %add3A_52, %mul3A_53 : i32
      "tpu.region"() ({
        %run_scoped3A = tpu.sem_alloc : memref<!tpu.dma_semaphore, #tpu.memory_space<semaphore_mem>>
        %dma_start3A = tpu.memref_slice %arg3[%mul3A_54] : memref<320000xi32, #tpu.memory_space<hbm>> -> memref<128xi32, #tpu.memory_space<hbm>>
        %dma_start3A_56 = tpu.memref_slice %arg3[%mul3A_54] : memref<320000xi32, #tpu.memory_space<hbm>> -> memref<128xi32, #tpu.memory_space<hbm>>
        tpu.enqueue_dma source(%dma_start3A_56 : memref<128xi32, #tpu.memory_space<hbm>>) target(%arg5 : memref<128xi32, #tpu.memory_space<vmem>>) target_semaphore(%run_scoped3A : memref<!tpu.dma_semaphore, #tpu.memory_space<semaphore_mem>>)
        %dma_wait3A = tpu.memref_slice %arg3[%mul3A_54] : memref<320000xi32, #tpu.memory_space<hbm>> -> memref<128xi32, #tpu.memory_space<hbm>>
        %dma_wait3A_57 = tpu.memref_slice %arg3[%mul3A_54] : memref<320000xi32, #tpu.memory_space<hbm>> -> memref<128xi32, #tpu.memory_space<hbm>>
        tpu.wait_dma2 semaphore(%run_scoped3A : memref<!tpu.dma_semaphore, #tpu.memory_space<semaphore_mem>>) src(%dma_wait3A_57 : memref<128xi32, #tpu.memory_space<hbm>>) dst(%arg5 : memref<128xi32, #tpu.memory_space<vmem>>)
        tpu.yield
      }) : () -> ()
      "tpu.region"() ({
        %run_scoped3A = tpu.sem_alloc : memref<!tpu.dma_semaphore, #tpu.memory_space<semaphore_mem>>
        %dma_start3A = tpu.memref_slice %arg2[%mul3A_54] : memref<320000xf32, #tpu.memory_space<hbm>> -> memref<128xf32, #tpu.memory_space<hbm>>
        %dma_start3A_56 = tpu.memref_slice %arg2[%mul3A_54] : memref<320000xf32, #tpu.memory_space<hbm>> -> memref<128xf32, #tpu.memory_space<hbm>>
        tpu.enqueue_dma source(%dma_start3A_56 : memref<128xf32, #tpu.memory_space<hbm>>) target(%arg6 : memref<128xf32, #tpu.memory_space<vmem>>) target_semaphore(%run_scoped3A : memref<!tpu.dma_semaphore, #tpu.memory_space<semaphore_mem>>)
        %dma_wait3A = tpu.memref_slice %arg2[%mul3A_54] : memref<320000xf32, #tpu.memory_space<hbm>> -> memref<128xf32, #tpu.memory_space<hbm>>
        %dma_wait3A_57 = tpu.memref_slice %arg2[%mul3A_54] : memref<320000xf32, #tpu.memory_space<hbm>> -> memref<128xf32, #tpu.memory_space<hbm>>
        tpu.wait_dma2 semaphore(%run_scoped3A : memref<!tpu.dma_semaphore, #tpu.memory_space<semaphore_mem>>) src(%dma_wait3A_57 : memref<128xf32, #tpu.memory_space<hbm>>) dst(%arg6 : memref<128xf32, #tpu.memory_space<vmem>>)
        tpu.yield
      }) : () -> ()
      "tpu.region"() ({
        %run_scoped3A = tpu.sem_alloc : memref<!tpu.dma_semaphore, #tpu.memory_space<semaphore_mem>>
        %dma_start3A = arith.constant 0 : i32
        %dma_start3A_56 = tpu.memref_slice %arg8[%dma_start3A] : memref<12288xf32, #tpu.memory_space<vmem_shared>> -> memref<12288xf32, #tpu.memory_space<vmem_shared>>
        tpu.enqueue_indirect_dma source(%arg6 : memref<128xf32, #tpu.memory_space<vmem>>) target(%dma_start3A_56 : memref<12288xf32, #tpu.memory_space<vmem_shared>>) offsets(%arg5 : memref<128xi32, #tpu.memory_space<vmem>>) semaphore(%run_scoped3A : memref<!tpu.dma_semaphore, #tpu.memory_space<semaphore_mem>>) {add = true}
        %dma_wait3A = arith.constant 0 : i32
        %dma_wait3A_57 = tpu.memref_slice %arg8[%dma_wait3A] : memref<12288xf32, #tpu.memory_space<vmem_shared>> -> memref<12288xf32, #tpu.memory_space<vmem_shared>>
        tpu.wait_indirect_dma semaphore(%run_scoped3A : memref<!tpu.dma_semaphore, #tpu.memory_space<semaphore_mem>>) src(%arg6 : memref<128xf32, #tpu.memory_space<vmem>>) dst(%dma_wait3A_57 : memref<12288xf32, #tpu.memory_space<vmem_shared>>)
        tpu.yield
      }) : () -> ()
      %while3A_55 = arith.constant 0 : i32
      scf.yield %while3A_55 : i32
    }
    %barrier3A_43 = arith.constant 0 : index
    tpu.barrier barrier_id(%barrier3A_43)
    %mul3A_44 = arith.constant 768 : i32
    %mul3A_45 = arith.muli %arg1, %mul3A_44 : i32
    %mul3A_46 = arith.constant 768 : i32
    %mul3A_47 = arith.muli %arg1, %mul3A_46 : i32
    "tpu.region"() ({
      %run_scoped3A = tpu.sem_alloc : memref<!tpu.dma_semaphore, #tpu.memory_space<semaphore_mem>>
      %dma_start3A = arith.constant 0 : i32
      %dma_start3A_48 = tpu.memref_slice %arg4[%arg0, %dma_start3A] : memref<2x12288xf32, #tpu.memory_space<hbm>> -> memref<1x12288xf32, #tpu.memory_space<hbm>>
      %dma_start3A_49 = tpu.memref_squeeze %dma_start3A_48 : memref<1x12288xf32, #tpu.memory_space<hbm>> -> memref<12288xf32, #tpu.memory_space<hbm>>
      %dma_start3A_50 = tpu.memref_slice %dma_start3A_49[%mul3A_47] : memref<12288xf32, #tpu.memory_space<hbm>> -> memref<768xf32, #tpu.memory_space<hbm>>
      %dma_start3A_51 = tpu.memref_slice %arg8[%mul3A_45] : memref<12288xf32, #tpu.memory_space<vmem_shared>> -> memref<768xf32, #tpu.memory_space<vmem_shared>>
      tpu.enqueue_dma source(%dma_start3A_51 : memref<768xf32, #tpu.memory_space<vmem_shared>>) target(%dma_start3A_50 : memref<768xf32, #tpu.memory_space<hbm>>) target_semaphore(%run_scoped3A : memref<!tpu.dma_semaphore, #tpu.memory_space<semaphore_mem>>)
      %dma_wait3A = arith.constant 0 : i32
      %dma_wait3A_52 = tpu.memref_slice %arg4[%arg0, %dma_wait3A] : memref<2x12288xf32, #tpu.memory_space<hbm>> -> memref<1x12288xf32, #tpu.memory_space<hbm>>
      %dma_wait3A_53 = tpu.memref_squeeze %dma_wait3A_52 : memref<1x12288xf32, #tpu.memory_space<hbm>> -> memref<12288xf32, #tpu.memory_space<hbm>>
      %dma_wait3A_54 = tpu.memref_slice %dma_wait3A_53[%mul3A_47] : memref<12288xf32, #tpu.memory_space<hbm>> -> memref<768xf32, #tpu.memory_space<hbm>>
      %dma_wait3A_55 = tpu.memref_slice %arg8[%mul3A_45] : memref<12288xf32, #tpu.memory_space<vmem_shared>> -> memref<768xf32, #tpu.memory_space<vmem_shared>>
      tpu.wait_dma2 semaphore(%run_scoped3A : memref<!tpu.dma_semaphore, #tpu.memory_space<semaphore_mem>>) src(%dma_wait3A_55 : memref<768xf32, #tpu.memory_space<vmem_shared>>) dst(%dma_wait3A_54 : memref<768xf32, #tpu.memory_space<hbm>>)
      tpu.yield
    }) : () -> ()
    return
  }
}

#map = affine_map<(d0, d1) -> (0, 0)>
#map1 = affine_map<(d0, d1) -> (0)>
module attributes {stable_mosaic.version = 14 : i64} {
  func.func @k(%arg0: i32, %arg1: i32, %arg2: memref<10000x128xf32, #tpu.memory_space<hbm>>, %arg3: memref<10240xi32, #tpu.memory_space<hbm>>, %arg4: memref<10240xi32, #tpu.memory_space<hbm>>, %arg5: memref<10240x128xf32, #tpu.memory_space<hbm>>, %arg6: memref<128xi32, #tpu.memory_space<vmem>>, %arg7: memref<128xi32, #tpu.memory_space<vmem>>, %arg8: memref<128x128xf32, #tpu.memory_space<vmem>>, %arg9: memref<64x128xf32, #tpu.memory_space<vmem>>, %arg10: memref<10240x128xf32, #tpu.memory_space<vmem_shared>>) attributes {dimension_semantics = [#tpu.dimension_semantics<core_parallel>, #tpu.dimension_semantics<subcore_parallel>], iteration_bounds = array<i64: 1, 16>, scalar_prefetch = 0 : i64, scratch_operands = 5 : i64, tpu.core_type = #tpu.core_type<sc_vector_subcore>, window_params = [{transform_indices = #map}, {transform_indices = #map1}, {transform_indices = #map1}, {transform_indices = #map}]} {
    %broadcast_in_dim3A = arith.constant 0.000000e+00 : f32
    %broadcast_in_dim3A_0 = vector.broadcast %broadcast_in_dim3A : f32 to vector<16xf32>
    %scan3A = arith.constant 0 : i32
    %scan3A_1 = arith.constant 0 : i32
    %scan3A_2 = arith.constant 512 : i32
    %scan3A_3 = arith.addi %scan3A_1, %scan3A_2 : i32
    %scan3A_4 = arith.constant 1 : i32
    %scan3A_5 = scf.for %scan3A_50 = %scan3A_1 to %scan3A_3 step %scan3A_4 iter_args(%scan3A_51 = %scan3A) -> (i32)  : i32 {
      %jit3A_52 = arith.constant 8 : i32
      %div3A_53 = arith.divsi %scan3A_50, %jit3A_52 : i32
      %sign3A_54 = arith.constant 0 : i32
      %sign3A_55 = arith.cmpi sgt, %scan3A_50, %sign3A_54 : i32
      %sign3A_56 = arith.extui %sign3A_55 : i1 to i32
      %sign3A_57 = arith.constant 0 : i32
      %sign3A_58 = arith.cmpi slt, %scan3A_50, %sign3A_57 : i32
      %sign3A_59 = arith.extui %sign3A_58 : i1 to i32
      %sign3A_60 = arith.subi %sign3A_56, %sign3A_59 : i32
      %sign3A_61 = arith.constant 0 : i32
      %sign3A_62 = arith.cmpi sgt, %jit3A_52, %sign3A_61 : i32
      %sign3A_63 = arith.extui %sign3A_62 : i1 to i32
      %sign3A_64 = arith.constant 0 : i32
      %sign3A_65 = arith.cmpi slt, %jit3A_52, %sign3A_64 : i32
      %sign3A_66 = arith.extui %sign3A_65 : i1 to i32
      %sign3A_67 = arith.subi %sign3A_63, %sign3A_66 : i32
      %ne3A_68 = arith.cmpi ne, %sign3A_60, %sign3A_67 : i32
      %rem3A_69 = arith.remsi %scan3A_50, %jit3A_52 : i32
      %ne3A_70 = arith.constant 0 : i32
      %ne3A_71 = arith.cmpi ne, %rem3A_69, %ne3A_70 : i32
      %and3A_72 = arith.andi %ne3A_68, %ne3A_71 : i1
      %sub3A_73 = arith.constant 1 : i32
      %sub3A_74 = arith.subi %div3A_53, %sub3A_73 : i32
      %select_n3A_75 = arith.select %and3A_72, %sub3A_74, %div3A_53 : i32
      %jit3A_76 = arith.constant 8 : i32
      %eq3A = arith.constant 0 : i32
      %eq3A_77 = arith.cmpi eq, %jit3A_76, %eq3A : i32
      %jit3A_78 = arith.constant 1 : i32
      %select_n3A_79 = arith.select %eq3A_77, %jit3A_78, %jit3A_76 : i32
      %rem3A_80 = arith.remsi %scan3A_50, %select_n3A_79 : i32
      %ne3A_81 = arith.constant 0 : i32
      %ne3A_82 = arith.cmpi ne, %rem3A_80, %ne3A_81 : i32
      %lt3A = arith.constant 0 : i32
      %lt3A_83 = arith.cmpi slt, %rem3A_80, %lt3A : i32
      %lt3A_84 = arith.constant 0 : i32
      %lt3A_85 = arith.cmpi slt, %select_n3A_79, %lt3A_84 : i32
      %ne3A_86 = arith.xori %lt3A_83, %lt3A_85 : i1
      %and3A_87 = arith.andi %ne3A_86, %ne3A_82 : i1
      %add3A_88 = arith.addi %rem3A_80, %select_n3A_79 : i32
      %select_n3A_89 = arith.select %and3A_87, %add3A_88, %rem3A_80 : i32
      %mul3A_90 = arith.constant 16 : i32
      %mul3A_91 = arith.muli %select_n3A_89, %mul3A_90 : i32
      %swap3A = arith.index_cast %select_n3A_75 : i32 to index
      %swap3A_92 = arith.index_cast %mul3A_91 : i32 to index
      %swap3A_93 = tpu.vector_load %arg9[%swap3A, %swap3A_92] {strides = array<i32>} : memref<64x128xf32, #tpu.memory_space<vmem>>, vector<1x16xf32>,
      %swap3A_94 = vector.shape_cast %swap3A_93 : vector<1x16xf32> to vector<16xf32>
      %swap3A_95 = vector.shape_cast %broadcast_in_dim3A_0 : vector<16xf32> to vector<1x16xf32>
      tpu.vector_store %arg9[%swap3A, %swap3A_92], %swap3A_95 {strides = array<i32>} : memref<64x128xf32, #tpu.memory_space<vmem>>, vector<1x16xf32>,
      %scan3A_96 = arith.constant 0 : i32
      scf.yield %scan3A_96 : i32
    }
    %scan3A_6 = arith.constant 512 : i32
    %scan3A_7 = arith.constant 0 : i32
    %scan3A_8 = arith.constant 0 : i32
    %scan3A_9 = arith.constant 10 : i32
    %scan3A_10 = arith.addi %scan3A_8, %scan3A_9 : i32
    %scan3A_11 = arith.constant 1 : i32
    %scan3A_12 = scf.for %scan3A_50 = %scan3A_8 to %scan3A_10 step %scan3A_11 iter_args(%scan3A_51 = %scan3A_7) -> (i32)  : i32 {
      %mul3A_52 = arith.constant 640 : i32
      %mul3A_53 = arith.muli %arg1, %mul3A_52 : i32
      %mul3A_54 = arith.constant 64 : i32
      %mul3A_55 = arith.muli %scan3A_50, %mul3A_54 : i32
      %add3A_56 = arith.addi %mul3A_53, %mul3A_55 : i32
      "tpu.region"() ({
        %run_scoped3A = tpu.sem_alloc : memref<!tpu.dma_semaphore, #tpu.memory_space<semaphore_mem>>
        %dma_start3A = arith.constant 0 : i32
        %dma_start3A_58 = arith.constant 0 : i32
        %dma_start3A_59 = tpu.memref_slice %arg9[%dma_start3A, %dma_start3A_58] : memref<64x128xf32, #tpu.memory_space<vmem>> -> memref<64x128xf32, #tpu.memory_space<vmem>>
        %dma_start3A_60 = arith.constant 0 : i32
        %dma_start3A_61 = tpu.memref_slice %arg10[%add3A_56, %dma_start3A_60] : memref<10240x128xf32, #tpu.memory_space<vmem_shared>> -> memref<64x128xf32, #tpu.memory_space<vmem_shared>>
        %dma_start3A_62 = arith.constant 0 : i32
        %dma_start3A_63 = tpu.memref_slice %arg10[%add3A_56, %dma_start3A_62] : memref<10240x128xf32, #tpu.memory_space<vmem_shared>> -> memref<64x128xf32, #tpu.memory_space<vmem_shared>>
        %dma_start3A_64 = arith.constant 0 : i32
        %dma_start3A_65 = arith.constant 0 : i32
        %dma_start3A_66 = tpu.memref_slice %arg9[%dma_start3A_64, %dma_start3A_65] : memref<64x128xf32, #tpu.memory_space<vmem>> -> memref<64x128xf32, #tpu.memory_space<vmem>>
        tpu.enqueue_dma source(%dma_start3A_66 : memref<64x128xf32, #tpu.memory_space<vmem>>) target(%dma_start3A_63 : memref<64x128xf32, #tpu.memory_space<vmem_shared>>) target_semaphore(%run_scoped3A : memref<!tpu.dma_semaphore, #tpu.memory_space<semaphore_mem>>)
        %dma_wait3A = arith.constant 0 : i32
        %dma_wait3A_67 = arith.constant 0 : i32
        %dma_wait3A_68 = tpu.memref_slice %arg9[%dma_wait3A, %dma_wait3A_67] : memref<64x128xf32, #tpu.memory_space<vmem>> -> memref<64x128xf32, #tpu.memory_space<vmem>>
        %dma_wait3A_69 = arith.constant 0 : i32
        %dma_wait3A_70 = tpu.memref_slice %arg10[%add3A_56, %dma_wait3A_69] : memref<10240x128xf32, #tpu.memory_space<vmem_shared>> -> memref<64x128xf32, #tpu.memory_space<vmem_shared>>
        %dma_wait3A_71 = arith.constant 0 : i32
        %dma_wait3A_72 = tpu.memref_slice %arg10[%add3A_56, %dma_wait3A_71] : memref<10240x128xf32, #tpu.memory_space<vmem_shared>> -> memref<64x128xf32, #tpu.memory_space<vmem_shared>>
        %dma_wait3A_73 = arith.constant 0 : i32
        %dma_wait3A_74 = arith.constant 0 : i32
        %dma_wait3A_75 = tpu.memref_slice %arg9[%dma_wait3A_73, %dma_wait3A_74] : memref<64x128xf32, #tpu.memory_space<vmem>> -> memref<64x128xf32, #tpu.memory_space<vmem>>
        tpu.wait_dma2 semaphore(%run_scoped3A : memref<!tpu.dma_semaphore, #tpu.memory_space<semaphore_mem>>) src(%dma_wait3A_75 : memref<64x128xf32, #tpu.memory_space<vmem>>) dst(%dma_wait3A_72 : memref<64x128xf32, #tpu.memory_space<vmem_shared>>)
        tpu.yield
      }) : () -> ()
      %scan3A_57 = arith.constant 0 : i32
      scf.yield %scan3A_57 : i32
    }
    %scan3A_13 = arith.constant 10 : i32
    %barrier3A = arith.constant 0 : index
    tpu.barrier barrier_id(%barrier3A)
    %sub3A = arith.constant 80 : i32
    %sub3A_14 = arith.subi %sub3A, %arg1 : i32
    %add3A = arith.constant 16 : i32
    %add3A_15 = arith.addi %sub3A_14, %add3A : i32
    %sub3A_16 = arith.constant 1 : i32
    %sub3A_17 = arith.subi %add3A_15, %sub3A_16 : i32
    %jit3A = arith.constant 16 : i32
    %div3A = arith.divsi %sub3A_17, %jit3A : i32
    %sign3A = arith.constant 0 : i32
    %sign3A_18 = arith.cmpi sgt, %sub3A_17, %sign3A : i32
    %sign3A_19 = arith.extui %sign3A_18 : i1 to i32
    %sign3A_20 = arith.constant 0 : i32
    %sign3A_21 = arith.cmpi slt, %sub3A_17, %sign3A_20 : i32
    %sign3A_22 = arith.extui %sign3A_21 : i1 to i32
    %sign3A_23 = arith.subi %sign3A_19, %sign3A_22 : i32
    %sign3A_24 = arith.constant 0 : i32
    %sign3A_25 = arith.cmpi sgt, %jit3A, %sign3A_24 : i32
    %sign3A_26 = arith.extui %sign3A_25 : i1 to i32
    %sign3A_27 = arith.constant 0 : i32
    %sign3A_28 = arith.cmpi slt, %jit3A, %sign3A_27 : i32
    %sign3A_29 = arith.extui %sign3A_28 : i1 to i32
    %sign3A_30 = arith.subi %sign3A_26, %sign3A_29 : i32
    %ne3A = arith.cmpi ne, %sign3A_23, %sign3A_30 : i32
    %rem3A = arith.remsi %sub3A_17, %jit3A : i32
    %ne3A_31 = arith.constant 0 : i32
    %ne3A_32 = arith.cmpi ne, %rem3A, %ne3A_31 : i32
    %and3A = arith.andi %ne3A, %ne3A_32 : i1
    %sub3A_33 = arith.constant 1 : i32
    %sub3A_34 = arith.subi %div3A, %sub3A_33 : i32
    %select_n3A = arith.select %and3A, %sub3A_34, %div3A : i32
    %while3A = arith.constant 0 : i32
    %while3A_35 = arith.constant 0 : i32
    %while3A_36 = arith.subi %select_n3A, %while3A : i32
    %while3A_37 = arith.addi %while3A, %while3A_36 : i32
    %while3A_38 = arith.constant 1 : i32
    %while3A_39 = arith.divsi %while3A_36, %while3A_38 : i32
    %while3A_40 = arith.muli %while3A_39, %while3A_38 : i32
    %while3A_41 = arith.addi %while3A, %while3A_40 : i32
    %while3A_42 = arith.constant 1 : i32
    %while3A_43 = scf.for %while3A_50 = %while3A to %while3A_41 step %while3A_42 iter_args(%while3A_51 = %while3A_35) -> (i32)  : i32 {
      %mul3A_52 = arith.constant 16 : i32
      %mul3A_53 = arith.muli %while3A_50, %mul3A_52 : i32
      %add3A_54 = arith.addi %arg1, %mul3A_53 : i32
      %mul3A_55 = arith.constant 128 : i32
      %mul3A_56 = arith.muli %add3A_54, %mul3A_55 : i32
      "tpu.region"() ({
        %run_scoped3A = tpu.sem_alloc : memref<!tpu.dma_semaphore, #tpu.memory_space<semaphore_mem>>
        %dma_start3A = tpu.memref_slice %arg3[%mul3A_56] : memref<10240xi32, #tpu.memory_space<hbm>> -> memref<128xi32, #tpu.memory_space<hbm>>
        %dma_start3A_58 = tpu.memref_slice %arg3[%mul3A_56] : memref<10240xi32, #tpu.memory_space<hbm>> -> memref<128xi32, #tpu.memory_space<hbm>>
        tpu.enqueue_dma source(%dma_start3A_58 : memref<128xi32, #tpu.memory_space<hbm>>) target(%arg6 : memref<128xi32, #tpu.memory_space<vmem>>) target_semaphore(%run_scoped3A : memref<!tpu.dma_semaphore, #tpu.memory_space<semaphore_mem>>)
        %dma_wait3A = tpu.memref_slice %arg3[%mul3A_56] : memref<10240xi32, #tpu.memory_space<hbm>> -> memref<128xi32, #tpu.memory_space<hbm>>
        %dma_wait3A_59 = tpu.memref_slice %arg3[%mul3A_56] : memref<10240xi32, #tpu.memory_space<hbm>> -> memref<128xi32, #tpu.memory_space<hbm>>
        tpu.wait_dma2 semaphore(%run_scoped3A : memref<!tpu.dma_semaphore, #tpu.memory_space<semaphore_mem>>) src(%dma_wait3A_59 : memref<128xi32, #tpu.memory_space<hbm>>) dst(%arg6 : memref<128xi32, #tpu.memory_space<vmem>>)
        tpu.yield
      }) : () -> ()
      "tpu.region"() ({
        %run_scoped3A = tpu.sem_alloc : memref<!tpu.dma_semaphore, #tpu.memory_space<semaphore_mem>>
        %dma_start3A = tpu.memref_slice %arg4[%mul3A_56] : memref<10240xi32, #tpu.memory_space<hbm>> -> memref<128xi32, #tpu.memory_space<hbm>>
        %dma_start3A_58 = tpu.memref_slice %arg4[%mul3A_56] : memref<10240xi32, #tpu.memory_space<hbm>> -> memref<128xi32, #tpu.memory_space<hbm>>
        tpu.enqueue_dma source(%dma_start3A_58 : memref<128xi32, #tpu.memory_space<hbm>>) target(%arg7 : memref<128xi32, #tpu.memory_space<vmem>>) target_semaphore(%run_scoped3A : memref<!tpu.dma_semaphore, #tpu.memory_space<semaphore_mem>>)
        %dma_wait3A = tpu.memref_slice %arg4[%mul3A_56] : memref<10240xi32, #tpu.memory_space<hbm>> -> memref<128xi32, #tpu.memory_space<hbm>>
        %dma_wait3A_59 = tpu.memref_slice %arg4[%mul3A_56] : memref<10240xi32, #tpu.memory_space<hbm>> -> memref<128xi32, #tpu.memory_space<hbm>>
        tpu.wait_dma2 semaphore(%run_scoped3A : memref<!tpu.dma_semaphore, #tpu.memory_space<semaphore_mem>>) src(%dma_wait3A_59 : memref<128xi32, #tpu.memory_space<hbm>>) dst(%arg7 : memref<128xi32, #tpu.memory_space<vmem>>)
        tpu.yield
      }) : () -> ()
      "tpu.region"() ({
        %run_scoped3A = tpu.sem_alloc : memref<!tpu.dma_semaphore, #tpu.memory_space<semaphore_mem>>
        %dma_start3A = arith.constant 0 : i32
        %dma_start3A_58 = arith.constant 0 : i32
        %dma_start3A_59 = tpu.memref_slice %arg2[%dma_start3A, %dma_start3A_58] : memref<10000x128xf32, #tpu.memory_space<hbm>> -> memref<10000x128xf32, #tpu.memory_space<hbm>>
        tpu.enqueue_indirect_dma source(%dma_start3A_59 : memref<10000x128xf32, #tpu.memory_space<hbm>>) target(%arg8 : memref<128x128xf32, #tpu.memory_space<vmem>>) offsets(%arg6 : memref<128xi32, #tpu.memory_space<vmem>>) semaphore(%run_scoped3A : memref<!tpu.dma_semaphore, #tpu.memory_space<semaphore_mem>>)
        %dma_wait3A = arith.constant 0 : i32
        %dma_wait3A_60 = arith.constant 0 : i32
        %dma_wait3A_61 = tpu.memref_slice %arg2[%dma_wait3A, %dma_wait3A_60] : memref<10000x128xf32, #tpu.memory_space<hbm>> -> memref<10000x128xf32, #tpu.memory_space<hbm>>
        tpu.wait_indirect_dma semaphore(%run_scoped3A : memref<!tpu.dma_semaphore, #tpu.memory_space<semaphore_mem>>) src(%dma_wait3A_61 : memref<10000x128xf32, #tpu.memory_space<hbm>>) dst(%arg8 : memref<128x128xf32, #tpu.memory_space<vmem>>)
        tpu.yield
      }) : () -> ()
      "tpu.region"() ({
        %run_scoped3A = tpu.sem_alloc : memref<!tpu.dma_semaphore, #tpu.memory_space<semaphore_mem>>
        %dma_start3A = arith.constant 0 : i32
        %dma_start3A_58 = arith.constant 0 : i32
        %dma_start3A_59 = tpu.memref_slice %arg10[%dma_start3A, %dma_start3A_58] : memref<10240x128xf32, #tpu.memory_space<vmem_shared>> -> memref<10240x128xf32, #tpu.memory_space<vmem_shared>>
        tpu.enqueue_indirect_dma source(%arg8 : memref<128x128xf32, #tpu.memory_space<vmem>>) target(%dma_start3A_59 : memref<10240x128xf32, #tpu.memory_space<vmem_shared>>) offsets(%arg7 : memref<128xi32, #tpu.memory_space<vmem>>) semaphore(%run_scoped3A : memref<!tpu.dma_semaphore, #tpu.memory_space<semaphore_mem>>) {add = true}
        %dma_wait3A = arith.constant 0 : i32
        %dma_wait3A_60 = arith.constant 0 : i32
        %dma_wait3A_61 = tpu.memref_slice %arg10[%dma_wait3A, %dma_wait3A_60] : memref<10240x128xf32, #tpu.memory_space<vmem_shared>> -> memref<10240x128xf32, #tpu.memory_space<vmem_shared>>
        tpu.wait_indirect_dma semaphore(%run_scoped3A : memref<!tpu.dma_semaphore, #tpu.memory_space<semaphore_mem>>) src(%arg8 : memref<128x128xf32, #tpu.memory_space<vmem>>) dst(%dma_wait3A_61 : memref<10240x128xf32, #tpu.memory_space<vmem_shared>>)
        tpu.yield
      }) : () -> ()
      %while3A_57 = arith.constant 0 : i32
      scf.yield %while3A_57 : i32
    }
    %while3A_44 = arith.constant 1 : i32
    %while3A_45 = scf.for %while3A_50 = %while3A_41 to %while3A_37 step %while3A_44 iter_args(%while3A_51 = %while3A_43) -> (i32)  : i32 {
      %mul3A_52 = arith.constant 16 : i32
      %mul3A_53 = arith.muli %while3A_50, %mul3A_52 : i32
      %add3A_54 = arith.addi %arg1, %mul3A_53 : i32
      %mul3A_55 = arith.constant 128 : i32
      %mul3A_56 = arith.muli %add3A_54, %mul3A_55 : i32
      "tpu.region"() ({
        %run_scoped3A = tpu.sem_alloc : memref<!tpu.dma_semaphore, #tpu.memory_space<semaphore_mem>>
        %dma_start3A = tpu.memref_slice %arg3[%mul3A_56] : memref<10240xi32, #tpu.memory_space<hbm>> -> memref<128xi32, #tpu.memory_space<hbm>>
        %dma_start3A_58 = tpu.memref_slice %arg3[%mul3A_56] : memref<10240xi32, #tpu.memory_space<hbm>> -> memref<128xi32, #tpu.memory_space<hbm>>
        tpu.enqueue_dma source(%dma_start3A_58 : memref<128xi32, #tpu.memory_space<hbm>>) target(%arg6 : memref<128xi32, #tpu.memory_space<vmem>>) target_semaphore(%run_scoped3A : memref<!tpu.dma_semaphore, #tpu.memory_space<semaphore_mem>>)
        %dma_wait3A = tpu.memref_slice %arg3[%mul3A_56] : memref<10240xi32, #tpu.memory_space<hbm>> -> memref<128xi32, #tpu.memory_space<hbm>>
        %dma_wait3A_59 = tpu.memref_slice %arg3[%mul3A_56] : memref<10240xi32, #tpu.memory_space<hbm>> -> memref<128xi32, #tpu.memory_space<hbm>>
        tpu.wait_dma2 semaphore(%run_scoped3A : memref<!tpu.dma_semaphore, #tpu.memory_space<semaphore_mem>>) src(%dma_wait3A_59 : memref<128xi32, #tpu.memory_space<hbm>>) dst(%arg6 : memref<128xi32, #tpu.memory_space<vmem>>)
        tpu.yield
      }) : () -> ()
      "tpu.region"() ({
        %run_scoped3A = tpu.sem_alloc : memref<!tpu.dma_semaphore, #tpu.memory_space<semaphore_mem>>
        %dma_start3A = tpu.memref_slice %arg4[%mul3A_56] : memref<10240xi32, #tpu.memory_space<hbm>> -> memref<128xi32, #tpu.memory_space<hbm>>
        %dma_start3A_58 = tpu.memref_slice %arg4[%mul3A_56] : memref<10240xi32, #tpu.memory_space<hbm>> -> memref<128xi32, #tpu.memory_space<hbm>>
        tpu.enqueue_dma source(%dma_start3A_58 : memref<128xi32, #tpu.memory_space<hbm>>) target(%arg7 : memref<128xi32, #tpu.memory_space<vmem>>) target_semaphore(%run_scoped3A : memref<!tpu.dma_semaphore, #tpu.memory_space<semaphore_mem>>)
        %dma_wait3A = tpu.memref_slice %arg4[%mul3A_56] : memref<10240xi32, #tpu.memory_space<hbm>> -> memref<128xi32, #tpu.memory_space<hbm>>
        %dma_wait3A_59 = tpu.memref_slice %arg4[%mul3A_56] : memref<10240xi32, #tpu.memory_space<hbm>> -> memref<128xi32, #tpu.memory_space<hbm>>
        tpu.wait_dma2 semaphore(%run_scoped3A : memref<!tpu.dma_semaphore, #tpu.memory_space<semaphore_mem>>) src(%dma_wait3A_59 : memref<128xi32, #tpu.memory_space<hbm>>) dst(%arg7 : memref<128xi32, #tpu.memory_space<vmem>>)
        tpu.yield
      }) : () -> ()
      "tpu.region"() ({
        %run_scoped3A = tpu.sem_alloc : memref<!tpu.dma_semaphore, #tpu.memory_space<semaphore_mem>>
        %dma_start3A = arith.constant 0 : i32
        %dma_start3A_58 = arith.constant 0 : i32
        %dma_start3A_59 = tpu.memref_slice %arg2[%dma_start3A, %dma_start3A_58] : memref<10000x128xf32, #tpu.memory_space<hbm>> -> memref<10000x128xf32, #tpu.memory_space<hbm>>
        tpu.enqueue_indirect_dma source(%dma_start3A_59 : memref<10000x128xf32, #tpu.memory_space<hbm>>) target(%arg8 : memref<128x128xf32, #tpu.memory_space<vmem>>) offsets(%arg6 : memref<128xi32, #tpu.memory_space<vmem>>) semaphore(%run_scoped3A : memref<!tpu.dma_semaphore, #tpu.memory_space<semaphore_mem>>)
        %dma_wait3A = arith.constant 0 : i32
        %dma_wait3A_60 = arith.constant 0 : i32
        %dma_wait3A_61 = tpu.memref_slice %arg2[%dma_wait3A, %dma_wait3A_60] : memref<10000x128xf32, #tpu.memory_space<hbm>> -> memref<10000x128xf32, #tpu.memory_space<hbm>>
        tpu.wait_indirect_dma semaphore(%run_scoped3A : memref<!tpu.dma_semaphore, #tpu.memory_space<semaphore_mem>>) src(%dma_wait3A_61 : memref<10000x128xf32, #tpu.memory_space<hbm>>) dst(%arg8 : memref<128x128xf32, #tpu.memory_space<vmem>>)
        tpu.yield
      }) : () -> ()
      "tpu.region"() ({
        %run_scoped3A = tpu.sem_alloc : memref<!tpu.dma_semaphore, #tpu.memory_space<semaphore_mem>>
        %dma_start3A = arith.constant 0 : i32
        %dma_start3A_58 = arith.constant 0 : i32
        %dma_start3A_59 = tpu.memref_slice %arg10[%dma_start3A, %dma_start3A_58] : memref<10240x128xf32, #tpu.memory_space<vmem_shared>> -> memref<10240x128xf32, #tpu.memory_space<vmem_shared>>
        tpu.enqueue_indirect_dma source(%arg8 : memref<128x128xf32, #tpu.memory_space<vmem>>) target(%dma_start3A_59 : memref<10240x128xf32, #tpu.memory_space<vmem_shared>>) offsets(%arg7 : memref<128xi32, #tpu.memory_space<vmem>>) semaphore(%run_scoped3A : memref<!tpu.dma_semaphore, #tpu.memory_space<semaphore_mem>>) {add = true}
        %dma_wait3A = arith.constant 0 : i32
        %dma_wait3A_60 = arith.constant 0 : i32
        %dma_wait3A_61 = tpu.memref_slice %arg10[%dma_wait3A, %dma_wait3A_60] : memref<10240x128xf32, #tpu.memory_space<vmem_shared>> -> memref<10240x128xf32, #tpu.memory_space<vmem_shared>>
        tpu.wait_indirect_dma semaphore(%run_scoped3A : memref<!tpu.dma_semaphore, #tpu.memory_space<semaphore_mem>>) src(%arg8 : memref<128x128xf32, #tpu.memory_space<vmem>>) dst(%dma_wait3A_61 : memref<10240x128xf32, #tpu.memory_space<vmem_shared>>)
        tpu.yield
      }) : () -> ()
      %while3A_57 = arith.constant 0 : i32
      scf.yield %while3A_57 : i32
    }
    %barrier3A_46 = arith.constant 0 : index
    tpu.barrier barrier_id(%barrier3A_46)
    %mul3A = arith.constant 640 : i32
    %mul3A_47 = arith.muli %arg1, %mul3A : i32
    %mul3A_48 = arith.constant 640 : i32
    %mul3A_49 = arith.muli %arg1, %mul3A_48 : i32
    "tpu.region"() ({
      %run_scoped3A = tpu.sem_alloc : memref<!tpu.dma_semaphore, #tpu.memory_space<semaphore_mem>>
      %dma_start3A = arith.constant 0 : i32
      %dma_start3A_50 = tpu.memref_slice %arg5[%mul3A_49, %dma_start3A] : memref<10240x128xf32, #tpu.memory_space<hbm>> -> memref<640x128xf32, #tpu.memory_space<hbm>>
      %dma_start3A_51 = arith.constant 0 : i32
      %dma_start3A_52 = tpu.memref_slice %arg10[%mul3A_47, %dma_start3A_51] : memref<10240x128xf32, #tpu.memory_space<vmem_shared>> -> memref<640x128xf32, #tpu.memory_space<vmem_shared>>
      tpu.enqueue_dma source(%dma_start3A_52 : memref<640x128xf32, #tpu.memory_space<vmem_shared>>) target(%dma_start3A_50 : memref<640x128xf32, #tpu.memory_space<hbm>>) target_semaphore(%run_scoped3A : memref<!tpu.dma_semaphore, #tpu.memory_space<semaphore_mem>>)
      %dma_wait3A = arith.constant 0 : i32
      %dma_wait3A_53 = tpu.memref_slice %arg5[%mul3A_49, %dma_wait3A] : memref<10240x128xf32, #tpu.memory_space<hbm>> -> memref<640x128xf32, #tpu.memory_space<hbm>>
      %dma_wait3A_54 = arith.constant 0 : i32
      %dma_wait3A_55 = tpu.memref_slice %arg10[%mul3A_47, %dma_wait3A_54] : memref<10240x128xf32, #tpu.memory_space<vmem_shared>> -> memref<640x128xf32, #tpu.memory_space<vmem_shared>>
      tpu.wait_dma2 semaphore(%run_scoped3A : memref<!tpu.dma_semaphore, #tpu.memory_space<semaphore_mem>>) src(%dma_wait3A_55 : memref<640x128xf32, #tpu.memory_space<vmem_shared>>) dst(%dma_wait3A_53 : memref<640x128xf32, #tpu.memory_space<hbm>>)
      tpu.yield
    }) : () -> ()
    return
  }
}

#map = affine_map<(d0, d1) -> (0, 0)>
#map1 = affine_map<(d0, d1) -> (0)>
module attributes {stable_mosaic.version = 14 : i64} {
  func.func @k(%arg0: i32, %arg1: i32, %arg2: memref<10000x128xf32, #tpu.memory_space<hbm>>, %arg3: memref<320000xi32, #tpu.memory_space<hbm>>, %arg4: memref<320000xi32, #tpu.memory_space<hbm>>, %arg5: memref<10240x128xf32, #tpu.memory_space<hbm>>, %arg6: memref<128xi32, #tpu.memory_space<vmem>>, %arg7: memref<128xi32, #tpu.memory_space<vmem>>, %arg8: memref<128x128xf32, #tpu.memory_space<vmem>>, %arg9: memref<64x128xf32, #tpu.memory_space<vmem>>, %arg10: memref<10240x128xf32, #tpu.memory_space<vmem_shared>>) attributes {dimension_semantics = [#tpu.dimension_semantics<core_parallel>, #tpu.dimension_semantics<subcore_parallel>], iteration_bounds = array<i64: 1, 16>, scalar_prefetch = 0 : i64, scratch_operands = 5 : i64, tpu.core_type = #tpu.core_type<sc_vector_subcore>, window_params = [{transform_indices = #map}, {transform_indices = #map1}, {transform_indices = #map1}, {transform_indices = #map}]} {
    %broadcast_in_dim3A = arith.constant 0.000000e+00 : f32
    %broadcast_in_dim3A_0 = vector.broadcast %broadcast_in_dim3A : f32 to vector<16xf32>
    %scan3A = arith.constant 0 : i32
    %scan3A_1 = arith.constant 0 : i32
    %scan3A_2 = arith.constant 512 : i32
    %scan3A_3 = arith.addi %scan3A_1, %scan3A_2 : i32
    %scan3A_4 = arith.constant 1 : i32
    %scan3A_5 = scf.for %scan3A_50 = %scan3A_1 to %scan3A_3 step %scan3A_4 iter_args(%scan3A_51 = %scan3A) -> (i32)  : i32 {
      %jit3A_52 = arith.constant 8 : i32
      %div3A_53 = arith.divsi %scan3A_50, %jit3A_52 : i32
      %sign3A_54 = arith.constant 0 : i32
      %sign3A_55 = arith.cmpi sgt, %scan3A_50, %sign3A_54 : i32
      %sign3A_56 = arith.extui %sign3A_55 : i1 to i32
      %sign3A_57 = arith.constant 0 : i32
      %sign3A_58 = arith.cmpi slt, %scan3A_50, %sign3A_57 : i32
      %sign3A_59 = arith.extui %sign3A_58 : i1 to i32
      %sign3A_60 = arith.subi %sign3A_56, %sign3A_59 : i32
      %sign3A_61 = arith.constant 0 : i32
      %sign3A_62 = arith.cmpi sgt, %jit3A_52, %sign3A_61 : i32
      %sign3A_63 = arith.extui %sign3A_62 : i1 to i32
      %sign3A_64 = arith.constant 0 : i32
      %sign3A_65 = arith.cmpi slt, %jit3A_52, %sign3A_64 : i32
      %sign3A_66 = arith.extui %sign3A_65 : i1 to i32
      %sign3A_67 = arith.subi %sign3A_63, %sign3A_66 : i32
      %ne3A_68 = arith.cmpi ne, %sign3A_60, %sign3A_67 : i32
      %rem3A_69 = arith.remsi %scan3A_50, %jit3A_52 : i32
      %ne3A_70 = arith.constant 0 : i32
      %ne3A_71 = arith.cmpi ne, %rem3A_69, %ne3A_70 : i32
      %and3A_72 = arith.andi %ne3A_68, %ne3A_71 : i1
      %sub3A_73 = arith.constant 1 : i32
      %sub3A_74 = arith.subi %div3A_53, %sub3A_73 : i32
      %select_n3A_75 = arith.select %and3A_72, %sub3A_74, %div3A_53 : i32
      %jit3A_76 = arith.constant 8 : i32
      %eq3A = arith.constant 0 : i32
      %eq3A_77 = arith.cmpi eq, %jit3A_76, %eq3A : i32
      %jit3A_78 = arith.constant 1 : i32
      %select_n3A_79 = arith.select %eq3A_77, %jit3A_78, %jit3A_76 : i32
      %rem3A_80 = arith.remsi %scan3A_50, %select_n3A_79 : i32
      %ne3A_81 = arith.constant 0 : i32
      %ne3A_82 = arith.cmpi ne, %rem3A_80, %ne3A_81 : i32
      %lt3A = arith.constant 0 : i32
      %lt3A_83 = arith.cmpi slt, %rem3A_80, %lt3A : i32
      %lt3A_84 = arith.constant 0 : i32
      %lt3A_85 = arith.cmpi slt, %select_n3A_79, %lt3A_84 : i32
      %ne3A_86 = arith.xori %lt3A_83, %lt3A_85 : i1
      %and3A_87 = arith.andi %ne3A_86, %ne3A_82 : i1
      %add3A_88 = arith.addi %rem3A_80, %select_n3A_79 : i32
      %select_n3A_89 = arith.select %and3A_87, %add3A_88, %rem3A_80 : i32
      %mul3A_90 = arith.constant 16 : i32
      %mul3A_91 = arith.muli %select_n3A_89, %mul3A_90 : i32
      %swap3A = arith.index_cast %select_n3A_75 : i32 to index
      %swap3A_92 = arith.index_cast %mul3A_91 : i32 to index
      %swap3A_93 = tpu.vector_load %arg9[%swap3A, %swap3A_92] {strides = array<i32>} : memref<64x128xf32, #tpu.memory_space<vmem>>, vector<1x16xf32>,
      %swap3A_94 = vector.shape_cast %swap3A_93 : vector<1x16xf32> to vector<16xf32>
      %swap3A_95 = vector.shape_cast %broadcast_in_dim3A_0 : vector<16xf32> to vector<1x16xf32>
      tpu.vector_store %arg9[%swap3A, %swap3A_92], %swap3A_95 {strides = array<i32>} : memref<64x128xf32, #tpu.memory_space<vmem>>, vector<1x16xf32>,
      %scan3A_96 = arith.constant 0 : i32
      scf.yield %scan3A_96 : i32
    }
    %scan3A_6 = arith.constant 512 : i32
    %scan3A_7 = arith.constant 0 : i32
    %scan3A_8 = arith.constant 0 : i32
    %scan3A_9 = arith.constant 10 : i32
    %scan3A_10 = arith.addi %scan3A_8, %scan3A_9 : i32
    %scan3A_11 = arith.constant 1 : i32
    %scan3A_12 = scf.for %scan3A_50 = %scan3A_8 to %scan3A_10 step %scan3A_11 iter_args(%scan3A_51 = %scan3A_7) -> (i32)  : i32 {
      %mul3A_52 = arith.constant 640 : i32
      %mul3A_53 = arith.muli %arg1, %mul3A_52 : i32
      %mul3A_54 = arith.constant 64 : i32
      %mul3A_55 = arith.muli %scan3A_50, %mul3A_54 : i32
      %add3A_56 = arith.addi %mul3A_53, %mul3A_55 : i32
      "tpu.region"() ({
        %run_scoped3A = tpu.sem_alloc : memref<!tpu.dma_semaphore, #tpu.memory_space<semaphore_mem>>
        %dma_start3A = arith.constant 0 : i32
        %dma_start3A_58 = arith.constant 0 : i32
        %dma_start3A_59 = tpu.memref_slice %arg9[%dma_start3A, %dma_start3A_58] : memref<64x128xf32, #tpu.memory_space<vmem>> -> memref<64x128xf32, #tpu.memory_space<vmem>>
        %dma_start3A_60 = arith.constant 0 : i32
        %dma_start3A_61 = tpu.memref_slice %arg10[%add3A_56, %dma_start3A_60] : memref<10240x128xf32, #tpu.memory_space<vmem_shared>> -> memref<64x128xf32, #tpu.memory_space<vmem_shared>>
        %dma_start3A_62 = arith.constant 0 : i32
        %dma_start3A_63 = tpu.memref_slice %arg10[%add3A_56, %dma_start3A_62] : memref<10240x128xf32, #tpu.memory_space<vmem_shared>> -> memref<64x128xf32, #tpu.memory_space<vmem_shared>>
        %dma_start3A_64 = arith.constant 0 : i32
        %dma_start3A_65 = arith.constant 0 : i32
        %dma_start3A_66 = tpu.memref_slice %arg9[%dma_start3A_64, %dma_start3A_65] : memref<64x128xf32, #tpu.memory_space<vmem>> -> memref<64x128xf32, #tpu.memory_space<vmem>>
        tpu.enqueue_dma source(%dma_start3A_66 : memref<64x128xf32, #tpu.memory_space<vmem>>) target(%dma_start3A_63 : memref<64x128xf32, #tpu.memory_space<vmem_shared>>) target_semaphore(%run_scoped3A : memref<!tpu.dma_semaphore, #tpu.memory_space<semaphore_mem>>)
        %dma_wait3A = arith.constant 0 : i32
        %dma_wait3A_67 = arith.constant 0 : i32
        %dma_wait3A_68 = tpu.memref_slice %arg9[%dma_wait3A, %dma_wait3A_67] : memref<64x128xf32, #tpu.memory_space<vmem>> -> memref<64x128xf32, #tpu.memory_space<vmem>>
        %dma_wait3A_69 = arith.constant 0 : i32
        %dma_wait3A_70 = tpu.memref_slice %arg10[%add3A_56, %dma_wait3A_69] : memref<10240x128xf32, #tpu.memory_space<vmem_shared>> -> memref<64x128xf32, #tpu.memory_space<vmem_shared>>
        %dma_wait3A_71 = arith.constant 0 : i32
        %dma_wait3A_72 = tpu.memref_slice %arg10[%add3A_56, %dma_wait3A_71] : memref<10240x128xf32, #tpu.memory_space<vmem_shared>> -> memref<64x128xf32, #tpu.memory_space<vmem_shared>>
        %dma_wait3A_73 = arith.constant 0 : i32
        %dma_wait3A_74 = arith.constant 0 : i32
        %dma_wait3A_75 = tpu.memref_slice %arg9[%dma_wait3A_73, %dma_wait3A_74] : memref<64x128xf32, #tpu.memory_space<vmem>> -> memref<64x128xf32, #tpu.memory_space<vmem>>
        tpu.wait_dma2 semaphore(%run_scoped3A : memref<!tpu.dma_semaphore, #tpu.memory_space<semaphore_mem>>) src(%dma_wait3A_75 : memref<64x128xf32, #tpu.memory_space<vmem>>) dst(%dma_wait3A_72 : memref<64x128xf32, #tpu.memory_space<vmem_shared>>)
        tpu.yield
      }) : () -> ()
      %scan3A_57 = arith.constant 0 : i32
      scf.yield %scan3A_57 : i32
    }
    %scan3A_13 = arith.constant 10 : i32
    %barrier3A = arith.constant 0 : index
    tpu.barrier barrier_id(%barrier3A)
    %sub3A = arith.constant 2500 : i32
    %sub3A_14 = arith.subi %sub3A, %arg1 : i32
    %add3A = arith.constant 16 : i32
    %add3A_15 = arith.addi %sub3A_14, %add3A : i32
    %sub3A_16 = arith.constant 1 : i32
    %sub3A_17 = arith.subi %add3A_15, %sub3A_16 : i32
    %jit3A = arith.constant 16 : i32
    %div3A = arith.divsi %sub3A_17, %jit3A : i32
    %sign3A = arith.constant 0 : i32
    %sign3A_18 = arith.cmpi sgt, %sub3A_17, %sign3A : i32
    %sign3A_19 = arith.extui %sign3A_18 : i1 to i32
    %sign3A_20 = arith.constant 0 : i32
    %sign3A_21 = arith.cmpi slt, %sub3A_17, %sign3A_20 : i32
    %sign3A_22 = arith.extui %sign3A_21 : i1 to i32
    %sign3A_23 = arith.subi %sign3A_19, %sign3A_22 : i32
    %sign3A_24 = arith.constant 0 : i32
    %sign3A_25 = arith.cmpi sgt, %jit3A, %sign3A_24 : i32
    %sign3A_26 = arith.extui %sign3A_25 : i1 to i32
    %sign3A_27 = arith.constant 0 : i32
    %sign3A_28 = arith.cmpi slt, %jit3A, %sign3A_27 : i32
    %sign3A_29 = arith.extui %sign3A_28 : i1 to i32
    %sign3A_30 = arith.subi %sign3A_26, %sign3A_29 : i32
    %ne3A = arith.cmpi ne, %sign3A_23, %sign3A_30 : i32
    %rem3A = arith.remsi %sub3A_17, %jit3A : i32
    %ne3A_31 = arith.constant 0 : i32
    %ne3A_32 = arith.cmpi ne, %rem3A, %ne3A_31 : i32
    %and3A = arith.andi %ne3A, %ne3A_32 : i1
    %sub3A_33 = arith.constant 1 : i32
    %sub3A_34 = arith.subi %div3A, %sub3A_33 : i32
    %select_n3A = arith.select %and3A, %sub3A_34, %div3A : i32
    %while3A = arith.constant 0 : i32
    %while3A_35 = arith.constant 0 : i32
    %while3A_36 = arith.subi %select_n3A, %while3A : i32
    %while3A_37 = arith.addi %while3A, %while3A_36 : i32
    %while3A_38 = arith.constant 1 : i32
    %while3A_39 = arith.divsi %while3A_36, %while3A_38 : i32
    %while3A_40 = arith.muli %while3A_39, %while3A_38 : i32
    %while3A_41 = arith.addi %while3A, %while3A_40 : i32
    %while3A_42 = arith.constant 1 : i32
    %while3A_43 = scf.for %while3A_50 = %while3A to %while3A_41 step %while3A_42 iter_args(%while3A_51 = %while3A_35) -> (i32)  : i32 {
      %mul3A_52 = arith.constant 16 : i32
      %mul3A_53 = arith.muli %while3A_50, %mul3A_52 : i32
      %add3A_54 = arith.addi %arg1, %mul3A_53 : i32
      %mul3A_55 = arith.constant 128 : i32
      %mul3A_56 = arith.muli %add3A_54, %mul3A_55 : i32
      "tpu.region"() ({
        %run_scoped3A = tpu.sem_alloc : memref<!tpu.dma_semaphore, #tpu.memory_space<semaphore_mem>>
        %dma_start3A = tpu.memref_slice %arg3[%mul3A_56] : memref<320000xi32, #tpu.memory_space<hbm>> -> memref<128xi32, #tpu.memory_space<hbm>>
        %dma_start3A_58 = tpu.memref_slice %arg3[%mul3A_56] : memref<320000xi32, #tpu.memory_space<hbm>> -> memref<128xi32, #tpu.memory_space<hbm>>
        tpu.enqueue_dma source(%dma_start3A_58 : memref<128xi32, #tpu.memory_space<hbm>>) target(%arg6 : memref<128xi32, #tpu.memory_space<vmem>>) target_semaphore(%run_scoped3A : memref<!tpu.dma_semaphore, #tpu.memory_space<semaphore_mem>>)
        %dma_wait3A = tpu.memref_slice %arg3[%mul3A_56] : memref<320000xi32, #tpu.memory_space<hbm>> -> memref<128xi32, #tpu.memory_space<hbm>>
        %dma_wait3A_59 = tpu.memref_slice %arg3[%mul3A_56] : memref<320000xi32, #tpu.memory_space<hbm>> -> memref<128xi32, #tpu.memory_space<hbm>>
        tpu.wait_dma2 semaphore(%run_scoped3A : memref<!tpu.dma_semaphore, #tpu.memory_space<semaphore_mem>>) src(%dma_wait3A_59 : memref<128xi32, #tpu.memory_space<hbm>>) dst(%arg6 : memref<128xi32, #tpu.memory_space<vmem>>)
        tpu.yield
      }) : () -> ()
      "tpu.region"() ({
        %run_scoped3A = tpu.sem_alloc : memref<!tpu.dma_semaphore, #tpu.memory_space<semaphore_mem>>
        %dma_start3A = tpu.memref_slice %arg4[%mul3A_56] : memref<320000xi32, #tpu.memory_space<hbm>> -> memref<128xi32, #tpu.memory_space<hbm>>
        %dma_start3A_58 = tpu.memref_slice %arg4[%mul3A_56] : memref<320000xi32, #tpu.memory_space<hbm>> -> memref<128xi32, #tpu.memory_space<hbm>>
        tpu.enqueue_dma source(%dma_start3A_58 : memref<128xi32, #tpu.memory_space<hbm>>) target(%arg7 : memref<128xi32, #tpu.memory_space<vmem>>) target_semaphore(%run_scoped3A : memref<!tpu.dma_semaphore, #tpu.memory_space<semaphore_mem>>)
        %dma_wait3A = tpu.memref_slice %arg4[%mul3A_56] : memref<320000xi32, #tpu.memory_space<hbm>> -> memref<128xi32, #tpu.memory_space<hbm>>
        %dma_wait3A_59 = tpu.memref_slice %arg4[%mul3A_56] : memref<320000xi32, #tpu.memory_space<hbm>> -> memref<128xi32, #tpu.memory_space<hbm>>
        tpu.wait_dma2 semaphore(%run_scoped3A : memref<!tpu.dma_semaphore, #tpu.memory_space<semaphore_mem>>) src(%dma_wait3A_59 : memref<128xi32, #tpu.memory_space<hbm>>) dst(%arg7 : memref<128xi32, #tpu.memory_space<vmem>>)
        tpu.yield
      }) : () -> ()
      "tpu.region"() ({
        %run_scoped3A = tpu.sem_alloc : memref<!tpu.dma_semaphore, #tpu.memory_space<semaphore_mem>>
        %dma_start3A = arith.constant 0 : i32
        %dma_start3A_58 = arith.constant 0 : i32
        %dma_start3A_59 = tpu.memref_slice %arg2[%dma_start3A, %dma_start3A_58] : memref<10000x128xf32, #tpu.memory_space<hbm>> -> memref<10000x128xf32, #tpu.memory_space<hbm>>
        tpu.enqueue_indirect_dma source(%dma_start3A_59 : memref<10000x128xf32, #tpu.memory_space<hbm>>) target(%arg8 : memref<128x128xf32, #tpu.memory_space<vmem>>) offsets(%arg6 : memref<128xi32, #tpu.memory_space<vmem>>) semaphore(%run_scoped3A : memref<!tpu.dma_semaphore, #tpu.memory_space<semaphore_mem>>)
        %dma_wait3A = arith.constant 0 : i32
        %dma_wait3A_60 = arith.constant 0 : i32
        %dma_wait3A_61 = tpu.memref_slice %arg2[%dma_wait3A, %dma_wait3A_60] : memref<10000x128xf32, #tpu.memory_space<hbm>> -> memref<10000x128xf32, #tpu.memory_space<hbm>>
        tpu.wait_indirect_dma semaphore(%run_scoped3A : memref<!tpu.dma_semaphore, #tpu.memory_space<semaphore_mem>>) src(%dma_wait3A_61 : memref<10000x128xf32, #tpu.memory_space<hbm>>) dst(%arg8 : memref<128x128xf32, #tpu.memory_space<vmem>>)
        tpu.yield
      }) : () -> ()
      "tpu.region"() ({
        %run_scoped3A = tpu.sem_alloc : memref<!tpu.dma_semaphore, #tpu.memory_space<semaphore_mem>>
        %dma_start3A = arith.constant 0 : i32
        %dma_start3A_58 = arith.constant 0 : i32
        %dma_start3A_59 = tpu.memref_slice %arg10[%dma_start3A, %dma_start3A_58] : memref<10240x128xf32, #tpu.memory_space<vmem_shared>> -> memref<10240x128xf32, #tpu.memory_space<vmem_shared>>
        tpu.enqueue_indirect_dma source(%arg8 : memref<128x128xf32, #tpu.memory_space<vmem>>) target(%dma_start3A_59 : memref<10240x128xf32, #tpu.memory_space<vmem_shared>>) offsets(%arg7 : memref<128xi32, #tpu.memory_space<vmem>>) semaphore(%run_scoped3A : memref<!tpu.dma_semaphore, #tpu.memory_space<semaphore_mem>>) {add = true}
        %dma_wait3A = arith.constant 0 : i32
        %dma_wait3A_60 = arith.constant 0 : i32
        %dma_wait3A_61 = tpu.memref_slice %arg10[%dma_wait3A, %dma_wait3A_60] : memref<10240x128xf32, #tpu.memory_space<vmem_shared>> -> memref<10240x128xf32, #tpu.memory_space<vmem_shared>>
        tpu.wait_indirect_dma semaphore(%run_scoped3A : memref<!tpu.dma_semaphore, #tpu.memory_space<semaphore_mem>>) src(%arg8 : memref<128x128xf32, #tpu.memory_space<vmem>>) dst(%dma_wait3A_61 : memref<10240x128xf32, #tpu.memory_space<vmem_shared>>)
        tpu.yield
      }) : () -> ()
      %while3A_57 = arith.constant 0 : i32
      scf.yield %while3A_57 : i32
    }
    %while3A_44 = arith.constant 1 : i32
    %while3A_45 = scf.for %while3A_50 = %while3A_41 to %while3A_37 step %while3A_44 iter_args(%while3A_51 = %while3A_43) -> (i32)  : i32 {
      %mul3A_52 = arith.constant 16 : i32
      %mul3A_53 = arith.muli %while3A_50, %mul3A_52 : i32
      %add3A_54 = arith.addi %arg1, %mul3A_53 : i32
      %mul3A_55 = arith.constant 128 : i32
      %mul3A_56 = arith.muli %add3A_54, %mul3A_55 : i32
      "tpu.region"() ({
        %run_scoped3A = tpu.sem_alloc : memref<!tpu.dma_semaphore, #tpu.memory_space<semaphore_mem>>
        %dma_start3A = tpu.memref_slice %arg3[%mul3A_56] : memref<320000xi32, #tpu.memory_space<hbm>> -> memref<128xi32, #tpu.memory_space<hbm>>
        %dma_start3A_58 = tpu.memref_slice %arg3[%mul3A_56] : memref<320000xi32, #tpu.memory_space<hbm>> -> memref<128xi32, #tpu.memory_space<hbm>>
        tpu.enqueue_dma source(%dma_start3A_58 : memref<128xi32, #tpu.memory_space<hbm>>) target(%arg6 : memref<128xi32, #tpu.memory_space<vmem>>) target_semaphore(%run_scoped3A : memref<!tpu.dma_semaphore, #tpu.memory_space<semaphore_mem>>)
        %dma_wait3A = tpu.memref_slice %arg3[%mul3A_56] : memref<320000xi32, #tpu.memory_space<hbm>> -> memref<128xi32, #tpu.memory_space<hbm>>
        %dma_wait3A_59 = tpu.memref_slice %arg3[%mul3A_56] : memref<320000xi32, #tpu.memory_space<hbm>> -> memref<128xi32, #tpu.memory_space<hbm>>
        tpu.wait_dma2 semaphore(%run_scoped3A : memref<!tpu.dma_semaphore, #tpu.memory_space<semaphore_mem>>) src(%dma_wait3A_59 : memref<128xi32, #tpu.memory_space<hbm>>) dst(%arg6 : memref<128xi32, #tpu.memory_space<vmem>>)
        tpu.yield
      }) : () -> ()
      "tpu.region"() ({
        %run_scoped3A = tpu.sem_alloc : memref<!tpu.dma_semaphore, #tpu.memory_space<semaphore_mem>>
        %dma_start3A = tpu.memref_slice %arg4[%mul3A_56] : memref<320000xi32, #tpu.memory_space<hbm>> -> memref<128xi32, #tpu.memory_space<hbm>>
        %dma_start3A_58 = tpu.memref_slice %arg4[%mul3A_56] : memref<320000xi32, #tpu.memory_space<hbm>> -> memref<128xi32, #tpu.memory_space<hbm>>
        tpu.enqueue_dma source(%dma_start3A_58 : memref<128xi32, #tpu.memory_space<hbm>>) target(%arg7 : memref<128xi32, #tpu.memory_space<vmem>>) target_semaphore(%run_scoped3A : memref<!tpu.dma_semaphore, #tpu.memory_space<semaphore_mem>>)
        %dma_wait3A = tpu.memref_slice %arg4[%mul3A_56] : memref<320000xi32, #tpu.memory_space<hbm>> -> memref<128xi32, #tpu.memory_space<hbm>>
        %dma_wait3A_59 = tpu.memref_slice %arg4[%mul3A_56] : memref<320000xi32, #tpu.memory_space<hbm>> -> memref<128xi32, #tpu.memory_space<hbm>>
        tpu.wait_dma2 semaphore(%run_scoped3A : memref<!tpu.dma_semaphore, #tpu.memory_space<semaphore_mem>>) src(%dma_wait3A_59 : memref<128xi32, #tpu.memory_space<hbm>>) dst(%arg7 : memref<128xi32, #tpu.memory_space<vmem>>)
        tpu.yield
      }) : () -> ()
      "tpu.region"() ({
        %run_scoped3A = tpu.sem_alloc : memref<!tpu.dma_semaphore, #tpu.memory_space<semaphore_mem>>
        %dma_start3A = arith.constant 0 : i32
        %dma_start3A_58 = arith.constant 0 : i32
        %dma_start3A_59 = tpu.memref_slice %arg2[%dma_start3A, %dma_start3A_58] : memref<10000x128xf32, #tpu.memory_space<hbm>> -> memref<10000x128xf32, #tpu.memory_space<hbm>>
        tpu.enqueue_indirect_dma source(%dma_start3A_59 : memref<10000x128xf32, #tpu.memory_space<hbm>>) target(%arg8 : memref<128x128xf32, #tpu.memory_space<vmem>>) offsets(%arg6 : memref<128xi32, #tpu.memory_space<vmem>>) semaphore(%run_scoped3A : memref<!tpu.dma_semaphore, #tpu.memory_space<semaphore_mem>>)
        %dma_wait3A = arith.constant 0 : i32
        %dma_wait3A_60 = arith.constant 0 : i32
        %dma_wait3A_61 = tpu.memref_slice %arg2[%dma_wait3A, %dma_wait3A_60] : memref<10000x128xf32, #tpu.memory_space<hbm>> -> memref<10000x128xf32, #tpu.memory_space<hbm>>
        tpu.wait_indirect_dma semaphore(%run_scoped3A : memref<!tpu.dma_semaphore, #tpu.memory_space<semaphore_mem>>) src(%dma_wait3A_61 : memref<10000x128xf32, #tpu.memory_space<hbm>>) dst(%arg8 : memref<128x128xf32, #tpu.memory_space<vmem>>)
        tpu.yield
      }) : () -> ()
      "tpu.region"() ({
        %run_scoped3A = tpu.sem_alloc : memref<!tpu.dma_semaphore, #tpu.memory_space<semaphore_mem>>
        %dma_start3A = arith.constant 0 : i32
        %dma_start3A_58 = arith.constant 0 : i32
        %dma_start3A_59 = tpu.memref_slice %arg10[%dma_start3A, %dma_start3A_58] : memref<10240x128xf32, #tpu.memory_space<vmem_shared>> -> memref<10240x128xf32, #tpu.memory_space<vmem_shared>>
        tpu.enqueue_indirect_dma source(%arg8 : memref<128x128xf32, #tpu.memory_space<vmem>>) target(%dma_start3A_59 : memref<10240x128xf32, #tpu.memory_space<vmem_shared>>) offsets(%arg7 : memref<128xi32, #tpu.memory_space<vmem>>) semaphore(%run_scoped3A : memref<!tpu.dma_semaphore, #tpu.memory_space<semaphore_mem>>) {add = true}
        %dma_wait3A = arith.constant 0 : i32
        %dma_wait3A_60 = arith.constant 0 : i32
        %dma_wait3A_61 = tpu.memref_slice %arg10[%dma_wait3A, %dma_wait3A_60] : memref<10240x128xf32, #tpu.memory_space<vmem_shared>> -> memref<10240x128xf32, #tpu.memory_space<vmem_shared>>
        tpu.wait_indirect_dma semaphore(%run_scoped3A : memref<!tpu.dma_semaphore, #tpu.memory_space<semaphore_mem>>) src(%arg8 : memref<128x128xf32, #tpu.memory_space<vmem>>) dst(%dma_wait3A_61 : memref<10240x128xf32, #tpu.memory_space<vmem_shared>>)
        tpu.yield
      }) : () -> ()
      %while3A_57 = arith.constant 0 : i32
      scf.yield %while3A_57 : i32
    }
    %barrier3A_46 = arith.constant 0 : index
    tpu.barrier barrier_id(%barrier3A_46)
    %mul3A = arith.constant 640 : i32
    %mul3A_47 = arith.muli %arg1, %mul3A : i32
    %mul3A_48 = arith.constant 640 : i32
    %mul3A_49 = arith.muli %arg1, %mul3A_48 : i32
    "tpu.region"() ({
      %run_scoped3A = tpu.sem_alloc : memref<!tpu.dma_semaphore, #tpu.memory_space<semaphore_mem>>
      %dma_start3A = arith.constant 0 : i32
      %dma_start3A_50 = tpu.memref_slice %arg5[%mul3A_49, %dma_start3A] : memref<10240x128xf32, #tpu.memory_space<hbm>> -> memref<640x128xf32, #tpu.memory_space<hbm>>
      %dma_start3A_51 = arith.constant 0 : i32
      %dma_start3A_52 = tpu.memref_slice %arg10[%mul3A_47, %dma_start3A_51] : memref<10240x128xf32, #tpu.memory_space<vmem_shared>> -> memref<640x128xf32, #tpu.memory_space<vmem_shared>>
      tpu.enqueue_dma source(%dma_start3A_52 : memref<640x128xf32, #tpu.memory_space<vmem_shared>>) target(%dma_start3A_50 : memref<640x128xf32, #tpu.memory_space<hbm>>) target_semaphore(%run_scoped3A : memref<!tpu.dma_semaphore, #tpu.memory_space<semaphore_mem>>)
      %dma_wait3A = arith.constant 0 : i32
      %dma_wait3A_53 = tpu.memref_slice %arg5[%mul3A_49, %dma_wait3A] : memref<10240x128xf32, #tpu.memory_space<hbm>> -> memref<640x128xf32, #tpu.memory_space<hbm>>
      %dma_wait3A_54 = arith.constant 0 : i32
      %dma_wait3A_55 = tpu.memref_slice %arg10[%mul3A_47, %dma_wait3A_54] : memref<10240x128xf32, #tpu.memory_space<vmem_shared>> -> memref<640x128xf32, #tpu.memory_space<vmem_shared>>
      tpu.wait_dma2 semaphore(%run_scoped3A : memref<!tpu.dma_semaphore, #tpu.memory_space<semaphore_mem>>) src(%dma_wait3A_55 : memref<640x128xf32, #tpu.memory_space<vmem_shared>>) dst(%dma_wait3A_53 : memref<640x128xf32, #tpu.memory_space<hbm>>)
      tpu.yield
    }) : () -> ()
    return
  }
}

#map = affine_map<(d0, d1) -> (0, 0)>
#map1 = affine_map<(d0, d1) -> (0)>
module attributes {stable_mosaic.version = 14 : i64} {
  func.func @k(%arg0: i32, %arg1: i32, %arg2: memref<10000x128xf32, #tpu.memory_space<hbm>>, %arg3: memref<320000xi32, #tpu.memory_space<hbm>>, %arg4: memref<320000xi32, #tpu.memory_space<hbm>>, %arg5: memref<10240x128xf32, #tpu.memory_space<hbm>>, %arg6: memref<128xi32, #tpu.memory_space<vmem>>, %arg7: memref<128xi32, #tpu.memory_space<vmem>>, %arg8: memref<128x128xf32, #tpu.memory_space<vmem>>, %arg9: memref<64x128xf32, #tpu.memory_space<vmem>>, %arg10: memref<10240x128xf32, #tpu.memory_space<vmem_shared>>) attributes {dimension_semantics = [#tpu.dimension_semantics<core_parallel>, #tpu.dimension_semantics<subcore_parallel>], iteration_bounds = array<i64: 1, 16>, scalar_prefetch = 0 : i64, scratch_operands = 5 : i64, tpu.core_type = #tpu.core_type<sc_vector_subcore>, window_params = [{transform_indices = #map}, {transform_indices = #map1}, {transform_indices = #map1}, {transform_indices = #map}]} {
    %broadcast_in_dim3A = arith.constant 0.000000e+00 : f32
    %broadcast_in_dim3A_0 = vector.broadcast %broadcast_in_dim3A : f32 to vector<16xf32>
    %scan3A = arith.constant 0 : i32
    %scan3A_1 = arith.constant 0 : i32
    %scan3A_2 = arith.constant 512 : i32
    %scan3A_3 = arith.addi %scan3A_1, %scan3A_2 : i32
    %scan3A_4 = arith.constant 1 : i32
    %scan3A_5 = scf.for %scan3A_50 = %scan3A_1 to %scan3A_3 step %scan3A_4 iter_args(%scan3A_51 = %scan3A) -> (i32)  : i32 {
      %jit3A_52 = arith.constant 8 : i32
      %div3A_53 = arith.divsi %scan3A_50, %jit3A_52 : i32
      %sign3A_54 = arith.constant 0 : i32
      %sign3A_55 = arith.cmpi sgt, %scan3A_50, %sign3A_54 : i32
      %sign3A_56 = arith.extui %sign3A_55 : i1 to i32
      %sign3A_57 = arith.constant 0 : i32
      %sign3A_58 = arith.cmpi slt, %scan3A_50, %sign3A_57 : i32
      %sign3A_59 = arith.extui %sign3A_58 : i1 to i32
      %sign3A_60 = arith.subi %sign3A_56, %sign3A_59 : i32
      %sign3A_61 = arith.constant 0 : i32
      %sign3A_62 = arith.cmpi sgt, %jit3A_52, %sign3A_61 : i32
      %sign3A_63 = arith.extui %sign3A_62 : i1 to i32
      %sign3A_64 = arith.constant 0 : i32
      %sign3A_65 = arith.cmpi slt, %jit3A_52, %sign3A_64 : i32
      %sign3A_66 = arith.extui %sign3A_65 : i1 to i32
      %sign3A_67 = arith.subi %sign3A_63, %sign3A_66 : i32
      %ne3A_68 = arith.cmpi ne, %sign3A_60, %sign3A_67 : i32
      %rem3A_69 = arith.remsi %scan3A_50, %jit3A_52 : i32
      %ne3A_70 = arith.constant 0 : i32
      %ne3A_71 = arith.cmpi ne, %rem3A_69, %ne3A_70 : i32
      %and3A_72 = arith.andi %ne3A_68, %ne3A_71 : i1
      %sub3A_73 = arith.constant 1 : i32
      %sub3A_74 = arith.subi %div3A_53, %sub3A_73 : i32
      %select_n3A_75 = arith.select %and3A_72, %sub3A_74, %div3A_53 : i32
      %jit3A_76 = arith.constant 8 : i32
      %eq3A = arith.constant 0 : i32
      %eq3A_77 = arith.cmpi eq, %jit3A_76, %eq3A : i32
      %jit3A_78 = arith.constant 1 : i32
      %select_n3A_79 = arith.select %eq3A_77, %jit3A_78, %jit3A_76 : i32
      %rem3A_80 = arith.remsi %scan3A_50, %select_n3A_79 : i32
      %ne3A_81 = arith.constant 0 : i32
      %ne3A_82 = arith.cmpi ne, %rem3A_80, %ne3A_81 : i32
      %lt3A = arith.constant 0 : i32
      %lt3A_83 = arith.cmpi slt, %rem3A_80, %lt3A : i32
      %lt3A_84 = arith.constant 0 : i32
      %lt3A_85 = arith.cmpi slt, %select_n3A_79, %lt3A_84 : i32
      %ne3A_86 = arith.xori %lt3A_83, %lt3A_85 : i1
      %and3A_87 = arith.andi %ne3A_86, %ne3A_82 : i1
      %add3A_88 = arith.addi %rem3A_80, %select_n3A_79 : i32
      %select_n3A_89 = arith.select %and3A_87, %add3A_88, %rem3A_80 : i32
      %mul3A_90 = arith.constant 16 : i32
      %mul3A_91 = arith.muli %select_n3A_89, %mul3A_90 : i32
      %swap3A = arith.index_cast %select_n3A_75 : i32 to index
      %swap3A_92 = arith.index_cast %mul3A_91 : i32 to index
      %swap3A_93 = tpu.vector_load %arg9[%swap3A, %swap3A_92] {strides = array<i32>} : memref<64x128xf32, #tpu.memory_space<vmem>>, vector<1x16xf32>,
      %swap3A_94 = vector.shape_cast %swap3A_93 : vector<1x16xf32> to vector<16xf32>
      %swap3A_95 = vector.shape_cast %broadcast_in_dim3A_0 : vector<16xf32> to vector<1x16xf32>
      tpu.vector_store %arg9[%swap3A, %swap3A_92], %swap3A_95 {strides = array<i32>} : memref<64x128xf32, #tpu.memory_space<vmem>>, vector<1x16xf32>,
      %scan3A_96 = arith.constant 0 : i32
      scf.yield %scan3A_96 : i32
    }
    %scan3A_6 = arith.constant 512 : i32
    %scan3A_7 = arith.constant 0 : i32
    %scan3A_8 = arith.constant 0 : i32
    %scan3A_9 = arith.constant 10 : i32
    %scan3A_10 = arith.addi %scan3A_8, %scan3A_9 : i32
    %scan3A_11 = arith.constant 1 : i32
    %scan3A_12 = scf.for %scan3A_50 = %scan3A_8 to %scan3A_10 step %scan3A_11 iter_args(%scan3A_51 = %scan3A_7) -> (i32)  : i32 {
      %mul3A_52 = arith.constant 640 : i32
      %mul3A_53 = arith.muli %arg1, %mul3A_52 : i32
      %mul3A_54 = arith.constant 64 : i32
      %mul3A_55 = arith.muli %scan3A_50, %mul3A_54 : i32
      %add3A_56 = arith.addi %mul3A_53, %mul3A_55 : i32
      "tpu.region"() ({
        %run_scoped3A = tpu.sem_alloc : memref<!tpu.dma_semaphore, #tpu.memory_space<semaphore_mem>>
        %dma_start3A = arith.constant 0 : i32
        %dma_start3A_58 = arith.constant 0 : i32
        %dma_start3A_59 = tpu.memref_slice %arg9[%dma_start3A, %dma_start3A_58] : memref<64x128xf32, #tpu.memory_space<vmem>> -> memref<64x128xf32, #tpu.memory_space<vmem>>
        %dma_start3A_60 = arith.constant 0 : i32
        %dma_start3A_61 = tpu.memref_slice %arg10[%add3A_56, %dma_start3A_60] : memref<10240x128xf32, #tpu.memory_space<vmem_shared>> -> memref<64x128xf32, #tpu.memory_space<vmem_shared>>
        %dma_start3A_62 = arith.constant 0 : i32
        %dma_start3A_63 = tpu.memref_slice %arg10[%add3A_56, %dma_start3A_62] : memref<10240x128xf32, #tpu.memory_space<vmem_shared>> -> memref<64x128xf32, #tpu.memory_space<vmem_shared>>
        %dma_start3A_64 = arith.constant 0 : i32
        %dma_start3A_65 = arith.constant 0 : i32
        %dma_start3A_66 = tpu.memref_slice %arg9[%dma_start3A_64, %dma_start3A_65] : memref<64x128xf32, #tpu.memory_space<vmem>> -> memref<64x128xf32, #tpu.memory_space<vmem>>
        tpu.enqueue_dma source(%dma_start3A_66 : memref<64x128xf32, #tpu.memory_space<vmem>>) target(%dma_start3A_63 : memref<64x128xf32, #tpu.memory_space<vmem_shared>>) target_semaphore(%run_scoped3A : memref<!tpu.dma_semaphore, #tpu.memory_space<semaphore_mem>>)
        %dma_wait3A = arith.constant 0 : i32
        %dma_wait3A_67 = arith.constant 0 : i32
        %dma_wait3A_68 = tpu.memref_slice %arg9[%dma_wait3A, %dma_wait3A_67] : memref<64x128xf32, #tpu.memory_space<vmem>> -> memref<64x128xf32, #tpu.memory_space<vmem>>
        %dma_wait3A_69 = arith.constant 0 : i32
        %dma_wait3A_70 = tpu.memref_slice %arg10[%add3A_56, %dma_wait3A_69] : memref<10240x128xf32, #tpu.memory_space<vmem_shared>> -> memref<64x128xf32, #tpu.memory_space<vmem_shared>>
        %dma_wait3A_71 = arith.constant 0 : i32
        %dma_wait3A_72 = tpu.memref_slice %arg10[%add3A_56, %dma_wait3A_71] : memref<10240x128xf32, #tpu.memory_space<vmem_shared>> -> memref<64x128xf32, #tpu.memory_space<vmem_shared>>
        %dma_wait3A_73 = arith.constant 0 : i32
        %dma_wait3A_74 = arith.constant 0 : i32
        %dma_wait3A_75 = tpu.memref_slice %arg9[%dma_wait3A_73, %dma_wait3A_74] : memref<64x128xf32, #tpu.memory_space<vmem>> -> memref<64x128xf32, #tpu.memory_space<vmem>>
        tpu.wait_dma2 semaphore(%run_scoped3A : memref<!tpu.dma_semaphore, #tpu.memory_space<semaphore_mem>>) src(%dma_wait3A_75 : memref<64x128xf32, #tpu.memory_space<vmem>>) dst(%dma_wait3A_72 : memref<64x128xf32, #tpu.memory_space<vmem_shared>>)
        tpu.yield
      }) : () -> ()
      %scan3A_57 = arith.constant 0 : i32
      scf.yield %scan3A_57 : i32
    }
    %scan3A_13 = arith.constant 10 : i32
    %barrier3A = arith.constant 0 : index
    tpu.barrier barrier_id(%barrier3A)
    %sub3A = arith.constant 2500 : i32
    %sub3A_14 = arith.subi %sub3A, %arg1 : i32
    %add3A = arith.constant 16 : i32
    %add3A_15 = arith.addi %sub3A_14, %add3A : i32
    %sub3A_16 = arith.constant 1 : i32
    %sub3A_17 = arith.subi %add3A_15, %sub3A_16 : i32
    %jit3A = arith.constant 16 : i32
    %div3A = arith.divsi %sub3A_17, %jit3A : i32
    %sign3A = arith.constant 0 : i32
    %sign3A_18 = arith.cmpi sgt, %sub3A_17, %sign3A : i32
    %sign3A_19 = arith.extui %sign3A_18 : i1 to i32
    %sign3A_20 = arith.constant 0 : i32
    %sign3A_21 = arith.cmpi slt, %sub3A_17, %sign3A_20 : i32
    %sign3A_22 = arith.extui %sign3A_21 : i1 to i32
    %sign3A_23 = arith.subi %sign3A_19, %sign3A_22 : i32
    %sign3A_24 = arith.constant 0 : i32
    %sign3A_25 = arith.cmpi sgt, %jit3A, %sign3A_24 : i32
    %sign3A_26 = arith.extui %sign3A_25 : i1 to i32
    %sign3A_27 = arith.constant 0 : i32
    %sign3A_28 = arith.cmpi slt, %jit3A, %sign3A_27 : i32
    %sign3A_29 = arith.extui %sign3A_28 : i1 to i32
    %sign3A_30 = arith.subi %sign3A_26, %sign3A_29 : i32
    %ne3A = arith.cmpi ne, %sign3A_23, %sign3A_30 : i32
    %rem3A = arith.remsi %sub3A_17, %jit3A : i32
    %ne3A_31 = arith.constant 0 : i32
    %ne3A_32 = arith.cmpi ne, %rem3A, %ne3A_31 : i32
    %and3A = arith.andi %ne3A, %ne3A_32 : i1
    %sub3A_33 = arith.constant 1 : i32
    %sub3A_34 = arith.subi %div3A, %sub3A_33 : i32
    %select_n3A = arith.select %and3A, %sub3A_34, %div3A : i32
    %while3A = arith.constant 0 : i32
    %while3A_35 = arith.constant 0 : i32
    %while3A_36 = arith.subi %select_n3A, %while3A : i32
    %while3A_37 = arith.addi %while3A, %while3A_36 : i32
    %while3A_38 = arith.constant 1 : i32
    %while3A_39 = arith.divsi %while3A_36, %while3A_38 : i32
    %while3A_40 = arith.muli %while3A_39, %while3A_38 : i32
    %while3A_41 = arith.addi %while3A, %while3A_40 : i32
    %while3A_42 = arith.constant 1 : i32
    %while3A_43 = scf.for %while3A_50 = %while3A to %while3A_41 step %while3A_42 iter_args(%while3A_51 = %while3A_35) -> (i32)  : i32 {
      %mul3A_52 = arith.constant 16 : i32
      %mul3A_53 = arith.muli %while3A_50, %mul3A_52 : i32
      %add3A_54 = arith.addi %arg1, %mul3A_53 : i32
      %mul3A_55 = arith.constant 128 : i32
      %mul3A_56 = arith.muli %add3A_54, %mul3A_55 : i32
      "tpu.region"() ({
        %run_scoped3A = tpu.sem_alloc : memref<!tpu.dma_semaphore, #tpu.memory_space<semaphore_mem>>
        %dma_start3A = tpu.memref_slice %arg3[%mul3A_56] : memref<320000xi32, #tpu.memory_space<hbm>> -> memref<128xi32, #tpu.memory_space<hbm>>
        %dma_start3A_58 = tpu.memref_slice %arg3[%mul3A_56] : memref<320000xi32, #tpu.memory_space<hbm>> -> memref<128xi32, #tpu.memory_space<hbm>>
        tpu.enqueue_dma source(%dma_start3A_58 : memref<128xi32, #tpu.memory_space<hbm>>) target(%arg6 : memref<128xi32, #tpu.memory_space<vmem>>) target_semaphore(%run_scoped3A : memref<!tpu.dma_semaphore, #tpu.memory_space<semaphore_mem>>)
        %dma_wait3A = tpu.memref_slice %arg3[%mul3A_56] : memref<320000xi32, #tpu.memory_space<hbm>> -> memref<128xi32, #tpu.memory_space<hbm>>
        %dma_wait3A_59 = tpu.memref_slice %arg3[%mul3A_56] : memref<320000xi32, #tpu.memory_space<hbm>> -> memref<128xi32, #tpu.memory_space<hbm>>
        tpu.wait_dma2 semaphore(%run_scoped3A : memref<!tpu.dma_semaphore, #tpu.memory_space<semaphore_mem>>) src(%dma_wait3A_59 : memref<128xi32, #tpu.memory_space<hbm>>) dst(%arg6 : memref<128xi32, #tpu.memory_space<vmem>>)
        tpu.yield
      }) : () -> ()
      "tpu.region"() ({
        %run_scoped3A = tpu.sem_alloc : memref<!tpu.dma_semaphore, #tpu.memory_space<semaphore_mem>>
        %dma_start3A = tpu.memref_slice %arg4[%mul3A_56] : memref<320000xi32, #tpu.memory_space<hbm>> -> memref<128xi32, #tpu.memory_space<hbm>>
        %dma_start3A_58 = tpu.memref_slice %arg4[%mul3A_56] : memref<320000xi32, #tpu.memory_space<hbm>> -> memref<128xi32, #tpu.memory_space<hbm>>
        tpu.enqueue_dma source(%dma_start3A_58 : memref<128xi32, #tpu.memory_space<hbm>>) target(%arg7 : memref<128xi32, #tpu.memory_space<vmem>>) target_semaphore(%run_scoped3A : memref<!tpu.dma_semaphore, #tpu.memory_space<semaphore_mem>>)
        %dma_wait3A = tpu.memref_slice %arg4[%mul3A_56] : memref<320000xi32, #tpu.memory_space<hbm>> -> memref<128xi32, #tpu.memory_space<hbm>>
        %dma_wait3A_59 = tpu.memref_slice %arg4[%mul3A_56] : memref<320000xi32, #tpu.memory_space<hbm>> -> memref<128xi32, #tpu.memory_space<hbm>>
        tpu.wait_dma2 semaphore(%run_scoped3A : memref<!tpu.dma_semaphore, #tpu.memory_space<semaphore_mem>>) src(%dma_wait3A_59 : memref<128xi32, #tpu.memory_space<hbm>>) dst(%arg7 : memref<128xi32, #tpu.memory_space<vmem>>)
        tpu.yield
      }) : () -> ()
      "tpu.region"() ({
        %run_scoped3A = tpu.sem_alloc : memref<!tpu.dma_semaphore, #tpu.memory_space<semaphore_mem>>
        %dma_start3A = arith.constant 0 : i32
        %dma_start3A_58 = arith.constant 0 : i32
        %dma_start3A_59 = tpu.memref_slice %arg2[%dma_start3A, %dma_start3A_58] : memref<10000x128xf32, #tpu.memory_space<hbm>> -> memref<10000x128xf32, #tpu.memory_space<hbm>>
        tpu.enqueue_indirect_dma source(%dma_start3A_59 : memref<10000x128xf32, #tpu.memory_space<hbm>>) target(%arg8 : memref<128x128xf32, #tpu.memory_space<vmem>>) offsets(%arg6 : memref<128xi32, #tpu.memory_space<vmem>>) semaphore(%run_scoped3A : memref<!tpu.dma_semaphore, #tpu.memory_space<semaphore_mem>>)
        %dma_wait3A = arith.constant 0 : i32
        %dma_wait3A_60 = arith.constant 0 : i32
        %dma_wait3A_61 = tpu.memref_slice %arg2[%dma_wait3A, %dma_wait3A_60] : memref<10000x128xf32, #tpu.memory_space<hbm>> -> memref<10000x128xf32, #tpu.memory_space<hbm>>
        tpu.wait_indirect_dma semaphore(%run_scoped3A : memref<!tpu.dma_semaphore, #tpu.memory_space<semaphore_mem>>) src(%dma_wait3A_61 : memref<10000x128xf32, #tpu.memory_space<hbm>>) dst(%arg8 : memref<128x128xf32, #tpu.memory_space<vmem>>)
        tpu.yield
      }) : () -> ()
      "tpu.region"() ({
        %run_scoped3A = tpu.sem_alloc : memref<!tpu.dma_semaphore, #tpu.memory_space<semaphore_mem>>
        %dma_start3A = arith.constant 0 : i32
        %dma_start3A_58 = arith.constant 0 : i32
        %dma_start3A_59 = tpu.memref_slice %arg10[%dma_start3A, %dma_start3A_58] : memref<10240x128xf32, #tpu.memory_space<vmem_shared>> -> memref<10240x128xf32, #tpu.memory_space<vmem_shared>>
        tpu.enqueue_indirect_dma source(%arg8 : memref<128x128xf32, #tpu.memory_space<vmem>>) target(%dma_start3A_59 : memref<10240x128xf32, #tpu.memory_space<vmem_shared>>) offsets(%arg7 : memref<128xi32, #tpu.memory_space<vmem>>) semaphore(%run_scoped3A : memref<!tpu.dma_semaphore, #tpu.memory_space<semaphore_mem>>) {add = true}
        %dma_wait3A = arith.constant 0 : i32
        %dma_wait3A_60 = arith.constant 0 : i32
        %dma_wait3A_61 = tpu.memref_slice %arg10[%dma_wait3A, %dma_wait3A_60] : memref<10240x128xf32, #tpu.memory_space<vmem_shared>> -> memref<10240x128xf32, #tpu.memory_space<vmem_shared>>
        tpu.wait_indirect_dma semaphore(%run_scoped3A : memref<!tpu.dma_semaphore, #tpu.memory_space<semaphore_mem>>) src(%arg8 : memref<128x128xf32, #tpu.memory_space<vmem>>) dst(%dma_wait3A_61 : memref<10240x128xf32, #tpu.memory_space<vmem_shared>>)
        tpu.yield
      }) : () -> ()
      %while3A_57 = arith.constant 0 : i32
      scf.yield %while3A_57 : i32
    }
    %while3A_44 = arith.constant 1 : i32
    %while3A_45 = scf.for %while3A_50 = %while3A_41 to %while3A_37 step %while3A_44 iter_args(%while3A_51 = %while3A_43) -> (i32)  : i32 {
      %mul3A_52 = arith.constant 16 : i32
      %mul3A_53 = arith.muli %while3A_50, %mul3A_52 : i32
      %add3A_54 = arith.addi %arg1, %mul3A_53 : i32
      %mul3A_55 = arith.constant 128 : i32
      %mul3A_56 = arith.muli %add3A_54, %mul3A_55 : i32
      "tpu.region"() ({
        %run_scoped3A = tpu.sem_alloc : memref<!tpu.dma_semaphore, #tpu.memory_space<semaphore_mem>>
        %dma_start3A = tpu.memref_slice %arg3[%mul3A_56] : memref<320000xi32, #tpu.memory_space<hbm>> -> memref<128xi32, #tpu.memory_space<hbm>>
        %dma_start3A_58 = tpu.memref_slice %arg3[%mul3A_56] : memref<320000xi32, #tpu.memory_space<hbm>> -> memref<128xi32, #tpu.memory_space<hbm>>
        tpu.enqueue_dma source(%dma_start3A_58 : memref<128xi32, #tpu.memory_space<hbm>>) target(%arg6 : memref<128xi32, #tpu.memory_space<vmem>>) target_semaphore(%run_scoped3A : memref<!tpu.dma_semaphore, #tpu.memory_space<semaphore_mem>>)
        %dma_wait3A = tpu.memref_slice %arg3[%mul3A_56] : memref<320000xi32, #tpu.memory_space<hbm>> -> memref<128xi32, #tpu.memory_space<hbm>>
        %dma_wait3A_59 = tpu.memref_slice %arg3[%mul3A_56] : memref<320000xi32, #tpu.memory_space<hbm>> -> memref<128xi32, #tpu.memory_space<hbm>>
        tpu.wait_dma2 semaphore(%run_scoped3A : memref<!tpu.dma_semaphore, #tpu.memory_space<semaphore_mem>>) src(%dma_wait3A_59 : memref<128xi32, #tpu.memory_space<hbm>>) dst(%arg6 : memref<128xi32, #tpu.memory_space<vmem>>)
        tpu.yield
      }) : () -> ()
      "tpu.region"() ({
        %run_scoped3A = tpu.sem_alloc : memref<!tpu.dma_semaphore, #tpu.memory_space<semaphore_mem>>
        %dma_start3A = tpu.memref_slice %arg4[%mul3A_56] : memref<320000xi32, #tpu.memory_space<hbm>> -> memref<128xi32, #tpu.memory_space<hbm>>
        %dma_start3A_58 = tpu.memref_slice %arg4[%mul3A_56] : memref<320000xi32, #tpu.memory_space<hbm>> -> memref<128xi32, #tpu.memory_space<hbm>>
        tpu.enqueue_dma source(%dma_start3A_58 : memref<128xi32, #tpu.memory_space<hbm>>) target(%arg7 : memref<128xi32, #tpu.memory_space<vmem>>) target_semaphore(%run_scoped3A : memref<!tpu.dma_semaphore, #tpu.memory_space<semaphore_mem>>)
        %dma_wait3A = tpu.memref_slice %arg4[%mul3A_56] : memref<320000xi32, #tpu.memory_space<hbm>> -> memref<128xi32, #tpu.memory_space<hbm>>
        %dma_wait3A_59 = tpu.memref_slice %arg4[%mul3A_56] : memref<320000xi32, #tpu.memory_space<hbm>> -> memref<128xi32, #tpu.memory_space<hbm>>
        tpu.wait_dma2 semaphore(%run_scoped3A : memref<!tpu.dma_semaphore, #tpu.memory_space<semaphore_mem>>) src(%dma_wait3A_59 : memref<128xi32, #tpu.memory_space<hbm>>) dst(%arg7 : memref<128xi32, #tpu.memory_space<vmem>>)
        tpu.yield
      }) : () -> ()
      "tpu.region"() ({
        %run_scoped3A = tpu.sem_alloc : memref<!tpu.dma_semaphore, #tpu.memory_space<semaphore_mem>>
        %dma_start3A = arith.constant 0 : i32
        %dma_start3A_58 = arith.constant 0 : i32
        %dma_start3A_59 = tpu.memref_slice %arg2[%dma_start3A, %dma_start3A_58] : memref<10000x128xf32, #tpu.memory_space<hbm>> -> memref<10000x128xf32, #tpu.memory_space<hbm>>
        tpu.enqueue_indirect_dma source(%dma_start3A_59 : memref<10000x128xf32, #tpu.memory_space<hbm>>) target(%arg8 : memref<128x128xf32, #tpu.memory_space<vmem>>) offsets(%arg6 : memref<128xi32, #tpu.memory_space<vmem>>) semaphore(%run_scoped3A : memref<!tpu.dma_semaphore, #tpu.memory_space<semaphore_mem>>)
        %dma_wait3A = arith.constant 0 : i32
        %dma_wait3A_60 = arith.constant 0 : i32
        %dma_wait3A_61 = tpu.memref_slice %arg2[%dma_wait3A, %dma_wait3A_60] : memref<10000x128xf32, #tpu.memory_space<hbm>> -> memref<10000x128xf32, #tpu.memory_space<hbm>>
        tpu.wait_indirect_dma semaphore(%run_scoped3A : memref<!tpu.dma_semaphore, #tpu.memory_space<semaphore_mem>>) src(%dma_wait3A_61 : memref<10000x128xf32, #tpu.memory_space<hbm>>) dst(%arg8 : memref<128x128xf32, #tpu.memory_space<vmem>>)
        tpu.yield
      }) : () -> ()
      "tpu.region"() ({
        %run_scoped3A = tpu.sem_alloc : memref<!tpu.dma_semaphore, #tpu.memory_space<semaphore_mem>>
        %dma_start3A = arith.constant 0 : i32
        %dma_start3A_58 = arith.constant 0 : i32
        %dma_start3A_59 = tpu.memref_slice %arg10[%dma_start3A, %dma_start3A_58] : memref<10240x128xf32, #tpu.memory_space<vmem_shared>> -> memref<10240x128xf32, #tpu.memory_space<vmem_shared>>
        tpu.enqueue_indirect_dma source(%arg8 : memref<128x128xf32, #tpu.memory_space<vmem>>) target(%dma_start3A_59 : memref<10240x128xf32, #tpu.memory_space<vmem_shared>>) offsets(%arg7 : memref<128xi32, #tpu.memory_space<vmem>>) semaphore(%run_scoped3A : memref<!tpu.dma_semaphore, #tpu.memory_space<semaphore_mem>>) {add = true}
        %dma_wait3A = arith.constant 0 : i32
        %dma_wait3A_60 = arith.constant 0 : i32
        %dma_wait3A_61 = tpu.memref_slice %arg10[%dma_wait3A, %dma_wait3A_60] : memref<10240x128xf32, #tpu.memory_space<vmem_shared>> -> memref<10240x128xf32, #tpu.memory_space<vmem_shared>>
        tpu.wait_indirect_dma semaphore(%run_scoped3A : memref<!tpu.dma_semaphore, #tpu.memory_space<semaphore_mem>>) src(%arg8 : memref<128x128xf32, #tpu.memory_space<vmem>>) dst(%dma_wait3A_61 : memref<10240x128xf32, #tpu.memory_space<vmem_shared>>)
        tpu.yield
      }) : () -> ()
      %while3A_57 = arith.constant 0 : i32
      scf.yield %while3A_57 : i32
    }
    %barrier3A_46 = arith.constant 0 : index
    tpu.barrier barrier_id(%barrier3A_46)
    %mul3A = arith.constant 640 : i32
    %mul3A_47 = arith.muli %arg1, %mul3A : i32
    %mul3A_48 = arith.constant 640 : i32
    %mul3A_49 = arith.muli %arg1, %mul3A_48 : i32
    "tpu.region"() ({
      %run_scoped3A = tpu.sem_alloc : memref<!tpu.dma_semaphore, #tpu.memory_space<semaphore_mem>>
      %dma_start3A = arith.constant 0 : i32
      %dma_start3A_50 = tpu.memref_slice %arg5[%mul3A_49, %dma_start3A] : memref<10240x128xf32, #tpu.memory_space<hbm>> -> memref<640x128xf32, #tpu.memory_space<hbm>>
      %dma_start3A_51 = arith.constant 0 : i32
      %dma_start3A_52 = tpu.memref_slice %arg10[%mul3A_47, %dma_start3A_51] : memref<10240x128xf32, #tpu.memory_space<vmem_shared>> -> memref<640x128xf32, #tpu.memory_space<vmem_shared>>
      tpu.enqueue_dma source(%dma_start3A_52 : memref<640x128xf32, #tpu.memory_space<vmem_shared>>) target(%dma_start3A_50 : memref<640x128xf32, #tpu.memory_space<hbm>>) target_semaphore(%run_scoped3A : memref<!tpu.dma_semaphore, #tpu.memory_space<semaphore_mem>>)
      %dma_wait3A = arith.constant 0 : i32
      %dma_wait3A_53 = tpu.memref_slice %arg5[%mul3A_49, %dma_wait3A] : memref<10240x128xf32, #tpu.memory_space<hbm>> -> memref<640x128xf32, #tpu.memory_space<hbm>>
      %dma_wait3A_54 = arith.constant 0 : i32
      %dma_wait3A_55 = tpu.memref_slice %arg10[%mul3A_47, %dma_wait3A_54] : memref<10240x128xf32, #tpu.memory_space<vmem_shared>> -> memref<640x128xf32, #tpu.memory_space<vmem_shared>>
      tpu.wait_dma2 semaphore(%run_scoped3A : memref<!tpu.dma_semaphore, #tpu.memory_space<semaphore_mem>>) src(%dma_wait3A_55 : memref<640x128xf32, #tpu.memory_space<vmem_shared>>) dst(%dma_wait3A_53 : memref<640x128xf32, #tpu.memory_space<hbm>>)
      tpu.yield
    }) : () -> ()
    return
  }
}

#map = affine_map<(d0, d1) -> (0)>
#map1 = affine_map<(d0, d1) -> (0, 0)>
module attributes {stable_mosaic.version = 14 : i64} {
  func.func @k(%arg0: i32, %arg1: i32, %arg2: memref<10240xf32, #tpu.memory_space<hbm>>, %arg3: memref<10240xi32, #tpu.memory_space<hbm>>, %arg4: memref<2x2048xf32, #tpu.memory_space<hbm>>, %arg5: memref<128xi32, #tpu.memory_space<vmem>>, %arg6: memref<128xf32, #tpu.memory_space<vmem>>, %arg7: memref<128xf32, #tpu.memory_space<vmem>>, %arg8: memref<2048xf32, #tpu.memory_space<vmem_shared>>) attributes {dimension_semantics = [#tpu.dimension_semantics<core_parallel>, #tpu.dimension_semantics<subcore_parallel>], iteration_bounds = array<i64: 2, 16>, scalar_prefetch = 0 : i64, scratch_operands = 4 : i64, tpu.core_type = #tpu.core_type<sc_vector_subcore>, window_params = [{transform_indices = #map}, {transform_indices = #map}, {transform_indices = #map1}]} {
    %mul3A = arith.constant 16 : i32
    %mul3A_0 = arith.muli %arg0, %mul3A : i32
    %add3A = arith.addi %mul3A_0, %arg1 : i32
    %broadcast_in_dim3A = arith.constant 0.000000e+00 : f32
    %broadcast_in_dim3A_1 = vector.broadcast %broadcast_in_dim3A : f32 to vector<16xf32>
    %scan3A = arith.constant 0 : i32
    %scan3A_2 = arith.constant 0 : i32
    %scan3A_3 = arith.constant 8 : i32
    %scan3A_4 = arith.addi %scan3A_2, %scan3A_3 : i32
    %scan3A_5 = arith.constant 1 : i32
    %scan3A_6 = scf.for %scan3A_48 = %scan3A_2 to %scan3A_4 step %scan3A_5 iter_args(%scan3A_49 = %scan3A) -> (i32)  : i32 {
      %mul3A_50 = arith.constant 16 : i32
      %mul3A_51 = arith.muli %scan3A_48, %mul3A_50 : i32
      %swap3A = arith.index_cast %mul3A_51 : i32 to index
      %swap3A_52 = tpu.vector_load %arg7[%swap3A] {strides = array<i32>} : memref<128xf32, #tpu.memory_space<vmem>>, vector<16xf32>,
      %swap3A_53 = vector.shape_cast %swap3A_52 : vector<16xf32> to vector<16xf32>
      %swap3A_54 = vector.shape_cast %broadcast_in_dim3A_1 : vector<16xf32> to vector<16xf32>
      tpu.vector_store %arg7[%swap3A], %swap3A_54 {strides = array<i32>} : memref<128xf32, #tpu.memory_space<vmem>>, vector<16xf32>,
      %scan3A_55 = arith.constant 0 : i32
      scf.yield %scan3A_55 : i32
    }
    %scan3A_7 = arith.constant 8 : i32
    %mul3A_8 = arith.constant 128 : i32
    %mul3A_9 = arith.muli %arg1, %mul3A_8 : i32
    "tpu.region"() ({
      %run_scoped3A = tpu.sem_alloc : memref<!tpu.dma_semaphore, #tpu.memory_space<semaphore_mem>>
      %dma_start3A = tpu.memref_slice %arg8[%mul3A_9] : memref<2048xf32, #tpu.memory_space<vmem_shared>> -> memref<128xf32, #tpu.memory_space<vmem_shared>>
      %dma_start3A_48 = tpu.memref_slice %arg8[%mul3A_9] : memref<2048xf32, #tpu.memory_space<vmem_shared>> -> memref<128xf32, #tpu.memory_space<vmem_shared>>
      tpu.enqueue_dma source(%arg7 : memref<128xf32, #tpu.memory_space<vmem>>) target(%dma_start3A_48 : memref<128xf32, #tpu.memory_space<vmem_shared>>) target_semaphore(%run_scoped3A : memref<!tpu.dma_semaphore, #tpu.memory_space<semaphore_mem>>)
      %dma_wait3A = tpu.memref_slice %arg8[%mul3A_9] : memref<2048xf32, #tpu.memory_space<vmem_shared>> -> memref<128xf32, #tpu.memory_space<vmem_shared>>
      %dma_wait3A_49 = tpu.memref_slice %arg8[%mul3A_9] : memref<2048xf32, #tpu.memory_space<vmem_shared>> -> memref<128xf32, #tpu.memory_space<vmem_shared>>
      tpu.wait_dma2 semaphore(%run_scoped3A : memref<!tpu.dma_semaphore, #tpu.memory_space<semaphore_mem>>) src(%arg7 : memref<128xf32, #tpu.memory_space<vmem>>) dst(%dma_wait3A_49 : memref<128xf32, #tpu.memory_space<vmem_shared>>)
      tpu.yield
    }) : () -> ()
    %barrier3A = arith.constant 0 : index
    tpu.barrier barrier_id(%barrier3A)
    %sub3A = arith.constant 80 : i32
    %sub3A_10 = arith.subi %sub3A, %add3A : i32
    %add3A_11 = arith.constant 32 : i32
    %add3A_12 = arith.addi %sub3A_10, %add3A_11 : i32
    %sub3A_13 = arith.constant 1 : i32
    %sub3A_14 = arith.subi %add3A_12, %sub3A_13 : i32
    %jit3A = arith.constant 32 : i32
    %div3A = arith.divsi %sub3A_14, %jit3A : i32
    %sign3A = arith.constant 0 : i32
    %sign3A_15 = arith.cmpi sgt, %sub3A_14, %sign3A : i32
    %sign3A_16 = arith.extui %sign3A_15 : i1 to i32
    %sign3A_17 = arith.constant 0 : i32
    %sign3A_18 = arith.cmpi slt, %sub3A_14, %sign3A_17 : i32
    %sign3A_19 = arith.extui %sign3A_18 : i1 to i32
    %sign3A_20 = arith.subi %sign3A_16, %sign3A_19 : i32
    %sign3A_21 = arith.constant 0 : i32
    %sign3A_22 = arith.cmpi sgt, %jit3A, %sign3A_21 : i32
    %sign3A_23 = arith.extui %sign3A_22 : i1 to i32
    %sign3A_24 = arith.constant 0 : i32
    %sign3A_25 = arith.cmpi slt, %jit3A, %sign3A_24 : i32
    %sign3A_26 = arith.extui %sign3A_25 : i1 to i32
    %sign3A_27 = arith.subi %sign3A_23, %sign3A_26 : i32
    %ne3A = arith.cmpi ne, %sign3A_20, %sign3A_27 : i32
    %rem3A = arith.remsi %sub3A_14, %jit3A : i32
    %ne3A_28 = arith.constant 0 : i32
    %ne3A_29 = arith.cmpi ne, %rem3A, %ne3A_28 : i32
    %and3A = arith.andi %ne3A, %ne3A_29 : i1
    %sub3A_30 = arith.constant 1 : i32
    %sub3A_31 = arith.subi %div3A, %sub3A_30 : i32
    %select_n3A = arith.select %and3A, %sub3A_31, %div3A : i32
    %while3A = arith.constant 0 : i32
    %while3A_32 = arith.constant 0 : i32
    %while3A_33 = arith.subi %select_n3A, %while3A : i32
    %while3A_34 = arith.addi %while3A, %while3A_33 : i32
    %while3A_35 = arith.constant 1 : i32
    %while3A_36 = arith.divsi %while3A_33, %while3A_35 : i32
    %while3A_37 = arith.muli %while3A_36, %while3A_35 : i32
    %while3A_38 = arith.addi %while3A, %while3A_37 : i32
    %while3A_39 = arith.constant 1 : i32
    %while3A_40 = scf.for %while3A_48 = %while3A to %while3A_38 step %while3A_39 iter_args(%while3A_49 = %while3A_32) -> (i32)  : i32 {
      %mul3A_50 = arith.constant 32 : i32
      %mul3A_51 = arith.muli %while3A_48, %mul3A_50 : i32
      %add3A_52 = arith.addi %add3A, %mul3A_51 : i32
      %mul3A_53 = arith.constant 128 : i32
      %mul3A_54 = arith.muli %add3A_52, %mul3A_53 : i32
      "tpu.region"() ({
        %run_scoped3A = tpu.sem_alloc : memref<!tpu.dma_semaphore, #tpu.memory_space<semaphore_mem>>
        %dma_start3A = tpu.memref_slice %arg3[%mul3A_54] : memref<10240xi32, #tpu.memory_space<hbm>> -> memref<128xi32, #tpu.memory_space<hbm>>
        %dma_start3A_56 = tpu.memref_slice %arg3[%mul3A_54] : memref<10240xi32, #tpu.memory_space<hbm>> -> memref<128xi32, #tpu.memory_space<hbm>>
        tpu.enqueue_dma source(%dma_start3A_56 : memref<128xi32, #tpu.memory_space<hbm>>) target(%arg5 : memref<128xi32, #tpu.memory_space<vmem>>) target_semaphore(%run_scoped3A : memref<!tpu.dma_semaphore, #tpu.memory_space<semaphore_mem>>)
        %dma_wait3A = tpu.memref_slice %arg3[%mul3A_54] : memref<10240xi32, #tpu.memory_space<hbm>> -> memref<128xi32, #tpu.memory_space<hbm>>
        %dma_wait3A_57 = tpu.memref_slice %arg3[%mul3A_54] : memref<10240xi32, #tpu.memory_space<hbm>> -> memref<128xi32, #tpu.memory_space<hbm>>
        tpu.wait_dma2 semaphore(%run_scoped3A : memref<!tpu.dma_semaphore, #tpu.memory_space<semaphore_mem>>) src(%dma_wait3A_57 : memref<128xi32, #tpu.memory_space<hbm>>) dst(%arg5 : memref<128xi32, #tpu.memory_space<vmem>>)
        tpu.yield
      }) : () -> ()
      "tpu.region"() ({
        %run_scoped3A = tpu.sem_alloc : memref<!tpu.dma_semaphore, #tpu.memory_space<semaphore_mem>>
        %dma_start3A = tpu.memref_slice %arg2[%mul3A_54] : memref<10240xf32, #tpu.memory_space<hbm>> -> memref<128xf32, #tpu.memory_space<hbm>>
        %dma_start3A_56 = tpu.memref_slice %arg2[%mul3A_54] : memref<10240xf32, #tpu.memory_space<hbm>> -> memref<128xf32, #tpu.memory_space<hbm>>
        tpu.enqueue_dma source(%dma_start3A_56 : memref<128xf32, #tpu.memory_space<hbm>>) target(%arg6 : memref<128xf32, #tpu.memory_space<vmem>>) target_semaphore(%run_scoped3A : memref<!tpu.dma_semaphore, #tpu.memory_space<semaphore_mem>>)
        %dma_wait3A = tpu.memref_slice %arg2[%mul3A_54] : memref<10240xf32, #tpu.memory_space<hbm>> -> memref<128xf32, #tpu.memory_space<hbm>>
        %dma_wait3A_57 = tpu.memref_slice %arg2[%mul3A_54] : memref<10240xf32, #tpu.memory_space<hbm>> -> memref<128xf32, #tpu.memory_space<hbm>>
        tpu.wait_dma2 semaphore(%run_scoped3A : memref<!tpu.dma_semaphore, #tpu.memory_space<semaphore_mem>>) src(%dma_wait3A_57 : memref<128xf32, #tpu.memory_space<hbm>>) dst(%arg6 : memref<128xf32, #tpu.memory_space<vmem>>)
        tpu.yield
      }) : () -> ()
      "tpu.region"() ({
        %run_scoped3A = tpu.sem_alloc : memref<!tpu.dma_semaphore, #tpu.memory_space<semaphore_mem>>
        %dma_start3A = arith.constant 0 : i32
        %dma_start3A_56 = tpu.memref_slice %arg8[%dma_start3A] : memref<2048xf32, #tpu.memory_space<vmem_shared>> -> memref<2048xf32, #tpu.memory_space<vmem_shared>>
        tpu.enqueue_indirect_dma source(%arg6 : memref<128xf32, #tpu.memory_space<vmem>>) target(%dma_start3A_56 : memref<2048xf32, #tpu.memory_space<vmem_shared>>) offsets(%arg5 : memref<128xi32, #tpu.memory_space<vmem>>) semaphore(%run_scoped3A : memref<!tpu.dma_semaphore, #tpu.memory_space<semaphore_mem>>) {add = true}
        %dma_wait3A = arith.constant 0 : i32
        %dma_wait3A_57 = tpu.memref_slice %arg8[%dma_wait3A] : memref<2048xf32, #tpu.memory_space<vmem_shared>> -> memref<2048xf32, #tpu.memory_space<vmem_shared>>
        tpu.wait_indirect_dma semaphore(%run_scoped3A : memref<!tpu.dma_semaphore, #tpu.memory_space<semaphore_mem>>) src(%arg6 : memref<128xf32, #tpu.memory_space<vmem>>) dst(%dma_wait3A_57 : memref<2048xf32, #tpu.memory_space<vmem_shared>>)
        tpu.yield
      }) : () -> ()
      %while3A_55 = arith.constant 0 : i32
      scf.yield %while3A_55 : i32
    }
    %while3A_41 = arith.constant 1 : i32
    %while3A_42 = scf.for %while3A_48 = %while3A_38 to %while3A_34 step %while3A_41 iter_args(%while3A_49 = %while3A_40) -> (i32)  : i32 {
      %mul3A_50 = arith.constant 32 : i32
      %mul3A_51 = arith.muli %while3A_48, %mul3A_50 : i32
      %add3A_52 = arith.addi %add3A, %mul3A_51 : i32
      %mul3A_53 = arith.constant 128 : i32
      %mul3A_54 = arith.muli %add3A_52, %mul3A_53 : i32
      "tpu.region"() ({
        %run_scoped3A = tpu.sem_alloc : memref<!tpu.dma_semaphore, #tpu.memory_space<semaphore_mem>>
        %dma_start3A = tpu.memref_slice %arg3[%mul3A_54] : memref<10240xi32, #tpu.memory_space<hbm>> -> memref<128xi32, #tpu.memory_space<hbm>>
        %dma_start3A_56 = tpu.memref_slice %arg3[%mul3A_54] : memref<10240xi32, #tpu.memory_space<hbm>> -> memref<128xi32, #tpu.memory_space<hbm>>
        tpu.enqueue_dma source(%dma_start3A_56 : memref<128xi32, #tpu.memory_space<hbm>>) target(%arg5 : memref<128xi32, #tpu.memory_space<vmem>>) target_semaphore(%run_scoped3A : memref<!tpu.dma_semaphore, #tpu.memory_space<semaphore_mem>>)
        %dma_wait3A = tpu.memref_slice %arg3[%mul3A_54] : memref<10240xi32, #tpu.memory_space<hbm>> -> memref<128xi32, #tpu.memory_space<hbm>>
        %dma_wait3A_57 = tpu.memref_slice %arg3[%mul3A_54] : memref<10240xi32, #tpu.memory_space<hbm>> -> memref<128xi32, #tpu.memory_space<hbm>>
        tpu.wait_dma2 semaphore(%run_scoped3A : memref<!tpu.dma_semaphore, #tpu.memory_space<semaphore_mem>>) src(%dma_wait3A_57 : memref<128xi32, #tpu.memory_space<hbm>>) dst(%arg5 : memref<128xi32, #tpu.memory_space<vmem>>)
        tpu.yield
      }) : () -> ()
      "tpu.region"() ({
        %run_scoped3A = tpu.sem_alloc : memref<!tpu.dma_semaphore, #tpu.memory_space<semaphore_mem>>
        %dma_start3A = tpu.memref_slice %arg2[%mul3A_54] : memref<10240xf32, #tpu.memory_space<hbm>> -> memref<128xf32, #tpu.memory_space<hbm>>
        %dma_start3A_56 = tpu.memref_slice %arg2[%mul3A_54] : memref<10240xf32, #tpu.memory_space<hbm>> -> memref<128xf32, #tpu.memory_space<hbm>>
        tpu.enqueue_dma source(%dma_start3A_56 : memref<128xf32, #tpu.memory_space<hbm>>) target(%arg6 : memref<128xf32, #tpu.memory_space<vmem>>) target_semaphore(%run_scoped3A : memref<!tpu.dma_semaphore, #tpu.memory_space<semaphore_mem>>)
        %dma_wait3A = tpu.memref_slice %arg2[%mul3A_54] : memref<10240xf32, #tpu.memory_space<hbm>> -> memref<128xf32, #tpu.memory_space<hbm>>
        %dma_wait3A_57 = tpu.memref_slice %arg2[%mul3A_54] : memref<10240xf32, #tpu.memory_space<hbm>> -> memref<128xf32, #tpu.memory_space<hbm>>
        tpu.wait_dma2 semaphore(%run_scoped3A : memref<!tpu.dma_semaphore, #tpu.memory_space<semaphore_mem>>) src(%dma_wait3A_57 : memref<128xf32, #tpu.memory_space<hbm>>) dst(%arg6 : memref<128xf32, #tpu.memory_space<vmem>>)
        tpu.yield
      }) : () -> ()
      "tpu.region"() ({
        %run_scoped3A = tpu.sem_alloc : memref<!tpu.dma_semaphore, #tpu.memory_space<semaphore_mem>>
        %dma_start3A = arith.constant 0 : i32
        %dma_start3A_56 = tpu.memref_slice %arg8[%dma_start3A] : memref<2048xf32, #tpu.memory_space<vmem_shared>> -> memref<2048xf32, #tpu.memory_space<vmem_shared>>
        tpu.enqueue_indirect_dma source(%arg6 : memref<128xf32, #tpu.memory_space<vmem>>) target(%dma_start3A_56 : memref<2048xf32, #tpu.memory_space<vmem_shared>>) offsets(%arg5 : memref<128xi32, #tpu.memory_space<vmem>>) semaphore(%run_scoped3A : memref<!tpu.dma_semaphore, #tpu.memory_space<semaphore_mem>>) {add = true}
        %dma_wait3A = arith.constant 0 : i32
        %dma_wait3A_57 = tpu.memref_slice %arg8[%dma_wait3A] : memref<2048xf32, #tpu.memory_space<vmem_shared>> -> memref<2048xf32, #tpu.memory_space<vmem_shared>>
        tpu.wait_indirect_dma semaphore(%run_scoped3A : memref<!tpu.dma_semaphore, #tpu.memory_space<semaphore_mem>>) src(%arg6 : memref<128xf32, #tpu.memory_space<vmem>>) dst(%dma_wait3A_57 : memref<2048xf32, #tpu.memory_space<vmem_shared>>)
        tpu.yield
      }) : () -> ()
      %while3A_55 = arith.constant 0 : i32
      scf.yield %while3A_55 : i32
    }
    %barrier3A_43 = arith.constant 0 : index
    tpu.barrier barrier_id(%barrier3A_43)
    %mul3A_44 = arith.constant 128 : i32
    %mul3A_45 = arith.muli %arg1, %mul3A_44 : i32
    %mul3A_46 = arith.constant 128 : i32
    %mul3A_47 = arith.muli %arg1, %mul3A_46 : i32
    "tpu.region"() ({
      %run_scoped3A = tpu.sem_alloc : memref<!tpu.dma_semaphore, #tpu.memory_space<semaphore_mem>>
      %dma_start3A = arith.constant 0 : i32
      %dma_start3A_48 = tpu.memref_slice %arg4[%arg0, %dma_start3A] : memref<2x2048xf32, #tpu.memory_space<hbm>> -> memref<1x2048xf32, #tpu.memory_space<hbm>>
      %dma_start3A_49 = tpu.memref_squeeze %dma_start3A_48 : memref<1x2048xf32, #tpu.memory_space<hbm>> -> memref<2048xf32, #tpu.memory_space<hbm>>
      %dma_start3A_50 = tpu.memref_slice %dma_start3A_49[%mul3A_47] : memref<2048xf32, #tpu.memory_space<hbm>> -> memref<128xf32, #tpu.memory_space<hbm>>
      %dma_start3A_51 = tpu.memref_slice %arg8[%mul3A_45] : memref<2048xf32, #tpu.memory_space<vmem_shared>> -> memref<128xf32, #tpu.memory_space<vmem_shared>>
      tpu.enqueue_dma source(%dma_start3A_51 : memref<128xf32, #tpu.memory_space<vmem_shared>>) target(%dma_start3A_50 : memref<128xf32, #tpu.memory_space<hbm>>) target_semaphore(%run_scoped3A : memref<!tpu.dma_semaphore, #tpu.memory_space<semaphore_mem>>)
      %dma_wait3A = arith.constant 0 : i32
      %dma_wait3A_52 = tpu.memref_slice %arg4[%arg0, %dma_wait3A] : memref<2x2048xf32, #tpu.memory_space<hbm>> -> memref<1x2048xf32, #tpu.memory_space<hbm>>
      %dma_wait3A_53 = tpu.memref_squeeze %dma_wait3A_52 : memref<1x2048xf32, #tpu.memory_space<hbm>> -> memref<2048xf32, #tpu.memory_space<hbm>>
      %dma_wait3A_54 = tpu.memref_slice %dma_wait3A_53[%mul3A_47] : memref<2048xf32, #tpu.memory_space<hbm>> -> memref<128xf32, #tpu.memory_space<hbm>>
      %dma_wait3A_55 = tpu.memref_slice %arg8[%mul3A_45] : memref<2048xf32, #tpu.memory_space<vmem_shared>> -> memref<128xf32, #tpu.memory_space<vmem_shared>>
      tpu.wait_dma2 semaphore(%run_scoped3A : memref<!tpu.dma_semaphore, #tpu.memory_space<semaphore_mem>>) src(%dma_wait3A_55 : memref<128xf32, #tpu.memory_space<vmem_shared>>) dst(%dma_wait3A_54 : memref<128xf32, #tpu.memory_space<hbm>>)
      tpu.yield
    }) : () -> ()
    return
  }
}

#map = affine_map<(d0, d1) -> (0, 0)>
#map1 = affine_map<(d0, d1) -> (0)>
module attributes {stable_mosaic.version = 14 : i64} {
  func.func @k(%arg0: i32, %arg1: i32, %arg2: memref<10000x128xf32, #tpu.memory_space<hbm>>, %arg3: memref<10240xi32, #tpu.memory_space<hbm>>, %arg4: memref<10240xi32, #tpu.memory_space<hbm>>, %arg5: memref<128x128xf32, #tpu.memory_space<hbm>>, %arg6: memref<128xi32, #tpu.memory_space<vmem>>, %arg7: memref<128xi32, #tpu.memory_space<vmem>>, %arg8: memref<128x128xf32, #tpu.memory_space<vmem>>, %arg9: memref<64x128xf32, #tpu.memory_space<vmem>>, %arg10: memref<128x128xf32, #tpu.memory_space<vmem_shared>>) attributes {dimension_semantics = [#tpu.dimension_semantics<core_parallel>, #tpu.dimension_semantics<subcore_parallel>], iteration_bounds = array<i64: 1, 16>, scalar_prefetch = 0 : i64, scratch_operands = 5 : i64, tpu.core_type = #tpu.core_type<sc_vector_subcore>, window_params = [{transform_indices = #map}, {transform_indices = #map1}, {transform_indices = #map1}, {transform_indices = #map}]} {
    %broadcast_in_dim3A = arith.constant 0.000000e+00 : f32
    %broadcast_in_dim3A_0 = vector.broadcast %broadcast_in_dim3A : f32 to vector<16xf32>
    %scan3A = arith.constant 0 : i32
    %scan3A_1 = arith.constant 0 : i32
    %scan3A_2 = arith.constant 64 : i32
    %scan3A_3 = arith.addi %scan3A_1, %scan3A_2 : i32
    %scan3A_4 = arith.constant 1 : i32
    %scan3A_5 = scf.for %scan3A_52 = %scan3A_1 to %scan3A_3 step %scan3A_4 iter_args(%scan3A_53 = %scan3A) -> (i32)  : i32 {
      %jit3A_54 = arith.constant 8 : i32
      %div3A_55 = arith.divsi %scan3A_52, %jit3A_54 : i32
      %sign3A_56 = arith.constant 0 : i32
      %sign3A_57 = arith.cmpi sgt, %scan3A_52, %sign3A_56 : i32
      %sign3A_58 = arith.extui %sign3A_57 : i1 to i32
      %sign3A_59 = arith.constant 0 : i32
      %sign3A_60 = arith.cmpi slt, %scan3A_52, %sign3A_59 : i32
      %sign3A_61 = arith.extui %sign3A_60 : i1 to i32
      %sign3A_62 = arith.subi %sign3A_58, %sign3A_61 : i32
      %sign3A_63 = arith.constant 0 : i32
      %sign3A_64 = arith.cmpi sgt, %jit3A_54, %sign3A_63 : i32
      %sign3A_65 = arith.extui %sign3A_64 : i1 to i32
      %sign3A_66 = arith.constant 0 : i32
      %sign3A_67 = arith.cmpi slt, %jit3A_54, %sign3A_66 : i32
      %sign3A_68 = arith.extui %sign3A_67 : i1 to i32
      %sign3A_69 = arith.subi %sign3A_65, %sign3A_68 : i32
      %ne3A_70 = arith.cmpi ne, %sign3A_62, %sign3A_69 : i32
      %rem3A_71 = arith.remsi %scan3A_52, %jit3A_54 : i32
      %ne3A_72 = arith.constant 0 : i32
      %ne3A_73 = arith.cmpi ne, %rem3A_71, %ne3A_72 : i32
      %and3A_74 = arith.andi %ne3A_70, %ne3A_73 : i1
      %sub3A_75 = arith.constant 1 : i32
      %sub3A_76 = arith.subi %div3A_55, %sub3A_75 : i32
      %select_n3A_77 = arith.select %and3A_74, %sub3A_76, %div3A_55 : i32
      %jit3A_78 = arith.constant 8 : i32
      %eq3A = arith.constant 0 : i32
      %eq3A_79 = arith.cmpi eq, %jit3A_78, %eq3A : i32
      %jit3A_80 = arith.constant 1 : i32
      %select_n3A_81 = arith.select %eq3A_79, %jit3A_80, %jit3A_78 : i32
      %rem3A_82 = arith.remsi %scan3A_52, %select_n3A_81 : i32
      %ne3A_83 = arith.constant 0 : i32
      %ne3A_84 = arith.cmpi ne, %rem3A_82, %ne3A_83 : i32
      %lt3A = arith.constant 0 : i32
      %lt3A_85 = arith.cmpi slt, %rem3A_82, %lt3A : i32
      %lt3A_86 = arith.constant 0 : i32
      %lt3A_87 = arith.cmpi slt, %select_n3A_81, %lt3A_86 : i32
      %ne3A_88 = arith.xori %lt3A_85, %lt3A_87 : i1
      %and3A_89 = arith.andi %ne3A_88, %ne3A_84 : i1
      %add3A_90 = arith.addi %rem3A_82, %select_n3A_81 : i32
      %select_n3A_91 = arith.select %and3A_89, %add3A_90, %rem3A_82 : i32
      %mul3A_92 = arith.constant 16 : i32
      %mul3A_93 = arith.muli %select_n3A_91, %mul3A_92 : i32
      %swap3A = arith.index_cast %select_n3A_77 : i32 to index
      %swap3A_94 = arith.index_cast %mul3A_93 : i32 to index
      %swap3A_95 = tpu.vector_load %arg9[%swap3A, %swap3A_94] {strides = array<i32>} : memref<64x128xf32, #tpu.memory_space<vmem>>, vector<1x16xf32>,
      %swap3A_96 = vector.shape_cast %swap3A_95 : vector<1x16xf32> to vector<16xf32>
      %swap3A_97 = vector.shape_cast %broadcast_in_dim3A_0 : vector<16xf32> to vector<1x16xf32>
      tpu.vector_store %arg9[%swap3A, %swap3A_94], %swap3A_97 {strides = array<i32>} : memref<64x128xf32, #tpu.memory_space<vmem>>, vector<1x16xf32>,
      %scan3A_98 = arith.constant 0 : i32
      scf.yield %scan3A_98 : i32
    }
    %scan3A_6 = arith.constant 64 : i32
    %scan3A_7 = arith.constant 0 : i32
    %scan3A_8 = arith.constant 0 : i32
    %mul3A = arith.constant 8 : i32
    %mul3A_9 = arith.muli %arg1, %mul3A : i32
    %mul3A_10 = arith.constant 8 : i32
    %mul3A_11 = arith.muli %scan3A_8, %mul3A_10 : i32
    %add3A = arith.addi %mul3A_9, %mul3A_11 : i32
    "tpu.region"() ({
      %run_scoped3A = tpu.sem_alloc : memref<!tpu.dma_semaphore, #tpu.memory_space<semaphore_mem>>
      %dma_start3A = arith.constant 0 : i32
      %dma_start3A_52 = arith.constant 0 : i32
      %dma_start3A_53 = tpu.memref_slice %arg9[%dma_start3A, %dma_start3A_52] : memref<64x128xf32, #tpu.memory_space<vmem>> -> memref<8x128xf32, #tpu.memory_space<vmem>>
      %dma_start3A_54 = arith.constant 0 : i32
      %dma_start3A_55 = tpu.memref_slice %arg10[%add3A, %dma_start3A_54] : memref<128x128xf32, #tpu.memory_space<vmem_shared>> -> memref<8x128xf32, #tpu.memory_space<vmem_shared>>
      %dma_start3A_56 = arith.constant 0 : i32
      %dma_start3A_57 = tpu.memref_slice %arg10[%add3A, %dma_start3A_56] : memref<128x128xf32, #tpu.memory_space<vmem_shared>> -> memref<8x128xf32, #tpu.memory_space<vmem_shared>>
      %dma_start3A_58 = arith.constant 0 : i32
      %dma_start3A_59 = arith.constant 0 : i32
      %dma_start3A_60 = tpu.memref_slice %arg9[%dma_start3A_58, %dma_start3A_59] : memref<64x128xf32, #tpu.memory_space<vmem>> -> memref<8x128xf32, #tpu.memory_space<vmem>>
      tpu.enqueue_dma source(%dma_start3A_60 : memref<8x128xf32, #tpu.memory_space<vmem>>) target(%dma_start3A_57 : memref<8x128xf32, #tpu.memory_space<vmem_shared>>) target_semaphore(%run_scoped3A : memref<!tpu.dma_semaphore, #tpu.memory_space<semaphore_mem>>)
      %dma_wait3A = arith.constant 0 : i32
      %dma_wait3A_61 = arith.constant 0 : i32
      %dma_wait3A_62 = tpu.memref_slice %arg9[%dma_wait3A, %dma_wait3A_61] : memref<64x128xf32, #tpu.memory_space<vmem>> -> memref<8x128xf32, #tpu.memory_space<vmem>>
      %dma_wait3A_63 = arith.constant 0 : i32
      %dma_wait3A_64 = tpu.memref_slice %arg10[%add3A, %dma_wait3A_63] : memref<128x128xf32, #tpu.memory_space<vmem_shared>> -> memref<8x128xf32, #tpu.memory_space<vmem_shared>>
      %dma_wait3A_65 = arith.constant 0 : i32
      %dma_wait3A_66 = tpu.memref_slice %arg10[%add3A, %dma_wait3A_65] : memref<128x128xf32, #tpu.memory_space<vmem_shared>> -> memref<8x128xf32, #tpu.memory_space<vmem_shared>>
      %dma_wait3A_67 = arith.constant 0 : i32
      %dma_wait3A_68 = arith.constant 0 : i32
      %dma_wait3A_69 = tpu.memref_slice %arg9[%dma_wait3A_67, %dma_wait3A_68] : memref<64x128xf32, #tpu.memory_space<vmem>> -> memref<8x128xf32, #tpu.memory_space<vmem>>
      tpu.wait_dma2 semaphore(%run_scoped3A : memref<!tpu.dma_semaphore, #tpu.memory_space<semaphore_mem>>) src(%dma_wait3A_69 : memref<8x128xf32, #tpu.memory_space<vmem>>) dst(%dma_wait3A_66 : memref<8x128xf32, #tpu.memory_space<vmem_shared>>)
      tpu.yield
    }) : () -> ()
    %scan3A_12 = arith.constant 0 : i32
    %scan3A_13 = arith.constant 1 : i32
    %barrier3A = arith.constant 0 : index
    tpu.barrier barrier_id(%barrier3A)
    %sub3A = arith.constant 80 : i32
    %sub3A_14 = arith.subi %sub3A, %arg1 : i32
    %add3A_15 = arith.constant 16 : i32
    %add3A_16 = arith.addi %sub3A_14, %add3A_15 : i32
    %sub3A_17 = arith.constant 1 : i32
    %sub3A_18 = arith.subi %add3A_16, %sub3A_17 : i32
    %jit3A = arith.constant 16 : i32
    %div3A = arith.divsi %sub3A_18, %jit3A : i32
    %sign3A = arith.constant 0 : i32
    %sign3A_19 = arith.cmpi sgt, %sub3A_18, %sign3A : i32
    %sign3A_20 = arith.extui %sign3A_19 : i1 to i32
    %sign3A_21 = arith.constant 0 : i32
    %sign3A_22 = arith.cmpi slt, %sub3A_18, %sign3A_21 : i32
    %sign3A_23 = arith.extui %sign3A_22 : i1 to i32
    %sign3A_24 = arith.subi %sign3A_20, %sign3A_23 : i32
    %sign3A_25 = arith.constant 0 : i32
    %sign3A_26 = arith.cmpi sgt, %jit3A, %sign3A_25 : i32
    %sign3A_27 = arith.extui %sign3A_26 : i1 to i32
    %sign3A_28 = arith.constant 0 : i32
    %sign3A_29 = arith.cmpi slt, %jit3A, %sign3A_28 : i32
    %sign3A_30 = arith.extui %sign3A_29 : i1 to i32
    %sign3A_31 = arith.subi %sign3A_27, %sign3A_30 : i32
    %ne3A = arith.cmpi ne, %sign3A_24, %sign3A_31 : i32
    %rem3A = arith.remsi %sub3A_18, %jit3A : i32
    %ne3A_32 = arith.constant 0 : i32
    %ne3A_33 = arith.cmpi ne, %rem3A, %ne3A_32 : i32
    %and3A = arith.andi %ne3A, %ne3A_33 : i1
    %sub3A_34 = arith.constant 1 : i32
    %sub3A_35 = arith.subi %div3A, %sub3A_34 : i32
    %select_n3A = arith.select %and3A, %sub3A_35, %div3A : i32
    %while3A = arith.constant 0 : i32
    %while3A_36 = arith.constant 0 : i32
    %while3A_37 = arith.subi %select_n3A, %while3A : i32
    %while3A_38 = arith.addi %while3A, %while3A_37 : i32
    %while3A_39 = arith.constant 1 : i32
    %while3A_40 = arith.divsi %while3A_37, %while3A_39 : i32
    %while3A_41 = arith.muli %while3A_40, %while3A_39 : i32
    %while3A_42 = arith.addi %while3A, %while3A_41 : i32
    %while3A_43 = arith.constant 1 : i32
    %while3A_44 = scf.for %while3A_52 = %while3A to %while3A_42 step %while3A_43 iter_args(%while3A_53 = %while3A_36) -> (i32)  : i32 {
      %mul3A_54 = arith.constant 16 : i32
      %mul3A_55 = arith.muli %while3A_52, %mul3A_54 : i32
      %add3A_56 = arith.addi %arg1, %mul3A_55 : i32
      %mul3A_57 = arith.constant 128 : i32
      %mul3A_58 = arith.muli %add3A_56, %mul3A_57 : i32
      "tpu.region"() ({
        %run_scoped3A = tpu.sem_alloc : memref<!tpu.dma_semaphore, #tpu.memory_space<semaphore_mem>>
        %dma_start3A = tpu.memref_slice %arg3[%mul3A_58] : memref<10240xi32, #tpu.memory_space<hbm>> -> memref<128xi32, #tpu.memory_space<hbm>>
        %dma_start3A_60 = tpu.memref_slice %arg3[%mul3A_58] : memref<10240xi32, #tpu.memory_space<hbm>> -> memref<128xi32, #tpu.memory_space<hbm>>
        tpu.enqueue_dma source(%dma_start3A_60 : memref<128xi32, #tpu.memory_space<hbm>>) target(%arg6 : memref<128xi32, #tpu.memory_space<vmem>>) target_semaphore(%run_scoped3A : memref<!tpu.dma_semaphore, #tpu.memory_space<semaphore_mem>>)
        %dma_wait3A = tpu.memref_slice %arg3[%mul3A_58] : memref<10240xi32, #tpu.memory_space<hbm>> -> memref<128xi32, #tpu.memory_space<hbm>>
        %dma_wait3A_61 = tpu.memref_slice %arg3[%mul3A_58] : memref<10240xi32, #tpu.memory_space<hbm>> -> memref<128xi32, #tpu.memory_space<hbm>>
        tpu.wait_dma2 semaphore(%run_scoped3A : memref<!tpu.dma_semaphore, #tpu.memory_space<semaphore_mem>>) src(%dma_wait3A_61 : memref<128xi32, #tpu.memory_space<hbm>>) dst(%arg6 : memref<128xi32, #tpu.memory_space<vmem>>)
        tpu.yield
      }) : () -> ()
      "tpu.region"() ({
        %run_scoped3A = tpu.sem_alloc : memref<!tpu.dma_semaphore, #tpu.memory_space<semaphore_mem>>
        %dma_start3A = tpu.memref_slice %arg4[%mul3A_58] : memref<10240xi32, #tpu.memory_space<hbm>> -> memref<128xi32, #tpu.memory_space<hbm>>
        %dma_start3A_60 = tpu.memref_slice %arg4[%mul3A_58] : memref<10240xi32, #tpu.memory_space<hbm>> -> memref<128xi32, #tpu.memory_space<hbm>>
        tpu.enqueue_dma source(%dma_start3A_60 : memref<128xi32, #tpu.memory_space<hbm>>) target(%arg7 : memref<128xi32, #tpu.memory_space<vmem>>) target_semaphore(%run_scoped3A : memref<!tpu.dma_semaphore, #tpu.memory_space<semaphore_mem>>)
        %dma_wait3A = tpu.memref_slice %arg4[%mul3A_58] : memref<10240xi32, #tpu.memory_space<hbm>> -> memref<128xi32, #tpu.memory_space<hbm>>
        %dma_wait3A_61 = tpu.memref_slice %arg4[%mul3A_58] : memref<10240xi32, #tpu.memory_space<hbm>> -> memref<128xi32, #tpu.memory_space<hbm>>
        tpu.wait_dma2 semaphore(%run_scoped3A : memref<!tpu.dma_semaphore, #tpu.memory_space<semaphore_mem>>) src(%dma_wait3A_61 : memref<128xi32, #tpu.memory_space<hbm>>) dst(%arg7 : memref<128xi32, #tpu.memory_space<vmem>>)
        tpu.yield
      }) : () -> ()
      "tpu.region"() ({
        %run_scoped3A = tpu.sem_alloc : memref<!tpu.dma_semaphore, #tpu.memory_space<semaphore_mem>>
        %dma_start3A = arith.constant 0 : i32
        %dma_start3A_60 = arith.constant 0 : i32
        %dma_start3A_61 = tpu.memref_slice %arg2[%dma_start3A, %dma_start3A_60] : memref<10000x128xf32, #tpu.memory_space<hbm>> -> memref<10000x128xf32, #tpu.memory_space<hbm>>
        tpu.enqueue_indirect_dma source(%dma_start3A_61 : memref<10000x128xf32, #tpu.memory_space<hbm>>) target(%arg8 : memref<128x128xf32, #tpu.memory_space<vmem>>) offsets(%arg6 : memref<128xi32, #tpu.memory_space<vmem>>) semaphore(%run_scoped3A : memref<!tpu.dma_semaphore, #tpu.memory_space<semaphore_mem>>)
        %dma_wait3A = arith.constant 0 : i32
        %dma_wait3A_62 = arith.constant 0 : i32
        %dma_wait3A_63 = tpu.memref_slice %arg2[%dma_wait3A, %dma_wait3A_62] : memref<10000x128xf32, #tpu.memory_space<hbm>> -> memref<10000x128xf32, #tpu.memory_space<hbm>>
        tpu.wait_indirect_dma semaphore(%run_scoped3A : memref<!tpu.dma_semaphore, #tpu.memory_space<semaphore_mem>>) src(%dma_wait3A_63 : memref<10000x128xf32, #tpu.memory_space<hbm>>) dst(%arg8 : memref<128x128xf32, #tpu.memory_space<vmem>>)
        tpu.yield
      }) : () -> ()
      "tpu.region"() ({
        %run_scoped3A = tpu.sem_alloc : memref<!tpu.dma_semaphore, #tpu.memory_space<semaphore_mem>>
        %dma_start3A = arith.constant 0 : i32
        %dma_start3A_60 = arith.constant 0 : i32
        %dma_start3A_61 = tpu.memref_slice %arg10[%dma_start3A, %dma_start3A_60] : memref<128x128xf32, #tpu.memory_space<vmem_shared>> -> memref<128x128xf32, #tpu.memory_space<vmem_shared>>
        tpu.enqueue_indirect_dma source(%arg8 : memref<128x128xf32, #tpu.memory_space<vmem>>) target(%dma_start3A_61 : memref<128x128xf32, #tpu.memory_space<vmem_shared>>) offsets(%arg7 : memref<128xi32, #tpu.memory_space<vmem>>) semaphore(%run_scoped3A : memref<!tpu.dma_semaphore, #tpu.memory_space<semaphore_mem>>) {add = true}
        %dma_wait3A = arith.constant 0 : i32
        %dma_wait3A_62 = arith.constant 0 : i32
        %dma_wait3A_63 = tpu.memref_slice %arg10[%dma_wait3A, %dma_wait3A_62] : memref<128x128xf32, #tpu.memory_space<vmem_shared>> -> memref<128x128xf32, #tpu.memory_space<vmem_shared>>
        tpu.wait_indirect_dma semaphore(%run_scoped3A : memref<!tpu.dma_semaphore, #tpu.memory_space<semaphore_mem>>) src(%arg8 : memref<128x128xf32, #tpu.memory_space<vmem>>) dst(%dma_wait3A_63 : memref<128x128xf32, #tpu.memory_space<vmem_shared>>)
        tpu.yield
      }) : () -> ()
      %while3A_59 = arith.constant 0 : i32
      scf.yield %while3A_59 : i32
    }
    %while3A_45 = arith.constant 1 : i32
    %while3A_46 = scf.for %while3A_52 = %while3A_42 to %while3A_38 step %while3A_45 iter_args(%while3A_53 = %while3A_44) -> (i32)  : i32 {
      %mul3A_54 = arith.constant 16 : i32
      %mul3A_55 = arith.muli %while3A_52, %mul3A_54 : i32
      %add3A_56 = arith.addi %arg1, %mul3A_55 : i32
      %mul3A_57 = arith.constant 128 : i32
      %mul3A_58 = arith.muli %add3A_56, %mul3A_57 : i32
      "tpu.region"() ({
        %run_scoped3A = tpu.sem_alloc : memref<!tpu.dma_semaphore, #tpu.memory_space<semaphore_mem>>
        %dma_start3A = tpu.memref_slice %arg3[%mul3A_58] : memref<10240xi32, #tpu.memory_space<hbm>> -> memref<128xi32, #tpu.memory_space<hbm>>
        %dma_start3A_60 = tpu.memref_slice %arg3[%mul3A_58] : memref<10240xi32, #tpu.memory_space<hbm>> -> memref<128xi32, #tpu.memory_space<hbm>>
        tpu.enqueue_dma source(%dma_start3A_60 : memref<128xi32, #tpu.memory_space<hbm>>) target(%arg6 : memref<128xi32, #tpu.memory_space<vmem>>) target_semaphore(%run_scoped3A : memref<!tpu.dma_semaphore, #tpu.memory_space<semaphore_mem>>)
        %dma_wait3A = tpu.memref_slice %arg3[%mul3A_58] : memref<10240xi32, #tpu.memory_space<hbm>> -> memref<128xi32, #tpu.memory_space<hbm>>
        %dma_wait3A_61 = tpu.memref_slice %arg3[%mul3A_58] : memref<10240xi32, #tpu.memory_space<hbm>> -> memref<128xi32, #tpu.memory_space<hbm>>
        tpu.wait_dma2 semaphore(%run_scoped3A : memref<!tpu.dma_semaphore, #tpu.memory_space<semaphore_mem>>) src(%dma_wait3A_61 : memref<128xi32, #tpu.memory_space<hbm>>) dst(%arg6 : memref<128xi32, #tpu.memory_space<vmem>>)
        tpu.yield
      }) : () -> ()
      "tpu.region"() ({
        %run_scoped3A = tpu.sem_alloc : memref<!tpu.dma_semaphore, #tpu.memory_space<semaphore_mem>>
        %dma_start3A = tpu.memref_slice %arg4[%mul3A_58] : memref<10240xi32, #tpu.memory_space<hbm>> -> memref<128xi32, #tpu.memory_space<hbm>>
        %dma_start3A_60 = tpu.memref_slice %arg4[%mul3A_58] : memref<10240xi32, #tpu.memory_space<hbm>> -> memref<128xi32, #tpu.memory_space<hbm>>
        tpu.enqueue_dma source(%dma_start3A_60 : memref<128xi32, #tpu.memory_space<hbm>>) target(%arg7 : memref<128xi32, #tpu.memory_space<vmem>>) target_semaphore(%run_scoped3A : memref<!tpu.dma_semaphore, #tpu.memory_space<semaphore_mem>>)
        %dma_wait3A = tpu.memref_slice %arg4[%mul3A_58] : memref<10240xi32, #tpu.memory_space<hbm>> -> memref<128xi32, #tpu.memory_space<hbm>>
        %dma_wait3A_61 = tpu.memref_slice %arg4[%mul3A_58] : memref<10240xi32, #tpu.memory_space<hbm>> -> memref<128xi32, #tpu.memory_space<hbm>>
        tpu.wait_dma2 semaphore(%run_scoped3A : memref<!tpu.dma_semaphore, #tpu.memory_space<semaphore_mem>>) src(%dma_wait3A_61 : memref<128xi32, #tpu.memory_space<hbm>>) dst(%arg7 : memref<128xi32, #tpu.memory_space<vmem>>)
        tpu.yield
      }) : () -> ()
      "tpu.region"() ({
        %run_scoped3A = tpu.sem_alloc : memref<!tpu.dma_semaphore, #tpu.memory_space<semaphore_mem>>
        %dma_start3A = arith.constant 0 : i32
        %dma_start3A_60 = arith.constant 0 : i32
        %dma_start3A_61 = tpu.memref_slice %arg2[%dma_start3A, %dma_start3A_60] : memref<10000x128xf32, #tpu.memory_space<hbm>> -> memref<10000x128xf32, #tpu.memory_space<hbm>>
        tpu.enqueue_indirect_dma source(%dma_start3A_61 : memref<10000x128xf32, #tpu.memory_space<hbm>>) target(%arg8 : memref<128x128xf32, #tpu.memory_space<vmem>>) offsets(%arg6 : memref<128xi32, #tpu.memory_space<vmem>>) semaphore(%run_scoped3A : memref<!tpu.dma_semaphore, #tpu.memory_space<semaphore_mem>>)
        %dma_wait3A = arith.constant 0 : i32
        %dma_wait3A_62 = arith.constant 0 : i32
        %dma_wait3A_63 = tpu.memref_slice %arg2[%dma_wait3A, %dma_wait3A_62] : memref<10000x128xf32, #tpu.memory_space<hbm>> -> memref<10000x128xf32, #tpu.memory_space<hbm>>
        tpu.wait_indirect_dma semaphore(%run_scoped3A : memref<!tpu.dma_semaphore, #tpu.memory_space<semaphore_mem>>) src(%dma_wait3A_63 : memref<10000x128xf32, #tpu.memory_space<hbm>>) dst(%arg8 : memref<128x128xf32, #tpu.memory_space<vmem>>)
        tpu.yield
      }) : () -> ()
      "tpu.region"() ({
        %run_scoped3A = tpu.sem_alloc : memref<!tpu.dma_semaphore, #tpu.memory_space<semaphore_mem>>
        %dma_start3A = arith.constant 0 : i32
        %dma_start3A_60 = arith.constant 0 : i32
        %dma_start3A_61 = tpu.memref_slice %arg10[%dma_start3A, %dma_start3A_60] : memref<128x128xf32, #tpu.memory_space<vmem_shared>> -> memref<128x128xf32, #tpu.memory_space<vmem_shared>>
        tpu.enqueue_indirect_dma source(%arg8 : memref<128x128xf32, #tpu.memory_space<vmem>>) target(%dma_start3A_61 : memref<128x128xf32, #tpu.memory_space<vmem_shared>>) offsets(%arg7 : memref<128xi32, #tpu.memory_space<vmem>>) semaphore(%run_scoped3A : memref<!tpu.dma_semaphore, #tpu.memory_space<semaphore_mem>>) {add = true}
        %dma_wait3A = arith.constant 0 : i32
        %dma_wait3A_62 = arith.constant 0 : i32
        %dma_wait3A_63 = tpu.memref_slice %arg10[%dma_wait3A, %dma_wait3A_62] : memref<128x128xf32, #tpu.memory_space<vmem_shared>> -> memref<128x128xf32, #tpu.memory_space<vmem_shared>>
        tpu.wait_indirect_dma semaphore(%run_scoped3A : memref<!tpu.dma_semaphore, #tpu.memory_space<semaphore_mem>>) src(%arg8 : memref<128x128xf32, #tpu.memory_space<vmem>>) dst(%dma_wait3A_63 : memref<128x128xf32, #tpu.memory_space<vmem_shared>>)
        tpu.yield
      }) : () -> ()
      %while3A_59 = arith.constant 0 : i32
      scf.yield %while3A_59 : i32
    }
    %barrier3A_47 = arith.constant 0 : index
    tpu.barrier barrier_id(%barrier3A_47)
    %mul3A_48 = arith.constant 8 : i32
    %mul3A_49 = arith.muli %arg1, %mul3A_48 : i32
    %mul3A_50 = arith.constant 8 : i32
    %mul3A_51 = arith.muli %arg1, %mul3A_50 : i32
    "tpu.region"() ({
      %run_scoped3A = tpu.sem_alloc : memref<!tpu.dma_semaphore, #tpu.memory_space<semaphore_mem>>
      %dma_start3A = arith.constant 0 : i32
      %dma_start3A_52 = tpu.memref_slice %arg5[%mul3A_51, %dma_start3A] : memref<128x128xf32, #tpu.memory_space<hbm>> -> memref<8x128xf32, #tpu.memory_space<hbm>>
      %dma_start3A_53 = arith.constant 0 : i32
      %dma_start3A_54 = tpu.memref_slice %arg10[%mul3A_49, %dma_start3A_53] : memref<128x128xf32, #tpu.memory_space<vmem_shared>> -> memref<8x128xf32, #tpu.memory_space<vmem_shared>>
      tpu.enqueue_dma source(%dma_start3A_54 : memref<8x128xf32, #tpu.memory_space<vmem_shared>>) target(%dma_start3A_52 : memref<8x128xf32, #tpu.memory_space<hbm>>) target_semaphore(%run_scoped3A : memref<!tpu.dma_semaphore, #tpu.memory_space<semaphore_mem>>)
      %dma_wait3A = arith.constant 0 : i32
      %dma_wait3A_55 = tpu.memref_slice %arg5[%mul3A_51, %dma_wait3A] : memref<128x128xf32, #tpu.memory_space<hbm>> -> memref<8x128xf32, #tpu.memory_space<hbm>>
      %dma_wait3A_56 = arith.constant 0 : i32
      %dma_wait3A_57 = tpu.memref_slice %arg10[%mul3A_49, %dma_wait3A_56] : memref<128x128xf32, #tpu.memory_space<vmem_shared>> -> memref<8x128xf32, #tpu.memory_space<vmem_shared>>
      tpu.wait_dma2 semaphore(%run_scoped3A : memref<!tpu.dma_semaphore, #tpu.memory_space<semaphore_mem>>) src(%dma_wait3A_57 : memref<8x128xf32, #tpu.memory_space<vmem_shared>>) dst(%dma_wait3A_55 : memref<8x128xf32, #tpu.memory_space<hbm>>)
      tpu.yield
    }) : () -> ()
    return
  }
}

module attributes {stable_mosaic.version = 14 : i64} {
  func.func @_stage1_body(%arg0: i32, %arg1: memref<400x1xf32, #tpu.memory_space<vmem>>, %arg2: memref<400x1xf32, #tpu.memory_space<vmem>>, %arg3: memref<400x128xf32, #tpu.memory_space<vmem>>, %arg4: memref<128x128xf32, #tpu.memory_space<vmem>>, %arg5: memref<400x1xf32, #tpu.memory_space<vmem>>, %arg6: memref<400x128xf32, #tpu.memory_space<vmem>>, %arg7: memref<400x128xf32, #tpu.memory_space<vmem>>) attributes {dimension_semantics = [#tpu.dimension_semantics<arbitrary>], iteration_bounds = array<i64: 25>, scalar_prefetch = 0 : i64, scratch_operands = 0 : i64, tpu.core_type = #tpu.core_type<tc>, window_params = [{transform_indices = @transform_0, window_bounds = array<i64: 400, 1>}, {transform_indices = @transform_1, window_bounds = array<i64: 400, 1>}, {transform_indices = @transform_2, window_bounds = array<i64: 400, 128>}, {pipeline_mode = #tpu.pipeline_mode<synchronous>, transform_indices = @transform_3, window_bounds = array<i64: 128, 128>}, {transform_indices = @transform_4, window_bounds = array<i64: 400, 1>}, {transform_indices = @transform_5, window_bounds = array<i64: 400, 128>}, {transform_indices = @transform_6, window_bounds = array<i64: 400, 128>}]} {
    %get3A = arith.constant 0 : index
    %get3A_0 = arith.constant 0 : index
    %get3A_1 = vector.load %arg1[%get3A, %get3A_0] : memref<400x1xf32, #tpu.memory_space<vmem>>, vector<400x1xf32>
    %get3A_2 = arith.constant 0 : index
    %get3A_3 = arith.constant 0 : index
    %get3A_4 = vector.load %arg2[%get3A_2, %get3A_3] : memref<400x1xf32, #tpu.memory_space<vmem>>, vector<400x1xf32>
    %add3A = arith.addf %get3A_1, %get3A_4 : vector<400x1xf32>
    %gt3A = arith.constant 0.000000e+00 : f32
    %gt3A_5 = vector.broadcast %gt3A : f32 to vector<400x1xf32>
    %gt3A_6 = arith.cmpf ogt, %add3A, %gt3A_5 : vector<400x1xf32>
    %max3A = arith.constant 1.000000e+00 : f32
    %max3A_7 = vector.broadcast %max3A : f32 to vector<400x1xf32>
    %max3A_8 = arith.maximumf %add3A, %max3A_7 : vector<400x1xf32>
    %rsqrt3A = math.rsqrt %max3A_8 : vector<400x1xf32>
    %jit3A = arith.constant 0.000000e+00 : f32
    %broadcast_in_dim3A = vector.broadcast %jit3A : f32 to vector<400x1xf32>
    %select_n3A = arith.select %gt3A_6, %rsqrt3A, %broadcast_in_dim3A : vector<400x1xi1>, vector<400x1xf32>
    %swap3A = arith.constant 0 : index
    %swap3A_9 = arith.constant 0 : index
    %swap3A_10 = vector.load %arg5[%swap3A, %swap3A_9] : memref<400x1xf32, #tpu.memory_space<vmem>>, vector<400x1xf32>
    tpu.vector_store %arg5[%swap3A, %swap3A_9], %select_n3A {strides = array<i32>} : memref<400x1xf32, #tpu.memory_space<vmem>>, vector<400x1xf32>,
    %get3A_11 = arith.constant 0 : index
    %get3A_12 = arith.constant 0 : index
    %get3A_13 = vector.load %arg3[%get3A_11, %get3A_12] : memref<400x128xf32, #tpu.memory_space<vmem>>, vector<400x128xf32>
    %mul3A = vector.broadcast %select_n3A : vector<400x1xf32> to vector<400x128xf32>
    %mul3A_14 = arith.mulf %get3A_13, %mul3A : vector<400x128xf32>
    %swap3A_15 = arith.constant 0 : index
    %swap3A_16 = arith.constant 0 : index
    %swap3A_17 = vector.load %arg6[%swap3A_15, %swap3A_16] : memref<400x128xf32, #tpu.memory_space<vmem>>, vector<400x128xf32>
    tpu.vector_store %arg6[%swap3A_15, %swap3A_16], %mul3A_14 {strides = array<i32>} : memref<400x128xf32, #tpu.memory_space<vmem>>, vector<400x128xf32>,
    %get3A_18 = arith.constant 0 : index
    %get3A_19 = arith.constant 0 : index
    %get3A_20 = vector.load %arg3[%get3A_18, %get3A_19] : memref<400x128xf32, #tpu.memory_space<vmem>>, vector<400x128xf32>
    %get3A_21 = arith.constant 0 : index
    %get3A_22 = arith.constant 0 : index
    %get3A_23 = vector.load %arg4[%get3A_21, %get3A_22] : memref<128x128xf32, #tpu.memory_space<vmem>>, vector<128x128xf32>
    %dot_general3A = arith.constant dense<0.000000e+00> : vector<400x128xf32>
    %dot_general3A_24 = tpu.matmul %get3A_20, %get3A_23, %dot_general3A {dimension_numbers = #tpu.dot_dimension_numbers<[1], [0], [0], [1], [0, 0, 1, 1], [], []>, transpose_lhs_hint = false} : vector<400x128xf32>, vector<128x128xf32>, vector<400x128xf32> -> vector<400x128xf32>
    %swap3A_25 = arith.constant 0 : index
    %swap3A_26 = arith.constant 0 : index
    %swap3A_27 = vector.load %arg7[%swap3A_25, %swap3A_26] : memref<400x128xf32, #tpu.memory_space<vmem>>, vector<400x128xf32>
    tpu.vector_store %arg7[%swap3A_25, %swap3A_26], %dot_general3A_24 {strides = array<i32>} : memref<400x128xf32, #tpu.memory_space<vmem>>, vector<400x128xf32>,
    return
  }
  func.func @transform_0(%arg0: i32) -> (i32, i32) {
    %c0_i32 = arith.constant 0 : i32
    %c0_i32_0 = arith.constant 0 : i32
    return %arg0, %c0_i32 : i32, i32
  }
  func.func @transform_1(%arg0: i32) -> (i32, i32) {
    %c0_i32 = arith.constant 0 : i32
    %c0_i32_0 = arith.constant 0 : i32
    return %arg0, %c0_i32 : i32, i32
  }
  func.func @transform_2(%arg0: i32) -> (i32, i32) {
    %c0_i32 = arith.constant 0 : i32
    %c0_i32_0 = arith.constant 0 : i32
    return %arg0, %c0_i32 : i32, i32
  }
  func.func @transform_3(%arg0: i32) -> (i32, i32) {
    %c0_i32 = arith.constant 0 : i32
    %c0_i32_0 = arith.constant 0 : i32
    %c0_i32_1 = arith.constant 0 : i32
    return %c0_i32, %c0_i32_0 : i32, i32
  }
  func.func @transform_4(%arg0: i32) -> (i32, i32) {
    %c0_i32 = arith.constant 0 : i32
    %c0_i32_0 = arith.constant 0 : i32
    return %arg0, %c0_i32 : i32, i32
  }
  func.func @transform_5(%arg0: i32) -> (i32, i32) {
    %c0_i32 = arith.constant 0 : i32
    %c0_i32_0 = arith.constant 0 : i32
    return %arg0, %c0_i32 : i32, i32
  }
  func.func @transform_6(%arg0: i32) -> (i32, i32) {
    %c0_i32 = arith.constant 0 : i32
    %c0_i32_0 = arith.constant 0 : i32
    return %arg0, %c0_i32 : i32, i32
  }
}

module attributes {stable_mosaic.version = 14 : i64} {
  func.func @_match_body(%arg0: i32, %arg1: memref<2x6400xi32, #tpu.memory_space<smem>>, %arg2: memref<10000xi32, #tpu.memory_space<smem>>) attributes {dimension_semantics = [#tpu.dimension_semantics<arbitrary>], iteration_bounds = array<i64: 50>, scalar_prefetch = 0 : i64, scratch_operands = 0 : i64, tpu.core_type = #tpu.core_type<tc>, window_params = [{transform_indices = @transform_0, window_bounds = array<i64: 2, 6400>}, {transform_indices = @transform_1, window_bounds = array<i64: 10000>}]} {
    %eq3A = arith.constant 0 : i32
    %eq3A_0 = arith.cmpi eq, %arg0, %eq3A : i32
    %convert_element_type3A = arith.extui %eq3A_0 : i1 to i32
    %cond3A = arith.constant 0 : i32
    %cond3A_1 = arith.cmpi ne, %convert_element_type3A, %cond3A : i32
    scf.if %cond3A_1 {
      %scan3A_6 = arith.constant 0 : i32
      %scan3A_7 = arith.constant 10000 : i32
      %scan3A_8 = arith.addi %scan3A_6, %scan3A_7 : i32
      %scan3A_9 = arith.constant 8 : i32
      scf.for %scan3A_11 = %scan3A_6 to %scan3A_8 step %scan3A_9  : i32 {
        %swap3A = arith.constant -1 : i32
        %swap3A_12 = arith.index_cast %scan3A_11 : i32 to index
        %swap3A_13 = memref.load %arg2[%swap3A_12] : memref<10000xi32, #tpu.memory_space<smem>>
        memref.store %swap3A, %arg2[%swap3A_12] : memref<10000xi32, #tpu.memory_space<smem>>
        %scan3A_14 = arith.constant 1 : i32
        %scan3A_15 = arith.addi %scan3A_11, %scan3A_14 : i32
        %swap3A_16 = arith.constant -1 : i32
        %swap3A_17 = arith.index_cast %scan3A_15 : i32 to index
        %swap3A_18 = memref.load %arg2[%swap3A_17] : memref<10000xi32, #tpu.memory_space<smem>>
        memref.store %swap3A_16, %arg2[%swap3A_17] : memref<10000xi32, #tpu.memory_space<smem>>
        %scan3A_19 = arith.constant 2 : i32
        %scan3A_20 = arith.addi %scan3A_11, %scan3A_19 : i32
        %swap3A_21 = arith.constant -1 : i32
        %swap3A_22 = arith.index_cast %scan3A_20 : i32 to index
        %swap3A_23 = memref.load %arg2[%swap3A_22] : memref<10000xi32, #tpu.memory_space<smem>>
        memref.store %swap3A_21, %arg2[%swap3A_22] : memref<10000xi32, #tpu.memory_space<smem>>
        %scan3A_24 = arith.constant 3 : i32
        %scan3A_25 = arith.addi %scan3A_11, %scan3A_24 : i32
        %swap3A_26 = arith.constant -1 : i32
        %swap3A_27 = arith.index_cast %scan3A_25 : i32 to index
        %swap3A_28 = memref.load %arg2[%swap3A_27] : memref<10000xi32, #tpu.memory_space<smem>>
        memref.store %swap3A_26, %arg2[%swap3A_27] : memref<10000xi32, #tpu.memory_space<smem>>
        %scan3A_29 = arith.constant 4 : i32
        %scan3A_30 = arith.addi %scan3A_11, %scan3A_29 : i32
        %swap3A_31 = arith.constant -1 : i32
        %swap3A_32 = arith.index_cast %scan3A_30 : i32 to index
        %swap3A_33 = memref.load %arg2[%swap3A_32] : memref<10000xi32, #tpu.memory_space<smem>>
        memref.store %swap3A_31, %arg2[%swap3A_32] : memref<10000xi32, #tpu.memory_space<smem>>
        %scan3A_34 = arith.constant 5 : i32
        %scan3A_35 = arith.addi %scan3A_11, %scan3A_34 : i32
        %swap3A_36 = arith.constant -1 : i32
        %swap3A_37 = arith.index_cast %scan3A_35 : i32 to index
        %swap3A_38 = memref.load %arg2[%swap3A_37] : memref<10000xi32, #tpu.memory_space<smem>>
        memref.store %swap3A_36, %arg2[%swap3A_37] : memref<10000xi32, #tpu.memory_space<smem>>
        %scan3A_39 = arith.constant 6 : i32
        %scan3A_40 = arith.addi %scan3A_11, %scan3A_39 : i32
        %swap3A_41 = arith.constant -1 : i32
        %swap3A_42 = arith.index_cast %scan3A_40 : i32 to index
        %swap3A_43 = memref.load %arg2[%swap3A_42] : memref<10000xi32, #tpu.memory_space<smem>>
        memref.store %swap3A_41, %arg2[%swap3A_42] : memref<10000xi32, #tpu.memory_space<smem>>
        %scan3A_44 = arith.constant 7 : i32
        %scan3A_45 = arith.addi %scan3A_11, %scan3A_44 : i32
        %swap3A_46 = arith.constant -1 : i32
        %swap3A_47 = arith.index_cast %scan3A_45 : i32 to index
        %swap3A_48 = memref.load %arg2[%swap3A_47] : memref<10000xi32, #tpu.memory_space<smem>>
        memref.store %swap3A_46, %arg2[%swap3A_47] : memref<10000xi32, #tpu.memory_space<smem>>
      }
      %scan3A_10 = arith.constant 10000 : i32
    } else {
    }
    %scan3A = arith.constant 0 : i32
    %scan3A_2 = arith.constant 6400 : i32
    %scan3A_3 = arith.addi %scan3A, %scan3A_2 : i32
    %scan3A_4 = arith.constant 1 : i32
    scf.for %scan3A_6 = %scan3A to %scan3A_3 step %scan3A_4  : i32 {
      %get3A = arith.constant 0 : index
      %get3A_7 = arith.index_cast %scan3A_6 : i32 to index
      %get3A_8 = memref.load %arg1[%get3A, %get3A_7] : memref<2x6400xi32, #tpu.memory_space<smem>>
      %get3A_9 = arith.constant 1 : index
      %get3A_10 = arith.index_cast %scan3A_6 : i32 to index
      %get3A_11 = memref.load %arg1[%get3A_9, %get3A_10] : memref<2x6400xi32, #tpu.memory_space<smem>>
      %get3A_12 = arith.index_cast %get3A_8 : i32 to index
      %get3A_13 = memref.load %arg2[%get3A_12] : memref<10000xi32, #tpu.memory_space<smem>>
      %get3A_14 = arith.index_cast %get3A_11 : i32 to index
      %get3A_15 = memref.load %arg2[%get3A_14] : memref<10000xi32, #tpu.memory_space<smem>>
      %ne3A = arith.cmpi ne, %get3A_8, %get3A_11 : i32
      %lt3A = arith.constant 0 : i32
      %lt3A_16 = arith.cmpi slt, %get3A_13, %lt3A : i32
      %and3A = arith.andi %ne3A, %lt3A_16 : i1
      %lt3A_17 = arith.constant 0 : i32
      %lt3A_18 = arith.cmpi slt, %get3A_15, %lt3A_17 : i32
      %and3A_19 = arith.andi %and3A, %lt3A_18 : i1
      %select_n3A = arith.select %and3A_19, %get3A_11, %get3A_13 : i32
      %swap3A = arith.index_cast %get3A_8 : i32 to index
      %swap3A_20 = memref.load %arg2[%swap3A] : memref<10000xi32, #tpu.memory_space<smem>>
      memref.store %select_n3A, %arg2[%swap3A] : memref<10000xi32, #tpu.memory_space<smem>>
      %select_n3A_21 = arith.select %and3A_19, %get3A_8, %get3A_15 : i32
      %swap3A_22 = arith.index_cast %get3A_11 : i32 to index
      %swap3A_23 = memref.load %arg2[%swap3A_22] : memref<10000xi32, #tpu.memory_space<smem>>
      memref.store %select_n3A_21, %arg2[%swap3A_22] : memref<10000xi32, #tpu.memory_space<smem>>
    }
    %scan3A_5 = arith.constant 6400 : i32
    return
  }
  func.func @transform_0(%arg0: i32) -> (i32, i32) {
    %c0_i32 = arith.constant 0 : i32
    %c0_i32_0 = arith.constant 0 : i32
    return %c0_i32, %arg0 : i32, i32
  }
  func.func @transform_1(%arg0: i32) -> i32 {
    %c0_i32 = arith.constant 0 : i32
    %c0_i32_0 = arith.constant 0 : i32
    return %c0_i32 : i32
  }
}

module attributes {stable_mosaic.version = 14 : i64} {
  func.func @_stage2_body(%arg0: i32, %arg1: memref<400x128xf32, #tpu.memory_space<vmem>>, %arg2: memref<400x1xf32, #tpu.memory_space<vmem>>, %arg3: memref<400x128xf32, #tpu.memory_space<vmem>>, %arg4: memref<128x128xf32, #tpu.memory_space<vmem>>, %arg5: memref<400x128xf32, #tpu.memory_space<vmem>>, %arg6: memref<400x128xf32, #tpu.memory_space<vmem>>, %arg7: memref<400x128xf32, #tpu.memory_space<vmem>>) attributes {dimension_semantics = [#tpu.dimension_semantics<arbitrary>], iteration_bounds = array<i64: 25>, scalar_prefetch = 0 : i64, scratch_operands = 0 : i64, tpu.core_type = #tpu.core_type<tc>, window_params = [{transform_indices = @transform_0, window_bounds = array<i64: 400, 128>}, {transform_indices = @transform_1, window_bounds = array<i64: 400, 1>}, {transform_indices = @transform_2, window_bounds = array<i64: 400, 128>}, {pipeline_mode = #tpu.pipeline_mode<synchronous>, transform_indices = @transform_3, window_bounds = array<i64: 128, 128>}, {transform_indices = @transform_4, window_bounds = array<i64: 400, 128>}, {transform_indices = @transform_5, window_bounds = array<i64: 400, 128>}, {transform_indices = @transform_6, window_bounds = array<i64: 400, 128>}]} {
    %get3A = arith.constant 0 : index
    %get3A_0 = arith.constant 0 : index
    %get3A_1 = vector.load %arg2[%get3A, %get3A_0] : memref<400x1xf32, #tpu.memory_space<vmem>>, vector<400x1xf32>
    %neg3A = arith.constant 0.000000e+00 : f32
    %neg3A_2 = vector.broadcast %neg3A : f32 to vector<400x1xf32>
    %neg3A_3 = arith.subf %neg3A_2, %get3A_1 : vector<400x1xf32>
    %get3A_4 = arith.constant 0 : index
    %get3A_5 = arith.constant 0 : index
    %get3A_6 = vector.load %arg1[%get3A_4, %get3A_5] : memref<400x128xf32, #tpu.memory_space<vmem>>, vector<400x128xf32>
    %mul3A = vector.broadcast %neg3A_3 : vector<400x1xf32> to vector<400x128xf32>
    %mul3A_7 = arith.mulf %mul3A, %get3A_6 : vector<400x128xf32>
    %mul3A_8 = vector.broadcast %get3A_1 : vector<400x1xf32> to vector<400x128xf32>
    %mul3A_9 = arith.mulf %mul3A_8, %mul3A_7 : vector<400x128xf32>
    %swap3A = arith.constant 0 : index
    %swap3A_10 = arith.constant 0 : index
    %swap3A_11 = vector.load %arg5[%swap3A, %swap3A_10] : memref<400x128xf32, #tpu.memory_space<vmem>>, vector<400x128xf32>
    tpu.vector_store %arg5[%swap3A, %swap3A_10], %mul3A_9 {strides = array<i32>} : memref<400x128xf32, #tpu.memory_space<vmem>>, vector<400x128xf32>,
    %swap3A_12 = arith.constant 0 : index
    %swap3A_13 = arith.constant 0 : index
    %swap3A_14 = vector.load %arg7[%swap3A_12, %swap3A_13] : memref<400x128xf32, #tpu.memory_space<vmem>>, vector<400x128xf32>
    tpu.vector_store %arg7[%swap3A_12, %swap3A_13], %mul3A_7 {strides = array<i32>} : memref<400x128xf32, #tpu.memory_space<vmem>>, vector<400x128xf32>,
    %get3A_15 = arith.constant 0 : index
    %get3A_16 = arith.constant 0 : index
    %get3A_17 = vector.load %arg3[%get3A_15, %get3A_16] : memref<400x128xf32, #tpu.memory_space<vmem>>, vector<400x128xf32>
    %get3A_18 = arith.constant 0 : index
    %get3A_19 = arith.constant 0 : index
    %get3A_20 = vector.load %arg4[%get3A_18, %get3A_19] : memref<128x128xf32, #tpu.memory_space<vmem>>, vector<128x128xf32>
    %dot_general3A = arith.constant dense<0.000000e+00> : vector<400x128xf32>
    %dot_general3A_21 = tpu.matmul %mul3A_7, %get3A_20, %dot_general3A {dimension_numbers = #tpu.dot_dimension_numbers<[1], [0], [0], [1], [0, 0, 1, 1], [], []>, transpose_lhs_hint = false} : vector<400x128xf32>, vector<128x128xf32>, vector<400x128xf32> -> vector<400x128xf32>
    %add3A = arith.addf %get3A_17, %dot_general3A_21 : vector<400x128xf32>
    %swap3A_22 = arith.constant 0 : index
    %swap3A_23 = arith.constant 0 : index
    %swap3A_24 = vector.load %arg6[%swap3A_22, %swap3A_23] : memref<400x128xf32, #tpu.memory_space<vmem>>, vector<400x128xf32>
    tpu.vector_store %arg6[%swap3A_22, %swap3A_23], %add3A {strides = array<i32>} : memref<400x128xf32, #tpu.memory_space<vmem>>, vector<400x128xf32>,
    return
  }
  func.func @transform_0(%arg0: i32) -> (i32, i32) {
    %c0_i32 = arith.constant 0 : i32
    %c0_i32_0 = arith.constant 0 : i32
    return %arg0, %c0_i32 : i32, i32
  }
  func.func @transform_1(%arg0: i32) -> (i32, i32) {
    %c0_i32 = arith.constant 0 : i32
    %c0_i32_0 = arith.constant 0 : i32
    return %arg0, %c0_i32 : i32, i32
  }
  func.func @transform_2(%arg0: i32) -> (i32, i32) {
    %c0_i32 = arith.constant 0 : i32
    %c0_i32_0 = arith.constant 0 : i32
    return %arg0, %c0_i32 : i32, i32
  }
  func.func @transform_3(%arg0: i32) -> (i32, i32) {
    %c0_i32 = arith.constant 0 : i32
    %c0_i32_0 = arith.constant 0 : i32
    %c0_i32_1 = arith.constant 0 : i32
    return %c0_i32, %c0_i32_0 : i32, i32
  }
  func.func @transform_4(%arg0: i32) -> (i32, i32) {
    %c0_i32 = arith.constant 0 : i32
    %c0_i32_0 = arith.constant 0 : i32
    return %arg0, %c0_i32 : i32, i32
  }
  func.func @transform_5(%arg0: i32) -> (i32, i32) {
    %c0_i32 = arith.constant 0 : i32
    %c0_i32_0 = arith.constant 0 : i32
    return %arg0, %c0_i32 : i32, i32
  }
  func.func @transform_6(%arg0: i32) -> (i32, i32) {
    %c0_i32 = arith.constant 0 : i32
    %c0_i32_0 = arith.constant 0 : i32
    return %arg0, %c0_i32 : i32, i32
  }
}

module attributes {stable_mosaic.version = 14 : i64} {
  func.func @_mask_body(%arg0: memref<2500x128xi32, #tpu.memory_space<vmem>>, %arg1: memref<2500x128xi32, #tpu.memory_space<vmem>>, %arg2: memref<2500x128xi32, #tpu.memory_space<vmem>>, %arg3: memref<2500x128xf32, #tpu.memory_space<vmem>>) attributes {dimension_semantics = [], scalar_prefetch = 0 : i64, scratch_operands = 0 : i64, tpu.core_type = #tpu.core_type<tc>} {
    %get3A = arith.constant 0 : index
    %get3A_0 = arith.constant 0 : index
    %get3A_1 = vector.load %arg0[%get3A, %get3A_0] : memref<2500x128xi32, #tpu.memory_space<vmem>>, vector<2500x128xi32>
    %get3A_2 = arith.constant 0 : index
    %get3A_3 = arith.constant 0 : index
    %get3A_4 = vector.load %arg1[%get3A_2, %get3A_3] : memref<2500x128xi32, #tpu.memory_space<vmem>>, vector<2500x128xi32>
    %ne3A = arith.cmpi ne, %get3A_1, %get3A_4 : vector<2500x128xi32>
    %jit3A = arith.constant 10000 : i32
    %broadcast_in_dim3A = vector.broadcast %jit3A : i32 to vector<2500x128xi32>
    %select_n3A = arith.select %ne3A, %get3A_4, %broadcast_in_dim3A : vector<2500x128xi1>, vector<2500x128xi32>
    %swap3A = arith.constant 0 : index
    %swap3A_5 = arith.constant 0 : index
    %swap3A_6 = vector.load %arg2[%swap3A, %swap3A_5] : memref<2500x128xi32, #tpu.memory_space<vmem>>, vector<2500x128xi32>
    tpu.vector_store %arg2[%swap3A, %swap3A_5], %select_n3A {strides = array<i32>} : memref<2500x128xi32, #tpu.memory_space<vmem>>, vector<2500x128xi32>,
    %jit3A_7 = arith.constant 1.000000e+00 : f32
    %jit3A_8 = arith.constant 0.000000e+00 : f32
    %broadcast_in_dim3A_9 = vector.broadcast %jit3A_7 : f32 to vector<2500x128xf32>
    %broadcast_in_dim3A_10 = vector.broadcast %jit3A_8 : f32 to vector<2500x128xf32>
    %select_n3A_11 = arith.select %ne3A, %broadcast_in_dim3A_9, %broadcast_in_dim3A_10 : vector<2500x128xi1>, vector<2500x128xf32>
    %swap3A_12 = arith.constant 0 : index
    %swap3A_13 = arith.constant 0 : index
    %swap3A_14 = vector.load %arg3[%swap3A_12, %swap3A_13] : memref<2500x128xf32, #tpu.memory_space<vmem>>, vector<2500x128xf32>
    tpu.vector_store %arg3[%swap3A_12, %swap3A_13], %select_n3A_11 {strides = array<i32>} : memref<2500x128xf32, #tpu.memory_space<vmem>>, vector<2500x128xf32>,
    return
  }
}

module attributes {stable_mosaic.version = 14 : i64} {
  func.func @_stage3_body(%arg0: i32, %arg1: memref<400x128xf32, #tpu.memory_space<vmem>>, %arg2: memref<400x1xf32, #tpu.memory_space<vmem>>, %arg3: memref<400x128xf32, #tpu.memory_space<vmem>>, %arg4: memref<400x128xf32, #tpu.memory_space<vmem>>, %arg5: memref<128x128xf32, #tpu.memory_space<vmem>>, %arg6: memref<1x128xf32, #tpu.memory_space<vmem>>, %arg7: memref<400x128xf32, #tpu.memory_space<vmem>>) attributes {dimension_semantics = [#tpu.dimension_semantics<arbitrary>], iteration_bounds = array<i64: 25>, scalar_prefetch = 0 : i64, scratch_operands = 0 : i64, tpu.core_type = #tpu.core_type<tc>, window_params = [{transform_indices = @transform_0, window_bounds = array<i64: 400, 128>}, {transform_indices = @transform_1, window_bounds = array<i64: 400, 1>}, {transform_indices = @transform_2, window_bounds = array<i64: 400, 128>}, {transform_indices = @transform_3, window_bounds = array<i64: 400, 128>}, {pipeline_mode = #tpu.pipeline_mode<synchronous>, transform_indices = @transform_4, window_bounds = array<i64: 128, 128>}, {pipeline_mode = #tpu.pipeline_mode<synchronous>, transform_indices = @transform_5, window_bounds = array<i64: 1, 128>}, {transform_indices = @transform_6, window_bounds = array<i64: 400, 128>}]} {
    %get3A = arith.constant 0 : index
    %get3A_0 = arith.constant 0 : index
    %get3A_1 = vector.load %arg2[%get3A, %get3A_0] : memref<400x1xf32, #tpu.memory_space<vmem>>, vector<400x1xf32>
    %mul3A = arith.constant -2.000000e+00 : f32
    %mul3A_2 = vector.broadcast %mul3A : f32 to vector<400x1xf32>
    %mul3A_3 = arith.mulf %mul3A_2, %get3A_1 : vector<400x1xf32>
    %get3A_4 = arith.constant 0 : index
    %get3A_5 = arith.constant 0 : index
    %get3A_6 = vector.load %arg1[%get3A_4, %get3A_5] : memref<400x128xf32, #tpu.memory_space<vmem>>, vector<400x128xf32>
    %mul3A_7 = vector.broadcast %mul3A_3 : vector<400x1xf32> to vector<400x128xf32>
    %mul3A_8 = arith.mulf %mul3A_7, %get3A_6 : vector<400x128xf32>
    %get3A_9 = arith.constant 0 : index
    %get3A_10 = arith.constant 0 : index
    %get3A_11 = vector.load %arg3[%get3A_9, %get3A_10] : memref<400x128xf32, #tpu.memory_space<vmem>>, vector<400x128xf32>
    %sub3A = arith.subf %mul3A_8, %get3A_11 : vector<400x128xf32>
    %get3A_12 = arith.constant 0 : index
    %get3A_13 = arith.constant 0 : index
    %get3A_14 = vector.load %arg4[%get3A_12, %get3A_13] : memref<400x128xf32, #tpu.memory_space<vmem>>, vector<400x128xf32>
    %get3A_15 = arith.constant 0 : index
    %get3A_16 = arith.constant 0 : index
    %get3A_17 = vector.load %arg5[%get3A_15, %get3A_16] : memref<128x128xf32, #tpu.memory_space<vmem>>, vector<128x128xf32>
    %dot_general3A = arith.constant dense<0.000000e+00> : vector<400x128xf32>
    %dot_general3A_18 = tpu.matmul %sub3A, %get3A_17, %dot_general3A {dimension_numbers = #tpu.dot_dimension_numbers<[1], [0], [0], [1], [0, 0, 1, 1], [], []>, transpose_lhs_hint = false} : vector<400x128xf32>, vector<128x128xf32>, vector<400x128xf32> -> vector<400x128xf32>
    %add3A = arith.addf %get3A_14, %dot_general3A_18 : vector<400x128xf32>
    %get3A_19 = arith.constant 0 : index
    %get3A_20 = arith.constant 0 : index
    %get3A_21 = vector.load %arg6[%get3A_19, %get3A_20] : memref<1x128xf32, #tpu.memory_space<vmem>>, vector<1x128xf32>
    %add3A_22 = vector.broadcast %get3A_21 : vector<1x128xf32> to vector<400x128xf32>
    %add3A_23 = arith.addf %add3A, %add3A_22 : vector<400x128xf32>
    %max3A = arith.constant 0.000000e+00 : f32
    %max3A_24 = vector.broadcast %max3A : f32 to vector<400x128xf32>
    %max3A_25 = arith.maximumf %add3A_23, %max3A_24 : vector<400x128xf32>
    %swap3A = arith.constant 0 : index
    %swap3A_26 = arith.constant 0 : index
    %swap3A_27 = vector.load %arg7[%swap3A, %swap3A_26] : memref<400x128xf32, #tpu.memory_space<vmem>>, vector<400x128xf32>
    tpu.vector_store %arg7[%swap3A, %swap3A_26], %max3A_25 {strides = array<i32>} : memref<400x128xf32, #tpu.memory_space<vmem>>, vector<400x128xf32>,
    return
  }
  func.func @transform_0(%arg0: i32) -> (i32, i32) {
    %c0_i32 = arith.constant 0 : i32
    %c0_i32_0 = arith.constant 0 : i32
    return %arg0, %c0_i32 : i32, i32
  }
  func.func @transform_1(%arg0: i32) -> (i32, i32) {
    %c0_i32 = arith.constant 0 : i32
    %c0_i32_0 = arith.constant 0 : i32
    return %arg0, %c0_i32 : i32, i32
  }
  func.func @transform_2(%arg0: i32) -> (i32, i32) {
    %c0_i32 = arith.constant 0 : i32
    %c0_i32_0 = arith.constant 0 : i32
    return %arg0, %c0_i32 : i32, i32
  }
  func.func @transform_3(%arg0: i32) -> (i32, i32) {
    %c0_i32 = arith.constant 0 : i32
    %c0_i32_0 = arith.constant 0 : i32
    return %arg0, %c0_i32 : i32, i32
  }
  func.func @transform_4(%arg0: i32) -> (i32, i32) {
    %c0_i32 = arith.constant 0 : i32
    %c0_i32_0 = arith.constant 0 : i32
    %c0_i32_1 = arith.constant 0 : i32
    return %c0_i32, %c0_i32_0 : i32, i32
  }
  func.func @transform_5(%arg0: i32) -> (i32, i32) {
    %c0_i32 = arith.constant 0 : i32
    %c0_i32_0 = arith.constant 0 : i32
    %c0_i32_1 = arith.constant 0 : i32
    return %c0_i32, %c0_i32_0 : i32, i32
  }
  func.func @transform_6(%arg0: i32) -> (i32, i32) {
    %c0_i32 = arith.constant 0 : i32
    %c0_i32_0 = arith.constant 0 : i32
    return %arg0, %c0_i32 : i32, i32
  }
}

module attributes {stable_mosaic.version = 14 : i64} {
  func.func @_pool_body(%arg0: i32, %arg1: memref<400x128xf32, #tpu.memory_space<vmem>>, %arg2: memref<400x1xf32, #tpu.memory_space<vmem>>, %arg3: memref<400x1xf32, #tpu.memory_space<vmem>>, %arg4: memref<400x1xf32, #tpu.memory_space<vmem>>, %arg5: memref<400x1xf32, #tpu.memory_space<vmem>>, %arg6: memref<400x128xf32, #tpu.memory_space<vmem>>, %arg7: memref<400x1xf32, #tpu.memory_space<vmem>>) attributes {dimension_semantics = [#tpu.dimension_semantics<arbitrary>], iteration_bounds = array<i64: 25>, scalar_prefetch = 0 : i64, scratch_operands = 0 : i64, tpu.core_type = #tpu.core_type<tc>, window_params = [{transform_indices = @transform_0, window_bounds = array<i64: 400, 128>}, {transform_indices = @transform_1, window_bounds = array<i64: 400, 1>}, {transform_indices = @transform_2, window_bounds = array<i64: 400, 1>}, {transform_indices = @transform_3, window_bounds = array<i64: 400, 1>}, {transform_indices = @transform_4, window_bounds = array<i64: 400, 1>}, {transform_indices = @transform_5, window_bounds = array<i64: 400, 128>}, {transform_indices = @transform_6, window_bounds = array<i64: 400, 1>}]} {
    %get3A = arith.constant 0 : index
    %get3A_0 = arith.constant 0 : index
    %get3A_1 = vector.load %arg2[%get3A, %get3A_0] : memref<400x1xf32, #tpu.memory_space<vmem>>, vector<400x1xf32>
    %get3A_2 = arith.constant 0 : index
    %get3A_3 = arith.constant 0 : index
    %get3A_4 = vector.load %arg3[%get3A_2, %get3A_3] : memref<400x1xf32, #tpu.memory_space<vmem>>, vector<400x1xf32>
    %add3A = arith.addf %get3A_1, %get3A_4 : vector<400x1xf32>
    %get3A_5 = arith.constant 0 : index
    %get3A_6 = arith.constant 0 : index
    %get3A_7 = vector.load %arg1[%get3A_5, %get3A_6] : memref<400x128xf32, #tpu.memory_space<vmem>>, vector<400x128xf32>
    %max3A = arith.constant 1.000000e+00 : f32
    %max3A_8 = vector.broadcast %max3A : f32 to vector<400x1xf32>
    %max3A_9 = arith.maximumf %add3A, %max3A_8 : vector<400x1xf32>
    %div3A = vector.broadcast %max3A_9 : vector<400x1xf32> to vector<400x128xf32>
    %div3A_10 = arith.divf %get3A_7, %div3A : vector<400x128xf32>
    %swap3A = arith.constant 0 : index
    %swap3A_11 = arith.constant 0 : index
    %swap3A_12 = vector.load %arg6[%swap3A, %swap3A_11] : memref<400x128xf32, #tpu.memory_space<vmem>>, vector<400x128xf32>
    tpu.vector_store %arg6[%swap3A, %swap3A_11], %div3A_10 {strides = array<i32>} : memref<400x128xf32, #tpu.memory_space<vmem>>, vector<400x128xf32>,
    %get3A_13 = arith.constant 0 : index
    %get3A_14 = arith.constant 0 : index
    %get3A_15 = vector.load %arg4[%get3A_13, %get3A_14] : memref<400x1xf32, #tpu.memory_space<vmem>>, vector<400x1xf32>
    %get3A_16 = arith.constant 0 : index
    %get3A_17 = arith.constant 0 : index
    %get3A_18 = vector.load %arg5[%get3A_16, %get3A_17] : memref<400x1xf32, #tpu.memory_space<vmem>>, vector<400x1xf32>
    %eq3A = arith.cmpf oeq, %get3A_15, %get3A_18 : vector<400x1xf32>
    %jit3A = arith.constant 1.000000e+00 : f32
    %jit3A_19 = arith.constant 0.000000e+00 : f32
    %broadcast_in_dim3A = vector.broadcast %jit3A : f32 to vector<400x1xf32>
    %broadcast_in_dim3A_20 = vector.broadcast %jit3A_19 : f32 to vector<400x1xf32>
    %select_n3A = arith.select %eq3A, %broadcast_in_dim3A, %broadcast_in_dim3A_20 : vector<400x1xi1>, vector<400x1xf32>
    %swap3A_21 = arith.constant 0 : index
    %swap3A_22 = arith.constant 0 : index
    %swap3A_23 = vector.load %arg7[%swap3A_21, %swap3A_22] : memref<400x1xf32, #tpu.memory_space<vmem>>, vector<400x1xf32>
    tpu.vector_store %arg7[%swap3A_21, %swap3A_22], %select_n3A {strides = array<i32>} : memref<400x1xf32, #tpu.memory_space<vmem>>, vector<400x1xf32>,
    return
  }
  func.func @transform_0(%arg0: i32) -> (i32, i32) {
    %c0_i32 = arith.constant 0 : i32
    %c0_i32_0 = arith.constant 0 : i32
    return %arg0, %c0_i32 : i32, i32
  }
  func.func @transform_1(%arg0: i32) -> (i32, i32) {
    %c0_i32 = arith.constant 0 : i32
    %c0_i32_0 = arith.constant 0 : i32
    return %arg0, %c0_i32 : i32, i32
  }
  func.func @transform_2(%arg0: i32) -> (i32, i32) {
    %c0_i32 = arith.constant 0 : i32
    %c0_i32_0 = arith.constant 0 : i32
    return %arg0, %c0_i32 : i32, i32
  }
  func.func @transform_3(%arg0: i32) -> (i32, i32) {
    %c0_i32 = arith.constant 0 : i32
    %c0_i32_0 = arith.constant 0 : i32
    return %arg0, %c0_i32 : i32, i32
  }
  func.func @transform_4(%arg0: i32) -> (i32, i32) {
    %c0_i32 = arith.constant 0 : i32
    %c0_i32_0 = arith.constant 0 : i32
    return %arg0, %c0_i32 : i32, i32
  }
  func.func @transform_5(%arg0: i32) -> (i32, i32) {
    %c0_i32 = arith.constant 0 : i32
    %c0_i32_0 = arith.constant 0 : i32
    return %arg0, %c0_i32 : i32, i32
  }
  func.func @transform_6(%arg0: i32) -> (i32, i32) {
    %c0_i32 = arith.constant 0 : i32
    %c0_i32_0 = arith.constant 0 : i32
    return %arg0, %c0_i32 : i32, i32
  }
}

module attributes {stable_mosaic.version = 14 : i64} {
  func.func @_final_body(%arg0: memref<64x128xf32, #tpu.memory_space<vmem>>, %arg1: memref<64x1xf32, #tpu.memory_space<vmem>>, %arg2: memref<64x1xf32, #tpu.memory_space<vmem>>, %arg3: memref<128x16xf32, #tpu.memory_space<vmem>>, %arg4: memref<1x16xf32, #tpu.memory_space<vmem>>, %arg5: memref<64x16xf32, #tpu.memory_space<vmem>>) attributes {dimension_semantics = [], scalar_prefetch = 0 : i64, scratch_operands = 0 : i64, tpu.core_type = #tpu.core_type<tc>} {
    %get3A = arith.constant 0 : index
    %get3A_0 = arith.constant 0 : index
    %get3A_1 = vector.load %arg1[%get3A, %get3A_0] : memref<64x1xf32, #tpu.memory_space<vmem>>, vector<64x1xf32>
    %get3A_2 = arith.constant 0 : index
    %get3A_3 = arith.constant 0 : index
    %get3A_4 = vector.load %arg2[%get3A_2, %get3A_3] : memref<64x1xf32, #tpu.memory_space<vmem>>, vector<64x1xf32>
    %add3A = arith.addf %get3A_1, %get3A_4 : vector<64x1xf32>
    %get3A_5 = arith.constant 0 : index
    %get3A_6 = arith.constant 0 : index
    %get3A_7 = vector.load %arg0[%get3A_5, %get3A_6] : memref<64x128xf32, #tpu.memory_space<vmem>>, vector<64x128xf32>
    %max3A = arith.constant 1.000000e+00 : f32
    %max3A_8 = vector.broadcast %max3A : f32 to vector<64x1xf32>
    %max3A_9 = arith.maximumf %add3A, %max3A_8 : vector<64x1xf32>
    %div3A = vector.broadcast %max3A_9 : vector<64x1xf32> to vector<64x128xf32>
    %div3A_10 = arith.divf %get3A_7, %div3A : vector<64x128xf32>
    %get3A_11 = arith.constant 0 : index
    %get3A_12 = arith.constant 0 : index
    %get3A_13 = vector.load %arg3[%get3A_11, %get3A_12] : memref<128x16xf32, #tpu.memory_space<vmem>>, vector<128x16xf32>
    %dot_general3A = arith.constant dense<0.000000e+00> : vector<64x16xf32>
    %dot_general3A_14 = tpu.matmul %div3A_10, %get3A_13, %dot_general3A {dimension_numbers = #tpu.dot_dimension_numbers<[1], [0], [0], [1], [0, 0, 1, 1], [], []>, transpose_lhs_hint = false} : vector<64x128xf32>, vector<128x16xf32>, vector<64x16xf32> -> vector<64x16xf32>
    %get3A_15 = arith.constant 0 : index
    %get3A_16 = arith.constant 0 : index
    %get3A_17 = vector.load %arg4[%get3A_15, %get3A_16] : memref<1x16xf32, #tpu.memory_space<vmem>>, vector<1x16xf32>
    %add3A_18 = vector.broadcast %get3A_17 : vector<1x16xf32> to vector<64x16xf32>
    %add3A_19 = arith.addf %dot_general3A_14, %add3A_18 : vector<64x16xf32>
    %reduce_max3A = arith.constant dense<0xFF800000> : vector<64xf32>
    %reduce_max3A_20 = vector.multi_reduction <maximumf>, %add3A_19, %reduce_max3A [1] : vector<64x16xf32> to vector<64xf32>
    %broadcast_in_dim3A = vector.shape_cast %reduce_max3A_20 : vector<64xf32> to vector<64x1xf32>
    %sub3A = vector.broadcast %broadcast_in_dim3A : vector<64x1xf32> to vector<64x16xf32>
    %sub3A_21 = arith.subf %add3A_19, %sub3A : vector<64x16xf32>
    %exp3A = math.exp %sub3A_21 : vector<64x16xf32>
    %reduce_sum3A = arith.constant dense<0.000000e+00> : vector<64xf32>
    %reduce_sum3A_22 = vector.multi_reduction <add>, %exp3A, %reduce_sum3A [1] : vector<64x16xf32> to vector<64xf32>
    %broadcast_in_dim3A_23 = vector.shape_cast %reduce_sum3A_22 : vector<64xf32> to vector<64x1xf32>
    %log3A = math.log %broadcast_in_dim3A_23 : vector<64x1xf32>
    %sub3A_24 = vector.broadcast %log3A : vector<64x1xf32> to vector<64x16xf32>
    %sub3A_25 = arith.subf %sub3A_21, %sub3A_24 : vector<64x16xf32>
    %swap3A = arith.constant 0 : index
    %swap3A_26 = arith.constant 0 : index
    %swap3A_27 = vector.load %arg5[%swap3A, %swap3A_26] : memref<64x16xf32, #tpu.memory_space<vmem>>, vector<64x16xf32>
    tpu.vector_store %arg5[%swap3A, %swap3A_26], %sub3A_25 {strides = array<i32>} : memref<64x16xf32, #tpu.memory_space<vmem>>, vector<64x16xf32>,
    return
  }
}

</mosaic_0001>

<sc_bundles>
// kernel: kernel.24.cloned.1.call-start
scs
__scs_entry_jumppad:
0x0: {  	(pc) =	sbr.rel $0x88, $3  }
0x1: {  	(tag) =	ssettag $0x0;
	lr =	simm.s32 $0x1  }
0x2: {  	[smem:$0x3F98] =	sst lr;
	_ =	strace $0xD0000000  }
0x3: {  	_ = 	snop  }
0x4: {  	_ = 	snop  }
0x5: {  	_ = 	snop  }
0x6: {  	_ = 	snop  }
0x7: {  	_ = 	snop  }
__scs_overlays_trampoline_lowered:
0x8: {  	[smem:$0x3FA7] =	sst s0  }
0x9: {  	[smem:$0x3FA8] =	sst s1  }
0xa: {  	[smem:$0x3FA9] =	sst s2  }
0xb: {  	[smem:$0x3FAA] =	sst s3  }
0xc: {  	[smem:$0x3FAB] =	sst s4  }
0xd: {  	[smem:$0x3FAC] =	sst s5  }
0xe: {  	[smem:$0x3FAD] =	sst s6  }
0xf: {  	[smem:$0x3FAE] =	sst s7  }
0x10: {  	[smem:$0x3FAF] =	sst s8  }
0x11: {  	[smem:$0x3FB0] =	sst s9;
	s0 =	simm.s32 @!p0 $0x0  }
0x12: {  	s1 =	sld [smem:$0x3F96];
	s0 =	simm.s32 @p0 $0x1  }
0x13: {  	[smem:$0x3FB1] =	sst s0;
	s0 =	simm.s32 @!p1 $0x0  }
0x14: {  	s2 =	sld [smem:$0x3F95];
	s0 =	simm.s32 @p1 $0x1  }
0x15: {  	[smem:$0x3FB2] =	sst s0;
	s0 =	simm.s32 @!p2 $0x0  }
0x16: {  	s3 =	sld [smem:$0x3FDB];
	s0 =	simm.s32 @p2 $0x1  }
0x17: {  	s4 =	simm.s32 $0x1BF5;
	[smem:$0x3FB4] =	sst s0  }
0x18: {  	s0 =	sld [smem:$0x3F97];
	_ =	swait.ge [sflag:s4], $0x0  }
0x19: {  	s7 =	sld [smem:$0x3F98]  }
0x1a: {  	s8 =	sadd.s32 $0xFFFFE003, lr  }
0x1b: {  	s9 =	sadd.s32 $0xFFFFFEF7, lr;
	s5 =	simm.s32 $0xFFFFFFFF;
	p2 =	slt.u32 s8, $0xFFFFF086  }
0x1c: {  	p1 =	slt.u32 s9, $0xF7A;
	s5 =	simm.s32 @!p2 $0x0  }
0x1d: {  	s5 =	simm.s32 @p1 $0x1;
	p0 =	seq.s32 s7, s2  }
0x1e: {  	s7 =	smul.u32 @!p0 $0xF7A, s2;
	p2 =	seq.s32 @!p0 s5, $0x0  }
0x1f: {  	s9 =	smul.u32 $0xF7A, s1;
	s8 =	simm.s32 @!p0 $0x1BF5;
	p2 =	por !p2, p0  }
0x20: {  	[sflag:s8] =	ssyncset.s32 @!p0 $0xFFFFF086;
	s6 =	sadd.s32 @!p0 s3, s7;
	s7 =	simm.s32 @!p0 $0x108  }
0x21: {  	s3 =	sadd.s32 s3, s9;
	s6 =	sadd.s32 @!p0 $0x88, s6;
	s7 =	simm.s32 @p2 $0x1082  }
0x22: {  	[simem:s7], [sflag:s8] =	dma.local @!p0 [hbm:s6], $0xF7A  }
0x23: {  	s9 =	sor.u32 $0xD0000000, s2;
	s6 =	simm.s32 $0x108;
	_ =	swait.ge @!p0 [sflag:s8], $0x0  }
0x24: {  	s3 =	sadd.s32 $0x88, s3;
	s6 =	simm.s32 @!p1 $0x1082;
	[sflag:s4] =	ssyncset.s32 $0xFFFFF086  }
0x25: {  	[simem:s6], [sflag:s4] =	dma.local [hbm:s3], $0xF7A  }
0x26: {  	[smem:$0x3F98] =	sst s1;
	(tag) =	ssettag s2;
	_ =	strace s9  }
0x27: {  	s1 =	sld [smem:$0x3FA8]  }
0x28: {  	s2 =	sld [smem:$0x3FA9]  }
0x29: {  	s4 =	sld [smem:$0x3FAB]  }
0x2a: {  	p0 =	seq.s32 s5, $0x0;
	s5 =	sld [smem:$0x3FAC]  }
0x2b: {  	s6 =	sld [smem:$0x3FAD]  }
0x2c: {  	s7 =	sld [smem:$0x3FAE]  }
0x2d: {  	s3 =	simm.s32 $0x108;
	s8 =	sld [smem:$0x3FAF]  }
0x2e: {  	s3 =	simm.s32 @!p0 $0x1082;
	s9 =	sld [smem:$0x3FB0]  }
0x2f: {  	lr =	sadd.s32 s0, s3;
	s0 =	sld [smem:$0x3FA7]  }
0x30: {  	s3 =	sld [smem:$0x3FAA]  }
0x31: {  	[smem:$0x3FB3] =	sst s10  }
0x32: {  	s10 =	sld [smem:$0x3FB1];
	_ =	sdelay $0x3  }
0x33: {  	p0 =	seq.s32 s10, $0x1;
	s10 =	sld [smem:$0x3FB3];
	_ =	sdelay $0x3  }
0x34: {  	[smem:$0x3FB3] =	sst s10  }
0x35: {  	s10 =	sld [smem:$0x3FB2];
	_ =	sdelay $0x3  }
0x36: {  	p1 =	seq.s32 s10, $0x1;
	s10 =	sld [smem:$0x3FB3];
	_ =	sdelay $0x3  }
0x37: {  	[smem:$0x3FB3] =	sst s10  }
0x38: {  	s10 =	sld [smem:$0x3FB4]  }
0x39: {  	_ = 	snop;
	(pc) =	sbr.ind lr, $3  }
0x3a: {  	_ = 	snop  }
0x3b: {  	_ = 	snop  }
0x3c: {  	p2 =	seq.s32 s10, $0x1;
	s10 =	sld [smem:$0x3FB3]  }
0x3d: {  	_ =	shalt  }
0x3e: {  	_ =	shalt  }
0x3f: {  	_ =	shalt  }
0x40: {  	_ =	shalt  }
0x41: {  	_ =	shalt  }
0x42: {  	_ =	shalt  }
0x43: {  	_ =	shalt  }
0x44: {  	_ =	shalt  }
0x45: {  	_ =	shalt  }
0x46: {  	_ =	shalt  }
0x47: {  	_ =	shalt  }
0x48: {  	_ =	shalt  }
0x49: {  	_ =	shalt  }
0x4a: {  	_ =	shalt  }
0x4b: {  	_ =	shalt  }
0x4c: {  	_ =	shalt  }
0x4d: {  	_ =	shalt  }
0x4e: {  	_ =	shalt  }
0x4f: {  	_ =	shalt  }
0x50: {  	_ =	shalt  }
0x51: {  	_ =	shalt  }
0x52: {  	_ =	shalt  }
0x53: {  	_ =	shalt  }
0x54: {  	_ =	shalt  }
0x55: {  	_ =	shalt  }
0x56: {  	_ =	shalt  }
0x57: {  	_ =	shalt  }
0x58: {  	_ =	shalt  }
0x59: {  	_ =	shalt  }
0x5a: {  	_ =	shalt  }
0x5b: {  	_ =	shalt  }
0x5c: {  	_ =	shalt  }
0x5d: {  	_ =	shalt  }
0x5e: {  	_ =	shalt  }
0x5f: {  	_ =	shalt  }
0x60: {  	_ =	shalt  }
0x61: {  	_ =	shalt  }
0x62: {  	_ =	shalt  }
0x63: {  	_ =	shalt  }
0x64: {  	_ =	shalt  }
0x65: {  	_ =	shalt  }
0x66: {  	_ =	shalt  }
0x67: {  	_ =	shalt  }
0x68: {  	_ =	shalt  }
0x69: {  	_ =	shalt  }
0x6a: {  	_ =	shalt  }
0x6b: {  	_ =	shalt  }
0x6c: {  	_ =	shalt  }
0x6d: {  	_ =	shalt  }
0x6e: {  	_ =	shalt  }
0x6f: {  	_ =	shalt  }
0x70: {  	_ =	shalt  }
0x71: {  	_ =	shalt  }
0x72: {  	_ =	shalt  }
0x73: {  	_ =	shalt  }
0x74: {  	_ =	shalt  }
0x75: {  	_ =	shalt  }
0x76: {  	_ =	shalt  }
0x77: {  	_ =	shalt  }
0x78: {  	_ =	shalt  }
0x79: {  	_ =	shalt  }
0x7a: {  	_ =	shalt  }
0x7b: {  	_ =	shalt  }
0x7c: {  	_ =	shalt  }
0x7d: {  	_ =	shalt  }
0x7e: {  	_ =	shalt  }
0x7f: {  	_ =	shalt  }
0x80: {  	_ =	shalt  }
0x81: {  	_ =	shalt  }
0x82: {  	_ =	shalt  }
0x83: {  	_ =	shalt  }
0x84: {  	_ =	shalt  }
0x85: {  	_ =	shalt  }
0x86: {  	_ =	shalt  }
0x87: {  	_ =	shalt  }
.Lfunc_end0:
.L_simem_size_0:
called_computation_lowered:
.L_overlay_start_0:
0x88: {  	s2 =	sld [smem:$0x3FD9]  }
0x89: {  	s3 =	sld [smem:$0x3FFE];
	_ =	sdelay $0x1  }
0x8a: {  	s1 =	srdreg.scid  }
0x8b: {  	s0 =	sand.u32 $0x1, s1  }
0x8c: {  	s16 =	sshll.u32 s0, $0xA;
	s2 =	sadd.s32 s3, s2  }
0x8d: {  	s2 =	sadd.s32 s2, s16  }
0x8e: {  	[smem:$0x3FBF] =	sst s2  }
0x8f: {  	_ = 	snop  }
0x90: {  	(tm) =	ssettm $0x1  }
0x91: {  	s17 =	sld [smem:$0x3FFB];
	_ =	sdelay $0x3  }
0x92: {  	_ =	strace s17  }
0x93: {  	s2 =	sld [smem:$0x3FFC];
	_ =	sdelay $0x3  }
0x94: {  	_ =	strace s2  }
0x95: {  	s2 =	sld [smem:$0x3FFD];
	_ =	sdelay $0x3  }
0x96: {  	_ =	strace s2  }
0x97: {  	_ =	strace $0x8FFFFFFF  }
0x98: {  	s18 =	sld [smem:$0x3FDB];
	_ =	sdelay $0x1  }
0x99: {  	s19 =	simm.s32 $_scs_section_size  }
0x9a: {  	s4 =	simm.s32 $_size__tile_overlayer_lowered;
	s5 =	simm.s32 $_tile_overlayer_lowered  }
0x9b: {  	s22 =	simm.s32 $0x1BFF;
	s21 =	sshll.u32 s5, $0x1;
	s2 =	sadd.s32 s19, s18  }
0x9c: {  	s6 =	simm.s32 $0x0;
	s20 =	sshll.u32 s4, $0x1;
	s4 =	sadd.s32 s21, s2  }
0x9d: {  	[timem:s6], [sflag:s22] =	dma.local [hbm:s4], s20  }
0x9e: {  	_ =	swait.ge [sflag:s22], s20  }
0x9f: {  	s3 =	ssub.s32 $0x0, s20;
	[sflag:s22] =	ssyncset.done $0x0  }
0xa0: {  	[sflag:s22] =	ssyncadd.s32 s3;
	_ =	sdelay $0x1  }
0xa1: {  	s23 =	simm.s32 $0x1B8B  }
0xa2: {  	_ =	swait.ge [sflag:s23], $0x1  }
0xa3: {  	[sflag:s23] =	ssyncset.done $0x0  }
0xa4: {  	s25 =	simm.s32 $0x1B8E;
	s24 =	sld [smem:$0x3FFE];
	[sflag:s23] =	ssyncadd.s32 $0xFFFFFFFF  }
0xa5: {  	s26 =	simm.s32 $execute0_lowered;
	[smem:$0x3FD2] =	sst s25  }
0xa6: {  	s4 =	sshll.u32 s26, $0x1;
	_ =	strace $0x80000046;
	[dreg:$0x1] =	wrdreg $0xFFFFFFFF  }
0xa7: {  	s28 =	simm.s32 $_size_execute0_lowered;
	s2 =	sadd.s32 s2, s4;
	[dreg:$0x0] =	wrdreg $0x0  }
0xa8: {  	s4 =	sshll.u32 s28, $0x1;
	[dreg:$0x2] =	wrdreg s2  }
0xa9: {  	[dreg:$0x3] =	wrdreg s4  }
0xaa: {  	[dreg:$0x4] =	wrdreg $0xC0  }
0xab: {  	_ =	task [dreg:s6], $0x5FFFF  }
0xac: {  	[dreg:$0x1] =	wrdreg $0xFFFFFFFF  }
0xad: {  	[dreg:$0x0] =	wrdreg $0x60  }
0xae: {  	[dreg:$0x2] =	wrdreg s24  }
0xaf: {  	[dreg:$0x3] =	wrdreg $0x4000  }
0xb0: {  	[dreg:$0x4] =	wrdreg $0x9  }
0xb1: {  	_ =	task.clear_ibuf [dreg:s6], $0x5FFFF;
	_ =	strace $0x90000046  }
0xb2: {  	s29 =	simm.s32 $0x9;
	_ =	strace $0x80000048  }
0xb3: {  	_ =	swait.ge [sflag:s29], $0x1  }
0xb4: {  	[sflag:s29] =	ssyncadd.s32 $0xFFFFFFFF  }
0xb5: {  	_ =	strace $0x90000048  }
0xb6: {  	_ =	sfence  }
0xb7: {  	s30 =	sld [smem:$0x0];
	_ =	sdelay $0x2  }
0xb8: {  	s31 =	sshll.u32 s1, $0xD;
	s1 =	sshrl.u32 s1, $0x2  }
0xb9: {  	s3 =	sand.u32 $0x4000, s31;
	s1 =	sadd.s32 s1, s30  }
0xba: {  	s0 =	sor.u32 s3, s0;
	s1 =	sshll.u32 s1, $0x11  }
0xbb: {  	s0 =	sor.u32 s1, s0  }
0xbc: {  	s0 =	sadd.s32 $0x8F2B, s0  }
0xbd: {  	[sflag:s0] =	ssyncadd.remote.s32 $0x1  }
0xbe: {  	_ =	sfence.sel $0xFFFF  }
0xbf: {  	[dreg:$0x0] =	wrdreg $0xFFFFFFFF;
	(pc) =	sbr.abs _section_cstart, $3  }
0xc0: {  	[dreg:$0x1] =	wrdreg $0xFFFFFFFF  }
0xc1: {  	_ =	task.clear_ibuf [dreg:s6], $0x2FFFF;
	_ =	strace $0x9FFFFFFF  }
0xc2: {  	(tm) =	ssettm $0x7FFFFFFF  }
0xc3: {  	_ =	shalt  }
tec
execute0_lowered:
.L_overlay_start_1:
0x0: {  	(tag) =	ssettag $0x1  }
0x1: {  	s6 =	rddreg [dreg:$0x0]  }
0x2: {  	s1 =	rddreg [dreg:$0x1]  }
0x3: {  	s0 =	rddreg [dreg:$0x2];
	s3 =	simm.s32 $0x0;
	s5 =	srdreg.scid  }
0x4: {  	s2 =	stileid.u32;
	s12 =	simm.s32 $0x80;
	s16 =	simm.s32 $0x20  }
0x5: {  	s17 =	simm.s32 $0x10;
	s18 =	simm.s32 $0x0;
	[smem:$0x7FF] =	sst s3  }
0x6: {  	s4 =	sadd.s32 $0x1CE00, s6;
	s8 =	sand.u32 $0x1, s5;
	s7 =	smul.u32 $0xC00, s2  }
0x7: {  	s5 =	sadd.s32 $0x9200, s6;
	s14 =	smul.u32 $0xC0, s2;
	s31 =	sshll.u32 s2, $0x7  }
0x8: {  	s15 =	sshll.u32 s2, $0x6;
	_ =	strace $0x80000047;
	s9 =	sshll.u32 s8, $0x4  }
0x9: {  	s10 =	ssub.s32 $0x2, s8;
	s30 =	sshll.u32 s8, $0xB;
	s11 =	sadd.s32 s9, s6  }
0xa: {  	s29 =	sshrl.u32 s10, $0x1;
	s7 =	sshrl.u32 s7, $0x2;
	s9 =	sor.u32 s9, s2  }
0xb: {  	s10 =	ssub.s32 s10, s29;
	s6 =	sadd.s32 s7, s1;
	s13 =	sadd.s32 $0x26C00, s11  }
0xc: {  	s9 =	ssub.s32 $0x9E3, s9;
	s11 =	simm.s32 $0x1;
	s7 =	smax.u32 s10, $0x1  }
0xd: {  	s8 =	sshrl.u32 s9, $0x5;
	s9 =	sor.u32 s31, s30;
	s10 =	simm.s32 $0x100  }
0xe: {  	v0 =	vimm.f32 $0.0e+00;
	s13 =	sadd.s32 s14, s13;
	s14 =	sor.u32 $0x1C01, s15;
	s15 =	sshrl.u32 s6, $0x3  }
.LBB2_1:
0xf: {  	[tilespmem:$0x100] =	vst v0  }
0x10: {  	[tilespmem:$0x110] =	vst v0  }
0x11: {  	[tilespmem:$0x120] =	vst v0  }
0x12: {  	[tilespmem:$0x130] =	vst v0  }
0x13: {  	[tilespmem:$0x140] =	vst v0  }
0x14: {  	[tilespmem:$0x150] =	vst v0  }
0x15: {  	[tilespmem:$0x160] =	vst v0  }
0x16: {  	[tilespmem:$0x170] =	vst v0  }
0x17: {  	[tilespmem:$0x180] =	vst v0  }
0x18: {  	[tilespmem:$0x190] =	vst v0  }
0x19: {  	[tilespmem:$0x1A0] =	vst v0  }
0x1a: {  	[tilespmem:$0x1B0] =	vst v0  }
0x1b: {  	[tilespmem:$0x1C0] =	vst v0  }
0x1c: {  	[tilespmem:$0x1D0] =	vst v0  }
0x1d: {  	[tilespmem:$0x1E0] =	vst v0  }
0x1e: {  	[tilespmem:$0x1F0] =	vst v0  }
0x1f: {  	[tilespmem:$0x200] =	vst v0  }
0x20: {  	[tilespmem:$0x210] =	vst v0  }
0x21: {  	[tilespmem:$0x220] =	vst v0  }
0x22: {  	[tilespmem:$0x230] =	vst v0  }
0x23: {  	[tilespmem:$0x240] =	vst v0  }
0x24: {  	[tilespmem:$0x250] =	vst v0  }
0x25: {  	[tilespmem:$0x260] =	vst v0  }
0x26: {  	[tilespmem:$0x270] =	vst v0  }
0x27: {  	[tilespmem:$0x280] =	vst v0  }
0x28: {  	[tilespmem:$0x290] =	vst v0  }
0x29: {  	[tilespmem:$0x2A0] =	vst v0  }
0x2a: {  	[tilespmem:$0x2B0] =	vst v0  }
0x2b: {  	[tilespmem:$0x2C0] =	vst v0  }
0x2c: {  	[tilespmem:$0x2D0] =	vst v0  }
0x2d: {  	[tilespmem:$0x2E0] =	vst v0  }
0x2e: {  	[tilespmem:$0x2F0] =	vst v0  }
0x2f: {  	[tilespmem:$0x300] =	vst v0  }
0x30: {  	[tilespmem:$0x310] =	vst v0  }
0x31: {  	[tilespmem:$0x320] =	vst v0  }
0x32: {  	[tilespmem:$0x330] =	vst v0  }
0x33: {  	[tilespmem:$0x340] =	vst v0  }
0x34: {  	[tilespmem:$0x350] =	vst v0  }
0x35: {  	[tilespmem:$0x360] =	vst v0  }
0x36: {  	[tilespmem:$0x370] =	vst v0  }
0x37: {  	[tilespmem:$0x380] =	vst v0  }
0x38: {  	[tilespmem:$0x390] =	vst v0  }
0x39: {  	[tilespmem:$0x3A0] =	vst v0  }
0x3a: {  	[tilespmem:$0x3B0] =	vst v0  }
0x3b: {  	[tilespmem:$0x3C0] =	vst v0  }
0x3c: {  	[tilespmem:$0x3D0] =	vst v0  }
0x3d: {  	[tilespmem:$0x3E0] =	vst v0  }
0x3e: {  	[tilespmem:$0x3F0] =	vst v0;
	p1 =	sne.s32 s8, $0x1  }
0x3f: {  	[spmem:s6] =	stream.linear.scatter [tilespmem:s10], [sflag:$0x1], $0x300, $0x38;
	[tilespmem:$0x700] =	vst v63  }
.Ltmp0:
0x40: {  	_ =	swait.ge [sflag:s11], $0x300;
	(pc) =	sbr.rel @!p1 .LBB2_4-.Ltmp0, $4  }
0x41: {  	[sflag:s11] =	ssyncset.done $0x0  }
0x42: {  	[sflag:s11] =	ssyncadd.s32 $0xFFFFFD00  }
0x43: {  	[bflag:$0x0] =	sbarrier.arrive $0xFFFF  }
0x44: {  	s20 =	sadd.s32 $0xFFFFFFFF, s8;
	s19 =	sshrl.u32 s9, $0x3;
	p0 =	por $0x0, $0x0  }
0x45: {  	s21 =	sadd.s32 s5, s19  }
0x46: {  	[tilespmem:s3], [sflag:$0x1] =	stream.linear.gather [hbm4b:s21+s3], $0x80, $0x38;
	[tilespmem:$0x700] =	vst v63  }
0x47: {  	_ =	swait.ge [sflag:s11], $0x80  }
0x48: {  	[sflag:s11] =	ssyncset.done $0x0  }
0x49: {  	s31 =	sadd.s32 s4, s19;
	[sflag:s11] =	ssyncadd.s32 $0xFFFFFF80  }
0x4a: {  	[tilespmem:s12], [sflag:$0x1] =	stream.linear.gather [hbm4b:s31+s3], $0x80, $0x38;
	[tilespmem:$0x700] =	vst v63  }
0x4b: {  	p1 =	sne.s32 s20, $0x1;
	_ =	swait.ge [sflag:s11], $0x80  }
.Ltmp1:
0x4c: {  	[sflag:s11] =	ssyncset.done $0x0;
	(pc) =	sbr.rel @!p1 .LBB2_4-.Ltmp1, $4  }
0x4d: {  	[sflag:s11] =	ssyncadd.s32 $0xFFFFFF80  }
0x4e: {  	[spmem:s1] =	stream.indirect.scatter.add.f32 [tilespmem:s12], [sflag:$0x1], $0x1, s3, s12, $0xb8;
	[tilespmem:$0x700] =	vst v63  }
0x4f: {  	s20 =	sadd.s32 $0xFFFFFFFF, s20;
	s21 =	sadd.s32 $0x1000, s9;
	_ =	swait.ge [sflag:s11], $0x80  }
0x50: {  	p0 =	por $0x1, $0x1;
	s19 =	sshrl.u32 s21, $0x3;
	[sflag:s11] =	ssyncset.done $0x0  }
.LBB2_3:
0x51: {  	p1 =	sne.s32 s20, $0x1;
	s22 =	sadd.s32 s5, s19;
	[sflag:s11] =	ssyncadd.s32 $0xFFFFFF80  }
0x52: {  	[tilespmem:s3], [sflag:$0x1] =	stream.linear.gather [hbm4b:s22+s3], $0x80, $0x38;
	[tilespmem:$0x700] =	vst v63  }
0x53: {  	s20 =	sadd.s32 $0xFFFFFFFF, s20;
	_ =	swait.ge [sflag:s11], $0x80  }
0x54: {  	[sflag:s11] =	ssyncset.done $0x0  }
0x55: {  	s19 =	sadd.s32 s4, s19;
	[sflag:s11] =	ssyncadd.s32 $0xFFFFFF80  }
0x56: {  	[tilespmem:s12], [sflag:$0x1] =	stream.linear.gather [hbm4b:s19+s3], $0x80, $0x38;
	[tilespmem:$0x700] =	vst v63  }
0x57: {  	_ =	swait.ge [sflag:s11], $0x80  }
.Ltmp2:
0x58: {  	[sflag:s11] =	ssyncset.done $0x0;
	(pc) =	sbr.rel @p1 .LBB2_3-.Ltmp2, $4  }
0x59: {  	[sflag:s11] =	ssyncadd.s32 $0xFFFFFF80  }
0x5a: {  	[spmem:s1] =	stream.indirect.scatter.add.f32 [tilespmem:s12], [sflag:$0x1], $0x1, s3, s12, $0xb8;
	[tilespmem:$0x700] =	vst v63  }
0x5b: {  	s21 =	sadd.s32 $0x1000, s21;
	_ =	swait.ge [sflag:s11], $0x80  }
0x5c: {  	s19 =	sshrl.u32 s21, $0x3;
	[sflag:s11] =	ssyncset.done $0x0  }
.LBB2_4:
0x5d: {  	s20 =	sadd.s32 s5, s19;
	[sflag:s11] =	ssyncadd.s32 @p0 $0xFFFFFF80  }
0x5e: {  	[tilespmem:s3], [sflag:$0x1] =	stream.linear.gather [hbm4b:s20+s3], $0x80, $0x38;
	[tilespmem:$0x700] =	vst v63  }
0x5f: {  	_ =	swait.ge [sflag:s11], $0x80  }
0x60: {  	[sflag:s11] =	ssyncset.done $0x0  }
0x61: {  	s31 =	sadd.s32 s4, s19;
	[sflag:s11] =	ssyncadd.s32 $0xFFFFFF80  }
0x62: {  	[tilespmem:s12], [sflag:$0x1] =	stream.linear.gather [hbm4b:s31+s3], $0x80, $0x38;
	[tilespmem:$0x700] =	vst v63  }
0x63: {  	_ =	swait.ge [sflag:s11], $0x80  }
0x64: {  	[sflag:s11] =	ssyncset.done $0x0  }
0x65: {  	[sflag:s11] =	ssyncadd.s32 $0xFFFFFF80  }
0x66: {  	[spmem:s1] =	stream.indirect.scatter.add.f32 [tilespmem:s12], [sflag:$0x1], $0x1, s3, s12, $0xb8;
	[tilespmem:$0x700] =	vst v63  }
0x67: {  	_ =	swait.ge [sflag:s11], $0x80  }
0x68: {  	s18 =	sadd.s32 $0x1, s18;
	[sflag:s11] =	ssyncset.done $0x0  }
0x69: {  	p0 =	sne.s32 s18, s7;
	[sflag:s11] =	ssyncadd.s32 $0xFFFFFF80  }
.Ltmp3:
0x6a: {  	[bflag:$0x0] =	sbarrier.arrive $0xFFFF;
	(pc) =	sbr.rel @p0 .LBB2_1-.Ltmp3, $4  }
0x6b: {  	[hbm:s13@s16], [sflag:s14] =	dma.strided [spmem:s15@s17], $0x60, s11, $0x10   }
0x6c: {  	_ =	swait.ge [sflag:s11], $0x60  }
0x6d: {  	[sflag:s11] =	ssyncset.done $0x0  }
0x6e: {  	[sflag:s11] =	ssyncadd.s32 $0xFFFFFFA0  }
0x6f: {  	_ =	sfence.sel $0x180000  }
0x70: {  	[bflag:$0x0] =	sbarrier.arrive $0xFFFF  }
0x71: {  	p0 =	sne.s32 s2, $0x0;
	_ =	strace $0x90000047  }
0x72: {  	s0 =	sadd.s32 @!p0 $0x100000, s0;
	[bflag:$0x2] =	sbarrier.arrive $0xFFFF  }
0x73: {  	[sflag:s0] =	ssyncadd.tile.s32 @!p0 $0x1;
	_ =	shalt  }
.Lfunc_end2:
_tile_overlayer_lowered:
.L_overlay_start_2:
0x74: {  	(tag) =	ssettag $0x2  }
0x75: {  	s0 =	rddreg [dreg:$0x0];
	s2 =	stileid.u32  }
0x76: {  	s1 =	rddreg [dreg:$0x1];
	p0 =	sne.s32 s2, $0x0  }
0x77: {  	s3 =	rddreg [dreg:$0x2];
	[bflag:$0x3] =	sbarrier.arrive $0xFFFF;
	s2 =	simm.s32 @!p0 $0x1C01  }
0x78: {  	[timem:s3], [sflag:s2] =	dma.local @!p0 [hbm:s0], s1  }
0x79: {  	s0 =	simm.s32 @!p0 $0x1  }
0x7a: {  	_ =	swait.ge @!p0 [sflag:s0], s1  }
0x7b: {  	s1 =	ssub.s32 @!p0 $0x0, s1;
	[sflag:s0] =	ssyncset.done @!p0 $0x0  }
0x7c: {  	[sflag:s0] =	ssyncadd.s32 @!p0 s1  }
0x7d: {  	[bflag:$0x3] =	sbarrier.arrive $0xFFFF  }
0x7e: {  	_ =	shalt  }

// kernel: kernel.27.cloned.1.call-start
scs
__scs_entry_jumppad:
0x0: {  	(pc) =	sbr.rel $0x88, $3  }
0x1: {  	(tag) =	ssettag $0x0;
	lr =	simm.s32 $0x1  }
0x2: {  	[smem:$0x3F98] =	sst lr;
	_ =	strace $0xD0000000  }
0x3: {  	_ = 	snop  }
0x4: {  	_ = 	snop  }
0x5: {  	_ = 	snop  }
0x6: {  	_ = 	snop  }
0x7: {  	_ = 	snop  }
__scs_overlays_trampoline_lowered:
0x8: {  	[smem:$0x3FA7] =	sst s0  }
0x9: {  	[smem:$0x3FA8] =	sst s1  }
0xa: {  	[smem:$0x3FA9] =	sst s2  }
0xb: {  	[smem:$0x3FAA] =	sst s3  }
0xc: {  	[smem:$0x3FAB] =	sst s4  }
0xd: {  	[smem:$0x3FAC] =	sst s5  }
0xe: {  	[smem:$0x3FAD] =	sst s6  }
0xf: {  	[smem:$0x3FAE] =	sst s7  }
0x10: {  	[smem:$0x3FAF] =	sst s8  }
0x11: {  	[smem:$0x3FB0] =	sst s9;
	s0 =	simm.s32 @!p0 $0x0  }
0x12: {  	s1 =	sld [smem:$0x3F96];
	s0 =	simm.s32 @p0 $0x1  }
0x13: {  	[smem:$0x3FB1] =	sst s0;
	s0 =	simm.s32 @!p1 $0x0  }
0x14: {  	s2 =	sld [smem:$0x3F95];
	s0 =	simm.s32 @p1 $0x1  }
0x15: {  	[smem:$0x3FB2] =	sst s0;
	s0 =	simm.s32 @!p2 $0x0  }
0x16: {  	s3 =	sld [smem:$0x3FDB];
	s0 =	simm.s32 @p2 $0x1  }
0x17: {  	s4 =	simm.s32 $0x1BF5;
	[smem:$0x3FB4] =	sst s0  }
0x18: {  	s0 =	sld [smem:$0x3F97];
	_ =	swait.ge [sflag:s4], $0x0  }
0x19: {  	s7 =	sld [smem:$0x3F98]  }
0x1a: {  	s8 =	sadd.s32 $0xFFFFE003, lr  }
0x1b: {  	s9 =	sadd.s32 $0xFFFFFEF7, lr;
	s5 =	simm.s32 $0xFFFFFFFF;
	p2 =	slt.u32 s8, $0xFFFFF086  }
0x1c: {  	p1 =	slt.u32 s9, $0xF7A;
	s5 =	simm.s32 @!p2 $0x0  }
0x1d: {  	s5 =	simm.s32 @p1 $0x1;
	p0 =	seq.s32 s7, s2  }
0x1e: {  	s7 =	smul.u32 @!p0 $0xF7A, s2;
	p2 =	seq.s32 @!p0 s5, $0x0  }
0x1f: {  	s9 =	smul.u32 $0xF7A, s1;
	s8 =	simm.s32 @!p0 $0x1BF5;
	p2 =	por !p2, p0  }
0x20: {  	[sflag:s8] =	ssyncset.s32 @!p0 $0xFFFFF086;
	s6 =	sadd.s32 @!p0 s3, s7;
	s7 =	simm.s32 @!p0 $0x108  }
0x21: {  	s3 =	sadd.s32 s3, s9;
	s6 =	sadd.s32 @!p0 $0x88, s6;
	s7 =	simm.s32 @p2 $0x1082  }
0x22: {  	[simem:s7], [sflag:s8] =	dma.local @!p0 [hbm:s6], $0xF7A  }
0x23: {  	s9 =	sor.u32 $0xD0000000, s2;
	s6 =	simm.s32 $0x108;
	_ =	swait.ge @!p0 [sflag:s8], $0x0  }
0x24: {  	s3 =	sadd.s32 $0x88, s3;
	s6 =	simm.s32 @!p1 $0x1082;
	[sflag:s4] =	ssyncset.s32 $0xFFFFF086  }
0x25: {  	[simem:s6], [sflag:s4] =	dma.local [hbm:s3], $0xF7A  }
0x26: {  	[smem:$0x3F98] =	sst s1;
	(tag) =	ssettag s2;
	_ =	strace s9  }
0x27: {  	s1 =	sld [smem:$0x3FA8]  }
0x28: {  	s2 =	sld [smem:$0x3FA9]  }
0x29: {  	s4 =	sld [smem:$0x3FAB]  }
0x2a: {  	p0 =	seq.s32 s5, $0x0;
	s5 =	sld [smem:$0x3FAC]  }
0x2b: {  	s6 =	sld [smem:$0x3FAD]  }
0x2c: {  	s7 =	sld [smem:$0x3FAE]  }
0x2d: {  	s3 =	simm.s32 $0x108;
	s8 =	sld [smem:$0x3FAF]  }
0x2e: {  	s3 =	simm.s32 @!p0 $0x1082;
	s9 =	sld [smem:$0x3FB0]  }
0x2f: {  	lr =	sadd.s32 s0, s3;
	s0 =	sld [smem:$0x3FA7]  }
0x30: {  	s3 =	sld [smem:$0x3FAA]  }
0x31: {  	[smem:$0x3FB3] =	sst s10  }
0x32: {  	s10 =	sld [smem:$0x3FB1];
	_ =	sdelay $0x3  }
0x33: {  	p0 =	seq.s32 s10, $0x1;
	s10 =	sld [smem:$0x3FB3];
	_ =	sdelay $0x3  }
0x34: {  	[smem:$0x3FB3] =	sst s10  }
0x35: {  	s10 =	sld [smem:$0x3FB2];
	_ =	sdelay $0x3  }
0x36: {  	p1 =	seq.s32 s10, $0x1;
	s10 =	sld [smem:$0x3FB3];
	_ =	sdelay $0x3  }
0x37: {  	[smem:$0x3FB3] =	sst s10  }
0x38: {  	s10 =	sld [smem:$0x3FB4]  }
0x39: {  	_ = 	snop;
	(pc) =	sbr.ind lr, $3  }
0x3a: {  	_ = 	snop  }
0x3b: {  	_ = 	snop  }
0x3c: {  	p2 =	seq.s32 s10, $0x1;
	s10 =	sld [smem:$0x3FB3]  }
0x3d: {  	_ =	shalt  }
0x3e: {  	_ =	shalt  }
0x3f: {  	_ =	shalt  }
0x40: {  	_ =	shalt  }
0x41: {  	_ =	shalt  }
0x42: {  	_ =	shalt  }
0x43: {  	_ =	shalt  }
0x44: {  	_ =	shalt  }
0x45: {  	_ =	shalt  }
0x46: {  	_ =	shalt  }
0x47: {  	_ =	shalt  }
0x48: {  	_ =	shalt  }
0x49: {  	_ =	shalt  }
0x4a: {  	_ =	shalt  }
0x4b: {  	_ =	shalt  }
0x4c: {  	_ =	shalt  }
0x4d: {  	_ =	shalt  }
0x4e: {  	_ =	shalt  }
0x4f: {  	_ =	shalt  }
0x50: {  	_ =	shalt  }
0x51: {  	_ =	shalt  }
0x52: {  	_ =	shalt  }
0x53: {  	_ =	shalt  }
0x54: {  	_ =	shalt  }
0x55: {  	_ =	shalt  }
0x56: {  	_ =	shalt  }
0x57: {  	_ =	shalt  }
0x58: {  	_ =	shalt  }
0x59: {  	_ =	shalt  }
0x5a: {  	_ =	shalt  }
0x5b: {  	_ =	shalt  }
0x5c: {  	_ =	shalt  }
0x5d: {  	_ =	shalt  }
0x5e: {  	_ =	shalt  }
0x5f: {  	_ =	shalt  }
0x60: {  	_ =	shalt  }
0x61: {  	_ =	shalt  }
0x62: {  	_ =	shalt  }
0x63: {  	_ =	shalt  }
0x64: {  	_ =	shalt  }
0x65: {  	_ =	shalt  }
0x66: {  	_ =	shalt  }
0x67: {  	_ =	shalt  }
0x68: {  	_ =	shalt  }
0x69: {  	_ =	shalt  }
0x6a: {  	_ =	shalt  }
0x6b: {  	_ =	shalt  }
0x6c: {  	_ =	shalt  }
0x6d: {  	_ =	shalt  }
0x6e: {  	_ =	shalt  }
0x6f: {  	_ =	shalt  }
0x70: {  	_ =	shalt  }
0x71: {  	_ =	shalt  }
0x72: {  	_ =	shalt  }
0x73: {  	_ =	shalt  }
0x74: {  	_ =	shalt  }
0x75: {  	_ =	shalt  }
0x76: {  	_ =	shalt  }
0x77: {  	_ =	shalt  }
0x78: {  	_ =	shalt  }
0x79: {  	_ =	shalt  }
0x7a: {  	_ =	shalt  }
0x7b: {  	_ =	shalt  }
0x7c: {  	_ =	shalt  }
0x7d: {  	_ =	shalt  }
0x7e: {  	_ =	shalt  }
0x7f: {  	_ =	shalt  }
0x80: {  	_ =	shalt  }
0x81: {  	_ =	shalt  }
0x82: {  	_ =	shalt  }
0x83: {  	_ =	shalt  }
0x84: {  	_ =	shalt  }
0x85: {  	_ =	shalt  }
0x86: {  	_ =	shalt  }
0x87: {  	_ =	shalt  }
.Lfunc_end0:
.L_simem_size_0:
called_computation.1_lowered:
.L_overlay_start_0:
0x88: {  	s0 =	sld [smem:$0x3FD9]  }
0x89: {  	s1 =	sld [smem:$0x3FFE];
	_ =	sdelay $0x3  }
0x8a: {  	s0 =	sadd.s32 s1, s0  }
0x8b: {  	[smem:$0x3FBF] =	sst s0  }
0x8c: {  	_ = 	snop  }
0x8d: {  	(tm) =	ssettm $0x1  }
0x8e: {  	s15 =	sld [smem:$0x3FFB];
	_ =	sdelay $0x3  }
0x8f: {  	_ =	strace s15  }
0x90: {  	s0 =	sld [smem:$0x3FFC];
	_ =	sdelay $0x3  }
0x91: {  	_ =	strace s0  }
0x92: {  	s0 =	sld [smem:$0x3FFD];
	_ =	sdelay $0x3  }
0x93: {  	_ =	strace s0  }
0x94: {  	_ =	strace $0x8FFFFFFF  }
0x95: {  	s16 =	sld [smem:$0x3FDB];
	_ =	sdelay $0x1  }
0x96: {  	s17 =	simm.s32 $_scs_section_size  }
0x97: {  	s2 =	simm.s32 $_size__tile_overlayer_lowered;
	s3 =	simm.s32 $_tile_overlayer_lowered  }
0x98: {  	s20 =	simm.s32 $0x1BFF;
	s19 =	sshll.u32 s3, $0x1;
	s0 =	sadd.s32 s17, s16  }
0x99: {  	s4 =	simm.s32 $0x0;
	s18 =	sshll.u32 s2, $0x1;
	s2 =	sadd.s32 s19, s0  }
0x9a: {  	[timem:s4], [sflag:s20] =	dma.local [hbm:s2], s18  }
0x9b: {  	_ =	swait.ge [sflag:s20], s18  }
0x9c: {  	s1 =	ssub.s32 $0x0, s18;
	[sflag:s20] =	ssyncset.done $0x0  }
0x9d: {  	[sflag:s20] =	ssyncadd.s32 s1;
	_ =	sdelay $0x1  }
0x9e: {  	s21 =	simm.s32 $0x1B8B  }
0x9f: {  	_ =	swait.ge [sflag:s21], $0x1  }
0xa0: {  	[sflag:s21] =	ssyncset.done $0x0  }
0xa1: {  	s23 =	simm.s32 $0x1B8E;
	s22 =	sld [smem:$0x3FFE];
	[sflag:s21] =	ssyncadd.s32 $0xFFFFFFFF  }
0xa2: {  	s24 =	simm.s32 $execute0_lowered;
	[smem:$0x3FD2] =	sst s23  }
0xa3: {  	s2 =	sshll.u32 s24, $0x1;
	_ =	strace $0x80000049;
	[dreg:$0x1] =	wrdreg $0xFFFFFFFF  }
0xa4: {  	s25 =	simm.s32 $_size_execute0_lowered;
	s0 =	sadd.s32 s0, s2;
	[dreg:$0x0] =	wrdreg $0x0  }
0xa5: {  	s2 =	sshll.u32 s25, $0x1;
	[dreg:$0x2] =	wrdreg s0  }
0xa6: {  	[dreg:$0x3] =	wrdreg s2  }
0xa7: {  	[dreg:$0x4] =	wrdreg $0xC0  }
0xa8: {  	_ =	task [dreg:s4], $0x5FFFF  }
0xa9: {  	[dreg:$0x1] =	wrdreg $0xFFFFFFFF  }
0xaa: {  	[dreg:$0x0] =	wrdreg $0x60  }
0xab: {  	[dreg:$0x2] =	wrdreg s22  }
0xac: {  	[dreg:$0x3] =	wrdreg $0x61000  }
0xad: {  	[dreg:$0x4] =	wrdreg $0x9  }
0xae: {  	_ =	task.clear_ibuf [dreg:s4], $0x5FFFF;
	_ =	strace $0x90000049  }
0xaf: {  	s26 =	simm.s32 $0x9;
	_ =	strace $0x8000004B  }
0xb0: {  	_ =	swait.ge [sflag:s26], $0x1  }
0xb1: {  	[sflag:s26] =	ssyncadd.s32 $0xFFFFFFFF  }
0xb2: {  	_ =	strace $0x9000004B  }
0xb3: {  	_ =	sfence  }
0xb4: {  	s28 =	sld [smem:$0x0];
	_ =	sdelay $0x1  }
0xb5: {  	s29 =	srdreg.scid  }
0xb6: {  	s30 =	sshll.u32 s29, $0xD;
	s31 =	sshrl.u32 s29, $0x2  }
0xb7: {  	s1 =	sand.u32 $0x1, s29;
	s2 =	sand.u32 $0x4000, s30;
	s0 =	sadd.s32 s31, s28  }
0xb8: {  	s1 =	sor.u32 s2, s1;
	s0 =	sshll.u32 s0, $0x11  }
0xb9: {  	s0 =	sor.u32 s0, s1  }
0xba: {  	s0 =	sadd.s32 $0x8F2B, s0  }
0xbb: {  	[sflag:s0] =	ssyncadd.remote.s32 $0x1  }
0xbc: {  	_ =	sfence.sel $0xFFFF  }
0xbd: {  	[dreg:$0x0] =	wrdreg $0xFFFFFFFF;
	(pc) =	sbr.abs _section_cstart, $3  }
0xbe: {  	[dreg:$0x1] =	wrdreg $0xFFFFFFFF  }
0xbf: {  	_ =	task.clear_ibuf [dreg:s4], $0x2FFFF;
	_ =	strace $0x9FFFFFFF  }
0xc0: {  	(tm) =	ssettm $0x7FFFFFFF  }
0xc1: {  	_ =	shalt  }
tec
execute0_lowered:
.L_overlay_start_1:
0x0: {  	(tag) =	ssettag $0x1  }
0x1: {  	s1 =	rddreg [dreg:$0x0]  }
0x2: {  	s2 =	rddreg [dreg:$0x1]  }
0x3: {  	s0 =	rddreg [dreg:$0x2];
	s5 =	simm.s32 $0x0  }
0x4: {  	[smem:$0x7FF] =	sst s5;
	s3 =	sadd.s32 $0x1CE00, s1;
	s8 =	sadd.s32 $0x13000, s1  }
0x5: {  	s7 =	sadd.s32 $0x9200, s1;
	s6 =	sand.u32 $0x7E00, s5;
	s4 =	sadd.s32 $0x92400, s1  }
0x6: {  	s9 =	sand.u32 $0x70, s5;
	s1 =	stileid.u32;
	s10 =	sshrl.u32 s6, $0x2  }
0x7: {  	v0 =	vimm.f32 $0.0e+00;
	_ =	strace $0x8000004A;
	s6 =	simm.s32 $0x40;
	s9 =	sor.u32 s9, s10  }
.LBB2_1:
0x8: {  	p0 =	sne.s32 s6, $0x7FC0  }
0x9: {  	[tilespmem:s9+$0x4100] =	vst v0;
	s5 =	sadd.s32 $0x10, s5;
	s9 =	smov.u32 s6;
	s6 =	sadd.s32 $0x40, s6  }
.Ltmp0:
0xa: {  	(pc) =	sbr.rel @p0 .LBB2_1-.Ltmp0, $4  }
0xb: {  	_ = 	snop  }
0xc: {  	s9 =	sand.u32 $0x7E00, s9  }
0xd: {  	s10 =	sand.u32 $0x70, s5;
	s9 =	sshrl.u32 s9, $0x2  }
0xe: {  	s9 =	sor.u32 s10, s9  }
0xf: {  	s5 =	smul.u32 $0x50000, s1;
	_ =	sdelay $0x1  }
0x10: {  	s5 =	sshrl.u32 s5, $0x2  }
0x11: {  	[tilespmem:s9+$0x4100] =	vst v0;
	s21 =	simm.s32 $0x4100;
	s6 =	sadd.s32 s5, s2;
	s5 =	simm.s32 $0x1  }
0x12: {  	[spmem:s6] =	stream.linear.scatter [tilespmem:s21], [sflag:$0x1], $0x2000, $0x38;
	[tilespmem:$0x1A100] =	vst v63  }
0x13: {  	_ =	swait.ge [sflag:s5], $0x2000  }
0x14: {  	[sflag:s5] =	ssyncset.done $0x0  }
0x15: {  	s10 =	sadd.s32 $0x2000, s6;
	[sflag:s5] =	ssyncadd.s32 $0xFFFFE000  }
0x16: {  	[spmem:s10] =	stream.linear.scatter [tilespmem:s21], [sflag:$0x1], $0x2000, $0x38;
	[tilespmem:$0x1A100] =	vst v63  }
0x17: {  	_ =	swait.ge [sflag:s5], $0x2000  }
0x18: {  	[sflag:s5] =	ssyncset.done $0x0  }
0x19: {  	s22 =	sadd.s32 $0x4000, s6;
	[sflag:s5] =	ssyncadd.s32 $0xFFFFE000  }
0x1a: {  	[spmem:s22] =	stream.linear.scatter [tilespmem:s21], [sflag:$0x1], $0x2000, $0x38;
	[tilespmem:$0x1A100] =	vst v63  }
0x1b: {  	_ =	swait.ge [sflag:s5], $0x2000  }
0x1c: {  	[sflag:s5] =	ssyncset.done $0x0  }
0x1d: {  	s23 =	sadd.s32 $0x6000, s6;
	[sflag:s5] =	ssyncadd.s32 $0xFFFFE000  }
0x1e: {  	[spmem:s23] =	stream.linear.scatter [tilespmem:s21], [sflag:$0x1], $0x2000, $0x38;
	[tilespmem:$0x1A100] =	vst v63  }
0x1f: {  	_ =	swait.ge [sflag:s5], $0x2000  }
0x20: {  	[sflag:s5] =	ssyncset.done $0x0  }
0x21: {  	s24 =	sadd.s32 $0x8000, s6;
	[sflag:s5] =	ssyncadd.s32 $0xFFFFE000  }
0x22: {  	[spmem:s24] =	stream.linear.scatter [tilespmem:s21], [sflag:$0x1], $0x2000, $0x38;
	[tilespmem:$0x1A100] =	vst v63  }
0x23: {  	_ =	swait.ge [sflag:s5], $0x2000  }
0x24: {  	[sflag:s5] =	ssyncset.done $0x0  }
0x25: {  	s25 =	sadd.s32 $0xA000, s6;
	[sflag:s5] =	ssyncadd.s32 $0xFFFFE000  }
0x26: {  	[spmem:s25] =	stream.linear.scatter [tilespmem:s21], [sflag:$0x1], $0x2000, $0x38;
	[tilespmem:$0x1A100] =	vst v63  }
0x27: {  	_ =	swait.ge [sflag:s5], $0x2000  }
0x28: {  	[sflag:s5] =	ssyncset.done $0x0  }
0x29: {  	s26 =	sadd.s32 $0xC000, s6;
	[sflag:s5] =	ssyncadd.s32 $0xFFFFE000  }
0x2a: {  	[spmem:s26] =	stream.linear.scatter [tilespmem:s21], [sflag:$0x1], $0x2000, $0x38;
	[tilespmem:$0x1A100] =	vst v63  }
0x2b: {  	_ =	swait.ge [sflag:s5], $0x2000  }
0x2c: {  	[sflag:s5] =	ssyncset.done $0x0  }
0x2d: {  	s28 =	sadd.s32 $0xE000, s6;
	[sflag:s5] =	ssyncadd.s32 $0xFFFFE000  }
0x2e: {  	[spmem:s28] =	stream.linear.scatter [tilespmem:s21], [sflag:$0x1], $0x2000, $0x38;
	[tilespmem:$0x1A100] =	vst v63  }
0x2f: {  	_ =	swait.ge [sflag:s5], $0x2000  }
0x30: {  	[sflag:s5] =	ssyncset.done $0x0  }
0x31: {  	s29 =	sadd.s32 $0x10000, s6;
	[sflag:s5] =	ssyncadd.s32 $0xFFFFE000  }
0x32: {  	[spmem:s29] =	stream.linear.scatter [tilespmem:s21], [sflag:$0x1], $0x2000, $0x38;
	[tilespmem:$0x1A100] =	vst v63  }
0x33: {  	_ =	swait.ge [sflag:s5], $0x2000  }
0x34: {  	[sflag:s5] =	ssyncset.done $0x0  }
0x35: {  	s30 =	sadd.s32 $0x12000, s6;
	[sflag:s5] =	ssyncadd.s32 $0xFFFFE000  }
0x36: {  	[spmem:s30] =	stream.linear.scatter [tilespmem:s21], [sflag:$0x1], $0x2000, $0x38;
	[tilespmem:$0x1A100] =	vst v63  }
0x37: {  	_ =	swait.ge [sflag:s5], $0x2000  }
0x38: {  	[sflag:s5] =	ssyncset.done $0x0  }
0x39: {  	s31 =	sshll.u32 s1, $0x4;
	[sflag:s5] =	ssyncadd.s32 $0xFFFFE000  }
0x3a: {  	s9 =	simm.s32 $0x0;
	s8 =	sadd.s32 s31, s8;
	[bflag:$0x0] =	sbarrier.arrive $0xFFFF  }
0x3b: {  	[tilespmem:s9], [sflag:$0x1] =	stream.linear.gather [hbm4b:s8+s9], $0x80, $0x38;
	[tilespmem:$0x1A100] =	vst v63  }
0x3c: {  	_ =	swait.ge [sflag:s5], $0x80  }
0x3d: {  	[sflag:s5] =	ssyncset.done $0x0  }
0x3e: {  	s7 =	sadd.s32 s31, s7;
	s10 =	simm.s32 $0x80;
	[sflag:s5] =	ssyncadd.s32 $0xFFFFFF80  }
0x3f: {  	[tilespmem:s10], [sflag:$0x1] =	stream.linear.gather [hbm4b:s7+s9], $0x80, $0x38;
	[tilespmem:$0x1A100] =	vst v63  }
0x40: {  	_ =	swait.ge [sflag:s5], $0x80  }
0x41: {  	s12 =	ssub.s32 $0x9D3, s1;
	[sflag:s5] =	ssyncset.done $0x0  }
0x42: {  	s11 =	simm.s32 $0x100;
	s12 =	sshrl.u32 s12, $0x4;
	[sflag:s5] =	ssyncadd.s32 $0xFFFFFF80  }
0x43: {  	[tilespmem:s11], [sflag:$0x1] =	stream.indirect.gather [hbm4b:s3+s10], $0x80, s9, s10, $0xb8;
	[tilespmem:$0x1A100] =	vst v63  }
0x44: {  	p0 =	sne.s32 s12, $0x1;
	_ =	swait.ge [sflag:s5], $0x4000  }
.Ltmp1:
0x45: {  	[sflag:s5] =	ssyncset.done $0x0;
	(pc) =	sbr.rel @!p0 .LBB2_4-.Ltmp1, $4  }
0x46: {  	[sflag:s5] =	ssyncadd.s32 $0xFFFFC000  }
0x47: {  	[spmem:s2] =	stream.indirect.scatter.add.f32 [tilespmem:s11], [sflag:$0x1], $0x80, s10, s10, $0xb8;
	[tilespmem:$0x1A100] =	vst v63  }
0x48: {  	_ =	swait.ge [sflag:s5], $0x4000  }
0x49: {  	s12 =	sadd.s32 $0xFFFFFFFF, s12;
	[sflag:s5] =	ssyncset.done $0x0  }
.LBB2_3:
0x4a: {  	[sflag:s5] =	ssyncadd.s32 $0xFFFFC000;
	s7 =	sadd.s32 $0x100, s7;
	s8 =	sadd.s32 $0x100, s8  }
0x4b: {  	[tilespmem:s9], [sflag:$0x1] =	stream.linear.gather [hbm4b:s8+s9], $0x80, $0x38;
	[tilespmem:$0x1A100] =	vst v63  }
0x4c: {  	p0 =	sne.s32 s12, $0x1;
	s12 =	sadd.s32 $0xFFFFFFFF, s12;
	_ =	swait.ge [sflag:s5], $0x80  }
0x4d: {  	[sflag:s5] =	ssyncset.done $0x0  }
0x4e: {  	[sflag:s5] =	ssyncadd.s32 $0xFFFFFF80  }
0x4f: {  	[tilespmem:s10], [sflag:$0x1] =	stream.linear.gather [hbm4b:s7+s9], $0x80, $0x38;
	[tilespmem:$0x1A100] =	vst v63  }
0x50: {  	_ =	swait.ge [sflag:s5], $0x80  }
0x51: {  	[sflag:s5] =	ssyncset.done $0x0  }
0x52: {  	[sflag:s5] =	ssyncadd.s32 $0xFFFFFF80  }
0x53: {  	[tilespmem:s11], [sflag:$0x1] =	stream.indirect.gather [hbm4b:s3+s10], $0x80, s9, s10, $0xb8;
	[tilespmem:$0x1A100] =	vst v63  }
0x54: {  	_ =	swait.ge [sflag:s5], $0x4000  }
.Ltmp2:
0x55: {  	[sflag:s5] =	ssyncset.done $0x0;
	(pc) =	sbr.rel @p0 .LBB2_3-.Ltmp2, $4  }
0x56: {  	[sflag:s5] =	ssyncadd.s32 $0xFFFFC000  }
0x57: {  	[spmem:s2] =	stream.indirect.scatter.add.f32 [tilespmem:s11], [sflag:$0x1], $0x80, s10, s10, $0xb8;
	[tilespmem:$0x1A100] =	vst v63  }
0x58: {  	_ =	swait.ge [sflag:s5], $0x4000  }
0x59: {  	[sflag:s5] =	ssyncset.done $0x0  }
.LBB2_4:
0x5a: {  	s2 =	smul.u32 $0x2800, s1  }
0x5b: {  	[sflag:s5] =	ssyncadd.s32 $0xFFFFC000;
	s3 =	sshll.u32 s1, $0x6;
	s31 =	sshrl.u32 s6, $0x3  }
0x5c: {  	[bflag:$0x0] =	sbarrier.arrive $0xFFFF;
	s3 =	sor.u32 $0x1C01, s3;
	s2 =	sadd.s32 s4, s2  }
0x5d: {  	[hbm:s2], [sflag:s3] =	dma.local [spmem:s31], $0x2800  }
0x5e: {  	_ =	swait.ge [sflag:s5], $0x2800  }
0x5f: {  	[sflag:s5] =	ssyncset.done $0x0  }
0x60: {  	[sflag:s5] =	ssyncadd.s32 $0xFFFFD800  }
0x61: {  	_ =	sfence.sel $0x180000  }
0x62: {  	[bflag:$0x0] =	sbarrier.arrive $0xFFFF  }
0x63: {  	p0 =	sne.s32 s1, $0x0;
	_ =	strace $0x9000004A  }
0x64: {  	s0 =	sadd.s32 @!p0 $0x100000, s0;
	[bflag:$0x2] =	sbarrier.arrive $0xFFFF  }
0x65: {  	[sflag:s0] =	ssyncadd.tile.s32 @!p0 $0x1;
	_ =	shalt  }
.Lfunc_end2:
_tile_overlayer_lowered:
.L_overlay_start_2:
0x66: {  	(tag) =	ssettag $0x2  }
0x67: {  	s0 =	rddreg [dreg:$0x0];
	s2 =	stileid.u32  }
0x68: {  	s1 =	rddreg [dreg:$0x1];
	p0 =	sne.s32 s2, $0x0  }
0x69: {  	s3 =	rddreg [dreg:$0x2];
	[bflag:$0x3] =	sbarrier.arrive $0xFFFF;
	s2 =	simm.s32 @!p0 $0x1C01  }
0x6a: {  	[timem:s3], [sflag:s2] =	dma.local @!p0 [hbm:s0], s1  }
0x6b: {  	s0 =	simm.s32 @!p0 $0x1  }
0x6c: {  	_ =	swait.ge @!p0 [sflag:s0], s1  }
0x6d: {  	s1 =	ssub.s32 @!p0 $0x0, s1;
	[sflag:s0] =	ssyncset.done @!p0 $0x0  }
0x6e: {  	[sflag:s0] =	ssyncadd.s32 @!p0 s1  }
0x6f: {  	[bflag:$0x3] =	sbarrier.arrive $0xFFFF  }
0x70: {  	_ =	shalt  }

// kernel: kernel.30.cloned.1.call-start
scs
__scs_entry_jumppad:
0x0: {  	(pc) =	sbr.rel $0x88, $3  }
0x1: {  	(tag) =	ssettag $0x0;
	lr =	simm.s32 $0x1  }
0x2: {  	[smem:$0x3F98] =	sst lr;
	_ =	strace $0xD0000000  }
0x3: {  	_ = 	snop  }
0x4: {  	_ = 	snop  }
0x5: {  	_ = 	snop  }
0x6: {  	_ = 	snop  }
0x7: {  	_ = 	snop  }
__scs_overlays_trampoline_lowered:
0x8: {  	[smem:$0x3FA7] =	sst s0  }
0x9: {  	[smem:$0x3FA8] =	sst s1  }
0xa: {  	[smem:$0x3FA9] =	sst s2  }
0xb: {  	[smem:$0x3FAA] =	sst s3  }
0xc: {  	[smem:$0x3FAB] =	sst s4  }
0xd: {  	[smem:$0x3FAC] =	sst s5  }
0xe: {  	[smem:$0x3FAD] =	sst s6  }
0xf: {  	[smem:$0x3FAE] =	sst s7  }
0x10: {  	[smem:$0x3FAF] =	sst s8  }
0x11: {  	[smem:$0x3FB0] =	sst s9;
	s0 =	simm.s32 @!p0 $0x0  }
0x12: {  	s1 =	sld [smem:$0x3F96];
	s0 =	simm.s32 @p0 $0x1  }
0x13: {  	[smem:$0x3FB1] =	sst s0;
	s0 =	simm.s32 @!p1 $0x0  }
0x14: {  	s2 =	sld [smem:$0x3F95];
	s0 =	simm.s32 @p1 $0x1  }
0x15: {  	[smem:$0x3FB2] =	sst s0;
	s0 =	simm.s32 @!p2 $0x0  }
0x16: {  	s3 =	sld [smem:$0x3FDB];
	s0 =	simm.s32 @p2 $0x1  }
0x17: {  	s4 =	simm.s32 $0x1BF5;
	[smem:$0x3FB4] =	sst s0  }
0x18: {  	s0 =	sld [smem:$0x3F97];
	_ =	swait.ge [sflag:s4], $0x0  }
0x19: {  	s7 =	sld [smem:$0x3F98]  }
0x1a: {  	s8 =	sadd.s32 $0xFFFFE003, lr  }
0x1b: {  	s9 =	sadd.s32 $0xFFFFFEF7, lr;
	s5 =	simm.s32 $0xFFFFFFFF;
	p2 =	slt.u32 s8, $0xFFFFF086  }
0x1c: {  	p1 =	slt.u32 s9, $0xF7A;
	s5 =	simm.s32 @!p2 $0x0  }
0x1d: {  	s5 =	simm.s32 @p1 $0x1;
	p0 =	seq.s32 s7, s2  }
0x1e: {  	s7 =	smul.u32 @!p0 $0xF7A, s2;
	p2 =	seq.s32 @!p0 s5, $0x0  }
0x1f: {  	s9 =	smul.u32 $0xF7A, s1;
	s8 =	simm.s32 @!p0 $0x1BF5;
	p2 =	por !p2, p0  }
0x20: {  	[sflag:s8] =	ssyncset.s32 @!p0 $0xFFFFF086;
	s6 =	sadd.s32 @!p0 s3, s7;
	s7 =	simm.s32 @!p0 $0x108  }
0x21: {  	s3 =	sadd.s32 s3, s9;
	s6 =	sadd.s32 @!p0 $0x88, s6;
	s7 =	simm.s32 @p2 $0x1082  }
0x22: {  	[simem:s7], [sflag:s8] =	dma.local @!p0 [hbm:s6], $0xF7A  }
0x23: {  	s9 =	sor.u32 $0xD0000000, s2;
	s6 =	simm.s32 $0x108;
	_ =	swait.ge @!p0 [sflag:s8], $0x0  }
0x24: {  	s3 =	sadd.s32 $0x88, s3;
	s6 =	simm.s32 @!p1 $0x1082;
	[sflag:s4] =	ssyncset.s32 $0xFFFFF086  }
0x25: {  	[simem:s6], [sflag:s4] =	dma.local [hbm:s3], $0xF7A  }
0x26: {  	[smem:$0x3F98] =	sst s1;
	(tag) =	ssettag s2;
	_ =	strace s9  }
0x27: {  	s1 =	sld [smem:$0x3FA8]  }
0x28: {  	s2 =	sld [smem:$0x3FA9]  }
0x29: {  	s4 =	sld [smem:$0x3FAB]  }
0x2a: {  	p0 =	seq.s32 s5, $0x0;
	s5 =	sld [smem:$0x3FAC]  }
0x2b: {  	s6 =	sld [smem:$0x3FAD]  }
0x2c: {  	s7 =	sld [smem:$0x3FAE]  }
0x2d: {  	s3 =	simm.s32 $0x108;
	s8 =	sld [smem:$0x3FAF]  }
0x2e: {  	s3 =	simm.s32 @!p0 $0x1082;
	s9 =	sld [smem:$0x3FB0]  }
0x2f: {  	lr =	sadd.s32 s0, s3;
	s0 =	sld [smem:$0x3FA7]  }
0x30: {  	s3 =	sld [smem:$0x3FAA]  }
0x31: {  	[smem:$0x3FB3] =	sst s10  }
0x32: {  	s10 =	sld [smem:$0x3FB1];
	_ =	sdelay $0x3  }
0x33: {  	p0 =	seq.s32 s10, $0x1;
	s10 =	sld [smem:$0x3FB3];
	_ =	sdelay $0x3  }
0x34: {  	[smem:$0x3FB3] =	sst s10  }
0x35: {  	s10 =	sld [smem:$0x3FB2];
	_ =	sdelay $0x3  }
0x36: {  	p1 =	seq.s32 s10, $0x1;
	s10 =	sld [smem:$0x3FB3];
	_ =	sdelay $0x3  }
0x37: {  	[smem:$0x3FB3] =	sst s10  }
0x38: {  	s10 =	sld [smem:$0x3FB4]  }
0x39: {  	_ = 	snop;
	(pc) =	sbr.ind lr, $3  }
0x3a: {  	_ = 	snop  }
0x3b: {  	_ = 	snop  }
0x3c: {  	p2 =	seq.s32 s10, $0x1;
	s10 =	sld [smem:$0x3FB3]  }
0x3d: {  	_ =	shalt  }
0x3e: {  	_ =	shalt  }
0x3f: {  	_ =	shalt  }
0x40: {  	_ =	shalt  }
0x41: {  	_ =	shalt  }
0x42: {  	_ =	shalt  }
0x43: {  	_ =	shalt  }
0x44: {  	_ =	shalt  }
0x45: {  	_ =	shalt  }
0x46: {  	_ =	shalt  }
0x47: {  	_ =	shalt  }
0x48: {  	_ =	shalt  }
0x49: {  	_ =	shalt  }
0x4a: {  	_ =	shalt  }
0x4b: {  	_ =	shalt  }
0x4c: {  	_ =	shalt  }
0x4d: {  	_ =	shalt  }
0x4e: {  	_ =	shalt  }
0x4f: {  	_ =	shalt  }
0x50: {  	_ =	shalt  }
0x51: {  	_ =	shalt  }
0x52: {  	_ =	shalt  }
0x53: {  	_ =	shalt  }
0x54: {  	_ =	shalt  }
0x55: {  	_ =	shalt  }
0x56: {  	_ =	shalt  }
0x57: {  	_ =	shalt  }
0x58: {  	_ =	shalt  }
0x59: {  	_ =	shalt  }
0x5a: {  	_ =	shalt  }
0x5b: {  	_ =	shalt  }
0x5c: {  	_ =	shalt  }
0x5d: {  	_ =	shalt  }
0x5e: {  	_ =	shalt  }
0x5f: {  	_ =	shalt  }
0x60: {  	_ =	shalt  }
0x61: {  	_ =	shalt  }
0x62: {  	_ =	shalt  }
0x63: {  	_ =	shalt  }
0x64: {  	_ =	shalt  }
0x65: {  	_ =	shalt  }
0x66: {  	_ =	shalt  }
0x67: {  	_ =	shalt  }
0x68: {  	_ =	shalt  }
0x69: {  	_ =	shalt  }
0x6a: {  	_ =	shalt  }
0x6b: {  	_ =	shalt  }
0x6c: {  	_ =	shalt  }
0x6d: {  	_ =	shalt  }
0x6e: {  	_ =	shalt  }
0x6f: {  	_ =	shalt  }
0x70: {  	_ =	shalt  }
0x71: {  	_ =	shalt  }
0x72: {  	_ =	shalt  }
0x73: {  	_ =	shalt  }
0x74: {  	_ =	shalt  }
0x75: {  	_ =	shalt  }
0x76: {  	_ =	shalt  }
0x77: {  	_ =	shalt  }
0x78: {  	_ =	shalt  }
0x79: {  	_ =	shalt  }
0x7a: {  	_ =	shalt  }
0x7b: {  	_ =	shalt  }
0x7c: {  	_ =	shalt  }
0x7d: {  	_ =	shalt  }
0x7e: {  	_ =	shalt  }
0x7f: {  	_ =	shalt  }
0x80: {  	_ =	shalt  }
0x81: {  	_ =	shalt  }
0x82: {  	_ =	shalt  }
0x83: {  	_ =	shalt  }
0x84: {  	_ =	shalt  }
0x85: {  	_ =	shalt  }
0x86: {  	_ =	shalt  }
0x87: {  	_ =	shalt  }
.Lfunc_end0:
.L_simem_size_0:
called_computation.2_lowered:
.L_overlay_start_0:
0x88: {  	s0 =	sld [smem:$0x3FD9]  }
0x89: {  	s1 =	sld [smem:$0x3FFE];
	_ =	sdelay $0x3  }
0x8a: {  	s0 =	sadd.s32 s1, s0  }
0x8b: {  	[smem:$0x3FBF] =	sst s0  }
0x8c: {  	_ = 	snop  }
0x8d: {  	(tm) =	ssettm $0x1  }
0x8e: {  	s15 =	sld [smem:$0x3FFB];
	_ =	sdelay $0x3  }
0x8f: {  	_ =	strace s15  }
0x90: {  	s0 =	sld [smem:$0x3FFC];
	_ =	sdelay $0x3  }
0x91: {  	_ =	strace s0  }
0x92: {  	s0 =	sld [smem:$0x3FFD];
	_ =	sdelay $0x3  }
0x93: {  	_ =	strace s0  }
0x94: {  	_ =	strace $0x8FFFFFFF  }
0x95: {  	s16 =	sld [smem:$0x3FDB];
	_ =	sdelay $0x1  }
0x96: {  	s17 =	simm.s32 $_scs_section_size  }
0x97: {  	s2 =	simm.s32 $_size__tile_overlayer_lowered;
	s3 =	simm.s32 $_tile_overlayer_lowered  }
0x98: {  	s20 =	simm.s32 $0x1BFF;
	s19 =	sshll.u32 s3, $0x1;
	s0 =	sadd.s32 s17, s16  }
0x99: {  	s4 =	simm.s32 $0x0;
	s18 =	sshll.u32 s2, $0x1;
	s2 =	sadd.s32 s19, s0  }
0x9a: {  	[timem:s4], [sflag:s20] =	dma.local [hbm:s2], s18  }
0x9b: {  	_ =	swait.ge [sflag:s20], s18  }
0x9c: {  	s1 =	ssub.s32 $0x0, s18;
	[sflag:s20] =	ssyncset.done $0x0  }
0x9d: {  	[sflag:s20] =	ssyncadd.s32 s1;
	_ =	sdelay $0x1  }
0x9e: {  	s21 =	simm.s32 $0x1B8B  }
0x9f: {  	_ =	swait.ge [sflag:s21], $0x1  }
0xa0: {  	[sflag:s21] =	ssyncset.done $0x0  }
0xa1: {  	s23 =	simm.s32 $0x1B8E;
	s22 =	sld [smem:$0x3FFE];
	[sflag:s21] =	ssyncadd.s32 $0xFFFFFFFF  }
0xa2: {  	s24 =	simm.s32 $execute0_lowered;
	[smem:$0x3FD2] =	sst s23  }
0xa3: {  	s2 =	sshll.u32 s24, $0x1;
	_ =	strace $0x80000052;
	[dreg:$0x1] =	wrdreg $0xFFFFFFFF  }
0xa4: {  	s25 =	simm.s32 $_size_execute0_lowered;
	s0 =	sadd.s32 s0, s2;
	[dreg:$0x0] =	wrdreg $0x0  }
0xa5: {  	s2 =	sshll.u32 s25, $0x1;
	[dreg:$0x2] =	wrdreg s0  }
0xa6: {  	[dreg:$0x3] =	wrdreg s2  }
0xa7: {  	[dreg:$0x4] =	wrdreg $0xC0  }
0xa8: {  	_ =	task [dreg:s4], $0x5FFFF  }
0xa9: {  	[dreg:$0x1] =	wrdreg $0xFFFFFFFF  }
0xaa: {  	[dreg:$0x0] =	wrdreg $0x60  }
0xab: {  	[dreg:$0x2] =	wrdreg s22  }
0xac: {  	[dreg:$0x3] =	wrdreg $0x61000  }
0xad: {  	[dreg:$0x4] =	wrdreg $0xA  }
0xae: {  	_ =	task.clear_ibuf [dreg:s4], $0x5FFFF;
	_ =	strace $0x90000052  }
0xaf: {  	s26 =	simm.s32 $0xA;
	_ =	strace $0x80000054  }
0xb0: {  	_ =	swait.ge [sflag:s26], $0x1  }
0xb1: {  	[sflag:s26] =	ssyncadd.s32 $0xFFFFFFFF  }
0xb2: {  	_ =	strace $0x90000054  }
0xb3: {  	_ =	sfence  }
0xb4: {  	s28 =	sld [smem:$0x0];
	_ =	sdelay $0x1  }
0xb5: {  	s29 =	srdreg.scid  }
0xb6: {  	s30 =	sshll.u32 s29, $0xD;
	s31 =	sshrl.u32 s29, $0x2  }
0xb7: {  	s1 =	sand.u32 $0x1, s29;
	s2 =	sand.u32 $0x4000, s30;
	s0 =	sadd.s32 s31, s28  }
0xb8: {  	s1 =	sor.u32 s2, s1;
	s0 =	sshll.u32 s0, $0x11  }
0xb9: {  	s0 =	sor.u32 s0, s1  }
0xba: {  	s0 =	sadd.s32 $0x8F2B, s0  }
0xbb: {  	[sflag:s0] =	ssyncadd.remote.s32 $0x1  }
0xbc: {  	_ =	sfence.sel $0xFFFF  }
0xbd: {  	[dreg:$0x0] =	wrdreg $0xFFFFFFFF;
	(pc) =	sbr.abs _section_cstart, $3  }
0xbe: {  	[dreg:$0x1] =	wrdreg $0xFFFFFFFF  }
0xbf: {  	_ =	task.clear_ibuf [dreg:s4], $0x2FFFF;
	_ =	strace $0x9FFFFFFF  }
0xc0: {  	(tm) =	ssettm $0x7FFFFFFF  }
0xc1: {  	_ =	shalt  }
tec
execute0_lowered:
.L_overlay_start_1:
0x0: {  	(tag) =	ssettag $0x1  }
0x1: {  	s1 =	rddreg [dreg:$0x0]  }
0x2: {  	s2 =	rddreg [dreg:$0x1]  }
0x3: {  	s0 =	rddreg [dreg:$0x2];
	s5 =	simm.s32 $0x0  }
0x4: {  	[smem:$0x7FF] =	sst s5;
	s3 =	sadd.s32 $0x1CE00, s1;
	s8 =	sadd.s32 $0x13000, s1  }
0x5: {  	s7 =	sadd.s32 $0x9200, s1;
	s6 =	sand.u32 $0x7E00, s5;
	s4 =	sadd.s32 $0x92400, s1  }
0x6: {  	s9 =	sand.u32 $0x70, s5;
	s1 =	stileid.u32;
	s10 =	sshrl.u32 s6, $0x2  }
0x7: {  	v0 =	vimm.f32 $0.0e+00;
	_ =	strace $0x80000053;
	s6 =	simm.s32 $0x40;
	s9 =	sor.u32 s9, s10  }
.LBB2_1:
0x8: {  	p0 =	sne.s32 s6, $0x7FC0  }
0x9: {  	[tilespmem:s9+$0x4100] =	vst v0;
	s5 =	sadd.s32 $0x10, s5;
	s9 =	smov.u32 s6;
	s6 =	sadd.s32 $0x40, s6  }
.Ltmp0:
0xa: {  	(pc) =	sbr.rel @p0 .LBB2_1-.Ltmp0, $4  }
0xb: {  	_ = 	snop  }
0xc: {  	s9 =	sand.u32 $0x7E00, s9  }
0xd: {  	s10 =	sand.u32 $0x70, s5;
	s9 =	sshrl.u32 s9, $0x2  }
0xe: {  	s9 =	sor.u32 s10, s9  }
0xf: {  	s5 =	smul.u32 $0x50000, s1;
	_ =	sdelay $0x1  }
0x10: {  	s5 =	sshrl.u32 s5, $0x2  }
0x11: {  	[tilespmem:s9+$0x4100] =	vst v0;
	s21 =	simm.s32 $0x4100;
	s6 =	sadd.s32 s5, s2;
	s5 =	simm.s32 $0x1  }
0x12: {  	[spmem:s6] =	stream.linear.scatter [tilespmem:s21], [sflag:$0x1], $0x2000, $0x38;
	[tilespmem:$0x1A100] =	vst v63  }
0x13: {  	_ =	swait.ge [sflag:s5], $0x2000  }
0x14: {  	[sflag:s5] =	ssyncset.done $0x0  }
0x15: {  	s10 =	sadd.s32 $0x2000, s6;
	[sflag:s5] =	ssyncadd.s32 $0xFFFFE000  }
0x16: {  	[spmem:s10] =	stream.linear.scatter [tilespmem:s21], [sflag:$0x1], $0x2000, $0x38;
	[tilespmem:$0x1A100] =	vst v63  }
0x17: {  	_ =	swait.ge [sflag:s5], $0x2000  }
0x18: {  	[sflag:s5] =	ssyncset.done $0x0  }
0x19: {  	s22 =	sadd.s32 $0x4000, s6;
	[sflag:s5] =	ssyncadd.s32 $0xFFFFE000  }
0x1a: {  	[spmem:s22] =	stream.linear.scatter [tilespmem:s21], [sflag:$0x1], $0x2000, $0x38;
	[tilespmem:$0x1A100] =	vst v63  }
0x1b: {  	_ =	swait.ge [sflag:s5], $0x2000  }
0x1c: {  	[sflag:s5] =	ssyncset.done $0x0  }
0x1d: {  	s23 =	sadd.s32 $0x6000, s6;
	[sflag:s5] =	ssyncadd.s32 $0xFFFFE000  }
0x1e: {  	[spmem:s23] =	stream.linear.scatter [tilespmem:s21], [sflag:$0x1], $0x2000, $0x38;
	[tilespmem:$0x1A100] =	vst v63  }
0x1f: {  	_ =	swait.ge [sflag:s5], $0x2000  }
0x20: {  	[sflag:s5] =	ssyncset.done $0x0  }
0x21: {  	s24 =	sadd.s32 $0x8000, s6;
	[sflag:s5] =	ssyncadd.s32 $0xFFFFE000  }
0x22: {  	[spmem:s24] =	stream.linear.scatter [tilespmem:s21], [sflag:$0x1], $0x2000, $0x38;
	[tilespmem:$0x1A100] =	vst v63  }
0x23: {  	_ =	swait.ge [sflag:s5], $0x2000  }
0x24: {  	[sflag:s5] =	ssyncset.done $0x0  }
0x25: {  	s25 =	sadd.s32 $0xA000, s6;
	[sflag:s5] =	ssyncadd.s32 $0xFFFFE000  }
0x26: {  	[spmem:s25] =	stream.linear.scatter [tilespmem:s21], [sflag:$0x1], $0x2000, $0x38;
	[tilespmem:$0x1A100] =	vst v63  }
0x27: {  	_ =	swait.ge [sflag:s5], $0x2000  }
0x28: {  	[sflag:s5] =	ssyncset.done $0x0  }
0x29: {  	s26 =	sadd.s32 $0xC000, s6;
	[sflag:s5] =	ssyncadd.s32 $0xFFFFE000  }
0x2a: {  	[spmem:s26] =	stream.linear.scatter [tilespmem:s21], [sflag:$0x1], $0x2000, $0x38;
	[tilespmem:$0x1A100] =	vst v63  }
0x2b: {  	_ =	swait.ge [sflag:s5], $0x2000  }
0x2c: {  	[sflag:s5] =	ssyncset.done $0x0  }
0x2d: {  	s28 =	sadd.s32 $0xE000, s6;
	[sflag:s5] =	ssyncadd.s32 $0xFFFFE000  }
0x2e: {  	[spmem:s28] =	stream.linear.scatter [tilespmem:s21], [sflag:$0x1], $0x2000, $0x38;
	[tilespmem:$0x1A100] =	vst v63  }
0x2f: {  	_ =	swait.ge [sflag:s5], $0x2000  }
0x30: {  	[sflag:s5] =	ssyncset.done $0x0  }
0x31: {  	s29 =	sadd.s32 $0x10000, s6;
	[sflag:s5] =	ssyncadd.s32 $0xFFFFE000  }
0x32: {  	[spmem:s29] =	stream.linear.scatter [tilespmem:s21], [sflag:$0x1], $0x2000, $0x38;
	[tilespmem:$0x1A100] =	vst v63  }
0x33: {  	_ =	swait.ge [sflag:s5], $0x2000  }
0x34: {  	[sflag:s5] =	ssyncset.done $0x0  }
0x35: {  	s30 =	sadd.s32 $0x12000, s6;
	[sflag:s5] =	ssyncadd.s32 $0xFFFFE000  }
0x36: {  	[spmem:s30] =	stream.linear.scatter [tilespmem:s21], [sflag:$0x1], $0x2000, $0x38;
	[tilespmem:$0x1A100] =	vst v63  }
0x37: {  	_ =	swait.ge [sflag:s5], $0x2000  }
0x38: {  	[sflag:s5] =	ssyncset.done $0x0  }
0x39: {  	s31 =	sshll.u32 s1, $0x4;
	[sflag:s5] =	ssyncadd.s32 $0xFFFFE000  }
0x3a: {  	s9 =	simm.s32 $0x0;
	s8 =	sadd.s32 s31, s8;
	[bflag:$0x0] =	sbarrier.arrive $0xFFFF  }
0x3b: {  	[tilespmem:s9], [sflag:$0x1] =	stream.linear.gather [hbm4b:s8+s9], $0x80, $0x38;
	[tilespmem:$0x1A100] =	vst v63  }
0x3c: {  	_ =	swait.ge [sflag:s5], $0x80  }
0x3d: {  	[sflag:s5] =	ssyncset.done $0x0  }
0x3e: {  	s7 =	sadd.s32 s31, s7;
	s10 =	simm.s32 $0x80;
	[sflag:s5] =	ssyncadd.s32 $0xFFFFFF80  }
0x3f: {  	[tilespmem:s10], [sflag:$0x1] =	stream.linear.gather [hbm4b:s7+s9], $0x80, $0x38;
	[tilespmem:$0x1A100] =	vst v63  }
0x40: {  	_ =	swait.ge [sflag:s5], $0x80  }
0x41: {  	s12 =	ssub.s32 $0x9D3, s1;
	[sflag:s5] =	ssyncset.done $0x0  }
0x42: {  	s11 =	simm.s32 $0x100;
	s12 =	sshrl.u32 s12, $0x4;
	[sflag:s5] =	ssyncadd.s32 $0xFFFFFF80  }
0x43: {  	[tilespmem:s11], [sflag:$0x1] =	stream.indirect.gather [hbm4b:s3+s10], $0x80, s9, s10, $0xb8;
	[tilespmem:$0x1A100] =	vst v63  }
0x44: {  	p0 =	sne.s32 s12, $0x1;
	_ =	swait.ge [sflag:s5], $0x4000  }
.Ltmp1:
0x45: {  	[sflag:s5] =	ssyncset.done $0x0;
	(pc) =	sbr.rel @!p0 .LBB2_4-.Ltmp1, $4  }
0x46: {  	[sflag:s5] =	ssyncadd.s32 $0xFFFFC000  }
0x47: {  	[spmem:s2] =	stream.indirect.scatter.add.f32 [tilespmem:s11], [sflag:$0x1], $0x80, s10, s10, $0xb8;
	[tilespmem:$0x1A100] =	vst v63  }
0x48: {  	_ =	swait.ge [sflag:s5], $0x4000  }
0x49: {  	s12 =	sadd.s32 $0xFFFFFFFF, s12;
	[sflag:s5] =	ssyncset.done $0x0  }
.LBB2_3:
0x4a: {  	[sflag:s5] =	ssyncadd.s32 $0xFFFFC000;
	s7 =	sadd.s32 $0x100, s7;
	s8 =	sadd.s32 $0x100, s8  }
0x4b: {  	[tilespmem:s9], [sflag:$0x1] =	stream.linear.gather [hbm4b:s8+s9], $0x80, $0x38;
	[tilespmem:$0x1A100] =	vst v63  }
0x4c: {  	p0 =	sne.s32 s12, $0x1;
	s12 =	sadd.s32 $0xFFFFFFFF, s12;
	_ =	swait.ge [sflag:s5], $0x80  }
0x4d: {  	[sflag:s5] =	ssyncset.done $0x0  }
0x4e: {  	[sflag:s5] =	ssyncadd.s32 $0xFFFFFF80  }
0x4f: {  	[tilespmem:s10], [sflag:$0x1] =	stream.linear.gather [hbm4b:s7+s9], $0x80, $0x38;
	[tilespmem:$0x1A100] =	vst v63  }
0x50: {  	_ =	swait.ge [sflag:s5], $0x80  }
0x51: {  	[sflag:s5] =	ssyncset.done $0x0  }
0x52: {  	[sflag:s5] =	ssyncadd.s32 $0xFFFFFF80  }
0x53: {  	[tilespmem:s11], [sflag:$0x1] =	stream.indirect.gather [hbm4b:s3+s10], $0x80, s9, s10, $0xb8;
	[tilespmem:$0x1A100] =	vst v63  }
0x54: {  	_ =	swait.ge [sflag:s5], $0x4000  }
.Ltmp2:
0x55: {  	[sflag:s5] =	ssyncset.done $0x0;
	(pc) =	sbr.rel @p0 .LBB2_3-.Ltmp2, $4  }
0x56: {  	[sflag:s5] =	ssyncadd.s32 $0xFFFFC000  }
0x57: {  	[spmem:s2] =	stream.indirect.scatter.add.f32 [tilespmem:s11], [sflag:$0x1], $0x80, s10, s10, $0xb8;
	[tilespmem:$0x1A100] =	vst v63  }
0x58: {  	_ =	swait.ge [sflag:s5], $0x4000  }
0x59: {  	[sflag:s5] =	ssyncset.done $0x0  }
.LBB2_4:
0x5a: {  	s2 =	smul.u32 $0x2800, s1  }
0x5b: {  	[sflag:s5] =	ssyncadd.s32 $0xFFFFC000;
	s3 =	sshll.u32 s1, $0x6;
	s31 =	sshrl.u32 s6, $0x3  }
0x5c: {  	[bflag:$0x0] =	sbarrier.arrive $0xFFFF;
	s3 =	sor.u32 $0x1C01, s3;
	s2 =	sadd.s32 s4, s2  }
0x5d: {  	[hbm:s2], [sflag:s3] =	dma.local [spmem:s31], $0x2800  }
0x5e: {  	_ =	swait.ge [sflag:s5], $0x2800  }
0x5f: {  	[sflag:s5] =	ssyncset.done $0x0  }
0x60: {  	[sflag:s5] =	ssyncadd.s32 $0xFFFFD800  }
0x61: {  	_ =	sfence.sel $0x180000  }
0x62: {  	[bflag:$0x0] =	sbarrier.arrive $0xFFFF  }
0x63: {  	p0 =	sne.s32 s1, $0x0;
	_ =	strace $0x90000053  }
0x64: {  	s0 =	sadd.s32 @!p0 $0x100000, s0;
	[bflag:$0x2] =	sbarrier.arrive $0xFFFF  }
0x65: {  	[sflag:s0] =	ssyncadd.tile.s32 @!p0 $0x1;
	_ =	shalt  }
.Lfunc_end2:
_tile_overlayer_lowered:
.L_overlay_start_2:
0x66: {  	(tag) =	ssettag $0x2  }
0x67: {  	s0 =	rddreg [dreg:$0x0];
	s2 =	stileid.u32  }
0x68: {  	s1 =	rddreg [dreg:$0x1];
	p0 =	sne.s32 s2, $0x0  }
0x69: {  	s3 =	rddreg [dreg:$0x2];
	[bflag:$0x3] =	sbarrier.arrive $0xFFFF;
	s2 =	simm.s32 @!p0 $0x1C01  }
0x6a: {  	[timem:s3], [sflag:s2] =	dma.local @!p0 [hbm:s0], s1  }
0x6b: {  	s0 =	simm.s32 @!p0 $0x1  }
0x6c: {  	_ =	swait.ge @!p0 [sflag:s0], s1  }
0x6d: {  	s1 =	ssub.s32 @!p0 $0x0, s1;
	[sflag:s0] =	ssyncset.done @!p0 $0x0  }
0x6e: {  	[sflag:s0] =	ssyncadd.s32 @!p0 s1  }
0x6f: {  	[bflag:$0x3] =	sbarrier.arrive $0xFFFF  }
0x70: {  	_ =	shalt  }

// kernel: kernel.33.cloned.1.call-start
scs
__scs_entry_jumppad:
0x0: {  	(pc) =	sbr.rel $0x88, $3  }
0x1: {  	(tag) =	ssettag $0x0;
	lr =	simm.s32 $0x1  }
0x2: {  	[smem:$0x3F98] =	sst lr;
	_ =	strace $0xD0000000  }
0x3: {  	_ = 	snop  }
0x4: {  	_ = 	snop  }
0x5: {  	_ = 	snop  }
0x6: {  	_ = 	snop  }
0x7: {  	_ = 	snop  }
__scs_overlays_trampoline_lowered:
0x8: {  	[smem:$0x3FA7] =	sst s0  }
0x9: {  	[smem:$0x3FA8] =	sst s1  }
0xa: {  	[smem:$0x3FA9] =	sst s2  }
0xb: {  	[smem:$0x3FAA] =	sst s3  }
0xc: {  	[smem:$0x3FAB] =	sst s4  }
0xd: {  	[smem:$0x3FAC] =	sst s5  }
0xe: {  	[smem:$0x3FAD] =	sst s6  }
0xf: {  	[smem:$0x3FAE] =	sst s7  }
0x10: {  	[smem:$0x3FAF] =	sst s8  }
0x11: {  	[smem:$0x3FB0] =	sst s9;
	s0 =	simm.s32 @!p0 $0x0  }
0x12: {  	s1 =	sld [smem:$0x3F96];
	s0 =	simm.s32 @p0 $0x1  }
0x13: {  	[smem:$0x3FB1] =	sst s0;
	s0 =	simm.s32 @!p1 $0x0  }
0x14: {  	s2 =	sld [smem:$0x3F95];
	s0 =	simm.s32 @p1 $0x1  }
0x15: {  	[smem:$0x3FB2] =	sst s0;
	s0 =	simm.s32 @!p2 $0x0  }
0x16: {  	s3 =	sld [smem:$0x3FDB];
	s0 =	simm.s32 @p2 $0x1  }
0x17: {  	s4 =	simm.s32 $0x1BF5;
	[smem:$0x3FB4] =	sst s0  }
0x18: {  	s0 =	sld [smem:$0x3F97];
	_ =	swait.ge [sflag:s4], $0x0  }
0x19: {  	s7 =	sld [smem:$0x3F98]  }
0x1a: {  	s8 =	sadd.s32 $0xFFFFE003, lr  }
0x1b: {  	s9 =	sadd.s32 $0xFFFFFEF7, lr;
	s5 =	simm.s32 $0xFFFFFFFF;
	p2 =	slt.u32 s8, $0xFFFFF086  }
0x1c: {  	p1 =	slt.u32 s9, $0xF7A;
	s5 =	simm.s32 @!p2 $0x0  }
0x1d: {  	s5 =	simm.s32 @p1 $0x1;
	p0 =	seq.s32 s7, s2  }
0x1e: {  	s7 =	smul.u32 @!p0 $0xF7A, s2;
	p2 =	seq.s32 @!p0 s5, $0x0  }
0x1f: {  	s9 =	smul.u32 $0xF7A, s1;
	s8 =	simm.s32 @!p0 $0x1BF5;
	p2 =	por !p2, p0  }
0x20: {  	[sflag:s8] =	ssyncset.s32 @!p0 $0xFFFFF086;
	s6 =	sadd.s32 @!p0 s3, s7;
	s7 =	simm.s32 @!p0 $0x108  }
0x21: {  	s3 =	sadd.s32 s3, s9;
	s6 =	sadd.s32 @!p0 $0x88, s6;
	s7 =	simm.s32 @p2 $0x1082  }
0x22: {  	[simem:s7], [sflag:s8] =	dma.local @!p0 [hbm:s6], $0xF7A  }
0x23: {  	s9 =	sor.u32 $0xD0000000, s2;
	s6 =	simm.s32 $0x108;
	_ =	swait.ge @!p0 [sflag:s8], $0x0  }
0x24: {  	s3 =	sadd.s32 $0x88, s3;
	s6 =	simm.s32 @!p1 $0x1082;
	[sflag:s4] =	ssyncset.s32 $0xFFFFF086  }
0x25: {  	[simem:s6], [sflag:s4] =	dma.local [hbm:s3], $0xF7A  }
0x26: {  	[smem:$0x3F98] =	sst s1;
	(tag) =	ssettag s2;
	_ =	strace s9  }
0x27: {  	s1 =	sld [smem:$0x3FA8]  }
0x28: {  	s2 =	sld [smem:$0x3FA9]  }
0x29: {  	s4 =	sld [smem:$0x3FAB]  }
0x2a: {  	p0 =	seq.s32 s5, $0x0;
	s5 =	sld [smem:$0x3FAC]  }
0x2b: {  	s6 =	sld [smem:$0x3FAD]  }
0x2c: {  	s7 =	sld [smem:$0x3FAE]  }
0x2d: {  	s3 =	simm.s32 $0x108;
	s8 =	sld [smem:$0x3FAF]  }
0x2e: {  	s3 =	simm.s32 @!p0 $0x1082;
	s9 =	sld [smem:$0x3FB0]  }
0x2f: {  	lr =	sadd.s32 s0, s3;
	s0 =	sld [smem:$0x3FA7]  }
0x30: {  	s3 =	sld [smem:$0x3FAA]  }
0x31: {  	[smem:$0x3FB3] =	sst s10  }
0x32: {  	s10 =	sld [smem:$0x3FB1];
	_ =	sdelay $0x3  }
0x33: {  	p0 =	seq.s32 s10, $0x1;
	s10 =	sld [smem:$0x3FB3];
	_ =	sdelay $0x3  }
0x34: {  	[smem:$0x3FB3] =	sst s10  }
0x35: {  	s10 =	sld [smem:$0x3FB2];
	_ =	sdelay $0x3  }
0x36: {  	p1 =	seq.s32 s10, $0x1;
	s10 =	sld [smem:$0x3FB3];
	_ =	sdelay $0x3  }
0x37: {  	[smem:$0x3FB3] =	sst s10  }
0x38: {  	s10 =	sld [smem:$0x3FB4]  }
0x39: {  	_ = 	snop;
	(pc) =	sbr.ind lr, $3  }
0x3a: {  	_ = 	snop  }
0x3b: {  	_ = 	snop  }
0x3c: {  	p2 =	seq.s32 s10, $0x1;
	s10 =	sld [smem:$0x3FB3]  }
0x3d: {  	_ =	shalt  }
0x3e: {  	_ =	shalt  }
0x3f: {  	_ =	shalt  }
0x40: {  	_ =	shalt  }
0x41: {  	_ =	shalt  }
0x42: {  	_ =	shalt  }
0x43: {  	_ =	shalt  }
0x44: {  	_ =	shalt  }
0x45: {  	_ =	shalt  }
0x46: {  	_ =	shalt  }
0x47: {  	_ =	shalt  }
0x48: {  	_ =	shalt  }
0x49: {  	_ =	shalt  }
0x4a: {  	_ =	shalt  }
0x4b: {  	_ =	shalt  }
0x4c: {  	_ =	shalt  }
0x4d: {  	_ =	shalt  }
0x4e: {  	_ =	shalt  }
0x4f: {  	_ =	shalt  }
0x50: {  	_ =	shalt  }
0x51: {  	_ =	shalt  }
0x52: {  	_ =	shalt  }
0x53: {  	_ =	shalt  }
0x54: {  	_ =	shalt  }
0x55: {  	_ =	shalt  }
0x56: {  	_ =	shalt  }
0x57: {  	_ =	shalt  }
0x58: {  	_ =	shalt  }
0x59: {  	_ =	shalt  }
0x5a: {  	_ =	shalt  }
0x5b: {  	_ =	shalt  }
0x5c: {  	_ =	shalt  }
0x5d: {  	_ =	shalt  }
0x5e: {  	_ =	shalt  }
0x5f: {  	_ =	shalt  }
0x60: {  	_ =	shalt  }
0x61: {  	_ =	shalt  }
0x62: {  	_ =	shalt  }
0x63: {  	_ =	shalt  }
0x64: {  	_ =	shalt  }
0x65: {  	_ =	shalt  }
0x66: {  	_ =	shalt  }
0x67: {  	_ =	shalt  }
0x68: {  	_ =	shalt  }
0x69: {  	_ =	shalt  }
0x6a: {  	_ =	shalt  }
0x6b: {  	_ =	shalt  }
0x6c: {  	_ =	shalt  }
0x6d: {  	_ =	shalt  }
0x6e: {  	_ =	shalt  }
0x6f: {  	_ =	shalt  }
0x70: {  	_ =	shalt  }
0x71: {  	_ =	shalt  }
0x72: {  	_ =	shalt  }
0x73: {  	_ =	shalt  }
0x74: {  	_ =	shalt  }
0x75: {  	_ =	shalt  }
0x76: {  	_ =	shalt  }
0x77: {  	_ =	shalt  }
0x78: {  	_ =	shalt  }
0x79: {  	_ =	shalt  }
0x7a: {  	_ =	shalt  }
0x7b: {  	_ =	shalt  }
0x7c: {  	_ =	shalt  }
0x7d: {  	_ =	shalt  }
0x7e: {  	_ =	shalt  }
0x7f: {  	_ =	shalt  }
0x80: {  	_ =	shalt  }
0x81: {  	_ =	shalt  }
0x82: {  	_ =	shalt  }
0x83: {  	_ =	shalt  }
0x84: {  	_ =	shalt  }
0x85: {  	_ =	shalt  }
0x86: {  	_ =	shalt  }
0x87: {  	_ =	shalt  }
.Lfunc_end0:
.L_simem_size_0:
called_computation.3_lowered:
.L_overlay_start_0:
0x88: {  	s2 =	sld [smem:$0x3FD9]  }
0x89: {  	s3 =	sld [smem:$0x3FFE];
	_ =	sdelay $0x1  }
0x8a: {  	s1 =	srdreg.scid  }
0x8b: {  	s0 =	sand.u32 $0x1, s1  }
0x8c: {  	s17 =	sshll.u32 s0, $0xA;
	s2 =	sadd.s32 s3, s2  }
0x8d: {  	s2 =	sadd.s32 s2, s17  }
0x8e: {  	[smem:$0x3FBF] =	sst s2  }
0x8f: {  	_ = 	snop  }
0x90: {  	(tm) =	ssettm $0x1  }
0x91: {  	s18 =	sld [smem:$0x3FFB];
	_ =	sdelay $0x3  }
0x92: {  	_ =	strace s18  }
0x93: {  	s2 =	sld [smem:$0x3FFC];
	_ =	sdelay $0x3  }
0x94: {  	_ =	strace s2  }
0x95: {  	s2 =	sld [smem:$0x3FFD];
	_ =	sdelay $0x3  }
0x96: {  	_ =	strace s2  }
0x97: {  	_ =	strace $0x8FFFFFFF  }
0x98: {  	s19 =	sld [smem:$0x3FDB];
	_ =	sdelay $0x1  }
0x99: {  	s20 =	simm.s32 $_scs_section_size  }
0x9a: {  	s4 =	simm.s32 $_size__tile_overlayer_lowered;
	s5 =	simm.s32 $_tile_overlayer_lowered  }
0x9b: {  	s6 =	simm.s32 $0x1BFF;
	s21 =	sshll.u32 s5, $0x1;
	s3 =	sadd.s32 s20, s19  }
0x9c: {  	s22 =	simm.s32 $0x0;
	s4 =	sshll.u32 s4, $0x1;
	s5 =	sadd.s32 s21, s3  }
0x9d: {  	[timem:s22], [sflag:s6] =	dma.local [hbm:s5], s4  }
0x9e: {  	_ =	swait.ge [sflag:s6], s4  }
0x9f: {  	s4 =	ssub.s32 $0x0, s4;
	[sflag:s6] =	ssyncset.done $0x0  }
0xa0: {  	[sflag:s6] =	ssyncadd.s32 s4;
	_ =	sdelay $0x1  }
0xa1: {  	s23 =	simm.s32 $0x1B8B  }
0xa2: {  	_ =	swait.ge [sflag:s23], $0x1  }
0xa3: {  	[sflag:s23] =	ssyncset.done $0x0  }
0xa4: {  	[sflag:s23] =	ssyncadd.s32 $0xFFFFFFFF  }
0xa5: {  	s4 =	sld [smem:$0x0]  }
0xa6: {  	s5 =	sand.u32 $0xFFFFFFFE, s1  }
0xa7: {  	p0 =	sne.s32 s1, s5  }
0xa8: {  	s5 =	sshll.u32 @p0 s5, $0xE  }
0xa9: {  	s5 =	sadd.s32 @p0 $0x11B8D, s5;
	s6 =	sshll.u32 @p0 s4, $0x11  }
0xaa: {  	s5 =	sor.u32 @p0 s6, s5  }
0xab: {  	[sflag:s5] =	ssyncadd.remote.s32 @p0 $0x1;
	_ =	sdelay $0x1  }
0xac: {  	s5 =	simm.s32 @p0 $0x1B8D  }
0xad: {  	_ =	swait.eq @p0 [sflag:s5], $0x1  }
0xae: {  	[sflag:s5] =	ssyncadd.s32 @p0 $0xFFFFFFFF  }
0xaf: {  	s6 =	sshll.u32 @!p0 s1, $0xE  }
0xb0: {  	s6 =	sor.u32 @!p0 $0x4000, s6;
	s5 =	simm.s32 @!p0 $0x1B8D  }
0xb1: {  	s4 =	sshll.u32 @!p0 s4, $0x11;
	s6 =	sadd.s32 @!p0 $0x11B8D, s6;
	_ =	swait.eq @!p0 [sflag:s5], $0x1  }
0xb2: {  	s4 =	sor.u32 @!p0 s4, s6;
	[sflag:s5] =	ssyncadd.s32 @!p0 $0xFFFFFFFF  }
0xb3: {  	s25 =	simm.s32 $0x1B8E;
	s24 =	sld [smem:$0x3FFE];
	[sflag:s4] =	ssyncadd.remote.s32 @!p0 $0x1  }
0xb4: {  	s26 =	simm.s32 $execute0_lowered;
	[smem:$0x3FD2] =	sst s25  }
0xb5: {  	s5 =	sshll.u32 s26, $0x1;
	_ =	strace $0x80000055;
	[dreg:$0x1] =	wrdreg $0xFFFFFFFF  }
0xb6: {  	s28 =	simm.s32 $_size_execute0_lowered;
	s3 =	sadd.s32 s3, s5;
	[dreg:$0x0] =	wrdreg $0x0  }
0xb7: {  	s5 =	sshll.u32 s28, $0x1;
	[dreg:$0x2] =	wrdreg s3  }
0xb8: {  	[dreg:$0x3] =	wrdreg s5  }
0xb9: {  	[dreg:$0x4] =	wrdreg $0xC0  }
0xba: {  	_ =	task [dreg:s22], $0x5FFFF  }
0xbb: {  	[dreg:$0x1] =	wrdreg $0xFFFFFFFF  }
0xbc: {  	[dreg:$0x0] =	wrdreg $0x60  }
0xbd: {  	[dreg:$0x2] =	wrdreg s24  }
0xbe: {  	[dreg:$0x3] =	wrdreg $0x4000  }
0xbf: {  	[dreg:$0x4] =	wrdreg $0x9  }
0xc0: {  	_ =	task.clear_ibuf [dreg:s22], $0x5FFFF;
	_ =	strace $0x90000055  }
0xc1: {  	s29 =	simm.s32 $0x9;
	_ =	strace $0x80000057  }
0xc2: {  	_ =	swait.ge [sflag:s29], $0x1  }
0xc3: {  	[sflag:s29] =	ssyncadd.s32 $0xFFFFFFFF  }
0xc4: {  	_ =	strace $0x90000057  }
0xc5: {  	_ =	sfence  }
0xc6: {  	s30 =	sld [smem:$0x0];
	_ =	sdelay $0x2  }
0xc7: {  	s31 =	sshll.u32 s1, $0xD;
	s1 =	sshrl.u32 s1, $0x2  }
0xc8: {  	s4 =	sand.u32 $0x4000, s31;
	s1 =	sadd.s32 s1, s30  }
0xc9: {  	s0 =	sor.u32 s4, s0;
	s1 =	sshll.u32 s1, $0x11  }
0xca: {  	s0 =	sor.u32 s1, s0  }
0xcb: {  	s0 =	sadd.s32 $0x8F2B, s0  }
0xcc: {  	[sflag:s0] =	ssyncadd.remote.s32 $0x1  }
0xcd: {  	_ =	sfence.sel $0xFFFF  }
0xce: {  	[dreg:$0x0] =	wrdreg $0xFFFFFFFF;
	(pc) =	sbr.abs _section_cstart, $3  }
0xcf: {  	[dreg:$0x1] =	wrdreg $0xFFFFFFFF  }
0xd0: {  	_ =	task.clear_ibuf [dreg:s22], $0x2FFFF;
	_ =	strace $0x9FFFFFFF  }
0xd1: {  	(tm) =	ssettm $0x7FFFFFFF  }
tec
execute0_lowered:
.L_overlay_start_1:
0x0: {  	(tag) =	ssettag $0x1  }
0x1: {  	s6 =	rddreg [dreg:$0x0]  }
0x2: {  	s1 =	rddreg [dreg:$0x1]  }
0x3: {  	s0 =	rddreg [dreg:$0x2];
	s3 =	simm.s32 $0x0;
	s5 =	srdreg.scid  }
0x4: {  	s2 =	stileid.u32;
	s12 =	simm.s32 $0x80;
	s16 =	simm.s32 $0x20  }
0x5: {  	s17 =	simm.s32 $0x10;
	s18 =	simm.s32 $0x0;
	[smem:$0x7FF] =	sst s3  }
0x6: {  	s4 =	sadd.s32 $0xCEC00, s6;
	s8 =	sand.u32 $0x1, s5;
	s7 =	smul.u32 $0xC00, s2  }
0x7: {  	s5 =	sadd.s32 $0xCE600, s6;
	s14 =	smul.u32 $0xC0, s2;
	s31 =	sshll.u32 s2, $0x7  }
0x8: {  	s15 =	sshll.u32 s2, $0x6;
	_ =	strace $0x80000056;
	s9 =	sshll.u32 s8, $0x4  }
0x9: {  	s10 =	ssub.s32 $0x2, s8;
	s30 =	sshll.u32 s8, $0xB;
	s11 =	sadd.s32 s9, s6  }
0xa: {  	s29 =	sshrl.u32 s10, $0x1;
	s7 =	sshrl.u32 s7, $0x2;
	s9 =	sor.u32 s9, s2  }
0xb: {  	s10 =	ssub.s32 s10, s29;
	s6 =	sadd.s32 s7, s1;
	s13 =	sadd.s32 $0xCF200, s11  }
0xc: {  	s9 =	ssub.s32 $0x6F, s9;
	s11 =	simm.s32 $0x1;
	s7 =	smax.u32 s10, $0x1  }
0xd: {  	s8 =	sshrl.u32 s9, $0x5;
	s9 =	sor.u32 s31, s30;
	s10 =	simm.s32 $0x100  }
0xe: {  	v0 =	vimm.f32 $0.0e+00;
	s13 =	sadd.s32 s14, s13;
	s14 =	sor.u32 $0x1C01, s15;
	s15 =	sshrl.u32 s6, $0x3  }
.LBB2_1:
0xf: {  	[tilespmem:$0x100] =	vst v0  }
0x10: {  	[tilespmem:$0x110] =	vst v0  }
0x11: {  	[tilespmem:$0x120] =	vst v0  }
0x12: {  	[tilespmem:$0x130] =	vst v0  }
0x13: {  	[tilespmem:$0x140] =	vst v0  }
0x14: {  	[tilespmem:$0x150] =	vst v0  }
0x15: {  	[tilespmem:$0x160] =	vst v0  }
0x16: {  	[tilespmem:$0x170] =	vst v0  }
0x17: {  	[tilespmem:$0x180] =	vst v0  }
0x18: {  	[tilespmem:$0x190] =	vst v0  }
0x19: {  	[tilespmem:$0x1A0] =	vst v0  }
0x1a: {  	[tilespmem:$0x1B0] =	vst v0  }
0x1b: {  	[tilespmem:$0x1C0] =	vst v0  }
0x1c: {  	[tilespmem:$0x1D0] =	vst v0  }
0x1d: {  	[tilespmem:$0x1E0] =	vst v0  }
0x1e: {  	[tilespmem:$0x1F0] =	vst v0  }
0x1f: {  	[tilespmem:$0x200] =	vst v0  }
0x20: {  	[tilespmem:$0x210] =	vst v0  }
0x21: {  	[tilespmem:$0x220] =	vst v0  }
0x22: {  	[tilespmem:$0x230] =	vst v0  }
0x23: {  	[tilespmem:$0x240] =	vst v0  }
0x24: {  	[tilespmem:$0x250] =	vst v0  }
0x25: {  	[tilespmem:$0x260] =	vst v0  }
0x26: {  	[tilespmem:$0x270] =	vst v0  }
0x27: {  	[tilespmem:$0x280] =	vst v0  }
0x28: {  	[tilespmem:$0x290] =	vst v0  }
0x29: {  	[tilespmem:$0x2A0] =	vst v0  }
0x2a: {  	[tilespmem:$0x2B0] =	vst v0  }
0x2b: {  	[tilespmem:$0x2C0] =	vst v0  }
0x2c: {  	[tilespmem:$0x2D0] =	vst v0  }
0x2d: {  	[tilespmem:$0x2E0] =	vst v0  }
0x2e: {  	[tilespmem:$0x2F0] =	vst v0  }
0x2f: {  	[tilespmem:$0x300] =	vst v0  }
0x30: {  	[tilespmem:$0x310] =	vst v0  }
0x31: {  	[tilespmem:$0x320] =	vst v0  }
0x32: {  	[tilespmem:$0x330] =	vst v0  }
0x33: {  	[tilespmem:$0x340] =	vst v0  }
0x34: {  	[tilespmem:$0x350] =	vst v0  }
0x35: {  	[tilespmem:$0x360] =	vst v0  }
0x36: {  	[tilespmem:$0x370] =	vst v0  }
0x37: {  	[tilespmem:$0x380] =	vst v0  }
0x38: {  	[tilespmem:$0x390] =	vst v0  }
0x39: {  	[tilespmem:$0x3A0] =	vst v0  }
0x3a: {  	[tilespmem:$0x3B0] =	vst v0  }
0x3b: {  	[tilespmem:$0x3C0] =	vst v0  }
0x3c: {  	[tilespmem:$0x3D0] =	vst v0  }
0x3d: {  	[tilespmem:$0x3E0] =	vst v0  }
0x3e: {  	[tilespmem:$0x3F0] =	vst v0;
	p1 =	sne.s32 s8, $0x1  }
0x3f: {  	[spmem:s6] =	stream.linear.scatter [tilespmem:s10], [sflag:$0x1], $0x300, $0x38;
	[tilespmem:$0x700] =	vst v63  }
.Ltmp0:
0x40: {  	_ =	swait.ge [sflag:s11], $0x300;
	(pc) =	sbr.rel @!p1 .LBB2_4-.Ltmp0, $4  }
0x41: {  	[sflag:s11] =	ssyncset.done $0x0  }
0x42: {  	[sflag:s11] =	ssyncadd.s32 $0xFFFFFD00  }
0x43: {  	[bflag:$0x0] =	sbarrier.arrive $0xFFFF  }
0x44: {  	s20 =	sadd.s32 $0xFFFFFFFF, s8;
	s19 =	sshrl.u32 s9, $0x3;
	p0 =	por $0x0, $0x0  }
0x45: {  	s21 =	sadd.s32 s5, s19  }
0x46: {  	[tilespmem:s3], [sflag:$0x1] =	stream.linear.gather [hbm4b:s21+s3], $0x80, $0x38;
	[tilespmem:$0x700] =	vst v63  }
0x47: {  	_ =	swait.ge [sflag:s11], $0x80  }
0x48: {  	[sflag:s11] =	ssyncset.done $0x0  }
0x49: {  	s31 =	sadd.s32 s4, s19;
	[sflag:s11] =	ssyncadd.s32 $0xFFFFFF80  }
0x4a: {  	[tilespmem:s12], [sflag:$0x1] =	stream.linear.gather [hbm4b:s31+s3], $0x80, $0x38;
	[tilespmem:$0x700] =	vst v63  }
0x4b: {  	p1 =	sne.s32 s20, $0x1;
	_ =	swait.ge [sflag:s11], $0x80  }
.Ltmp1:
0x4c: {  	[sflag:s11] =	ssyncset.done $0x0;
	(pc) =	sbr.rel @!p1 .LBB2_4-.Ltmp1, $4  }
0x4d: {  	[sflag:s11] =	ssyncadd.s32 $0xFFFFFF80  }
0x4e: {  	[spmem:s1] =	stream.indirect.scatter.add.f32 [tilespmem:s12], [sflag:$0x1], $0x1, s3, s12, $0xb8;
	[tilespmem:$0x700] =	vst v63  }
0x4f: {  	s20 =	sadd.s32 $0xFFFFFFFF, s20;
	s21 =	sadd.s32 $0x1000, s9;
	_ =	swait.ge [sflag:s11], $0x80  }
0x50: {  	p0 =	por $0x1, $0x1;
	s19 =	sshrl.u32 s21, $0x3;
	[sflag:s11] =	ssyncset.done $0x0  }
.LBB2_3:
0x51: {  	p1 =	sne.s32 s20, $0x1;
	s22 =	sadd.s32 s5, s19;
	[sflag:s11] =	ssyncadd.s32 $0xFFFFFF80  }
0x52: {  	[tilespmem:s3], [sflag:$0x1] =	stream.linear.gather [hbm4b:s22+s3], $0x80, $0x38;
	[tilespmem:$0x700] =	vst v63  }
0x53: {  	s20 =	sadd.s32 $0xFFFFFFFF, s20;
	_ =	swait.ge [sflag:s11], $0x80  }
0x54: {  	[sflag:s11] =	ssyncset.done $0x0  }
0x55: {  	s19 =	sadd.s32 s4, s19;
	[sflag:s11] =	ssyncadd.s32 $0xFFFFFF80  }
0x56: {  	[tilespmem:s12], [sflag:$0x1] =	stream.linear.gather [hbm4b:s19+s3], $0x80, $0x38;
	[tilespmem:$0x700] =	vst v63  }
0x57: {  	_ =	swait.ge [sflag:s11], $0x80  }
.Ltmp2:
0x58: {  	[sflag:s11] =	ssyncset.done $0x0;
	(pc) =	sbr.rel @p1 .LBB2_3-.Ltmp2, $4  }
0x59: {  	[sflag:s11] =	ssyncadd.s32 $0xFFFFFF80  }
0x5a: {  	[spmem:s1] =	stream.indirect.scatter.add.f32 [tilespmem:s12], [sflag:$0x1], $0x1, s3, s12, $0xb8;
	[tilespmem:$0x700] =	vst v63  }
0x5b: {  	s21 =	sadd.s32 $0x1000, s21;
	_ =	swait.ge [sflag:s11], $0x80  }
0x5c: {  	s19 =	sshrl.u32 s21, $0x3;
	[sflag:s11] =	ssyncset.done $0x0  }
.LBB2_4:
0x5d: {  	s20 =	sadd.s32 s5, s19;
	[sflag:s11] =	ssyncadd.s32 @p0 $0xFFFFFF80  }
0x5e: {  	[tilespmem:s3], [sflag:$0x1] =	stream.linear.gather [hbm4b:s20+s3], $0x80, $0x38;
	[tilespmem:$0x700] =	vst v63  }
0x5f: {  	_ =	swait.ge [sflag:s11], $0x80  }
0x60: {  	[sflag:s11] =	ssyncset.done $0x0  }
0x61: {  	s31 =	sadd.s32 s4, s19;
	[sflag:s11] =	ssyncadd.s32 $0xFFFFFF80  }
0x62: {  	[tilespmem:s12], [sflag:$0x1] =	stream.linear.gather [hbm4b:s31+s3], $0x80, $0x38;
	[tilespmem:$0x700] =	vst v63  }
0x63: {  	_ =	swait.ge [sflag:s11], $0x80  }
0x64: {  	[sflag:s11] =	ssyncset.done $0x0  }
0x65: {  	[sflag:s11] =	ssyncadd.s32 $0xFFFFFF80  }
0x66: {  	[spmem:s1] =	stream.indirect.scatter.add.f32 [tilespmem:s12], [sflag:$0x1], $0x1, s3, s12, $0xb8;
	[tilespmem:$0x700] =	vst v63  }
0x67: {  	_ =	swait.ge [sflag:s11], $0x80  }
0x68: {  	s18 =	sadd.s32 $0x1, s18;
	[sflag:s11] =	ssyncset.done $0x0  }
0x69: {  	p0 =	sne.s32 s18, s7;
	[sflag:s11] =	ssyncadd.s32 $0xFFFFFF80  }
.Ltmp3:
0x6a: {  	[bflag:$0x0] =	sbarrier.arrive $0xFFFF;
	(pc) =	sbr.rel @p0 .LBB2_1-.Ltmp3, $4  }
0x6b: {  	[hbm:s13@s16], [sflag:s14] =	dma.strided [spmem:s15@s17], $0x60, s11, $0x10   }
0x6c: {  	_ =	swait.ge [sflag:s11], $0x60  }
0x6d: {  	[sflag:s11] =	ssyncset.done $0x0  }
0x6e: {  	[sflag:s11] =	ssyncadd.s32 $0xFFFFFFA0  }
0x6f: {  	_ =	sfence.sel $0x180000  }
0x70: {  	[bflag:$0x0] =	sbarrier.arrive $0xFFFF  }
0x71: {  	p0 =	sne.s32 s2, $0x0;
	_ =	strace $0x90000056  }
0x72: {  	s0 =	sadd.s32 @!p0 $0x100000, s0;
	[bflag:$0x2] =	sbarrier.arrive $0xFFFF  }
0x73: {  	[sflag:s0] =	ssyncadd.tile.s32 @!p0 $0x1;
	_ =	shalt  }
.Lfunc_end2:
_tile_overlayer_lowered:
.L_overlay_start_2:
0x74: {  	(tag) =	ssettag $0x2  }
0x75: {  	s0 =	rddreg [dreg:$0x0];
	s2 =	stileid.u32  }
0x76: {  	s1 =	rddreg [dreg:$0x1];
	p0 =	sne.s32 s2, $0x0  }
0x77: {  	s3 =	rddreg [dreg:$0x2];
	[bflag:$0x3] =	sbarrier.arrive $0xFFFF;
	s2 =	simm.s32 @!p0 $0x1C01  }
0x78: {  	[timem:s3], [sflag:s2] =	dma.local @!p0 [hbm:s0], s1  }
0x79: {  	s0 =	simm.s32 @!p0 $0x1  }
0x7a: {  	_ =	swait.ge @!p0 [sflag:s0], s1  }
0x7b: {  	s1 =	ssub.s32 @!p0 $0x0, s1;
	[sflag:s0] =	ssyncset.done @!p0 $0x0  }
0x7c: {  	[sflag:s0] =	ssyncadd.s32 @!p0 s1  }
0x7d: {  	[bflag:$0x3] =	sbarrier.arrive $0xFFFF  }
0x7e: {  	_ =	shalt  }

// kernel: kernel.36.cloned.1.call-start
scs
__scs_entry_jumppad:
0x0: {  	(pc) =	sbr.rel $0x88, $3  }
0x1: {  	(tag) =	ssettag $0x0;
	lr =	simm.s32 $0x1  }
0x2: {  	[smem:$0x3F98] =	sst lr;
	_ =	strace $0xD0000000  }
0x3: {  	_ = 	snop  }
0x4: {  	_ = 	snop  }
0x5: {  	_ = 	snop  }
0x6: {  	_ = 	snop  }
0x7: {  	_ = 	snop  }
__scs_overlays_trampoline_lowered:
0x8: {  	[smem:$0x3FA7] =	sst s0  }
0x9: {  	[smem:$0x3FA8] =	sst s1  }
0xa: {  	[smem:$0x3FA9] =	sst s2  }
0xb: {  	[smem:$0x3FAA] =	sst s3  }
0xc: {  	[smem:$0x3FAB] =	sst s4  }
0xd: {  	[smem:$0x3FAC] =	sst s5  }
0xe: {  	[smem:$0x3FAD] =	sst s6  }
0xf: {  	[smem:$0x3FAE] =	sst s7  }
0x10: {  	[smem:$0x3FAF] =	sst s8  }
0x11: {  	[smem:$0x3FB0] =	sst s9;
	s0 =	simm.s32 @!p0 $0x0  }
0x12: {  	s1 =	sld [smem:$0x3F96];
	s0 =	simm.s32 @p0 $0x1  }
0x13: {  	[smem:$0x3FB1] =	sst s0;
	s0 =	simm.s32 @!p1 $0x0  }
0x14: {  	s2 =	sld [smem:$0x3F95];
	s0 =	simm.s32 @p1 $0x1  }
0x15: {  	[smem:$0x3FB2] =	sst s0;
	s0 =	simm.s32 @!p2 $0x0  }
0x16: {  	s3 =	sld [smem:$0x3FDB];
	s0 =	simm.s32 @p2 $0x1  }
0x17: {  	s4 =	simm.s32 $0x1BF5;
	[smem:$0x3FB4] =	sst s0  }
0x18: {  	s0 =	sld [smem:$0x3F97];
	_ =	swait.ge [sflag:s4], $0x0  }
0x19: {  	s7 =	sld [smem:$0x3F98]  }
0x1a: {  	s8 =	sadd.s32 $0xFFFFE003, lr  }
0x1b: {  	s9 =	sadd.s32 $0xFFFFFEF7, lr;
	s5 =	simm.s32 $0xFFFFFFFF;
	p2 =	slt.u32 s8, $0xFFFFF086  }
0x1c: {  	p1 =	slt.u32 s9, $0xF7A;
	s5 =	simm.s32 @!p2 $0x0  }
0x1d: {  	s5 =	simm.s32 @p1 $0x1;
	p0 =	seq.s32 s7, s2  }
0x1e: {  	s7 =	smul.u32 @!p0 $0xF7A, s2;
	p2 =	seq.s32 @!p0 s5, $0x0  }
0x1f: {  	s9 =	smul.u32 $0xF7A, s1;
	s8 =	simm.s32 @!p0 $0x1BF5;
	p2 =	por !p2, p0  }
0x20: {  	[sflag:s8] =	ssyncset.s32 @!p0 $0xFFFFF086;
	s6 =	sadd.s32 @!p0 s3, s7;
	s7 =	simm.s32 @!p0 $0x108  }
0x21: {  	s3 =	sadd.s32 s3, s9;
	s6 =	sadd.s32 @!p0 $0x88, s6;
	s7 =	simm.s32 @p2 $0x1082  }
0x22: {  	[simem:s7], [sflag:s8] =	dma.local @!p0 [hbm:s6], $0xF7A  }
0x23: {  	s9 =	sor.u32 $0xD0000000, s2;
	s6 =	simm.s32 $0x108;
	_ =	swait.ge @!p0 [sflag:s8], $0x0  }
0x24: {  	s3 =	sadd.s32 $0x88, s3;
	s6 =	simm.s32 @!p1 $0x1082;
	[sflag:s4] =	ssyncset.s32 $0xFFFFF086  }
0x25: {  	[simem:s6], [sflag:s4] =	dma.local [hbm:s3], $0xF7A  }
0x26: {  	[smem:$0x3F98] =	sst s1;
	(tag) =	ssettag s2;
	_ =	strace s9  }
0x27: {  	s1 =	sld [smem:$0x3FA8]  }
0x28: {  	s2 =	sld [smem:$0x3FA9]  }
0x29: {  	s4 =	sld [smem:$0x3FAB]  }
0x2a: {  	p0 =	seq.s32 s5, $0x0;
	s5 =	sld [smem:$0x3FAC]  }
0x2b: {  	s6 =	sld [smem:$0x3FAD]  }
0x2c: {  	s7 =	sld [smem:$0x3FAE]  }
0x2d: {  	s3 =	simm.s32 $0x108;
	s8 =	sld [smem:$0x3FAF]  }
0x2e: {  	s3 =	simm.s32 @!p0 $0x1082;
	s9 =	sld [smem:$0x3FB0]  }
0x2f: {  	lr =	sadd.s32 s0, s3;
	s0 =	sld [smem:$0x3FA7]  }
0x30: {  	s3 =	sld [smem:$0x3FAA]  }
0x31: {  	[smem:$0x3FB3] =	sst s10  }
0x32: {  	s10 =	sld [smem:$0x3FB1];
	_ =	sdelay $0x3  }
0x33: {  	p0 =	seq.s32 s10, $0x1;
	s10 =	sld [smem:$0x3FB3];
	_ =	sdelay $0x3  }
0x34: {  	[smem:$0x3FB3] =	sst s10  }
0x35: {  	s10 =	sld [smem:$0x3FB2];
	_ =	sdelay $0x3  }
0x36: {  	p1 =	seq.s32 s10, $0x1;
	s10 =	sld [smem:$0x3FB3];
	_ =	sdelay $0x3  }
0x37: {  	[smem:$0x3FB3] =	sst s10  }
0x38: {  	s10 =	sld [smem:$0x3FB4]  }
0x39: {  	_ = 	snop;
	(pc) =	sbr.ind lr, $3  }
0x3a: {  	_ = 	snop  }
0x3b: {  	_ = 	snop  }
0x3c: {  	p2 =	seq.s32 s10, $0x1;
	s10 =	sld [smem:$0x3FB3]  }
0x3d: {  	_ =	shalt  }
0x3e: {  	_ =	shalt  }
0x3f: {  	_ =	shalt  }
0x40: {  	_ =	shalt  }
0x41: {  	_ =	shalt  }
0x42: {  	_ =	shalt  }
0x43: {  	_ =	shalt  }
0x44: {  	_ =	shalt  }
0x45: {  	_ =	shalt  }
0x46: {  	_ =	shalt  }
0x47: {  	_ =	shalt  }
0x48: {  	_ =	shalt  }
0x49: {  	_ =	shalt  }
0x4a: {  	_ =	shalt  }
0x4b: {  	_ =	shalt  }
0x4c: {  	_ =	shalt  }
0x4d: {  	_ =	shalt  }
0x4e: {  	_ =	shalt  }
0x4f: {  	_ =	shalt  }
0x50: {  	_ =	shalt  }
0x51: {  	_ =	shalt  }
0x52: {  	_ =	shalt  }
0x53: {  	_ =	shalt  }
0x54: {  	_ =	shalt  }
0x55: {  	_ =	shalt  }
0x56: {  	_ =	shalt  }
0x57: {  	_ =	shalt  }
0x58: {  	_ =	shalt  }
0x59: {  	_ =	shalt  }
0x5a: {  	_ =	shalt  }
0x5b: {  	_ =	shalt  }
0x5c: {  	_ =	shalt  }
0x5d: {  	_ =	shalt  }
0x5e: {  	_ =	shalt  }
0x5f: {  	_ =	shalt  }
0x60: {  	_ =	shalt  }
0x61: {  	_ =	shalt  }
0x62: {  	_ =	shalt  }
0x63: {  	_ =	shalt  }
0x64: {  	_ =	shalt  }
0x65: {  	_ =	shalt  }
0x66: {  	_ =	shalt  }
0x67: {  	_ =	shalt  }
0x68: {  	_ =	shalt  }
0x69: {  	_ =	shalt  }
0x6a: {  	_ =	shalt  }
0x6b: {  	_ =	shalt  }
0x6c: {  	_ =	shalt  }
0x6d: {  	_ =	shalt  }
0x6e: {  	_ =	shalt  }
0x6f: {  	_ =	shalt  }
0x70: {  	_ =	shalt  }
0x71: {  	_ =	shalt  }
0x72: {  	_ =	shalt  }
0x73: {  	_ =	shalt  }
0x74: {  	_ =	shalt  }
0x75: {  	_ =	shalt  }
0x76: {  	_ =	shalt  }
0x77: {  	_ =	shalt  }
0x78: {  	_ =	shalt  }
0x79: {  	_ =	shalt  }
0x7a: {  	_ =	shalt  }
0x7b: {  	_ =	shalt  }
0x7c: {  	_ =	shalt  }
0x7d: {  	_ =	shalt  }
0x7e: {  	_ =	shalt  }
0x7f: {  	_ =	shalt  }
0x80: {  	_ =	shalt  }
0x81: {  	_ =	shalt  }
0x82: {  	_ =	shalt  }
0x83: {  	_ =	shalt  }
0x84: {  	_ =	shalt  }
0x85: {  	_ =	shalt  }
0x86: {  	_ =	shalt  }
0x87: {  	_ =	shalt  }
.Lfunc_end0:
.L_simem_size_0:
called_computation.4_lowered:
.L_overlay_start_0:
0x88: {  	s0 =	sld [smem:$0x3FD9]  }
0x89: {  	s1 =	sld [smem:$0x3FFE];
	_ =	sdelay $0x3  }
0x8a: {  	s0 =	sadd.s32 s1, s0  }
0x8b: {  	[smem:$0x3FBF] =	sst s0  }
0x8c: {  	_ = 	snop  }
0x8d: {  	(tm) =	ssettm $0x1  }
0x8e: {  	s15 =	sld [smem:$0x3FFB];
	_ =	sdelay $0x3  }
0x8f: {  	_ =	strace s15  }
0x90: {  	s0 =	sld [smem:$0x3FFC];
	_ =	sdelay $0x3  }
0x91: {  	_ =	strace s0  }
0x92: {  	s0 =	sld [smem:$0x3FFD];
	_ =	sdelay $0x3  }
0x93: {  	_ =	strace s0  }
0x94: {  	_ =	strace $0x8FFFFFFF  }
0x95: {  	s16 =	sld [smem:$0x3FDB];
	_ =	sdelay $0x1  }
0x96: {  	s17 =	simm.s32 $_scs_section_size  }
0x97: {  	s2 =	simm.s32 $_size__tile_overlayer_lowered;
	s3 =	simm.s32 $_tile_overlayer_lowered  }
0x98: {  	s20 =	simm.s32 $0x1BFF;
	s19 =	sshll.u32 s3, $0x1;
	s0 =	sadd.s32 s17, s16  }
0x99: {  	s4 =	simm.s32 $0x0;
	s18 =	sshll.u32 s2, $0x1;
	s2 =	sadd.s32 s19, s0  }
0x9a: {  	[timem:s4], [sflag:s20] =	dma.local [hbm:s2], s18  }
0x9b: {  	_ =	swait.ge [sflag:s20], s18  }
0x9c: {  	s1 =	ssub.s32 $0x0, s18;
	[sflag:s20] =	ssyncset.done $0x0  }
0x9d: {  	[sflag:s20] =	ssyncadd.s32 s1;
	_ =	sdelay $0x1  }
0x9e: {  	s21 =	simm.s32 $0x1B8B  }
0x9f: {  	_ =	swait.ge [sflag:s21], $0x1  }
0xa0: {  	[sflag:s21] =	ssyncset.done $0x0  }
0xa1: {  	s23 =	simm.s32 $0x1B8E;
	s22 =	sld [smem:$0x3FFE];
	[sflag:s21] =	ssyncadd.s32 $0xFFFFFFFF  }
0xa2: {  	s24 =	simm.s32 $execute0_lowered;
	[smem:$0x3FD2] =	sst s23  }
0xa3: {  	s2 =	sshll.u32 s24, $0x1;
	_ =	strace $0x8000005B;
	[dreg:$0x1] =	wrdreg $0xFFFFFFFF  }
0xa4: {  	s25 =	simm.s32 $_size_execute0_lowered;
	s0 =	sadd.s32 s0, s2;
	[dreg:$0x0] =	wrdreg $0x0  }
0xa5: {  	s2 =	sshll.u32 s25, $0x1;
	[dreg:$0x2] =	wrdreg s0  }
0xa6: {  	[dreg:$0x3] =	wrdreg s2  }
0xa7: {  	[dreg:$0x4] =	wrdreg $0xC0  }
0xa8: {  	_ =	task [dreg:s4], $0x5FFFF  }
0xa9: {  	[dreg:$0x1] =	wrdreg $0xFFFFFFFF  }
0xaa: {  	[dreg:$0x0] =	wrdreg $0x60  }
0xab: {  	[dreg:$0x2] =	wrdreg s22  }
0xac: {  	[dreg:$0x3] =	wrdreg $0x61000  }
0xad: {  	[dreg:$0x4] =	wrdreg $0xA  }
0xae: {  	_ =	task.clear_ibuf [dreg:s4], $0x5FFFF;
	_ =	strace $0x9000005B  }
0xaf: {  	s26 =	simm.s32 $0xA;
	_ =	strace $0x8000005D  }
0xb0: {  	_ =	swait.ge [sflag:s26], $0x1  }
0xb1: {  	[sflag:s26] =	ssyncadd.s32 $0xFFFFFFFF  }
0xb2: {  	_ =	strace $0x9000005D  }
0xb3: {  	_ =	sfence  }
0xb4: {  	s28 =	sld [smem:$0x0];
	_ =	sdelay $0x1  }
0xb5: {  	s29 =	srdreg.scid  }
0xb6: {  	s30 =	sshll.u32 s29, $0xD;
	s31 =	sshrl.u32 s29, $0x2  }
0xb7: {  	s1 =	sand.u32 $0x1, s29;
	s2 =	sand.u32 $0x4000, s30;
	s0 =	sadd.s32 s31, s28  }
0xb8: {  	s1 =	sor.u32 s2, s1;
	s0 =	sshll.u32 s0, $0x11  }
0xb9: {  	s0 =	sor.u32 s0, s1  }
0xba: {  	s0 =	sadd.s32 $0x8F2B, s0  }
0xbb: {  	[sflag:s0] =	ssyncadd.remote.s32 $0x1  }
0xbc: {  	_ =	sfence.sel $0xFFFF  }
0xbd: {  	[dreg:$0x0] =	wrdreg $0xFFFFFFFF;
	(pc) =	sbr.abs _section_cstart, $3  }
0xbe: {  	[dreg:$0x1] =	wrdreg $0xFFFFFFFF  }
0xbf: {  	_ =	task.clear_ibuf [dreg:s4], $0x2FFFF;
	_ =	strace $0x9FFFFFFF  }
0xc0: {  	(tm) =	ssettm $0x7FFFFFFF  }
0xc1: {  	_ =	shalt  }
tec
execute0_lowered:
.L_overlay_start_1:
0x0: {  	(tag) =	ssettag $0x1  }
0x1: {  	s1 =	rddreg [dreg:$0x0]  }
0x2: {  	s2 =	rddreg [dreg:$0x1]  }
0x3: {  	s0 =	rddreg [dreg:$0x2];
	s7 =	simm.s32 $0x0  }
0x4: {  	[smem:$0x7FF] =	sst s7;
	s4 =	sadd.s32 $0x9200, s1;
	s6 =	sadd.s32 $0x30400, s1  }
0x5: {  	s5 =	sadd.s32 $0xCE600, s1;
	s8 =	sand.u32 $0x7E00, s7;
	s3 =	sadd.s32 $0x31000, s1  }
0x6: {  	s9 =	sand.u32 $0x70, s7;
	s1 =	stileid.u32;
	s10 =	sshrl.u32 s8, $0x2  }
0x7: {  	v0 =	vimm.f32 $0.0e+00;
	_ =	strace $0x8000005C;
	s8 =	simm.s32 $0x40;
	s9 =	sor.u32 s9, s10  }
.LBB2_1:
0x8: {  	p0 =	sne.s32 s8, $0x7FC0  }
0x9: {  	[tilespmem:s9+$0x4100] =	vst v0;
	s7 =	sadd.s32 $0x10, s7;
	s9 =	smov.u32 s8;
	s8 =	sadd.s32 $0x40, s8  }
.Ltmp0:
0xa: {  	(pc) =	sbr.rel @p0 .LBB2_1-.Ltmp0, $4  }
0xb: {  	_ = 	snop  }
0xc: {  	s9 =	sand.u32 $0x7E00, s9  }
0xd: {  	s10 =	sand.u32 $0x70, s7;
	s9 =	sshrl.u32 s9, $0x2  }
0xe: {  	s9 =	sor.u32 s10, s9  }
0xf: {  	s7 =	smul.u32 $0x50000, s1;
	_ =	sdelay $0x1  }
0x10: {  	s7 =	sshrl.u32 s7, $0x2  }
0x11: {  	[tilespmem:s9+$0x4100] =	vst v0;
	s30 =	simm.s32 $0x4100;
	s8 =	sadd.s32 s7, s2;
	s7 =	simm.s32 $0x1  }
0x12: {  	[spmem:s8] =	stream.linear.scatter [tilespmem:s30], [sflag:$0x1], $0x2000, $0x38;
	[tilespmem:$0x1A100] =	vst v63  }
0x13: {  	_ =	swait.ge [sflag:s7], $0x2000  }
0x14: {  	[sflag:s7] =	ssyncset.done $0x0  }
0x15: {  	s10 =	sadd.s32 $0x2000, s8;
	[sflag:s7] =	ssyncadd.s32 $0xFFFFE000  }
0x16: {  	[spmem:s10] =	stream.linear.scatter [tilespmem:s30], [sflag:$0x1], $0x2000, $0x38;
	[tilespmem:$0x1A100] =	vst v63  }
0x17: {  	_ =	swait.ge [sflag:s7], $0x2000  }
0x18: {  	[sflag:s7] =	ssyncset.done $0x0  }
0x19: {  	s31 =	sadd.s32 $0x4000, s8;
	[sflag:s7] =	ssyncadd.s32 $0xFFFFE000  }
0x1a: {  	[spmem:s31] =	stream.linear.scatter [tilespmem:s30], [sflag:$0x1], $0x2000, $0x38;
	[tilespmem:$0x1A100] =	vst v63  }
0x1b: {  	_ =	swait.ge [sflag:s7], $0x2000  }
0x1c: {  	[sflag:s7] =	ssyncset.done $0x0  }
0x1d: {  	s11 =	sadd.s32 $0x6000, s8;
	[sflag:s7] =	ssyncadd.s32 $0xFFFFE000  }
0x1e: {  	[spmem:s11] =	stream.linear.scatter [tilespmem:s30], [sflag:$0x1], $0x2000, $0x38;
	[tilespmem:$0x1A100] =	vst v63  }
0x1f: {  	_ =	swait.ge [sflag:s7], $0x2000  }
0x20: {  	[sflag:s7] =	ssyncset.done $0x0  }
0x21: {  	s12 =	sadd.s32 $0x8000, s8;
	[sflag:s7] =	ssyncadd.s32 $0xFFFFE000  }
0x22: {  	[spmem:s12] =	stream.linear.scatter [tilespmem:s30], [sflag:$0x1], $0x2000, $0x38;
	[tilespmem:$0x1A100] =	vst v63  }
0x23: {  	_ =	swait.ge [sflag:s7], $0x2000  }
0x24: {  	[sflag:s7] =	ssyncset.done $0x0  }
0x25: {  	s13 =	sadd.s32 $0xA000, s8;
	[sflag:s7] =	ssyncadd.s32 $0xFFFFE000  }
0x26: {  	[spmem:s13] =	stream.linear.scatter [tilespmem:s30], [sflag:$0x1], $0x2000, $0x38;
	[tilespmem:$0x1A100] =	vst v63  }
0x27: {  	_ =	swait.ge [sflag:s7], $0x2000  }
0x28: {  	[sflag:s7] =	ssyncset.done $0x0  }
0x29: {  	s14 =	sadd.s32 $0xC000, s8;
	[sflag:s7] =	ssyncadd.s32 $0xFFFFE000  }
0x2a: {  	[spmem:s14] =	stream.linear.scatter [tilespmem:s30], [sflag:$0x1], $0x2000, $0x38;
	[tilespmem:$0x1A100] =	vst v63  }
0x2b: {  	_ =	swait.ge [sflag:s7], $0x2000  }
0x2c: {  	[sflag:s7] =	ssyncset.done $0x0  }
0x2d: {  	s15 =	sadd.s32 $0xE000, s8;
	[sflag:s7] =	ssyncadd.s32 $0xFFFFE000  }
0x2e: {  	[spmem:s15] =	stream.linear.scatter [tilespmem:s30], [sflag:$0x1], $0x2000, $0x38;
	[tilespmem:$0x1A100] =	vst v63  }
0x2f: {  	_ =	swait.ge [sflag:s7], $0x2000  }
0x30: {  	[sflag:s7] =	ssyncset.done $0x0  }
0x31: {  	s16 =	sadd.s32 $0x10000, s8;
	[sflag:s7] =	ssyncadd.s32 $0xFFFFE000  }
0x32: {  	[spmem:s16] =	stream.linear.scatter [tilespmem:s30], [sflag:$0x1], $0x2000, $0x38;
	[tilespmem:$0x1A100] =	vst v63  }
0x33: {  	_ =	swait.ge [sflag:s7], $0x2000  }
0x34: {  	[sflag:s7] =	ssyncset.done $0x0  }
0x35: {  	s17 =	sadd.s32 $0x12000, s8;
	[sflag:s7] =	ssyncadd.s32 $0xFFFFE000  }
0x36: {  	[spmem:s17] =	stream.linear.scatter [tilespmem:s30], [sflag:$0x1], $0x2000, $0x38;
	[tilespmem:$0x1A100] =	vst v63  }
0x37: {  	_ =	swait.ge [sflag:s7], $0x2000  }
0x38: {  	[sflag:s7] =	ssyncset.done $0x0  }
0x39: {  	s12 =	sshll.u32 s1, $0x4;
	[sflag:s7] =	ssyncadd.s32 $0xFFFFE000  }
0x3a: {  	s19 =	simm.s32 $0x0;
	s18 =	sadd.s32 s6, s12;
	[bflag:$0x0] =	sbarrier.arrive $0xFFFF  }
0x3b: {  	[tilespmem:s19], [sflag:$0x1] =	stream.linear.gather [hbm4b:s18+s19], $0x80, $0x38;
	[tilespmem:$0x1A100] =	vst v63  }
0x3c: {  	_ =	swait.ge [sflag:s7], $0x80  }
0x3d: {  	[sflag:s7] =	ssyncset.done $0x0  }
0x3e: {  	s20 =	simm.s32 $0x80;
	s11 =	sadd.s32 s5, s12;
	[sflag:s7] =	ssyncadd.s32 $0xFFFFFF80  }
0x3f: {  	[tilespmem:s20], [sflag:$0x1] =	stream.linear.gather [hbm4b:s11+s19], $0x80, $0x38;
	[tilespmem:$0x1A100] =	vst v63  }
0x40: {  	_ =	swait.ge [sflag:s7], $0x80  }
0x41: {  	[sflag:s7] =	ssyncset.done $0x0  }
0x42: {  	s21 =	simm.s32 $0x100;
	[sflag:s7] =	ssyncadd.s32 $0xFFFFFF80  }
0x43: {  	[tilespmem:s21], [sflag:$0x1] =	stream.indirect.gather [hbm4b:s4+s20], $0x80, s19, s20, $0xb8;
	[tilespmem:$0x1A100] =	vst v63  }
0x44: {  	_ =	swait.ge [sflag:s7], $0x4000  }
0x45: {  	[sflag:s7] =	ssyncset.done $0x0  }
0x46: {  	[sflag:s7] =	ssyncadd.s32 $0xFFFFC000  }
0x47: {  	[spmem:s2] =	stream.indirect.scatter.add.f32 [tilespmem:s21], [sflag:$0x1], $0x80, s20, s20, $0xb8;
	[tilespmem:$0x1A100] =	vst v63  }
0x48: {  	_ =	swait.ge [sflag:s7], $0x4000  }
0x49: {  	s13 =	sor.u32 $0x100, s12;
	[sflag:s7] =	ssyncset.done $0x0  }
0x4a: {  	s14 =	sadd.s32 s6, s13;
	[sflag:s7] =	ssyncadd.s32 $0xFFFFC000  }
0x4b: {  	[tilespmem:s19], [sflag:$0x1] =	stream.linear.gather [hbm4b:s14+s19], $0x80, $0x38;
	[tilespmem:$0x1A100] =	vst v63  }
0x4c: {  	_ =	swait.ge [sflag:s7], $0x80  }
0x4d: {  	[sflag:s7] =	ssyncset.done $0x0  }
0x4e: {  	s13 =	sadd.s32 s5, s13;
	[sflag:s7] =	ssyncadd.s32 $0xFFFFFF80  }
0x4f: {  	[tilespmem:s20], [sflag:$0x1] =	stream.linear.gather [hbm4b:s13+s19], $0x80, $0x38;
	[tilespmem:$0x1A100] =	vst v63  }
0x50: {  	_ =	swait.ge [sflag:s7], $0x80  }
0x51: {  	[sflag:s7] =	ssyncset.done $0x0  }
0x52: {  	[sflag:s7] =	ssyncadd.s32 $0xFFFFFF80  }
0x53: {  	[tilespmem:s21], [sflag:$0x1] =	stream.indirect.gather [hbm4b:s4+s20], $0x80, s19, s20, $0xb8;
	[tilespmem:$0x1A100] =	vst v63  }
0x54: {  	_ =	swait.ge [sflag:s7], $0x4000  }
0x55: {  	[sflag:s7] =	ssyncset.done $0x0  }
0x56: {  	[sflag:s7] =	ssyncadd.s32 $0xFFFFC000  }
0x57: {  	[spmem:s2] =	stream.indirect.scatter.add.f32 [tilespmem:s21], [sflag:$0x1], $0x80, s20, s20, $0xb8;
	[tilespmem:$0x1A100] =	vst v63  }
0x58: {  	_ =	swait.ge [sflag:s7], $0x4000  }
0x59: {  	s22 =	sor.u32 $0x200, s12;
	[sflag:s7] =	ssyncset.done $0x0  }
0x5a: {  	s23 =	sadd.s32 s6, s22;
	[sflag:s7] =	ssyncadd.s32 $0xFFFFC000  }
0x5b: {  	[tilespmem:s19], [sflag:$0x1] =	stream.linear.gather [hbm4b:s23+s19], $0x80, $0x38;
	[tilespmem:$0x1A100] =	vst v63  }
0x5c: {  	_ =	swait.ge [sflag:s7], $0x80  }
0x5d: {  	[sflag:s7] =	ssyncset.done $0x0  }
0x5e: {  	s13 =	sadd.s32 s5, s22;
	[sflag:s7] =	ssyncadd.s32 $0xFFFFFF80  }
0x5f: {  	[tilespmem:s20], [sflag:$0x1] =	stream.linear.gather [hbm4b:s13+s19], $0x80, $0x38;
	[tilespmem:$0x1A100] =	vst v63  }
0x60: {  	_ =	swait.ge [sflag:s7], $0x80  }
0x61: {  	[sflag:s7] =	ssyncset.done $0x0  }
0x62: {  	[sflag:s7] =	ssyncadd.s32 $0xFFFFFF80  }
0x63: {  	[tilespmem:s21], [sflag:$0x1] =	stream.indirect.gather [hbm4b:s4+s20], $0x80, s19, s20, $0xb8;
	[tilespmem:$0x1A100] =	vst v63  }
0x64: {  	_ =	swait.ge [sflag:s7], $0x4000  }
0x65: {  	[sflag:s7] =	ssyncset.done $0x0  }
0x66: {  	[sflag:s7] =	ssyncadd.s32 $0xFFFFC000  }
0x67: {  	[spmem:s2] =	stream.indirect.scatter.add.f32 [tilespmem:s21], [sflag:$0x1], $0x80, s20, s20, $0xb8;
	[tilespmem:$0x1A100] =	vst v63  }
0x68: {  	_ =	swait.ge [sflag:s7], $0x4000  }
0x69: {  	s24 =	sor.u32 $0x300, s12;
	[sflag:s7] =	ssyncset.done $0x0  }
0x6a: {  	s25 =	sadd.s32 s6, s24;
	[sflag:s7] =	ssyncadd.s32 $0xFFFFC000  }
0x6b: {  	[tilespmem:s19], [sflag:$0x1] =	stream.linear.gather [hbm4b:s25+s19], $0x80, $0x38;
	[tilespmem:$0x1A100] =	vst v63  }
0x6c: {  	_ =	swait.ge [sflag:s7], $0x80  }
0x6d: {  	[sflag:s7] =	ssyncset.done $0x0  }
0x6e: {  	s13 =	sadd.s32 s5, s24;
	[sflag:s7] =	ssyncadd.s32 $0xFFFFFF80  }
0x6f: {  	[tilespmem:s20], [sflag:$0x1] =	stream.linear.gather [hbm4b:s13+s19], $0x80, $0x38;
	[tilespmem:$0x1A100] =	vst v63  }
0x70: {  	_ =	swait.ge [sflag:s7], $0x80  }
0x71: {  	[sflag:s7] =	ssyncset.done $0x0  }
0x72: {  	[sflag:s7] =	ssyncadd.s32 $0xFFFFFF80  }
0x73: {  	[tilespmem:s21], [sflag:$0x1] =	stream.indirect.gather [hbm4b:s4+s20], $0x80, s19, s20, $0xb8;
	[tilespmem:$0x1A100] =	vst v63  }
0x74: {  	_ =	swait.ge [sflag:s7], $0x4000  }
0x75: {  	[sflag:s7] =	ssyncset.done $0x0  }
0x76: {  	[sflag:s7] =	ssyncadd.s32 $0xFFFFC000  }
0x77: {  	[spmem:s2] =	stream.indirect.scatter.add.f32 [tilespmem:s21], [sflag:$0x1], $0x80, s20, s20, $0xb8;
	[tilespmem:$0x1A100] =	vst v63  }
0x78: {  	_ =	swait.ge [sflag:s7], $0x4000  }
0x79: {  	s12 =	sor.u32 $0x400, s12;
	[sflag:s7] =	ssyncset.done $0x0  }
0x7a: {  	s26 =	sadd.s32 s6, s12;
	[sflag:s7] =	ssyncadd.s32 $0xFFFFC000  }
0x7b: {  	[tilespmem:s19], [sflag:$0x1] =	stream.linear.gather [hbm4b:s26+s19], $0x80, $0x38;
	[tilespmem:$0x1A100] =	vst v63  }
0x7c: {  	_ =	swait.ge [sflag:s7], $0x80  }
0x7d: {  	[sflag:s7] =	ssyncset.done $0x0  }
0x7e: {  	s28 =	sadd.s32 s5, s12;
	[sflag:s7] =	ssyncadd.s32 $0xFFFFFF80  }
0x7f: {  	[tilespmem:s20], [sflag:$0x1] =	stream.linear.gather [hbm4b:s28+s19], $0x80, $0x38;
	[tilespmem:$0x1A100] =	vst v63  }
0x80: {  	_ =	swait.ge [sflag:s7], $0x80  }
0x81: {  	[sflag:s7] =	ssyncset.done $0x0  }
0x82: {  	[sflag:s7] =	ssyncadd.s32 $0xFFFFFF80  }
0x83: {  	[tilespmem:s21], [sflag:$0x1] =	stream.indirect.gather [hbm4b:s4+s20], $0x80, s19, s20, $0xb8;
	[tilespmem:$0x1A100] =	vst v63  }
0x84: {  	_ =	swait.ge [sflag:s7], $0x4000  }
0x85: {  	[sflag:s7] =	ssyncset.done $0x0  }
0x86: {  	[sflag:s7] =	ssyncadd.s32 $0xFFFFC000  }
0x87: {  	[spmem:s2] =	stream.indirect.scatter.add.f32 [tilespmem:s21], [sflag:$0x1], $0x80, s20, s20, $0xb8;
	[tilespmem:$0x1A100] =	vst v63  }
0x88: {  	_ =	swait.ge [sflag:s7], $0x4000  }
0x89: {  	s29 =	smul.u32 $0x2800, s1;
	[sflag:s7] =	ssyncset.done $0x0  }
0x8a: {  	s31 =	sshrl.u32 s8, $0x3;
	s30 =	sshll.u32 s1, $0x6;
	[sflag:s7] =	ssyncadd.s32 $0xFFFFC000  }
0x8b: {  	s2 =	sadd.s32 s3, s29;
	s3 =	sor.u32 $0x1C01, s30;
	[bflag:$0x0] =	sbarrier.arrive $0xFFFF  }
0x8c: {  	[hbm:s2], [sflag:s3] =	dma.local [spmem:s31], $0x2800  }
0x8d: {  	_ =	swait.ge [sflag:s7], $0x2800  }
0x8e: {  	[sflag:s7] =	ssyncset.done $0x0  }
0x8f: {  	[sflag:s7] =	ssyncadd.s32 $0xFFFFD800  }
0x90: {  	_ =	sfence.sel $0x180000  }
0x91: {  	[bflag:$0x0] =	sbarrier.arrive $0xFFFF  }
0x92: {  	p0 =	sne.s32 s1, $0x0;
	_ =	strace $0x9000005C  }
0x93: {  	s0 =	sadd.s32 @!p0 $0x100000, s0;
	[bflag:$0x2] =	sbarrier.arrive $0xFFFF  }
0x94: {  	[sflag:s0] =	ssyncadd.tile.s32 @!p0 $0x1;
	_ =	shalt  }
.Lfunc_end2:
_tile_overlayer_lowered:
.L_overlay_start_2:
0x95: {  	(tag) =	ssettag $0x2  }
0x96: {  	s0 =	rddreg [dreg:$0x0];
	s2 =	stileid.u32  }
0x97: {  	s1 =	rddreg [dreg:$0x1];
	p0 =	sne.s32 s2, $0x0  }
0x98: {  	s3 =	rddreg [dreg:$0x2];
	[bflag:$0x3] =	sbarrier.arrive $0xFFFF;
	s2 =	simm.s32 @!p0 $0x1C01  }
0x99: {  	[timem:s3], [sflag:s2] =	dma.local @!p0 [hbm:s0], s1  }
0x9a: {  	s0 =	simm.s32 @!p0 $0x1  }
0x9b: {  	_ =	swait.ge @!p0 [sflag:s0], s1  }
0x9c: {  	s1 =	ssub.s32 @!p0 $0x0, s1;
	[sflag:s0] =	ssyncset.done @!p0 $0x0  }
0x9d: {  	[sflag:s0] =	ssyncadd.s32 @!p0 s1  }
0x9e: {  	[bflag:$0x3] =	sbarrier.arrive $0xFFFF  }
0x9f: {  	_ =	shalt  }

// kernel: kernel.39.cloned.1.call-start
scs
__scs_entry_jumppad:
0x0: {  	(pc) =	sbr.rel $0x88, $3  }
0x1: {  	(tag) =	ssettag $0x0;
	lr =	simm.s32 $0x1  }
0x2: {  	[smem:$0x3F98] =	sst lr;
	_ =	strace $0xD0000000  }
0x3: {  	_ = 	snop  }
0x4: {  	_ = 	snop  }
0x5: {  	_ = 	snop  }
0x6: {  	_ = 	snop  }
0x7: {  	_ = 	snop  }
__scs_overlays_trampoline_lowered:
0x8: {  	[smem:$0x3FA7] =	sst s0  }
0x9: {  	[smem:$0x3FA8] =	sst s1  }
0xa: {  	[smem:$0x3FA9] =	sst s2  }
0xb: {  	[smem:$0x3FAA] =	sst s3  }
0xc: {  	[smem:$0x3FAB] =	sst s4  }
0xd: {  	[smem:$0x3FAC] =	sst s5  }
0xe: {  	[smem:$0x3FAD] =	sst s6  }
0xf: {  	[smem:$0x3FAE] =	sst s7  }
0x10: {  	[smem:$0x3FAF] =	sst s8  }
0x11: {  	[smem:$0x3FB0] =	sst s9;
	s0 =	simm.s32 @!p0 $0x0  }
0x12: {  	s1 =	sld [smem:$0x3F96];
	s0 =	simm.s32 @p0 $0x1  }
0x13: {  	[smem:$0x3FB1] =	sst s0;
	s0 =	simm.s32 @!p1 $0x0  }
0x14: {  	s2 =	sld [smem:$0x3F95];
	s0 =	simm.s32 @p1 $0x1  }
0x15: {  	[smem:$0x3FB2] =	sst s0;
	s0 =	simm.s32 @!p2 $0x0  }
0x16: {  	s3 =	sld [smem:$0x3FDB];
	s0 =	simm.s32 @p2 $0x1  }
0x17: {  	s4 =	simm.s32 $0x1BF5;
	[smem:$0x3FB4] =	sst s0  }
0x18: {  	s0 =	sld [smem:$0x3F97];
	_ =	swait.ge [sflag:s4], $0x0  }
0x19: {  	s7 =	sld [smem:$0x3F98]  }
0x1a: {  	s8 =	sadd.s32 $0xFFFFE003, lr  }
0x1b: {  	s9 =	sadd.s32 $0xFFFFFEF7, lr;
	s5 =	simm.s32 $0xFFFFFFFF;
	p2 =	slt.u32 s8, $0xFFFFF086  }
0x1c: {  	p1 =	slt.u32 s9, $0xF7A;
	s5 =	simm.s32 @!p2 $0x0  }
0x1d: {  	s5 =	simm.s32 @p1 $0x1;
	p0 =	seq.s32 s7, s2  }
0x1e: {  	s7 =	smul.u32 @!p0 $0xF7A, s2;
	p2 =	seq.s32 @!p0 s5, $0x0  }
0x1f: {  	s9 =	smul.u32 $0xF7A, s1;
	s8 =	simm.s32 @!p0 $0x1BF5;
	p2 =	por !p2, p0  }
0x20: {  	[sflag:s8] =	ssyncset.s32 @!p0 $0xFFFFF086;
	s6 =	sadd.s32 @!p0 s3, s7;
	s7 =	simm.s32 @!p0 $0x108  }
0x21: {  	s3 =	sadd.s32 s3, s9;
	s6 =	sadd.s32 @!p0 $0x88, s6;
	s7 =	simm.s32 @p2 $0x1082  }
0x22: {  	[simem:s7], [sflag:s8] =	dma.local @!p0 [hbm:s6], $0xF7A  }
0x23: {  	s9 =	sor.u32 $0xD0000000, s2;
	s6 =	simm.s32 $0x108;
	_ =	swait.ge @!p0 [sflag:s8], $0x0  }
0x24: {  	s3 =	sadd.s32 $0x88, s3;
	s6 =	simm.s32 @!p1 $0x1082;
	[sflag:s4] =	ssyncset.s32 $0xFFFFF086  }
0x25: {  	[simem:s6], [sflag:s4] =	dma.local [hbm:s3], $0xF7A  }
0x26: {  	[smem:$0x3F98] =	sst s1;
	(tag) =	ssettag s2;
	_ =	strace s9  }
0x27: {  	s1 =	sld [smem:$0x3FA8]  }
0x28: {  	s2 =	sld [smem:$0x3FA9]  }
0x29: {  	s4 =	sld [smem:$0x3FAB]  }
0x2a: {  	p0 =	seq.s32 s5, $0x0;
	s5 =	sld [smem:$0x3FAC]  }
0x2b: {  	s6 =	sld [smem:$0x3FAD]  }
0x2c: {  	s7 =	sld [smem:$0x3FAE]  }
0x2d: {  	s3 =	simm.s32 $0x108;
	s8 =	sld [smem:$0x3FAF]  }
0x2e: {  	s3 =	simm.s32 @!p0 $0x1082;
	s9 =	sld [smem:$0x3FB0]  }
0x2f: {  	lr =	sadd.s32 s0, s3;
	s0 =	sld [smem:$0x3FA7]  }
0x30: {  	s3 =	sld [smem:$0x3FAA]  }
0x31: {  	[smem:$0x3FB3] =	sst s10  }
0x32: {  	s10 =	sld [smem:$0x3FB1];
	_ =	sdelay $0x3  }
0x33: {  	p0 =	seq.s32 s10, $0x1;
	s10 =	sld [smem:$0x3FB3];
	_ =	sdelay $0x3  }
0x34: {  	[smem:$0x3FB3] =	sst s10  }
0x35: {  	s10 =	sld [smem:$0x3FB2];
	_ =	sdelay $0x3  }
0x36: {  	p1 =	seq.s32 s10, $0x1;
	s10 =	sld [smem:$0x3FB3];
	_ =	sdelay $0x3  }
0x37: {  	[smem:$0x3FB3] =	sst s10  }
0x38: {  	s10 =	sld [smem:$0x3FB4]  }
0x39: {  	_ = 	snop;
	(pc) =	sbr.ind lr, $3  }
0x3a: {  	_ = 	snop  }
0x3b: {  	_ = 	snop  }
0x3c: {  	p2 =	seq.s32 s10, $0x1;
	s10 =	sld [smem:$0x3FB3]  }
0x3d: {  	_ =	shalt  }
0x3e: {  	_ =	shalt  }
0x3f: {  	_ =	shalt  }
0x40: {  	_ =	shalt  }
0x41: {  	_ =	shalt  }
0x42: {  	_ =	shalt  }
0x43: {  	_ =	shalt  }
0x44: {  	_ =	shalt  }
0x45: {  	_ =	shalt  }
0x46: {  	_ =	shalt  }
0x47: {  	_ =	shalt  }
0x48: {  	_ =	shalt  }
0x49: {  	_ =	shalt  }
0x4a: {  	_ =	shalt  }
0x4b: {  	_ =	shalt  }
0x4c: {  	_ =	shalt  }
0x4d: {  	_ =	shalt  }
0x4e: {  	_ =	shalt  }
0x4f: {  	_ =	shalt  }
0x50: {  	_ =	shalt  }
0x51: {  	_ =	shalt  }
0x52: {  	_ =	shalt  }
0x53: {  	_ =	shalt  }
0x54: {  	_ =	shalt  }
0x55: {  	_ =	shalt  }
0x56: {  	_ =	shalt  }
0x57: {  	_ =	shalt  }
0x58: {  	_ =	shalt  }
0x59: {  	_ =	shalt  }
0x5a: {  	_ =	shalt  }
0x5b: {  	_ =	shalt  }
0x5c: {  	_ =	shalt  }
0x5d: {  	_ =	shalt  }
0x5e: {  	_ =	shalt  }
0x5f: {  	_ =	shalt  }
0x60: {  	_ =	shalt  }
0x61: {  	_ =	shalt  }
0x62: {  	_ =	shalt  }
0x63: {  	_ =	shalt  }
0x64: {  	_ =	shalt  }
0x65: {  	_ =	shalt  }
0x66: {  	_ =	shalt  }
0x67: {  	_ =	shalt  }
0x68: {  	_ =	shalt  }
0x69: {  	_ =	shalt  }
0x6a: {  	_ =	shalt  }
0x6b: {  	_ =	shalt  }
0x6c: {  	_ =	shalt  }
0x6d: {  	_ =	shalt  }
0x6e: {  	_ =	shalt  }
0x6f: {  	_ =	shalt  }
0x70: {  	_ =	shalt  }
0x71: {  	_ =	shalt  }
0x72: {  	_ =	shalt  }
0x73: {  	_ =	shalt  }
0x74: {  	_ =	shalt  }
0x75: {  	_ =	shalt  }
0x76: {  	_ =	shalt  }
0x77: {  	_ =	shalt  }
0x78: {  	_ =	shalt  }
0x79: {  	_ =	shalt  }
0x7a: {  	_ =	shalt  }
0x7b: {  	_ =	shalt  }
0x7c: {  	_ =	shalt  }
0x7d: {  	_ =	shalt  }
0x7e: {  	_ =	shalt  }
0x7f: {  	_ =	shalt  }
0x80: {  	_ =	shalt  }
0x81: {  	_ =	shalt  }
0x82: {  	_ =	shalt  }
0x83: {  	_ =	shalt  }
0x84: {  	_ =	shalt  }
0x85: {  	_ =	shalt  }
0x86: {  	_ =	shalt  }
0x87: {  	_ =	shalt  }
.Lfunc_end0:
.L_simem_size_0:
called_computation.5_lowered:
.L_overlay_start_0:
0x88: {  	s2 =	sld [smem:$0x3FD9]  }
0x89: {  	s3 =	sld [smem:$0x3FFE];
	_ =	sdelay $0x1  }
0x8a: {  	s1 =	srdreg.scid  }
0x8b: {  	s0 =	sand.u32 $0x1, s1  }
0x8c: {  	s17 =	sshll.u32 s0, $0xA;
	s2 =	sadd.s32 s3, s2  }
0x8d: {  	s2 =	sadd.s32 s2, s17  }
0x8e: {  	[smem:$0x3FBF] =	sst s2  }
0x8f: {  	_ = 	snop  }
0x90: {  	(tm) =	ssettm $0x1  }
0x91: {  	s18 =	sld [smem:$0x3FFB];
	_ =	sdelay $0x3  }
0x92: {  	_ =	strace s18  }
0x93: {  	s2 =	sld [smem:$0x3FFC];
	_ =	sdelay $0x3  }
0x94: {  	_ =	strace s2  }
0x95: {  	s2 =	sld [smem:$0x3FFD];
	_ =	sdelay $0x3  }
0x96: {  	_ =	strace s2  }
0x97: {  	_ =	strace $0x8FFFFFFF  }
0x98: {  	s19 =	sld [smem:$0x3FDB];
	_ =	sdelay $0x1  }
0x99: {  	s20 =	simm.s32 $_scs_section_size  }
0x9a: {  	s4 =	simm.s32 $_size__tile_overlayer_lowered;
	s5 =	simm.s32 $_tile_overlayer_lowered  }
0x9b: {  	s6 =	simm.s32 $0x1BFF;
	s21 =	sshll.u32 s5, $0x1;
	s3 =	sadd.s32 s20, s19  }
0x9c: {  	s22 =	simm.s32 $0x0;
	s4 =	sshll.u32 s4, $0x1;
	s5 =	sadd.s32 s21, s3  }
0x9d: {  	[timem:s22], [sflag:s6] =	dma.local [hbm:s5], s4  }
0x9e: {  	_ =	swait.ge [sflag:s6], s4  }
0x9f: {  	s4 =	ssub.s32 $0x0, s4;
	[sflag:s6] =	ssyncset.done $0x0  }
0xa0: {  	[sflag:s6] =	ssyncadd.s32 s4;
	_ =	sdelay $0x1  }
0xa1: {  	s23 =	simm.s32 $0x1B8B  }
0xa2: {  	_ =	swait.ge [sflag:s23], $0x1  }
0xa3: {  	[sflag:s23] =	ssyncset.done $0x0  }
0xa4: {  	[sflag:s23] =	ssyncadd.s32 $0xFFFFFFFF  }
0xa5: {  	s4 =	sld [smem:$0x0]  }
0xa6: {  	s5 =	sand.u32 $0xFFFFFFFE, s1  }
0xa7: {  	p0 =	sne.s32 s1, s5  }
0xa8: {  	s5 =	sshll.u32 @p0 s5, $0xE  }
0xa9: {  	s5 =	sadd.s32 @p0 $0x11B8D, s5;
	s6 =	sshll.u32 @p0 s4, $0x11  }
0xaa: {  	s5 =	sor.u32 @p0 s6, s5  }
0xab: {  	[sflag:s5] =	ssyncadd.remote.s32 @p0 $0x1;
	_ =	sdelay $0x1  }
0xac: {  	s5 =	simm.s32 @p0 $0x1B8D  }
0xad: {  	_ =	swait.eq @p0 [sflag:s5], $0x1  }
0xae: {  	[sflag:s5] =	ssyncadd.s32 @p0 $0xFFFFFFFF  }
0xaf: {  	s6 =	sshll.u32 @!p0 s1, $0xE  }
0xb0: {  	s6 =	sor.u32 @!p0 $0x4000, s6;
	s5 =	simm.s32 @!p0 $0x1B8D  }
0xb1: {  	s4 =	sshll.u32 @!p0 s4, $0x11;
	s6 =	sadd.s32 @!p0 $0x11B8D, s6;
	_ =	swait.eq @!p0 [sflag:s5], $0x1  }
0xb2: {  	s4 =	sor.u32 @!p0 s4, s6;
	[sflag:s5] =	ssyncadd.s32 @!p0 $0xFFFFFFFF  }
0xb3: {  	s25 =	simm.s32 $0x1B8E;
	s24 =	sld [smem:$0x3FFE];
	[sflag:s4] =	ssyncadd.remote.s32 @!p0 $0x1  }
0xb4: {  	s26 =	simm.s32 $execute0_lowered;
	[smem:$0x3FD2] =	sst s25  }
0xb5: {  	s5 =	sshll.u32 s26, $0x1;
	_ =	strace $0x8000004C;
	[dreg:$0x1] =	wrdreg $0xFFFFFFFF  }
0xb6: {  	s28 =	simm.s32 $_size_execute0_lowered;
	s3 =	sadd.s32 s3, s5;
	[dreg:$0x0] =	wrdreg $0x0  }
0xb7: {  	s5 =	sshll.u32 s28, $0x1;
	[dreg:$0x2] =	wrdreg s3  }
0xb8: {  	[dreg:$0x3] =	wrdreg s5  }
0xb9: {  	[dreg:$0x4] =	wrdreg $0xC0  }
0xba: {  	_ =	task [dreg:s22], $0x5FFFF  }
0xbb: {  	[dreg:$0x1] =	wrdreg $0xFFFFFFFF  }
0xbc: {  	[dreg:$0x0] =	wrdreg $0x60  }
0xbd: {  	[dreg:$0x2] =	wrdreg s24  }
0xbe: {  	[dreg:$0x3] =	wrdreg $0xB  }
0xbf: {  	_ =	task.clear_ibuf [dreg:s22], $0x4FFFF;
	_ =	strace $0x9000004C  }
0xc0: {  	s29 =	simm.s32 $0xB;
	_ =	strace $0x8000004E  }
0xc1: {  	_ =	swait.ge [sflag:s29], $0x1  }
0xc2: {  	[sflag:s29] =	ssyncadd.s32 $0xFFFFFFFF  }
0xc3: {  	_ =	strace $0x9000004E  }
0xc4: {  	_ =	sfence  }
0xc5: {  	s30 =	sld [smem:$0x0];
	_ =	sdelay $0x2  }
0xc6: {  	s31 =	sshll.u32 s1, $0xD;
	s1 =	sshrl.u32 s1, $0x2  }
0xc7: {  	s4 =	sand.u32 $0x4000, s31;
	s1 =	sadd.s32 s1, s30  }
0xc8: {  	s0 =	sor.u32 s4, s0;
	s1 =	sshll.u32 s1, $0x11  }
0xc9: {  	s0 =	sor.u32 s1, s0  }
0xca: {  	s0 =	sadd.s32 $0x8F2B, s0  }
0xcb: {  	[sflag:s0] =	ssyncadd.remote.s32 $0x1  }
0xcc: {  	_ =	sfence.sel $0xFFFF  }
0xcd: {  	[dreg:$0x0] =	wrdreg $0xFFFFFFFF;
	(pc) =	sbr.abs _section_cstart, $3  }
0xce: {  	[dreg:$0x1] =	wrdreg $0xFFFFFFFF  }
0xcf: {  	_ =	task.clear_ibuf [dreg:s22], $0x2FFFF;
	_ =	strace $0x9FFFFFFF  }
0xd0: {  	(tm) =	ssettm $0x7FFFFFFF  }
0xd1: {  	_ =	shalt  }
tec
execute0_lowered:
.L_overlay_start_1:
0x0: {  	(tag) =	ssettag $0x1  }
0x1: {  	s5 =	rddreg [dreg:$0x0]  }
0x2: {  	s0 =	rddreg [dreg:$0x1];
	s1 =	simm.s32 $0x0;
	s2 =	srdreg.scid  }
0x3: {  	s11 =	simm.s32 $0x0;
	[smem:$0x7FF] =	sst s1;
	s6 =	sand.u32 $0x1, s2  }
0x4: {  	s3 =	sadd.s32 $0xBA400, s5;
	s4 =	sadd.s32 $0x13000, s5;
	s2 =	stileid.u32  }
0x5: {  	s5 =	sadd.s32 $0xBAA00, s5;
	_ =	strace $0x8000004D;
	s7 =	ssub.s32 $0x2, s6  }
0x6: {  	s9 =	sshll.u32 s6, $0x4;
	s31 =	sshll.u32 s6, $0xB;
	s8 =	sshrl.u32 s7, $0x1  }
0x7: {  	s10 =	sshll.u32 s2, $0x7;
	s30 =	sor.u32 s9, s2;
	s7 =	ssub.s32 s7, s8  }
0x8: {  	s9 =	simm.s32 $0x1;
	s8 =	ssub.s32 $0x9E3, s30;
	s6 =	smax.u32 s7, $0x1  }
0x9: {  	s7 =	sshrl.u32 s8, $0x5;
	s8 =	sor.u32 s10, s31;
	s10 =	simm.s32 $0x80  }
.LBB2_1:
0xa: {  	p1 =	sne.s32 s7, $0x1  }
.Ltmp0:
0xb: {  	_ = 	snop;
	(pc) =	sbr.rel @!p1 .LBB2_4-.Ltmp0, $2  }
0xc: {  	_ =	sdelay $0x2  }
0xd: {  	s13 =	sadd.s32 $0xFFFFFFFF, s7;
	s12 =	sshrl.u32 s8, $0x3;
	p0 =	por $0x0, $0x0  }
0xe: {  	s14 =	sadd.s32 s4, s12  }
0xf: {  	[tilespmem:s1], [sflag:$0x1] =	stream.linear.gather [hbm4b:s14+s1], $0x80, $0x38;
	[tilespmem:$0x100] =	vst v63  }
0x10: {  	_ =	swait.ge [sflag:s9], $0x80  }
0x11: {  	[sflag:s9] =	ssyncset.done $0x0  }
0x12: {  	[sflag:s9] =	ssyncadd.s32 $0xFFFFFF80  }
0x13: {  	[tilespmem:s10], [sflag:$0x1] =	stream.indirect.gather [hbm4b:s3+s10], $0x1, s1, s10, $0xb8;
	[tilespmem:$0x100] =	vst v63  }
0x14: {  	p1 =	sne.s32 s13, $0x1;
	_ =	swait.ge [sflag:s9], $0x80  }
.Ltmp1:
0x15: {  	[sflag:s9] =	ssyncset.done $0x0;
	(pc) =	sbr.rel @!p1 .LBB2_4-.Ltmp1, $4  }
0x16: {  	s31 =	sadd.s32 s5, s12;
	[sflag:s9] =	ssyncadd.s32 $0xFFFFFF80  }
0x17: {  	[hbm4b:s31+s1] =	stream.linear.scatter [tilespmem:s10], [sflag:$0x1], $0x80, $0x38;
	[tilespmem:$0x100] =	vst v63  }
0x18: {  	s13 =	sadd.s32 $0xFFFFFFFF, s13;
	s14 =	sadd.s32 $0x1000, s8;
	_ =	swait.ge [sflag:s9], $0x80  }
0x19: {  	p0 =	por $0x1, $0x1;
	s12 =	sshrl.u32 s14, $0x3;
	[sflag:s9] =	ssyncset.done $0x0  }
.LBB2_3:
0x1a: {  	p1 =	sne.s32 s13, $0x1;
	s15 =	sadd.s32 s4, s12;
	[sflag:s9] =	ssyncadd.s32 $0xFFFFFF80  }
0x1b: {  	[tilespmem:s1], [sflag:$0x1] =	stream.linear.gather [hbm4b:s15+s1], $0x80, $0x38;
	[tilespmem:$0x100] =	vst v63  }
0x1c: {  	s13 =	sadd.s32 $0xFFFFFFFF, s13;
	_ =	swait.ge [sflag:s9], $0x80  }
0x1d: {  	[sflag:s9] =	ssyncset.done $0x0  }
0x1e: {  	[sflag:s9] =	ssyncadd.s32 $0xFFFFFF80  }
0x1f: {  	[tilespmem:s10], [sflag:$0x1] =	stream.indirect.gather [hbm4b:s3+s10], $0x1, s1, s10, $0xb8;
	[tilespmem:$0x100] =	vst v63  }
0x20: {  	_ =	swait.ge [sflag:s9], $0x80  }
.Ltmp2:
0x21: {  	[sflag:s9] =	ssyncset.done $0x0;
	(pc) =	sbr.rel @p1 .LBB2_3-.Ltmp2, $4  }
0x22: {  	s12 =	sadd.s32 s5, s12;
	[sflag:s9] =	ssyncadd.s32 $0xFFFFFF80  }
0x23: {  	[hbm4b:s12+s1] =	stream.linear.scatter [tilespmem:s10], [sflag:$0x1], $0x80, $0x38;
	[tilespmem:$0x100] =	vst v63  }
0x24: {  	s14 =	sadd.s32 $0x1000, s14;
	_ =	swait.ge [sflag:s9], $0x80  }
0x25: {  	s12 =	sshrl.u32 s14, $0x3;
	[sflag:s9] =	ssyncset.done $0x0  }
.LBB2_4:
0x26: {  	s13 =	sadd.s32 s4, s12;
	[sflag:s9] =	ssyncadd.s32 @p0 $0xFFFFFF80  }
0x27: {  	[tilespmem:s1], [sflag:$0x1] =	stream.linear.gather [hbm4b:s13+s1], $0x80, $0x38;
	[tilespmem:$0x100] =	vst v63  }
0x28: {  	_ =	swait.ge [sflag:s9], $0x80  }
0x29: {  	[sflag:s9] =	ssyncset.done $0x0  }
0x2a: {  	[sflag:s9] =	ssyncadd.s32 $0xFFFFFF80  }
0x2b: {  	[tilespmem:s10], [sflag:$0x1] =	stream.indirect.gather [hbm4b:s3+s10], $0x1, s1, s10, $0xb8;
	[tilespmem:$0x100] =	vst v63  }
0x2c: {  	s11 =	sadd.s32 $0x1, s11;
	_ =	swait.ge [sflag:s9], $0x80  }
0x2d: {  	p0 =	sne.s32 s11, s6;
	[sflag:s9] =	ssyncset.done $0x0  }
.Ltmp3:
0x2e: {  	s31 =	sadd.s32 s5, s12;
	[sflag:s9] =	ssyncadd.s32 $0xFFFFFF80;
	(pc) =	sbr.rel @p0 .LBB2_1-.Ltmp3, $4  }
0x2f: {  	[hbm4b:s31+s1] =	stream.linear.scatter [tilespmem:s10], [sflag:$0x1], $0x80, $0x38;
	[tilespmem:$0x100] =	vst v63  }
0x30: {  	_ =	swait.ge [sflag:s9], $0x80  }
0x31: {  	[sflag:s9] =	ssyncset.done $0x0  }
0x32: {  	[sflag:s9] =	ssyncadd.s32 $0xFFFFFF80  }
0x33: {  	_ =	sfence.sel $0x180000  }
0x34: {  	[bflag:$0x0] =	sbarrier.arrive $0xFFFF  }
0x35: {  	p0 =	sne.s32 s2, $0x0;
	_ =	strace $0x9000004D  }
0x36: {  	s0 =	sadd.s32 @!p0 $0x100000, s0;
	[bflag:$0x2] =	sbarrier.arrive $0xFFFF  }
0x37: {  	[sflag:s0] =	ssyncadd.tile.s32 @!p0 $0x1;
	_ =	shalt  }
.Lfunc_end2:
_tile_overlayer_lowered:
.L_overlay_start_2:
0x38: {  	(tag) =	ssettag $0x2  }
0x39: {  	s0 =	rddreg [dreg:$0x0];
	s2 =	stileid.u32  }
0x3a: {  	s1 =	rddreg [dreg:$0x1];
	p0 =	sne.s32 s2, $0x0  }
0x3b: {  	s3 =	rddreg [dreg:$0x2];
	[bflag:$0x3] =	sbarrier.arrive $0xFFFF;
	s2 =	simm.s32 @!p0 $0x1C01  }
0x3c: {  	[timem:s3], [sflag:s2] =	dma.local @!p0 [hbm:s0], s1  }
0x3d: {  	s0 =	simm.s32 @!p0 $0x1  }
0x3e: {  	_ =	swait.ge @!p0 [sflag:s0], s1  }
0x3f: {  	s1 =	ssub.s32 @!p0 $0x0, s1;
	[sflag:s0] =	ssyncset.done @!p0 $0x0  }
0x40: {  	[sflag:s0] =	ssyncadd.s32 @!p0 s1  }
0x41: {  	[bflag:$0x3] =	sbarrier.arrive $0xFFFF  }
0x42: {  	_ =	shalt  }

// kernel: kernel.42.cloned.1.call-start
scs
__scs_entry_jumppad:
0x0: {  	(pc) =	sbr.rel $0x88, $3  }
0x1: {  	(tag) =	ssettag $0x0;
	lr =	simm.s32 $0x1  }
0x2: {  	[smem:$0x3F98] =	sst lr;
	_ =	strace $0xD0000000  }
0x3: {  	_ = 	snop  }
0x4: {  	_ = 	snop  }
0x5: {  	_ = 	snop  }
0x6: {  	_ = 	snop  }
0x7: {  	_ = 	snop  }
__scs_overlays_trampoline_lowered:
0x8: {  	[smem:$0x3FA7] =	sst s0  }
0x9: {  	[smem:$0x3FA8] =	sst s1  }
0xa: {  	[smem:$0x3FA9] =	sst s2  }
0xb: {  	[smem:$0x3FAA] =	sst s3  }
0xc: {  	[smem:$0x3FAB] =	sst s4  }
0xd: {  	[smem:$0x3FAC] =	sst s5  }
0xe: {  	[smem:$0x3FAD] =	sst s6  }
0xf: {  	[smem:$0x3FAE] =	sst s7  }
0x10: {  	[smem:$0x3FAF] =	sst s8  }
0x11: {  	[smem:$0x3FB0] =	sst s9;
	s0 =	simm.s32 @!p0 $0x0  }
0x12: {  	s1 =	sld [smem:$0x3F96];
	s0 =	simm.s32 @p0 $0x1  }
0x13: {  	[smem:$0x3FB1] =	sst s0;
	s0 =	simm.s32 @!p1 $0x0  }
0x14: {  	s2 =	sld [smem:$0x3F95];
	s0 =	simm.s32 @p1 $0x1  }
0x15: {  	[smem:$0x3FB2] =	sst s0;
	s0 =	simm.s32 @!p2 $0x0  }
0x16: {  	s3 =	sld [smem:$0x3FDB];
	s0 =	simm.s32 @p2 $0x1  }
0x17: {  	s4 =	simm.s32 $0x1BF5;
	[smem:$0x3FB4] =	sst s0  }
0x18: {  	s0 =	sld [smem:$0x3F97];
	_ =	swait.ge [sflag:s4], $0x0  }
0x19: {  	s7 =	sld [smem:$0x3F98]  }
0x1a: {  	s8 =	sadd.s32 $0xFFFFE003, lr  }
0x1b: {  	s9 =	sadd.s32 $0xFFFFFEF7, lr;
	s5 =	simm.s32 $0xFFFFFFFF;
	p2 =	slt.u32 s8, $0xFFFFF086  }
0x1c: {  	p1 =	slt.u32 s9, $0xF7A;
	s5 =	simm.s32 @!p2 $0x0  }
0x1d: {  	s5 =	simm.s32 @p1 $0x1;
	p0 =	seq.s32 s7, s2  }
0x1e: {  	s7 =	smul.u32 @!p0 $0xF7A, s2;
	p2 =	seq.s32 @!p0 s5, $0x0  }
0x1f: {  	s9 =	smul.u32 $0xF7A, s1;
	s8 =	simm.s32 @!p0 $0x1BF5;
	p2 =	por !p2, p0  }
0x20: {  	[sflag:s8] =	ssyncset.s32 @!p0 $0xFFFFF086;
	s6 =	sadd.s32 @!p0 s3, s7;
	s7 =	simm.s32 @!p0 $0x108  }
0x21: {  	s3 =	sadd.s32 s3, s9;
	s6 =	sadd.s32 @!p0 $0x88, s6;
	s7 =	simm.s32 @p2 $0x1082  }
0x22: {  	[simem:s7], [sflag:s8] =	dma.local @!p0 [hbm:s6], $0xF7A  }
0x23: {  	s9 =	sor.u32 $0xD0000000, s2;
	s6 =	simm.s32 $0x108;
	_ =	swait.ge @!p0 [sflag:s8], $0x0  }
0x24: {  	s3 =	sadd.s32 $0x88, s3;
	s6 =	simm.s32 @!p1 $0x1082;
	[sflag:s4] =	ssyncset.s32 $0xFFFFF086  }
0x25: {  	[simem:s6], [sflag:s4] =	dma.local [hbm:s3], $0xF7A  }
0x26: {  	[smem:$0x3F98] =	sst s1;
	(tag) =	ssettag s2;
	_ =	strace s9  }
0x27: {  	s1 =	sld [smem:$0x3FA8]  }
0x28: {  	s2 =	sld [smem:$0x3FA9]  }
0x29: {  	s4 =	sld [smem:$0x3FAB]  }
0x2a: {  	p0 =	seq.s32 s5, $0x0;
	s5 =	sld [smem:$0x3FAC]  }
0x2b: {  	s6 =	sld [smem:$0x3FAD]  }
0x2c: {  	s7 =	sld [smem:$0x3FAE]  }
0x2d: {  	s3 =	simm.s32 $0x108;
	s8 =	sld [smem:$0x3FAF]  }
0x2e: {  	s3 =	simm.s32 @!p0 $0x1082;
	s9 =	sld [smem:$0x3FB0]  }
0x2f: {  	lr =	sadd.s32 s0, s3;
	s0 =	sld [smem:$0x3FA7]  }
0x30: {  	s3 =	sld [smem:$0x3FAA]  }
0x31: {  	[smem:$0x3FB3] =	sst s10  }
0x32: {  	s10 =	sld [smem:$0x3FB1];
	_ =	sdelay $0x3  }
0x33: {  	p0 =	seq.s32 s10, $0x1;
	s10 =	sld [smem:$0x3FB3];
	_ =	sdelay $0x3  }
0x34: {  	[smem:$0x3FB3] =	sst s10  }
0x35: {  	s10 =	sld [smem:$0x3FB2];
	_ =	sdelay $0x3  }
0x36: {  	p1 =	seq.s32 s10, $0x1;
	s10 =	sld [smem:$0x3FB3];
	_ =	sdelay $0x3  }
0x37: {  	[smem:$0x3FB3] =	sst s10  }
0x38: {  	s10 =	sld [smem:$0x3FB4]  }
0x39: {  	_ = 	snop;
	(pc) =	sbr.ind lr, $3  }
0x3a: {  	_ = 	snop  }
0x3b: {  	_ = 	snop  }
0x3c: {  	p2 =	seq.s32 s10, $0x1;
	s10 =	sld [smem:$0x3FB3]  }
0x3d: {  	_ =	shalt  }
0x3e: {  	_ =	shalt  }
0x3f: {  	_ =	shalt  }
0x40: {  	_ =	shalt  }
0x41: {  	_ =	shalt  }
0x42: {  	_ =	shalt  }
0x43: {  	_ =	shalt  }
0x44: {  	_ =	shalt  }
0x45: {  	_ =	shalt  }
0x46: {  	_ =	shalt  }
0x47: {  	_ =	shalt  }
0x48: {  	_ =	shalt  }
0x49: {  	_ =	shalt  }
0x4a: {  	_ =	shalt  }
0x4b: {  	_ =	shalt  }
0x4c: {  	_ =	shalt  }
0x4d: {  	_ =	shalt  }
0x4e: {  	_ =	shalt  }
0x4f: {  	_ =	shalt  }
0x50: {  	_ =	shalt  }
0x51: {  	_ =	shalt  }
0x52: {  	_ =	shalt  }
0x53: {  	_ =	shalt  }
0x54: {  	_ =	shalt  }
0x55: {  	_ =	shalt  }
0x56: {  	_ =	shalt  }
0x57: {  	_ =	shalt  }
0x58: {  	_ =	shalt  }
0x59: {  	_ =	shalt  }
0x5a: {  	_ =	shalt  }
0x5b: {  	_ =	shalt  }
0x5c: {  	_ =	shalt  }
0x5d: {  	_ =	shalt  }
0x5e: {  	_ =	shalt  }
0x5f: {  	_ =	shalt  }
0x60: {  	_ =	shalt  }
0x61: {  	_ =	shalt  }
0x62: {  	_ =	shalt  }
0x63: {  	_ =	shalt  }
0x64: {  	_ =	shalt  }
0x65: {  	_ =	shalt  }
0x66: {  	_ =	shalt  }
0x67: {  	_ =	shalt  }
0x68: {  	_ =	shalt  }
0x69: {  	_ =	shalt  }
0x6a: {  	_ =	shalt  }
0x6b: {  	_ =	shalt  }
0x6c: {  	_ =	shalt  }
0x6d: {  	_ =	shalt  }
0x6e: {  	_ =	shalt  }
0x6f: {  	_ =	shalt  }
0x70: {  	_ =	shalt  }
0x71: {  	_ =	shalt  }
0x72: {  	_ =	shalt  }
0x73: {  	_ =	shalt  }
0x74: {  	_ =	shalt  }
0x75: {  	_ =	shalt  }
0x76: {  	_ =	shalt  }
0x77: {  	_ =	shalt  }
0x78: {  	_ =	shalt  }
0x79: {  	_ =	shalt  }
0x7a: {  	_ =	shalt  }
0x7b: {  	_ =	shalt  }
0x7c: {  	_ =	shalt  }
0x7d: {  	_ =	shalt  }
0x7e: {  	_ =	shalt  }
0x7f: {  	_ =	shalt  }
0x80: {  	_ =	shalt  }
0x81: {  	_ =	shalt  }
0x82: {  	_ =	shalt  }
0x83: {  	_ =	shalt  }
0x84: {  	_ =	shalt  }
0x85: {  	_ =	shalt  }
0x86: {  	_ =	shalt  }
0x87: {  	_ =	shalt  }
.Lfunc_end0:
.L_simem_size_0:
called_computation.6_lowered:
.L_overlay_start_0:
0x88: {  	s2 =	sld [smem:$0x3FD9]  }
0x89: {  	s3 =	sld [smem:$0x3FFE];
	_ =	sdelay $0x1  }
0x8a: {  	s1 =	srdreg.scid  }
0x8b: {  	s0 =	sand.u32 $0x1, s1  }
0x8c: {  	s17 =	sshll.u32 s0, $0xA;
	s2 =	sadd.s32 s3, s2  }
0x8d: {  	s2 =	sadd.s32 s2, s17  }
0x8e: {  	[smem:$0x3FBF] =	sst s2  }
0x8f: {  	_ = 	snop  }
0x90: {  	(tm) =	ssettm $0x1  }
0x91: {  	s18 =	sld [smem:$0x3FFB];
	_ =	sdelay $0x3  }
0x92: {  	_ =	strace s18  }
0x93: {  	s2 =	sld [smem:$0x3FFC];
	_ =	sdelay $0x3  }
0x94: {  	_ =	strace s2  }
0x95: {  	s2 =	sld [smem:$0x3FFD];
	_ =	sdelay $0x3  }
0x96: {  	_ =	strace s2  }
0x97: {  	_ =	strace $0x8FFFFFFF  }
0x98: {  	s19 =	sld [smem:$0x3FDB];
	_ =	sdelay $0x1  }
0x99: {  	s20 =	simm.s32 $_scs_section_size  }
0x9a: {  	s4 =	simm.s32 $_size__tile_overlayer_lowered;
	s5 =	simm.s32 $_tile_overlayer_lowered  }
0x9b: {  	s6 =	simm.s32 $0x1BFF;
	s21 =	sshll.u32 s5, $0x1;
	s3 =	sadd.s32 s20, s19  }
0x9c: {  	s22 =	simm.s32 $0x0;
	s4 =	sshll.u32 s4, $0x1;
	s5 =	sadd.s32 s21, s3  }
0x9d: {  	[timem:s22], [sflag:s6] =	dma.local [hbm:s5], s4  }
0x9e: {  	_ =	swait.ge [sflag:s6], s4  }
0x9f: {  	s4 =	ssub.s32 $0x0, s4;
	[sflag:s6] =	ssyncset.done $0x0  }
0xa0: {  	[sflag:s6] =	ssyncadd.s32 s4;
	_ =	sdelay $0x1  }
0xa1: {  	s23 =	simm.s32 $0x1B8B  }
0xa2: {  	_ =	swait.ge [sflag:s23], $0x1  }
0xa3: {  	[sflag:s23] =	ssyncset.done $0x0  }
0xa4: {  	[sflag:s23] =	ssyncadd.s32 $0xFFFFFFFF  }
0xa5: {  	s4 =	sld [smem:$0x0]  }
0xa6: {  	s5 =	sand.u32 $0xFFFFFFFE, s1  }
0xa7: {  	p0 =	sne.s32 s1, s5  }
0xa8: {  	s5 =	sshll.u32 @p0 s5, $0xE  }
0xa9: {  	s5 =	sadd.s32 @p0 $0x11B8D, s5;
	s6 =	sshll.u32 @p0 s4, $0x11  }
0xaa: {  	s5 =	sor.u32 @p0 s6, s5  }
0xab: {  	[sflag:s5] =	ssyncadd.remote.s32 @p0 $0x1;
	_ =	sdelay $0x1  }
0xac: {  	s5 =	simm.s32 @p0 $0x1B8D  }
0xad: {  	_ =	swait.eq @p0 [sflag:s5], $0x1  }
0xae: {  	[sflag:s5] =	ssyncadd.s32 @p0 $0xFFFFFFFF  }
0xaf: {  	s6 =	sshll.u32 @!p0 s1, $0xE  }
0xb0: {  	s6 =	sor.u32 @!p0 $0x4000, s6;
	s5 =	simm.s32 @!p0 $0x1B8D  }
0xb1: {  	s4 =	sshll.u32 @!p0 s4, $0x11;
	s6 =	sadd.s32 @!p0 $0x11B8D, s6;
	_ =	swait.eq @!p0 [sflag:s5], $0x1  }
0xb2: {  	s4 =	sor.u32 @!p0 s4, s6;
	[sflag:s5] =	ssyncadd.s32 @!p0 $0xFFFFFFFF  }
0xb3: {  	s25 =	simm.s32 $0x1B8E;
	s24 =	sld [smem:$0x3FFE];
	[sflag:s4] =	ssyncadd.remote.s32 @!p0 $0x1  }
0xb4: {  	s26 =	simm.s32 $execute0_lowered;
	[smem:$0x3FD2] =	sst s25  }
0xb5: {  	s5 =	sshll.u32 s26, $0x1;
	_ =	strace $0x8000004F;
	[dreg:$0x1] =	wrdreg $0xFFFFFFFF  }
0xb6: {  	s28 =	simm.s32 $_size_execute0_lowered;
	s3 =	sadd.s32 s3, s5;
	[dreg:$0x0] =	wrdreg $0x0  }
0xb7: {  	s5 =	sshll.u32 s28, $0x1;
	[dreg:$0x2] =	wrdreg s3  }
0xb8: {  	[dreg:$0x3] =	wrdreg s5  }
0xb9: {  	[dreg:$0x4] =	wrdreg $0xC0  }
0xba: {  	_ =	task [dreg:s22], $0x5FFFF  }
0xbb: {  	[dreg:$0x1] =	wrdreg $0xFFFFFFFF  }
0xbc: {  	[dreg:$0x0] =	wrdreg $0x60  }
0xbd: {  	[dreg:$0x2] =	wrdreg s24  }
0xbe: {  	[dreg:$0x3] =	wrdreg $0xC  }
0xbf: {  	_ =	task.clear_ibuf [dreg:s22], $0x4FFFF;
	_ =	strace $0x9000004F  }
0xc0: {  	s29 =	simm.s32 $0xC;
	_ =	strace $0x80000051  }
0xc1: {  	_ =	swait.ge [sflag:s29], $0x1  }
0xc2: {  	[sflag:s29] =	ssyncadd.s32 $0xFFFFFFFF  }
0xc3: {  	_ =	strace $0x90000051  }
0xc4: {  	_ =	sfence  }
0xc5: {  	s30 =	sld [smem:$0x0];
	_ =	sdelay $0x2  }
0xc6: {  	s31 =	sshll.u32 s1, $0xD;
	s1 =	sshrl.u32 s1, $0x2  }
0xc7: {  	s4 =	sand.u32 $0x4000, s31;
	s1 =	sadd.s32 s1, s30  }
0xc8: {  	s0 =	sor.u32 s4, s0;
	s1 =	sshll.u32 s1, $0x11  }
0xc9: {  	s0 =	sor.u32 s1, s0  }
0xca: {  	s0 =	sadd.s32 $0x8F2B, s0  }
0xcb: {  	[sflag:s0] =	ssyncadd.remote.s32 $0x1  }
0xcc: {  	_ =	sfence.sel $0xFFFF  }
0xcd: {  	[dreg:$0x0] =	wrdreg $0xFFFFFFFF;
	(pc) =	sbr.abs _section_cstart, $3  }
0xce: {  	[dreg:$0x1] =	wrdreg $0xFFFFFFFF  }
0xcf: {  	_ =	task.clear_ibuf [dreg:s22], $0x2FFFF;
	_ =	strace $0x9FFFFFFF  }
0xd0: {  	(tm) =	ssettm $0x7FFFFFFF  }
0xd1: {  	_ =	shalt  }
tec
execute0_lowered:
.L_overlay_start_1:
0x0: {  	(tag) =	ssettag $0x1  }
0x1: {  	s5 =	rddreg [dreg:$0x0]  }
0x2: {  	s0 =	rddreg [dreg:$0x1];
	s1 =	simm.s32 $0x0;
	s2 =	srdreg.scid  }
0x3: {  	s11 =	simm.s32 $0x0;
	[smem:$0x7FF] =	sst s1;
	s6 =	sand.u32 $0x1, s2  }
0x4: {  	s3 =	sadd.s32 $0xBA400, s5;
	s4 =	sadd.s32 $0x9200, s5;
	s2 =	stileid.u32  }
0x5: {  	s5 =	sadd.s32 $0xC4800, s5;
	_ =	strace $0x80000050;
	s7 =	ssub.s32 $0x2, s6  }
0x6: {  	s9 =	sshll.u32 s6, $0x4;
	s31 =	sshll.u32 s6, $0xB;
	s8 =	sshrl.u32 s7, $0x1  }
0x7: {  	s10 =	sshll.u32 s2, $0x7;
	s30 =	sor.u32 s9, s2;
	s7 =	ssub.s32 s7, s8  }
0x8: {  	s9 =	simm.s32 $0x1;
	s8 =	ssub.s32 $0x9E3, s30;
	s6 =	smax.u32 s7, $0x1  }
0x9: {  	s7 =	sshrl.u32 s8, $0x5;
	s8 =	sor.u32 s10, s31;
	s10 =	simm.s32 $0x80  }
.LBB2_1:
0xa: {  	p1 =	sne.s32 s7, $0x1  }
.Ltmp0:
0xb: {  	_ = 	snop;
	(pc) =	sbr.rel @!p1 .LBB2_4-.Ltmp0, $2  }
0xc: {  	_ =	sdelay $0x2  }
0xd: {  	s13 =	sadd.s32 $0xFFFFFFFF, s7;
	s12 =	sshrl.u32 s8, $0x3;
	p0 =	por $0x0, $0x0  }
0xe: {  	s14 =	sadd.s32 s4, s12  }
0xf: {  	[tilespmem:s1], [sflag:$0x1] =	stream.linear.gather [hbm4b:s14+s1], $0x80, $0x38;
	[tilespmem:$0x100] =	vst v63  }
0x10: {  	_ =	swait.ge [sflag:s9], $0x80  }
0x11: {  	[sflag:s9] =	ssyncset.done $0x0  }
0x12: {  	[sflag:s9] =	ssyncadd.s32 $0xFFFFFF80  }
0x13: {  	[tilespmem:s10], [sflag:$0x1] =	stream.indirect.gather [hbm4b:s3+s10], $0x1, s1, s10, $0xb8;
	[tilespmem:$0x100] =	vst v63  }
0x14: {  	p1 =	sne.s32 s13, $0x1;
	_ =	swait.ge [sflag:s9], $0x80  }
.Ltmp1:
0x15: {  	[sflag:s9] =	ssyncset.done $0x0;
	(pc) =	sbr.rel @!p1 .LBB2_4-.Ltmp1, $4  }
0x16: {  	s31 =	sadd.s32 s5, s12;
	[sflag:s9] =	ssyncadd.s32 $0xFFFFFF80  }
0x17: {  	[hbm4b:s31+s1] =	stream.linear.scatter [tilespmem:s10], [sflag:$0x1], $0x80, $0x38;
	[tilespmem:$0x100] =	vst v63  }
0x18: {  	s13 =	sadd.s32 $0xFFFFFFFF, s13;
	s14 =	sadd.s32 $0x1000, s8;
	_ =	swait.ge [sflag:s9], $0x80  }
0x19: {  	p0 =	por $0x1, $0x1;
	s12 =	sshrl.u32 s14, $0x3;
	[sflag:s9] =	ssyncset.done $0x0  }
.LBB2_3:
0x1a: {  	p1 =	sne.s32 s13, $0x1;
	s15 =	sadd.s32 s4, s12;
	[sflag:s9] =	ssyncadd.s32 $0xFFFFFF80  }
0x1b: {  	[tilespmem:s1], [sflag:$0x1] =	stream.linear.gather [hbm4b:s15+s1], $0x80, $0x38;
	[tilespmem:$0x100] =	vst v63  }
0x1c: {  	s13 =	sadd.s32 $0xFFFFFFFF, s13;
	_ =	swait.ge [sflag:s9], $0x80  }
0x1d: {  	[sflag:s9] =	ssyncset.done $0x0  }
0x1e: {  	[sflag:s9] =	ssyncadd.s32 $0xFFFFFF80  }
0x1f: {  	[tilespmem:s10], [sflag:$0x1] =	stream.indirect.gather [hbm4b:s3+s10], $0x1, s1, s10, $0xb8;
	[tilespmem:$0x100] =	vst v63  }
0x20: {  	_ =	swait.ge [sflag:s9], $0x80  }
.Ltmp2:
0x21: {  	[sflag:s9] =	ssyncset.done $0x0;
	(pc) =	sbr.rel @p1 .LBB2_3-.Ltmp2, $4  }
0x22: {  	s12 =	sadd.s32 s5, s12;
	[sflag:s9] =	ssyncadd.s32 $0xFFFFFF80  }
0x23: {  	[hbm4b:s12+s1] =	stream.linear.scatter [tilespmem:s10], [sflag:$0x1], $0x80, $0x38;
	[tilespmem:$0x100] =	vst v63  }
0x24: {  	s14 =	sadd.s32 $0x1000, s14;
	_ =	swait.ge [sflag:s9], $0x80  }
0x25: {  	s12 =	sshrl.u32 s14, $0x3;
	[sflag:s9] =	ssyncset.done $0x0  }
.LBB2_4:
0x26: {  	s13 =	sadd.s32 s4, s12;
	[sflag:s9] =	ssyncadd.s32 @p0 $0xFFFFFF80  }
0x27: {  	[tilespmem:s1], [sflag:$0x1] =	stream.linear.gather [hbm4b:s13+s1], $0x80, $0x38;
	[tilespmem:$0x100] =	vst v63  }
0x28: {  	_ =	swait.ge [sflag:s9], $0x80  }
0x29: {  	[sflag:s9] =	ssyncset.done $0x0  }
0x2a: {  	[sflag:s9] =	ssyncadd.s32 $0xFFFFFF80  }
0x2b: {  	[tilespmem:s10], [sflag:$0x1] =	stream.indirect.gather [hbm4b:s3+s10], $0x1, s1, s10, $0xb8;
	[tilespmem:$0x100] =	vst v63  }
0x2c: {  	s11 =	sadd.s32 $0x1, s11;
	_ =	swait.ge [sflag:s9], $0x80  }
0x2d: {  	p0 =	sne.s32 s11, s6;
	[sflag:s9] =	ssyncset.done $0x0  }
.Ltmp3:
0x2e: {  	s31 =	sadd.s32 s5, s12;
	[sflag:s9] =	ssyncadd.s32 $0xFFFFFF80;
	(pc) =	sbr.rel @p0 .LBB2_1-.Ltmp3, $4  }
0x2f: {  	[hbm4b:s31+s1] =	stream.linear.scatter [tilespmem:s10], [sflag:$0x1], $0x80, $0x38;
	[tilespmem:$0x100] =	vst v63  }
0x30: {  	_ =	swait.ge [sflag:s9], $0x80  }
0x31: {  	[sflag:s9] =	ssyncset.done $0x0  }
0x32: {  	[sflag:s9] =	ssyncadd.s32 $0xFFFFFF80  }
0x33: {  	_ =	sfence.sel $0x180000  }
0x34: {  	[bflag:$0x0] =	sbarrier.arrive $0xFFFF  }
0x35: {  	p0 =	sne.s32 s2, $0x0;
	_ =	strace $0x90000050  }
0x36: {  	s0 =	sadd.s32 @!p0 $0x100000, s0;
	[bflag:$0x2] =	sbarrier.arrive $0xFFFF  }
0x37: {  	[sflag:s0] =	ssyncadd.tile.s32 @!p0 $0x1;
	_ =	shalt  }
.Lfunc_end2:
_tile_overlayer_lowered:
.L_overlay_start_2:
0x38: {  	(tag) =	ssettag $0x2  }
0x39: {  	s0 =	rddreg [dreg:$0x0];
	s2 =	stileid.u32  }
0x3a: {  	s1 =	rddreg [dreg:$0x1];
	p0 =	sne.s32 s2, $0x0  }
0x3b: {  	s3 =	rddreg [dreg:$0x2];
	[bflag:$0x3] =	sbarrier.arrive $0xFFFF;
	s2 =	simm.s32 @!p0 $0x1C01  }
0x3c: {  	[timem:s3], [sflag:s2] =	dma.local @!p0 [hbm:s0], s1  }
0x3d: {  	s0 =	simm.s32 @!p0 $0x1  }
0x3e: {  	_ =	swait.ge @!p0 [sflag:s0], s1  }
0x3f: {  	s1 =	ssub.s32 @!p0 $0x0, s1;
	[sflag:s0] =	ssyncset.done @!p0 $0x0  }
0x40: {  	[sflag:s0] =	ssyncadd.s32 @!p0 s1  }
0x41: {  	[bflag:$0x3] =	sbarrier.arrive $0xFFFF  }
0x42: {  	_ =	shalt  }

// kernel: kernel.45.cloned.1.call-start
scs
__scs_entry_jumppad:
0x0: {  	(pc) =	sbr.rel $0x88, $3  }
0x1: {  	(tag) =	ssettag $0x0;
	lr =	simm.s32 $0x1  }
0x2: {  	[smem:$0x3F98] =	sst lr;
	_ =	strace $0xD0000000  }
0x3: {  	_ = 	snop  }
0x4: {  	_ = 	snop  }
0x5: {  	_ = 	snop  }
0x6: {  	_ = 	snop  }
0x7: {  	_ = 	snop  }
__scs_overlays_trampoline_lowered:
0x8: {  	[smem:$0x3FA7] =	sst s0  }
0x9: {  	[smem:$0x3FA8] =	sst s1  }
0xa: {  	[smem:$0x3FA9] =	sst s2  }
0xb: {  	[smem:$0x3FAA] =	sst s3  }
0xc: {  	[smem:$0x3FAB] =	sst s4  }
0xd: {  	[smem:$0x3FAC] =	sst s5  }
0xe: {  	[smem:$0x3FAD] =	sst s6  }
0xf: {  	[smem:$0x3FAE] =	sst s7  }
0x10: {  	[smem:$0x3FAF] =	sst s8  }
0x11: {  	[smem:$0x3FB0] =	sst s9;
	s0 =	simm.s32 @!p0 $0x0  }
0x12: {  	s1 =	sld [smem:$0x3F96];
	s0 =	simm.s32 @p0 $0x1  }
0x13: {  	[smem:$0x3FB1] =	sst s0;
	s0 =	simm.s32 @!p1 $0x0  }
0x14: {  	s2 =	sld [smem:$0x3F95];
	s0 =	simm.s32 @p1 $0x1  }
0x15: {  	[smem:$0x3FB2] =	sst s0;
	s0 =	simm.s32 @!p2 $0x0  }
0x16: {  	s3 =	sld [smem:$0x3FDB];
	s0 =	simm.s32 @p2 $0x1  }
0x17: {  	s4 =	simm.s32 $0x1BF5;
	[smem:$0x3FB4] =	sst s0  }
0x18: {  	s0 =	sld [smem:$0x3F97];
	_ =	swait.ge [sflag:s4], $0x0  }
0x19: {  	s7 =	sld [smem:$0x3F98]  }
0x1a: {  	s8 =	sadd.s32 $0xFFFFE003, lr  }
0x1b: {  	s9 =	sadd.s32 $0xFFFFFEF7, lr;
	s5 =	simm.s32 $0xFFFFFFFF;
	p2 =	slt.u32 s8, $0xFFFFF086  }
0x1c: {  	p1 =	slt.u32 s9, $0xF7A;
	s5 =	simm.s32 @!p2 $0x0  }
0x1d: {  	s5 =	simm.s32 @p1 $0x1;
	p0 =	seq.s32 s7, s2  }
0x1e: {  	s7 =	smul.u32 @!p0 $0xF7A, s2;
	p2 =	seq.s32 @!p0 s5, $0x0  }
0x1f: {  	s9 =	smul.u32 $0xF7A, s1;
	s8 =	simm.s32 @!p0 $0x1BF5;
	p2 =	por !p2, p0  }
0x20: {  	[sflag:s8] =	ssyncset.s32 @!p0 $0xFFFFF086;
	s6 =	sadd.s32 @!p0 s3, s7;
	s7 =	simm.s32 @!p0 $0x108  }
0x21: {  	s3 =	sadd.s32 s3, s9;
	s6 =	sadd.s32 @!p0 $0x88, s6;
	s7 =	simm.s32 @p2 $0x1082  }
0x22: {  	[simem:s7], [sflag:s8] =	dma.local @!p0 [hbm:s6], $0xF7A  }
0x23: {  	s9 =	sor.u32 $0xD0000000, s2;
	s6 =	simm.s32 $0x108;
	_ =	swait.ge @!p0 [sflag:s8], $0x0  }
0x24: {  	s3 =	sadd.s32 $0x88, s3;
	s6 =	simm.s32 @!p1 $0x1082;
	[sflag:s4] =	ssyncset.s32 $0xFFFFF086  }
0x25: {  	[simem:s6], [sflag:s4] =	dma.local [hbm:s3], $0xF7A  }
0x26: {  	[smem:$0x3F98] =	sst s1;
	(tag) =	ssettag s2;
	_ =	strace s9  }
0x27: {  	s1 =	sld [smem:$0x3FA8]  }
0x28: {  	s2 =	sld [smem:$0x3FA9]  }
0x29: {  	s4 =	sld [smem:$0x3FAB]  }
0x2a: {  	p0 =	seq.s32 s5, $0x0;
	s5 =	sld [smem:$0x3FAC]  }
0x2b: {  	s6 =	sld [smem:$0x3FAD]  }
0x2c: {  	s7 =	sld [smem:$0x3FAE]  }
0x2d: {  	s3 =	simm.s32 $0x108;
	s8 =	sld [smem:$0x3FAF]  }
0x2e: {  	s3 =	simm.s32 @!p0 $0x1082;
	s9 =	sld [smem:$0x3FB0]  }
0x2f: {  	lr =	sadd.s32 s0, s3;
	s0 =	sld [smem:$0x3FA7]  }
0x30: {  	s3 =	sld [smem:$0x3FAA]  }
0x31: {  	[smem:$0x3FB3] =	sst s10  }
0x32: {  	s10 =	sld [smem:$0x3FB1];
	_ =	sdelay $0x3  }
0x33: {  	p0 =	seq.s32 s10, $0x1;
	s10 =	sld [smem:$0x3FB3];
	_ =	sdelay $0x3  }
0x34: {  	[smem:$0x3FB3] =	sst s10  }
0x35: {  	s10 =	sld [smem:$0x3FB2];
	_ =	sdelay $0x3  }
0x36: {  	p1 =	seq.s32 s10, $0x1;
	s10 =	sld [smem:$0x3FB3];
	_ =	sdelay $0x3  }
0x37: {  	[smem:$0x3FB3] =	sst s10  }
0x38: {  	s10 =	sld [smem:$0x3FB4]  }
0x39: {  	_ = 	snop;
	(pc) =	sbr.ind lr, $3  }
0x3a: {  	_ = 	snop  }
0x3b: {  	_ = 	snop  }
0x3c: {  	p2 =	seq.s32 s10, $0x1;
	s10 =	sld [smem:$0x3FB3]  }
0x3d: {  	_ =	shalt  }
0x3e: {  	_ =	shalt  }
0x3f: {  	_ =	shalt  }
0x40: {  	_ =	shalt  }
0x41: {  	_ =	shalt  }
0x42: {  	_ =	shalt  }
0x43: {  	_ =	shalt  }
0x44: {  	_ =	shalt  }
0x45: {  	_ =	shalt  }
0x46: {  	_ =	shalt  }
0x47: {  	_ =	shalt  }
0x48: {  	_ =	shalt  }
0x49: {  	_ =	shalt  }
0x4a: {  	_ =	shalt  }
0x4b: {  	_ =	shalt  }
0x4c: {  	_ =	shalt  }
0x4d: {  	_ =	shalt  }
0x4e: {  	_ =	shalt  }
0x4f: {  	_ =	shalt  }
0x50: {  	_ =	shalt  }
0x51: {  	_ =	shalt  }
0x52: {  	_ =	shalt  }
0x53: {  	_ =	shalt  }
0x54: {  	_ =	shalt  }
0x55: {  	_ =	shalt  }
0x56: {  	_ =	shalt  }
0x57: {  	_ =	shalt  }
0x58: {  	_ =	shalt  }
0x59: {  	_ =	shalt  }
0x5a: {  	_ =	shalt  }
0x5b: {  	_ =	shalt  }
0x5c: {  	_ =	shalt  }
0x5d: {  	_ =	shalt  }
0x5e: {  	_ =	shalt  }
0x5f: {  	_ =	shalt  }
0x60: {  	_ =	shalt  }
0x61: {  	_ =	shalt  }
0x62: {  	_ =	shalt  }
0x63: {  	_ =	shalt  }
0x64: {  	_ =	shalt  }
0x65: {  	_ =	shalt  }
0x66: {  	_ =	shalt  }
0x67: {  	_ =	shalt  }
0x68: {  	_ =	shalt  }
0x69: {  	_ =	shalt  }
0x6a: {  	_ =	shalt  }
0x6b: {  	_ =	shalt  }
0x6c: {  	_ =	shalt  }
0x6d: {  	_ =	shalt  }
0x6e: {  	_ =	shalt  }
0x6f: {  	_ =	shalt  }
0x70: {  	_ =	shalt  }
0x71: {  	_ =	shalt  }
0x72: {  	_ =	shalt  }
0x73: {  	_ =	shalt  }
0x74: {  	_ =	shalt  }
0x75: {  	_ =	shalt  }
0x76: {  	_ =	shalt  }
0x77: {  	_ =	shalt  }
0x78: {  	_ =	shalt  }
0x79: {  	_ =	shalt  }
0x7a: {  	_ =	shalt  }
0x7b: {  	_ =	shalt  }
0x7c: {  	_ =	shalt  }
0x7d: {  	_ =	shalt  }
0x7e: {  	_ =	shalt  }
0x7f: {  	_ =	shalt  }
0x80: {  	_ =	shalt  }
0x81: {  	_ =	shalt  }
0x82: {  	_ =	shalt  }
0x83: {  	_ =	shalt  }
0x84: {  	_ =	shalt  }
0x85: {  	_ =	shalt  }
0x86: {  	_ =	shalt  }
0x87: {  	_ =	shalt  }
.Lfunc_end0:
.L_simem_size_0:
called_computation.7_lowered:
.L_overlay_start_0:
0x88: {  	s2 =	sld [smem:$0x3FD9]  }
0x89: {  	s3 =	sld [smem:$0x3FFE];
	_ =	sdelay $0x1  }
0x8a: {  	s1 =	srdreg.scid  }
0x8b: {  	s0 =	sand.u32 $0x1, s1  }
0x8c: {  	s17 =	sshll.u32 s0, $0xA;
	s2 =	sadd.s32 s3, s2  }
0x8d: {  	s2 =	sadd.s32 s2, s17  }
0x8e: {  	[smem:$0x3FBF] =	sst s2  }
0x8f: {  	_ = 	snop  }
0x90: {  	(tm) =	ssettm $0x1  }
0x91: {  	s18 =	sld [smem:$0x3FFB];
	_ =	sdelay $0x3  }
0x92: {  	_ =	strace s18  }
0x93: {  	s2 =	sld [smem:$0x3FFC];
	_ =	sdelay $0x3  }
0x94: {  	_ =	strace s2  }
0x95: {  	s2 =	sld [smem:$0x3FFD];
	_ =	sdelay $0x3  }
0x96: {  	_ =	strace s2  }
0x97: {  	_ =	strace $0x8FFFFFFF  }
0x98: {  	s19 =	sld [smem:$0x3FDB];
	_ =	sdelay $0x1  }
0x99: {  	s20 =	simm.s32 $_scs_section_size  }
0x9a: {  	s4 =	simm.s32 $_size__tile_overlayer_lowered;
	s5 =	simm.s32 $_tile_overlayer_lowered  }
0x9b: {  	s6 =	simm.s32 $0x1BFF;
	s21 =	sshll.u32 s5, $0x1;
	s3 =	sadd.s32 s20, s19  }
0x9c: {  	s22 =	simm.s32 $0x0;
	s4 =	sshll.u32 s4, $0x1;
	s5 =	sadd.s32 s21, s3  }
0x9d: {  	[timem:s22], [sflag:s6] =	dma.local [hbm:s5], s4  }
0x9e: {  	_ =	swait.ge [sflag:s6], s4  }
0x9f: {  	s4 =	ssub.s32 $0x0, s4;
	[sflag:s6] =	ssyncset.done $0x0  }
0xa0: {  	[sflag:s6] =	ssyncadd.s32 s4;
	_ =	sdelay $0x1  }
0xa1: {  	s23 =	simm.s32 $0x1B8B  }
0xa2: {  	_ =	swait.ge [sflag:s23], $0x1  }
0xa3: {  	[sflag:s23] =	ssyncset.done $0x0  }
0xa4: {  	[sflag:s23] =	ssyncadd.s32 $0xFFFFFFFF  }
0xa5: {  	s4 =	sld [smem:$0x0]  }
0xa6: {  	s5 =	sand.u32 $0xFFFFFFFE, s1  }
0xa7: {  	p0 =	sne.s32 s1, s5  }
0xa8: {  	s5 =	sshll.u32 @p0 s5, $0xE  }
0xa9: {  	s5 =	sadd.s32 @p0 $0x11B8D, s5;
	s6 =	sshll.u32 @p0 s4, $0x11  }
0xaa: {  	s5 =	sor.u32 @p0 s6, s5  }
0xab: {  	[sflag:s5] =	ssyncadd.remote.s32 @p0 $0x1;
	_ =	sdelay $0x1  }
0xac: {  	s5 =	simm.s32 @p0 $0x1B8D  }
0xad: {  	_ =	swait.eq @p0 [sflag:s5], $0x1  }
0xae: {  	[sflag:s5] =	ssyncadd.s32 @p0 $0xFFFFFFFF  }
0xaf: {  	s6 =	sshll.u32 @!p0 s1, $0xE  }
0xb0: {  	s6 =	sor.u32 @!p0 $0x4000, s6;
	s5 =	simm.s32 @!p0 $0x1B8D  }
0xb1: {  	s4 =	sshll.u32 @!p0 s4, $0x11;
	s6 =	sadd.s32 @!p0 $0x11B8D, s6;
	_ =	swait.eq @!p0 [sflag:s5], $0x1  }
0xb2: {  	s4 =	sor.u32 @!p0 s4, s6;
	[sflag:s5] =	ssyncadd.s32 @!p0 $0xFFFFFFFF  }
0xb3: {  	s25 =	simm.s32 $0x1B8E;
	s24 =	sld [smem:$0x3FFE];
	[sflag:s4] =	ssyncadd.remote.s32 @!p0 $0x1  }
0xb4: {  	s26 =	simm.s32 $execute0_lowered;
	[smem:$0x3FD2] =	sst s25  }
0xb5: {  	s5 =	sshll.u32 s26, $0x1;
	_ =	strace $0x80000058;
	[dreg:$0x1] =	wrdreg $0xFFFFFFFF  }
0xb6: {  	s28 =	simm.s32 $_size_execute0_lowered;
	s3 =	sadd.s32 s3, s5;
	[dreg:$0x0] =	wrdreg $0x0  }
0xb7: {  	s5 =	sshll.u32 s28, $0x1;
	[dreg:$0x2] =	wrdreg s3  }
0xb8: {  	[dreg:$0x3] =	wrdreg s5  }
0xb9: {  	[dreg:$0x4] =	wrdreg $0xC0  }
0xba: {  	_ =	task [dreg:s22], $0x5FFFF  }
0xbb: {  	[dreg:$0x1] =	wrdreg $0xFFFFFFFF  }
0xbc: {  	[dreg:$0x0] =	wrdreg $0x60  }
0xbd: {  	[dreg:$0x2] =	wrdreg s24  }
0xbe: {  	[dreg:$0x3] =	wrdreg $0x4000  }
0xbf: {  	[dreg:$0x4] =	wrdreg $0xB  }
0xc0: {  	_ =	task.clear_ibuf [dreg:s22], $0x5FFFF;
	_ =	strace $0x90000058  }
0xc1: {  	s29 =	simm.s32 $0xB;
	_ =	strace $0x8000005A  }
0xc2: {  	_ =	swait.ge [sflag:s29], $0x1  }
0xc3: {  	[sflag:s29] =	ssyncadd.s32 $0xFFFFFFFF  }
0xc4: {  	_ =	strace $0x9000005A  }
0xc5: {  	_ =	sfence  }
0xc6: {  	s30 =	sld [smem:$0x0];
	_ =	sdelay $0x2  }
0xc7: {  	s31 =	sshll.u32 s1, $0xD;
	s1 =	sshrl.u32 s1, $0x2  }
0xc8: {  	s4 =	sand.u32 $0x4000, s31;
	s1 =	sadd.s32 s1, s30  }
0xc9: {  	s0 =	sor.u32 s4, s0;
	s1 =	sshll.u32 s1, $0x11  }
0xca: {  	s0 =	sor.u32 s1, s0  }
0xcb: {  	s0 =	sadd.s32 $0x8F2B, s0  }
0xcc: {  	[sflag:s0] =	ssyncadd.remote.s32 $0x1  }
0xcd: {  	_ =	sfence.sel $0xFFFF  }
0xce: {  	[dreg:$0x0] =	wrdreg $0xFFFFFFFF;
	(pc) =	sbr.abs _section_cstart, $3  }
0xcf: {  	[dreg:$0x1] =	wrdreg $0xFFFFFFFF  }
0xd0: {  	_ =	task.clear_ibuf [dreg:s22], $0x2FFFF;
	_ =	strace $0x9FFFFFFF  }
0xd1: {  	(tm) =	ssettm $0x7FFFFFFF  }
tec
execute0_lowered:
.L_overlay_start_1:
0x0: {  	(tag) =	ssettag $0x1  }
0x1: {  	s6 =	rddreg [dreg:$0x0]  }
0x2: {  	s1 =	rddreg [dreg:$0x1]  }
0x3: {  	s0 =	rddreg [dreg:$0x2];
	s3 =	simm.s32 $0x0;
	s5 =	srdreg.scid  }
0x4: {  	s2 =	stileid.u32;
	s12 =	simm.s32 $0x80;
	s16 =	simm.s32 $0x20  }
0x5: {  	s17 =	simm.s32 $0x10;
	s18 =	simm.s32 $0x0;
	[smem:$0x7FF] =	sst s3  }
0x6: {  	s4 =	sadd.s32 $0xCFE00, s6;
	s8 =	sand.u32 $0x1, s5;
	s7 =	smul.u32 $0xC00, s2  }
0x7: {  	s5 =	sadd.s32 $0xC4800, s6;
	s14 =	smul.u32 $0xC0, s2;
	s31 =	sshll.u32 s2, $0x7  }
0x8: {  	s15 =	sshll.u32 s2, $0x6;
	_ =	strace $0x80000059;
	s9 =	sshll.u32 s8, $0x4  }
0x9: {  	s10 =	ssub.s32 $0x2, s8;
	s30 =	sshll.u32 s8, $0xB;
	s11 =	sadd.s32 s9, s6  }
0xa: {  	s29 =	sshrl.u32 s10, $0x1;
	s7 =	sshrl.u32 s7, $0x2;
	s9 =	sor.u32 s9, s2  }
0xb: {  	s10 =	ssub.s32 s10, s29;
	s6 =	sadd.s32 s7, s1;
	s13 =	sadd.s32 $0xE3A00, s11  }
0xc: {  	s9 =	ssub.s32 $0x9E3, s9;
	s11 =	simm.s32 $0x1;
	s7 =	smax.u32 s10, $0x1  }
0xd: {  	s8 =	sshrl.u32 s9, $0x5;
	s9 =	sor.u32 s31, s30;
	s10 =	simm.s32 $0x100  }
0xe: {  	v0 =	vimm.f32 $0.0e+00;
	s13 =	sadd.s32 s14, s13;
	s14 =	sor.u32 $0x1C01, s15;
	s15 =	sshrl.u32 s6, $0x3  }
.LBB2_1:
0xf: {  	[tilespmem:$0x100] =	vst v0  }
0x10: {  	[tilespmem:$0x110] =	vst v0  }
0x11: {  	[tilespmem:$0x120] =	vst v0  }
0x12: {  	[tilespmem:$0x130] =	vst v0  }
0x13: {  	[tilespmem:$0x140] =	vst v0  }
0x14: {  	[tilespmem:$0x150] =	vst v0  }
0x15: {  	[tilespmem:$0x160] =	vst v0  }
0x16: {  	[tilespmem:$0x170] =	vst v0  }
0x17: {  	[tilespmem:$0x180] =	vst v0  }
0x18: {  	[tilespmem:$0x190] =	vst v0  }
0x19: {  	[tilespmem:$0x1A0] =	vst v0  }
0x1a: {  	[tilespmem:$0x1B0] =	vst v0  }
0x1b: {  	[tilespmem:$0x1C0] =	vst v0  }
0x1c: {  	[tilespmem:$0x1D0] =	vst v0  }
0x1d: {  	[tilespmem:$0x1E0] =	vst v0  }
0x1e: {  	[tilespmem:$0x1F0] =	vst v0  }
0x1f: {  	[tilespmem:$0x200] =	vst v0  }
0x20: {  	[tilespmem:$0x210] =	vst v0  }
0x21: {  	[tilespmem:$0x220] =	vst v0  }
0x22: {  	[tilespmem:$0x230] =	vst v0  }
0x23: {  	[tilespmem:$0x240] =	vst v0  }
0x24: {  	[tilespmem:$0x250] =	vst v0  }
0x25: {  	[tilespmem:$0x260] =	vst v0  }
0x26: {  	[tilespmem:$0x270] =	vst v0  }
0x27: {  	[tilespmem:$0x280] =	vst v0  }
0x28: {  	[tilespmem:$0x290] =	vst v0  }
0x29: {  	[tilespmem:$0x2A0] =	vst v0  }
0x2a: {  	[tilespmem:$0x2B0] =	vst v0  }
0x2b: {  	[tilespmem:$0x2C0] =	vst v0  }
0x2c: {  	[tilespmem:$0x2D0] =	vst v0  }
0x2d: {  	[tilespmem:$0x2E0] =	vst v0  }
0x2e: {  	[tilespmem:$0x2F0] =	vst v0  }
0x2f: {  	[tilespmem:$0x300] =	vst v0  }
0x30: {  	[tilespmem:$0x310] =	vst v0  }
0x31: {  	[tilespmem:$0x320] =	vst v0  }
0x32: {  	[tilespmem:$0x330] =	vst v0  }
0x33: {  	[tilespmem:$0x340] =	vst v0  }
0x34: {  	[tilespmem:$0x350] =	vst v0  }
0x35: {  	[tilespmem:$0x360] =	vst v0  }
0x36: {  	[tilespmem:$0x370] =	vst v0  }
0x37: {  	[tilespmem:$0x380] =	vst v0  }
0x38: {  	[tilespmem:$0x390] =	vst v0  }
0x39: {  	[tilespmem:$0x3A0] =	vst v0  }
0x3a: {  	[tilespmem:$0x3B0] =	vst v0  }
0x3b: {  	[tilespmem:$0x3C0] =	vst v0  }
0x3c: {  	[tilespmem:$0x3D0] =	vst v0  }
0x3d: {  	[tilespmem:$0x3E0] =	vst v0  }
0x3e: {  	[tilespmem:$0x3F0] =	vst v0;
	p1 =	sne.s32 s8, $0x1  }
0x3f: {  	[spmem:s6] =	stream.linear.scatter [tilespmem:s10], [sflag:$0x1], $0x300, $0x38;
	[tilespmem:$0x700] =	vst v63  }
.Ltmp0:
0x40: {  	_ =	swait.ge [sflag:s11], $0x300;
	(pc) =	sbr.rel @!p1 .LBB2_4-.Ltmp0, $4  }
0x41: {  	[sflag:s11] =	ssyncset.done $0x0  }
0x42: {  	[sflag:s11] =	ssyncadd.s32 $0xFFFFFD00  }
0x43: {  	[bflag:$0x0] =	sbarrier.arrive $0xFFFF  }
0x44: {  	s20 =	sadd.s32 $0xFFFFFFFF, s8;
	s19 =	sshrl.u32 s9, $0x3;
	p0 =	por $0x0, $0x0  }
0x45: {  	s21 =	sadd.s32 s5, s19  }
0x46: {  	[tilespmem:s3], [sflag:$0x1] =	stream.linear.gather [hbm4b:s21+s3], $0x80, $0x38;
	[tilespmem:$0x700] =	vst v63  }
0x47: {  	_ =	swait.ge [sflag:s11], $0x80  }
0x48: {  	[sflag:s11] =	ssyncset.done $0x0  }
0x49: {  	s31 =	sadd.s32 s4, s19;
	[sflag:s11] =	ssyncadd.s32 $0xFFFFFF80  }
0x4a: {  	[tilespmem:s12], [sflag:$0x1] =	stream.linear.gather [hbm4b:s31+s3], $0x80, $0x38;
	[tilespmem:$0x700] =	vst v63  }
0x4b: {  	p1 =	sne.s32 s20, $0x1;
	_ =	swait.ge [sflag:s11], $0x80  }
.Ltmp1:
0x4c: {  	[sflag:s11] =	ssyncset.done $0x0;
	(pc) =	sbr.rel @!p1 .LBB2_4-.Ltmp1, $4  }
0x4d: {  	[sflag:s11] =	ssyncadd.s32 $0xFFFFFF80  }
0x4e: {  	[spmem:s1] =	stream.indirect.scatter.add.f32 [tilespmem:s12], [sflag:$0x1], $0x1, s3, s12, $0xb8;
	[tilespmem:$0x700] =	vst v63  }
0x4f: {  	s20 =	sadd.s32 $0xFFFFFFFF, s20;
	s21 =	sadd.s32 $0x1000, s9;
	_ =	swait.ge [sflag:s11], $0x80  }
0x50: {  	p0 =	por $0x1, $0x1;
	s19 =	sshrl.u32 s21, $0x3;
	[sflag:s11] =	ssyncset.done $0x0  }
.LBB2_3:
0x51: {  	p1 =	sne.s32 s20, $0x1;
	s22 =	sadd.s32 s5, s19;
	[sflag:s11] =	ssyncadd.s32 $0xFFFFFF80  }
0x52: {  	[tilespmem:s3], [sflag:$0x1] =	stream.linear.gather [hbm4b:s22+s3], $0x80, $0x38;
	[tilespmem:$0x700] =	vst v63  }
0x53: {  	s20 =	sadd.s32 $0xFFFFFFFF, s20;
	_ =	swait.ge [sflag:s11], $0x80  }
0x54: {  	[sflag:s11] =	ssyncset.done $0x0  }
0x55: {  	s19 =	sadd.s32 s4, s19;
	[sflag:s11] =	ssyncadd.s32 $0xFFFFFF80  }
0x56: {  	[tilespmem:s12], [sflag:$0x1] =	stream.linear.gather [hbm4b:s19+s3], $0x80, $0x38;
	[tilespmem:$0x700] =	vst v63  }
0x57: {  	_ =	swait.ge [sflag:s11], $0x80  }
.Ltmp2:
0x58: {  	[sflag:s11] =	ssyncset.done $0x0;
	(pc) =	sbr.rel @p1 .LBB2_3-.Ltmp2, $4  }
0x59: {  	[sflag:s11] =	ssyncadd.s32 $0xFFFFFF80  }
0x5a: {  	[spmem:s1] =	stream.indirect.scatter.add.f32 [tilespmem:s12], [sflag:$0x1], $0x1, s3, s12, $0xb8;
	[tilespmem:$0x700] =	vst v63  }
0x5b: {  	s21 =	sadd.s32 $0x1000, s21;
	_ =	swait.ge [sflag:s11], $0x80  }
0x5c: {  	s19 =	sshrl.u32 s21, $0x3;
	[sflag:s11] =	ssyncset.done $0x0  }
.LBB2_4:
0x5d: {  	s20 =	sadd.s32 s5, s19;
	[sflag:s11] =	ssyncadd.s32 @p0 $0xFFFFFF80  }
0x5e: {  	[tilespmem:s3], [sflag:$0x1] =	stream.linear.gather [hbm4b:s20+s3], $0x80, $0x38;
	[tilespmem:$0x700] =	vst v63  }
0x5f: {  	_ =	swait.ge [sflag:s11], $0x80  }
0x60: {  	[sflag:s11] =	ssyncset.done $0x0  }
0x61: {  	s31 =	sadd.s32 s4, s19;
	[sflag:s11] =	ssyncadd.s32 $0xFFFFFF80  }
0x62: {  	[tilespmem:s12], [sflag:$0x1] =	stream.linear.gather [hbm4b:s31+s3], $0x80, $0x38;
	[tilespmem:$0x700] =	vst v63  }
0x63: {  	_ =	swait.ge [sflag:s11], $0x80  }
0x64: {  	[sflag:s11] =	ssyncset.done $0x0  }
0x65: {  	[sflag:s11] =	ssyncadd.s32 $0xFFFFFF80  }
0x66: {  	[spmem:s1] =	stream.indirect.scatter.add.f32 [tilespmem:s12], [sflag:$0x1], $0x1, s3, s12, $0xb8;
	[tilespmem:$0x700] =	vst v63  }
0x67: {  	_ =	swait.ge [sflag:s11], $0x80  }
0x68: {  	s18 =	sadd.s32 $0x1, s18;
	[sflag:s11] =	ssyncset.done $0x0  }
0x69: {  	p0 =	sne.s32 s18, s7;
	[sflag:s11] =	ssyncadd.s32 $0xFFFFFF80  }
.Ltmp3:
0x6a: {  	[bflag:$0x0] =	sbarrier.arrive $0xFFFF;
	(pc) =	sbr.rel @p0 .LBB2_1-.Ltmp3, $4  }
0x6b: {  	[hbm:s13@s16], [sflag:s14] =	dma.strided [spmem:s15@s17], $0x60, s11, $0x10   }
0x6c: {  	_ =	swait.ge [sflag:s11], $0x60  }
0x6d: {  	[sflag:s11] =	ssyncset.done $0x0  }
0x6e: {  	[sflag:s11] =	ssyncadd.s32 $0xFFFFFFA0  }
0x6f: {  	_ =	sfence.sel $0x180000  }
0x70: {  	[bflag:$0x0] =	sbarrier.arrive $0xFFFF  }
0x71: {  	p0 =	sne.s32 s2, $0x0;
	_ =	strace $0x90000059  }
0x72: {  	s0 =	sadd.s32 @!p0 $0x100000, s0;
	[bflag:$0x2] =	sbarrier.arrive $0xFFFF  }
0x73: {  	[sflag:s0] =	ssyncadd.tile.s32 @!p0 $0x1;
	_ =	shalt  }
.Lfunc_end2:
_tile_overlayer_lowered:
.L_overlay_start_2:
0x74: {  	(tag) =	ssettag $0x2  }
0x75: {  	s0 =	rddreg [dreg:$0x0];
	s2 =	stileid.u32  }
0x76: {  	s1 =	rddreg [dreg:$0x1];
	p0 =	sne.s32 s2, $0x0  }
0x77: {  	s3 =	rddreg [dreg:$0x2];
	[bflag:$0x3] =	sbarrier.arrive $0xFFFF;
	s2 =	simm.s32 @!p0 $0x1C01  }
0x78: {  	[timem:s3], [sflag:s2] =	dma.local @!p0 [hbm:s0], s1  }
0x79: {  	s0 =	simm.s32 @!p0 $0x1  }
0x7a: {  	_ =	swait.ge @!p0 [sflag:s0], s1  }
0x7b: {  	s1 =	ssub.s32 @!p0 $0x0, s1;
	[sflag:s0] =	ssyncset.done @!p0 $0x0  }
0x7c: {  	[sflag:s0] =	ssyncadd.s32 @!p0 s1  }
0x7d: {  	[bflag:$0x3] =	sbarrier.arrive $0xFFFF  }
0x7e: {  	_ =	shalt  }

// kernel: kernel.48.cloned.1.call-start
scs
__scs_entry_jumppad:
0x0: {  	(pc) =	sbr.rel $0x88, $3  }
0x1: {  	(tag) =	ssettag $0x0;
	lr =	simm.s32 $0x1  }
0x2: {  	[smem:$0x3F98] =	sst lr;
	_ =	strace $0xD0000000  }
0x3: {  	_ = 	snop  }
0x4: {  	_ = 	snop  }
0x5: {  	_ = 	snop  }
0x6: {  	_ = 	snop  }
0x7: {  	_ = 	snop  }
__scs_overlays_trampoline_lowered:
0x8: {  	[smem:$0x3FA7] =	sst s0  }
0x9: {  	[smem:$0x3FA8] =	sst s1  }
0xa: {  	[smem:$0x3FA9] =	sst s2  }
0xb: {  	[smem:$0x3FAA] =	sst s3  }
0xc: {  	[smem:$0x3FAB] =	sst s4  }
0xd: {  	[smem:$0x3FAC] =	sst s5  }
0xe: {  	[smem:$0x3FAD] =	sst s6  }
0xf: {  	[smem:$0x3FAE] =	sst s7  }
0x10: {  	[smem:$0x3FAF] =	sst s8  }
0x11: {  	[smem:$0x3FB0] =	sst s9;
	s0 =	simm.s32 @!p0 $0x0  }
0x12: {  	s1 =	sld [smem:$0x3F96];
	s0 =	simm.s32 @p0 $0x1  }
0x13: {  	[smem:$0x3FB1] =	sst s0;
	s0 =	simm.s32 @!p1 $0x0  }
0x14: {  	s2 =	sld [smem:$0x3F95];
	s0 =	simm.s32 @p1 $0x1  }
0x15: {  	[smem:$0x3FB2] =	sst s0;
	s0 =	simm.s32 @!p2 $0x0  }
0x16: {  	s3 =	sld [smem:$0x3FDB];
	s0 =	simm.s32 @p2 $0x1  }
0x17: {  	s4 =	simm.s32 $0x1BF5;
	[smem:$0x3FB4] =	sst s0  }
0x18: {  	s0 =	sld [smem:$0x3F97];
	_ =	swait.ge [sflag:s4], $0x0  }
0x19: {  	s7 =	sld [smem:$0x3F98]  }
0x1a: {  	s8 =	sadd.s32 $0xFFFFE003, lr  }
0x1b: {  	s9 =	sadd.s32 $0xFFFFFEF7, lr;
	s5 =	simm.s32 $0xFFFFFFFF;
	p2 =	slt.u32 s8, $0xFFFFF086  }
0x1c: {  	p1 =	slt.u32 s9, $0xF7A;
	s5 =	simm.s32 @!p2 $0x0  }
0x1d: {  	s5 =	simm.s32 @p1 $0x1;
	p0 =	seq.s32 s7, s2  }
0x1e: {  	s7 =	smul.u32 @!p0 $0xF7A, s2;
	p2 =	seq.s32 @!p0 s5, $0x0  }
0x1f: {  	s9 =	smul.u32 $0xF7A, s1;
	s8 =	simm.s32 @!p0 $0x1BF5;
	p2 =	por !p2, p0  }
0x20: {  	[sflag:s8] =	ssyncset.s32 @!p0 $0xFFFFF086;
	s6 =	sadd.s32 @!p0 s3, s7;
	s7 =	simm.s32 @!p0 $0x108  }
0x21: {  	s3 =	sadd.s32 s3, s9;
	s6 =	sadd.s32 @!p0 $0x88, s6;
	s7 =	simm.s32 @p2 $0x1082  }
0x22: {  	[simem:s7], [sflag:s8] =	dma.local @!p0 [hbm:s6], $0xF7A  }
0x23: {  	s9 =	sor.u32 $0xD0000000, s2;
	s6 =	simm.s32 $0x108;
	_ =	swait.ge @!p0 [sflag:s8], $0x0  }
0x24: {  	s3 =	sadd.s32 $0x88, s3;
	s6 =	simm.s32 @!p1 $0x1082;
	[sflag:s4] =	ssyncset.s32 $0xFFFFF086  }
0x25: {  	[simem:s6], [sflag:s4] =	dma.local [hbm:s3], $0xF7A  }
0x26: {  	[smem:$0x3F98] =	sst s1;
	(tag) =	ssettag s2;
	_ =	strace s9  }
0x27: {  	s1 =	sld [smem:$0x3FA8]  }
0x28: {  	s2 =	sld [smem:$0x3FA9]  }
0x29: {  	s4 =	sld [smem:$0x3FAB]  }
0x2a: {  	p0 =	seq.s32 s5, $0x0;
	s5 =	sld [smem:$0x3FAC]  }
0x2b: {  	s6 =	sld [smem:$0x3FAD]  }
0x2c: {  	s7 =	sld [smem:$0x3FAE]  }
0x2d: {  	s3 =	simm.s32 $0x108;
	s8 =	sld [smem:$0x3FAF]  }
0x2e: {  	s3 =	simm.s32 @!p0 $0x1082;
	s9 =	sld [smem:$0x3FB0]  }
0x2f: {  	lr =	sadd.s32 s0, s3;
	s0 =	sld [smem:$0x3FA7]  }
0x30: {  	s3 =	sld [smem:$0x3FAA]  }
0x31: {  	[smem:$0x3FB3] =	sst s10  }
0x32: {  	s10 =	sld [smem:$0x3FB1];
	_ =	sdelay $0x3  }
0x33: {  	p0 =	seq.s32 s10, $0x1;
	s10 =	sld [smem:$0x3FB3];
	_ =	sdelay $0x3  }
0x34: {  	[smem:$0x3FB3] =	sst s10  }
0x35: {  	s10 =	sld [smem:$0x3FB2];
	_ =	sdelay $0x3  }
0x36: {  	p1 =	seq.s32 s10, $0x1;
	s10 =	sld [smem:$0x3FB3];
	_ =	sdelay $0x3  }
0x37: {  	[smem:$0x3FB3] =	sst s10  }
0x38: {  	s10 =	sld [smem:$0x3FB4]  }
0x39: {  	_ = 	snop;
	(pc) =	sbr.ind lr, $3  }
0x3a: {  	_ = 	snop  }
0x3b: {  	_ = 	snop  }
0x3c: {  	p2 =	seq.s32 s10, $0x1;
	s10 =	sld [smem:$0x3FB3]  }
0x3d: {  	_ =	shalt  }
0x3e: {  	_ =	shalt  }
0x3f: {  	_ =	shalt  }
0x40: {  	_ =	shalt  }
0x41: {  	_ =	shalt  }
0x42: {  	_ =	shalt  }
0x43: {  	_ =	shalt  }
0x44: {  	_ =	shalt  }
0x45: {  	_ =	shalt  }
0x46: {  	_ =	shalt  }
0x47: {  	_ =	shalt  }
0x48: {  	_ =	shalt  }
0x49: {  	_ =	shalt  }
0x4a: {  	_ =	shalt  }
0x4b: {  	_ =	shalt  }
0x4c: {  	_ =	shalt  }
0x4d: {  	_ =	shalt  }
0x4e: {  	_ =	shalt  }
0x4f: {  	_ =	shalt  }
0x50: {  	_ =	shalt  }
0x51: {  	_ =	shalt  }
0x52: {  	_ =	shalt  }
0x53: {  	_ =	shalt  }
0x54: {  	_ =	shalt  }
0x55: {  	_ =	shalt  }
0x56: {  	_ =	shalt  }
0x57: {  	_ =	shalt  }
0x58: {  	_ =	shalt  }
0x59: {  	_ =	shalt  }
0x5a: {  	_ =	shalt  }
0x5b: {  	_ =	shalt  }
0x5c: {  	_ =	shalt  }
0x5d: {  	_ =	shalt  }
0x5e: {  	_ =	shalt  }
0x5f: {  	_ =	shalt  }
0x60: {  	_ =	shalt  }
0x61: {  	_ =	shalt  }
0x62: {  	_ =	shalt  }
0x63: {  	_ =	shalt  }
0x64: {  	_ =	shalt  }
0x65: {  	_ =	shalt  }
0x66: {  	_ =	shalt  }
0x67: {  	_ =	shalt  }
0x68: {  	_ =	shalt  }
0x69: {  	_ =	shalt  }
0x6a: {  	_ =	shalt  }
0x6b: {  	_ =	shalt  }
0x6c: {  	_ =	shalt  }
0x6d: {  	_ =	shalt  }
0x6e: {  	_ =	shalt  }
0x6f: {  	_ =	shalt  }
0x70: {  	_ =	shalt  }
0x71: {  	_ =	shalt  }
0x72: {  	_ =	shalt  }
0x73: {  	_ =	shalt  }
0x74: {  	_ =	shalt  }
0x75: {  	_ =	shalt  }
0x76: {  	_ =	shalt  }
0x77: {  	_ =	shalt  }
0x78: {  	_ =	shalt  }
0x79: {  	_ =	shalt  }
0x7a: {  	_ =	shalt  }
0x7b: {  	_ =	shalt  }
0x7c: {  	_ =	shalt  }
0x7d: {  	_ =	shalt  }
0x7e: {  	_ =	shalt  }
0x7f: {  	_ =	shalt  }
0x80: {  	_ =	shalt  }
0x81: {  	_ =	shalt  }
0x82: {  	_ =	shalt  }
0x83: {  	_ =	shalt  }
0x84: {  	_ =	shalt  }
0x85: {  	_ =	shalt  }
0x86: {  	_ =	shalt  }
0x87: {  	_ =	shalt  }
.Lfunc_end0:
.L_simem_size_0:
called_computation.8_lowered:
.L_overlay_start_0:
0x88: {  	s0 =	sld [smem:$0x3FD9]  }
0x89: {  	s1 =	sld [smem:$0x3FFE];
	_ =	sdelay $0x3  }
0x8a: {  	s0 =	sadd.s32 s1, s0  }
0x8b: {  	[smem:$0x3FBF] =	sst s0  }
0x8c: {  	_ = 	snop  }
0x8d: {  	(tm) =	ssettm $0x1  }
0x8e: {  	s15 =	sld [smem:$0x3FFB];
	_ =	sdelay $0x3  }
0x8f: {  	_ =	strace s15  }
0x90: {  	s0 =	sld [smem:$0x3FFC];
	_ =	sdelay $0x3  }
0x91: {  	_ =	strace s0  }
0x92: {  	s0 =	sld [smem:$0x3FFD];
	_ =	sdelay $0x3  }
0x93: {  	_ =	strace s0  }
0x94: {  	_ =	strace $0x8FFFFFFF  }
0x95: {  	s16 =	sld [smem:$0x3FDB];
	_ =	sdelay $0x1  }
0x96: {  	s17 =	simm.s32 $_scs_section_size  }
0x97: {  	s2 =	simm.s32 $_size__tile_overlayer_lowered;
	s3 =	simm.s32 $_tile_overlayer_lowered  }
0x98: {  	s20 =	simm.s32 $0x1BFF;
	s19 =	sshll.u32 s3, $0x1;
	s0 =	sadd.s32 s17, s16  }
0x99: {  	s4 =	simm.s32 $0x0;
	s18 =	sshll.u32 s2, $0x1;
	s2 =	sadd.s32 s19, s0  }
0x9a: {  	[timem:s4], [sflag:s20] =	dma.local [hbm:s2], s18  }
0x9b: {  	_ =	swait.ge [sflag:s20], s18  }
0x9c: {  	s1 =	ssub.s32 $0x0, s18;
	[sflag:s20] =	ssyncset.done $0x0  }
0x9d: {  	[sflag:s20] =	ssyncadd.s32 s1;
	_ =	sdelay $0x1  }
0x9e: {  	s21 =	simm.s32 $0x1B8B  }
0x9f: {  	_ =	swait.ge [sflag:s21], $0x1  }
0xa0: {  	[sflag:s21] =	ssyncset.done $0x0  }
0xa1: {  	s23 =	simm.s32 $0x1B8E;
	s22 =	sld [smem:$0x3FFE];
	[sflag:s21] =	ssyncadd.s32 $0xFFFFFFFF  }
0xa2: {  	s24 =	simm.s32 $execute0_lowered;
	[smem:$0x3FD2] =	sst s23  }
0xa3: {  	s2 =	sshll.u32 s24, $0x1;
	_ =	strace $0x8000005E;
	[dreg:$0x1] =	wrdreg $0xFFFFFFFF  }
0xa4: {  	s25 =	simm.s32 $_size_execute0_lowered;
	s0 =	sadd.s32 s0, s2;
	[dreg:$0x0] =	wrdreg $0x0  }
0xa5: {  	s2 =	sshll.u32 s25, $0x1;
	[dreg:$0x2] =	wrdreg s0  }
0xa6: {  	[dreg:$0x3] =	wrdreg s2  }
0xa7: {  	[dreg:$0x4] =	wrdreg $0xC0  }
0xa8: {  	_ =	task [dreg:s4], $0x5FFFF  }
0xa9: {  	[dreg:$0x1] =	wrdreg $0xFFFFFFFF  }
0xaa: {  	[dreg:$0x0] =	wrdreg $0x60  }
0xab: {  	[dreg:$0x2] =	wrdreg s22  }
0xac: {  	[dreg:$0x3] =	wrdreg $0x61000  }
0xad: {  	[dreg:$0x4] =	wrdreg $0x9  }
0xae: {  	_ =	task.clear_ibuf [dreg:s4], $0x5FFFF;
	_ =	strace $0x9000005E  }
0xaf: {  	s26 =	simm.s32 $0x9;
	_ =	strace $0x80000060  }
0xb0: {  	_ =	swait.ge [sflag:s26], $0x1  }
0xb1: {  	[sflag:s26] =	ssyncadd.s32 $0xFFFFFFFF  }
0xb2: {  	_ =	strace $0x90000060  }
0xb3: {  	_ =	sfence  }
0xb4: {  	s28 =	sld [smem:$0x0];
	_ =	sdelay $0x1  }
0xb5: {  	s29 =	srdreg.scid  }
0xb6: {  	s30 =	sshll.u32 s29, $0xD;
	s31 =	sshrl.u32 s29, $0x2  }
0xb7: {  	s1 =	sand.u32 $0x1, s29;
	s2 =	sand.u32 $0x4000, s30;
	s0 =	sadd.s32 s31, s28  }
0xb8: {  	s1 =	sor.u32 s2, s1;
	s0 =	sshll.u32 s0, $0x11  }
0xb9: {  	s0 =	sor.u32 s0, s1  }
0xba: {  	s0 =	sadd.s32 $0x8F2B, s0  }
0xbb: {  	[sflag:s0] =	ssyncadd.remote.s32 $0x1  }
0xbc: {  	_ =	sfence.sel $0xFFFF  }
0xbd: {  	[dreg:$0x0] =	wrdreg $0xFFFFFFFF;
	(pc) =	sbr.abs _section_cstart, $3  }
0xbe: {  	[dreg:$0x1] =	wrdreg $0xFFFFFFFF  }
0xbf: {  	_ =	task.clear_ibuf [dreg:s4], $0x2FFFF;
	_ =	strace $0x9FFFFFFF  }
0xc0: {  	(tm) =	ssettm $0x7FFFFFFF  }
0xc1: {  	_ =	shalt  }
tec
execute0_lowered:
.L_overlay_start_1:
0x0: {  	(tag) =	ssettag $0x1  }
0x1: {  	s1 =	rddreg [dreg:$0x0]  }
0x2: {  	s2 =	rddreg [dreg:$0x1]  }
0x3: {  	s0 =	rddreg [dreg:$0x2];
	s5 =	simm.s32 $0x0  }
0x4: {  	[smem:$0x7FF] =	sst s5;
	s3 =	sadd.s32 $0x31000, s1;
	s8 =	sadd.s32 $0xBAA00, s1  }
0x5: {  	s7 =	sadd.s32 $0xD9C00, s1;
	s6 =	sand.u32 $0x7E00, s5;
	s4 =	sadd.s32 $0xE3A00, s1  }
0x6: {  	s9 =	sand.u32 $0x70, s5;
	s1 =	stileid.u32;
	s10 =	sshrl.u32 s6, $0x2  }
0x7: {  	v0 =	vimm.f32 $0.0e+00;
	_ =	strace $0x8000005F;
	s6 =	simm.s32 $0x40;
	s9 =	sor.u32 s9, s10  }
.LBB2_1:
0x8: {  	p0 =	sne.s32 s6, $0x7FC0  }
0x9: {  	[tilespmem:s9+$0x4100] =	vst v0;
	s5 =	sadd.s32 $0x10, s5;
	s9 =	smov.u32 s6;
	s6 =	sadd.s32 $0x40, s6  }
.Ltmp0:
0xa: {  	(pc) =	sbr.rel @p0 .LBB2_1-.Ltmp0, $4  }
0xb: {  	_ = 	snop  }
0xc: {  	s9 =	sand.u32 $0x7E00, s9  }
0xd: {  	s10 =	sand.u32 $0x70, s5;
	s9 =	sshrl.u32 s9, $0x2  }
0xe: {  	s9 =	sor.u32 s10, s9  }
0xf: {  	s5 =	smul.u32 $0x50000, s1;
	_ =	sdelay $0x1  }
0x10: {  	s5 =	sshrl.u32 s5, $0x2  }
0x11: {  	[tilespmem:s9+$0x4100] =	vst v0;
	s21 =	simm.s32 $0x4100;
	s6 =	sadd.s32 s5, s2;
	s5 =	simm.s32 $0x1  }
0x12: {  	[spmem:s6] =	stream.linear.scatter [tilespmem:s21], [sflag:$0x1], $0x2000, $0x38;
	[tilespmem:$0x1A100] =	vst v63  }
0x13: {  	_ =	swait.ge [sflag:s5], $0x2000  }
0x14: {  	[sflag:s5] =	ssyncset.done $0x0  }
0x15: {  	s10 =	sadd.s32 $0x2000, s6;
	[sflag:s5] =	ssyncadd.s32 $0xFFFFE000  }
0x16: {  	[spmem:s10] =	stream.linear.scatter [tilespmem:s21], [sflag:$0x1], $0x2000, $0x38;
	[tilespmem:$0x1A100] =	vst v63  }
0x17: {  	_ =	swait.ge [sflag:s5], $0x2000  }
0x18: {  	[sflag:s5] =	ssyncset.done $0x0  }
0x19: {  	s22 =	sadd.s32 $0x4000, s6;
	[sflag:s5] =	ssyncadd.s32 $0xFFFFE000  }
0x1a: {  	[spmem:s22] =	stream.linear.scatter [tilespmem:s21], [sflag:$0x1], $0x2000, $0x38;
	[tilespmem:$0x1A100] =	vst v63  }
0x1b: {  	_ =	swait.ge [sflag:s5], $0x2000  }
0x1c: {  	[sflag:s5] =	ssyncset.done $0x0  }
0x1d: {  	s23 =	sadd.s32 $0x6000, s6;
	[sflag:s5] =	ssyncadd.s32 $0xFFFFE000  }
0x1e: {  	[spmem:s23] =	stream.linear.scatter [tilespmem:s21], [sflag:$0x1], $0x2000, $0x38;
	[tilespmem:$0x1A100] =	vst v63  }
0x1f: {  	_ =	swait.ge [sflag:s5], $0x2000  }
0x20: {  	[sflag:s5] =	ssyncset.done $0x0  }
0x21: {  	s24 =	sadd.s32 $0x8000, s6;
	[sflag:s5] =	ssyncadd.s32 $0xFFFFE000  }
0x22: {  	[spmem:s24] =	stream.linear.scatter [tilespmem:s21], [sflag:$0x1], $0x2000, $0x38;
	[tilespmem:$0x1A100] =	vst v63  }
0x23: {  	_ =	swait.ge [sflag:s5], $0x2000  }
0x24: {  	[sflag:s5] =	ssyncset.done $0x0  }
0x25: {  	s25 =	sadd.s32 $0xA000, s6;
	[sflag:s5] =	ssyncadd.s32 $0xFFFFE000  }
0x26: {  	[spmem:s25] =	stream.linear.scatter [tilespmem:s21], [sflag:$0x1], $0x2000, $0x38;
	[tilespmem:$0x1A100] =	vst v63  }
0x27: {  	_ =	swait.ge [sflag:s5], $0x2000  }
0x28: {  	[sflag:s5] =	ssyncset.done $0x0  }
0x29: {  	s26 =	sadd.s32 $0xC000, s6;
	[sflag:s5] =	ssyncadd.s32 $0xFFFFE000  }
0x2a: {  	[spmem:s26] =	stream.linear.scatter [tilespmem:s21], [sflag:$0x1], $0x2000, $0x38;
	[tilespmem:$0x1A100] =	vst v63  }
0x2b: {  	_ =	swait.ge [sflag:s5], $0x2000  }
0x2c: {  	[sflag:s5] =	ssyncset.done $0x0  }
0x2d: {  	s28 =	sadd.s32 $0xE000, s6;
	[sflag:s5] =	ssyncadd.s32 $0xFFFFE000  }
0x2e: {  	[spmem:s28] =	stream.linear.scatter [tilespmem:s21], [sflag:$0x1], $0x2000, $0x38;
	[tilespmem:$0x1A100] =	vst v63  }
0x2f: {  	_ =	swait.ge [sflag:s5], $0x2000  }
0x30: {  	[sflag:s5] =	ssyncset.done $0x0  }
0x31: {  	s29 =	sadd.s32 $0x10000, s6;
	[sflag:s5] =	ssyncadd.s32 $0xFFFFE000  }
0x32: {  	[spmem:s29] =	stream.linear.scatter [tilespmem:s21], [sflag:$0x1], $0x2000, $0x38;
	[tilespmem:$0x1A100] =	vst v63  }
0x33: {  	_ =	swait.ge [sflag:s5], $0x2000  }
0x34: {  	[sflag:s5] =	ssyncset.done $0x0  }
0x35: {  	s30 =	sadd.s32 $0x12000, s6;
	[sflag:s5] =	ssyncadd.s32 $0xFFFFE000  }
0x36: {  	[spmem:s30] =	stream.linear.scatter [tilespmem:s21], [sflag:$0x1], $0x2000, $0x38;
	[tilespmem:$0x1A100] =	vst v63  }
0x37: {  	_ =	swait.ge [sflag:s5], $0x2000  }
0x38: {  	[sflag:s5] =	ssyncset.done $0x0  }
0x39: {  	s31 =	sshll.u32 s1, $0x4;
	[sflag:s5] =	ssyncadd.s32 $0xFFFFE000  }
0x3a: {  	s9 =	simm.s32 $0x0;
	s8 =	sadd.s32 s31, s8;
	[bflag:$0x0] =	sbarrier.arrive $0xFFFF  }
0x3b: {  	[tilespmem:s9], [sflag:$0x1] =	stream.linear.gather [hbm4b:s8+s9], $0x80, $0x38;
	[tilespmem:$0x1A100] =	vst v63  }
0x3c: {  	_ =	swait.ge [sflag:s5], $0x80  }
0x3d: {  	[sflag:s5] =	ssyncset.done $0x0  }
0x3e: {  	s7 =	sadd.s32 s31, s7;
	s10 =	simm.s32 $0x80;
	[sflag:s5] =	ssyncadd.s32 $0xFFFFFF80  }
0x3f: {  	[tilespmem:s10], [sflag:$0x1] =	stream.linear.gather [hbm4b:s7+s9], $0x80, $0x38;
	[tilespmem:$0x1A100] =	vst v63  }
0x40: {  	_ =	swait.ge [sflag:s5], $0x80  }
0x41: {  	s12 =	ssub.s32 $0x9D3, s1;
	[sflag:s5] =	ssyncset.done $0x0  }
0x42: {  	s11 =	simm.s32 $0x100;
	s12 =	sshrl.u32 s12, $0x4;
	[sflag:s5] =	ssyncadd.s32 $0xFFFFFF80  }
0x43: {  	[tilespmem:s11], [sflag:$0x1] =	stream.indirect.gather [hbm4b:s3+s10], $0x80, s9, s10, $0xb8;
	[tilespmem:$0x1A100] =	vst v63  }
0x44: {  	p0 =	sne.s32 s12, $0x1;
	_ =	swait.ge [sflag:s5], $0x4000  }
.Ltmp1:
0x45: {  	[sflag:s5] =	ssyncset.done $0x0;
	(pc) =	sbr.rel @!p0 .LBB2_4-.Ltmp1, $4  }
0x46: {  	[sflag:s5] =	ssyncadd.s32 $0xFFFFC000  }
0x47: {  	[spmem:s2] =	stream.indirect.scatter.add.f32 [tilespmem:s11], [sflag:$0x1], $0x80, s10, s10, $0xb8;
	[tilespmem:$0x1A100] =	vst v63  }
0x48: {  	_ =	swait.ge [sflag:s5], $0x4000  }
0x49: {  	s12 =	sadd.s32 $0xFFFFFFFF, s12;
	[sflag:s5] =	ssyncset.done $0x0  }
.LBB2_3:
0x4a: {  	[sflag:s5] =	ssyncadd.s32 $0xFFFFC000;
	s7 =	sadd.s32 $0x100, s7;
	s8 =	sadd.s32 $0x100, s8  }
0x4b: {  	[tilespmem:s9], [sflag:$0x1] =	stream.linear.gather [hbm4b:s8+s9], $0x80, $0x38;
	[tilespmem:$0x1A100] =	vst v63  }
0x4c: {  	p0 =	sne.s32 s12, $0x1;
	s12 =	sadd.s32 $0xFFFFFFFF, s12;
	_ =	swait.ge [sflag:s5], $0x80  }
0x4d: {  	[sflag:s5] =	ssyncset.done $0x0  }
0x4e: {  	[sflag:s5] =	ssyncadd.s32 $0xFFFFFF80  }
0x4f: {  	[tilespmem:s10], [sflag:$0x1] =	stream.linear.gather [hbm4b:s7+s9], $0x80, $0x38;
	[tilespmem:$0x1A100] =	vst v63  }
0x50: {  	_ =	swait.ge [sflag:s5], $0x80  }
0x51: {  	[sflag:s5] =	ssyncset.done $0x0  }
0x52: {  	[sflag:s5] =	ssyncadd.s32 $0xFFFFFF80  }
0x53: {  	[tilespmem:s11], [sflag:$0x1] =	stream.indirect.gather [hbm4b:s3+s10], $0x80, s9, s10, $0xb8;
	[tilespmem:$0x1A100] =	vst v63  }
0x54: {  	_ =	swait.ge [sflag:s5], $0x4000  }
.Ltmp2:
0x55: {  	[sflag:s5] =	ssyncset.done $0x0;
	(pc) =	sbr.rel @p0 .LBB2_3-.Ltmp2, $4  }
0x56: {  	[sflag:s5] =	ssyncadd.s32 $0xFFFFC000  }
0x57: {  	[spmem:s2] =	stream.indirect.scatter.add.f32 [tilespmem:s11], [sflag:$0x1], $0x80, s10, s10, $0xb8;
	[tilespmem:$0x1A100] =	vst v63  }
0x58: {  	_ =	swait.ge [sflag:s5], $0x4000  }
0x59: {  	[sflag:s5] =	ssyncset.done $0x0  }
.LBB2_4:
0x5a: {  	s2 =	smul.u32 $0x2800, s1  }
0x5b: {  	[sflag:s5] =	ssyncadd.s32 $0xFFFFC000;
	s3 =	sshll.u32 s1, $0x6;
	s31 =	sshrl.u32 s6, $0x3  }
0x5c: {  	[bflag:$0x0] =	sbarrier.arrive $0xFFFF;
	s3 =	sor.u32 $0x1C01, s3;
	s2 =	sadd.s32 s4, s2  }
0x5d: {  	[hbm:s2], [sflag:s3] =	dma.local [spmem:s31], $0x2800  }
0x5e: {  	_ =	swait.ge [sflag:s5], $0x2800  }
0x5f: {  	[sflag:s5] =	ssyncset.done $0x0  }
0x60: {  	[sflag:s5] =	ssyncadd.s32 $0xFFFFD800  }
0x61: {  	_ =	sfence.sel $0x180000  }
0x62: {  	[bflag:$0x0] =	sbarrier.arrive $0xFFFF  }
0x63: {  	p0 =	sne.s32 s1, $0x0;
	_ =	strace $0x9000005F  }
0x64: {  	s0 =	sadd.s32 @!p0 $0x100000, s0;
	[bflag:$0x2] =	sbarrier.arrive $0xFFFF  }
0x65: {  	[sflag:s0] =	ssyncadd.tile.s32 @!p0 $0x1;
	_ =	shalt  }
.Lfunc_end2:
_tile_overlayer_lowered:
.L_overlay_start_2:
0x66: {  	(tag) =	ssettag $0x2  }
0x67: {  	s0 =	rddreg [dreg:$0x0];
	s2 =	stileid.u32  }
0x68: {  	s1 =	rddreg [dreg:$0x1];
	p0 =	sne.s32 s2, $0x0  }
0x69: {  	s3 =	rddreg [dreg:$0x2];
	[bflag:$0x3] =	sbarrier.arrive $0xFFFF;
	s2 =	simm.s32 @!p0 $0x1C01  }
0x6a: {  	[timem:s3], [sflag:s2] =	dma.local @!p0 [hbm:s0], s1  }
0x6b: {  	s0 =	simm.s32 @!p0 $0x1  }
0x6c: {  	_ =	swait.ge @!p0 [sflag:s0], s1  }
0x6d: {  	s1 =	ssub.s32 @!p0 $0x0, s1;
	[sflag:s0] =	ssyncset.done @!p0 $0x0  }
0x6e: {  	[sflag:s0] =	ssyncadd.s32 @!p0 s1  }
0x6f: {  	[bflag:$0x3] =	sbarrier.arrive $0xFFFF  }
0x70: {  	_ =	shalt  }

// kernel: kernel.51.cloned.1.call-start
scs
__scs_entry_jumppad:
0x0: {  	(pc) =	sbr.rel $0x88, $3  }
0x1: {  	(tag) =	ssettag $0x0;
	lr =	simm.s32 $0x1  }
0x2: {  	[smem:$0x3F98] =	sst lr;
	_ =	strace $0xD0000000  }
0x3: {  	_ = 	snop  }
0x4: {  	_ = 	snop  }
0x5: {  	_ = 	snop  }
0x6: {  	_ = 	snop  }
0x7: {  	_ = 	snop  }
__scs_overlays_trampoline_lowered:
0x8: {  	[smem:$0x3FA7] =	sst s0  }
0x9: {  	[smem:$0x3FA8] =	sst s1  }
0xa: {  	[smem:$0x3FA9] =	sst s2  }
0xb: {  	[smem:$0x3FAA] =	sst s3  }
0xc: {  	[smem:$0x3FAB] =	sst s4  }
0xd: {  	[smem:$0x3FAC] =	sst s5  }
0xe: {  	[smem:$0x3FAD] =	sst s6  }
0xf: {  	[smem:$0x3FAE] =	sst s7  }
0x10: {  	[smem:$0x3FAF] =	sst s8  }
0x11: {  	[smem:$0x3FB0] =	sst s9;
	s0 =	simm.s32 @!p0 $0x0  }
0x12: {  	s1 =	sld [smem:$0x3F96];
	s0 =	simm.s32 @p0 $0x1  }
0x13: {  	[smem:$0x3FB1] =	sst s0;
	s0 =	simm.s32 @!p1 $0x0  }
0x14: {  	s2 =	sld [smem:$0x3F95];
	s0 =	simm.s32 @p1 $0x1  }
0x15: {  	[smem:$0x3FB2] =	sst s0;
	s0 =	simm.s32 @!p2 $0x0  }
0x16: {  	s3 =	sld [smem:$0x3FDB];
	s0 =	simm.s32 @p2 $0x1  }
0x17: {  	s4 =	simm.s32 $0x1BF5;
	[smem:$0x3FB4] =	sst s0  }
0x18: {  	s0 =	sld [smem:$0x3F97];
	_ =	swait.ge [sflag:s4], $0x0  }
0x19: {  	s7 =	sld [smem:$0x3F98]  }
0x1a: {  	s8 =	sadd.s32 $0xFFFFE003, lr  }
0x1b: {  	s9 =	sadd.s32 $0xFFFFFEF7, lr;
	s5 =	simm.s32 $0xFFFFFFFF;
	p2 =	slt.u32 s8, $0xFFFFF086  }
0x1c: {  	p1 =	slt.u32 s9, $0xF7A;
	s5 =	simm.s32 @!p2 $0x0  }
0x1d: {  	s5 =	simm.s32 @p1 $0x1;
	p0 =	seq.s32 s7, s2  }
0x1e: {  	s7 =	smul.u32 @!p0 $0xF7A, s2;
	p2 =	seq.s32 @!p0 s5, $0x0  }
0x1f: {  	s9 =	smul.u32 $0xF7A, s1;
	s8 =	simm.s32 @!p0 $0x1BF5;
	p2 =	por !p2, p0  }
0x20: {  	[sflag:s8] =	ssyncset.s32 @!p0 $0xFFFFF086;
	s6 =	sadd.s32 @!p0 s3, s7;
	s7 =	simm.s32 @!p0 $0x108  }
0x21: {  	s3 =	sadd.s32 s3, s9;
	s6 =	sadd.s32 @!p0 $0x88, s6;
	s7 =	simm.s32 @p2 $0x1082  }
0x22: {  	[simem:s7], [sflag:s8] =	dma.local @!p0 [hbm:s6], $0xF7A  }
0x23: {  	s9 =	sor.u32 $0xD0000000, s2;
	s6 =	simm.s32 $0x108;
	_ =	swait.ge @!p0 [sflag:s8], $0x0  }
0x24: {  	s3 =	sadd.s32 $0x88, s3;
	s6 =	simm.s32 @!p1 $0x1082;
	[sflag:s4] =	ssyncset.s32 $0xFFFFF086  }
0x25: {  	[simem:s6], [sflag:s4] =	dma.local [hbm:s3], $0xF7A  }
0x26: {  	[smem:$0x3F98] =	sst s1;
	(tag) =	ssettag s2;
	_ =	strace s9  }
0x27: {  	s1 =	sld [smem:$0x3FA8]  }
0x28: {  	s2 =	sld [smem:$0x3FA9]  }
0x29: {  	s4 =	sld [smem:$0x3FAB]  }
0x2a: {  	p0 =	seq.s32 s5, $0x0;
	s5 =	sld [smem:$0x3FAC]  }
0x2b: {  	s6 =	sld [smem:$0x3FAD]  }
0x2c: {  	s7 =	sld [smem:$0x3FAE]  }
0x2d: {  	s3 =	simm.s32 $0x108;
	s8 =	sld [smem:$0x3FAF]  }
0x2e: {  	s3 =	simm.s32 @!p0 $0x1082;
	s9 =	sld [smem:$0x3FB0]  }
0x2f: {  	lr =	sadd.s32 s0, s3;
	s0 =	sld [smem:$0x3FA7]  }
0x30: {  	s3 =	sld [smem:$0x3FAA]  }
0x31: {  	[smem:$0x3FB3] =	sst s10  }
0x32: {  	s10 =	sld [smem:$0x3FB1];
	_ =	sdelay $0x3  }
0x33: {  	p0 =	seq.s32 s10, $0x1;
	s10 =	sld [smem:$0x3FB3];
	_ =	sdelay $0x3  }
0x34: {  	[smem:$0x3FB3] =	sst s10  }
0x35: {  	s10 =	sld [smem:$0x3FB2];
	_ =	sdelay $0x3  }
0x36: {  	p1 =	seq.s32 s10, $0x1;
	s10 =	sld [smem:$0x3FB3];
	_ =	sdelay $0x3  }
0x37: {  	[smem:$0x3FB3] =	sst s10  }
0x38: {  	s10 =	sld [smem:$0x3FB4]  }
0x39: {  	_ = 	snop;
	(pc) =	sbr.ind lr, $3  }
0x3a: {  	_ = 	snop  }
0x3b: {  	_ = 	snop  }
0x3c: {  	p2 =	seq.s32 s10, $0x1;
	s10 =	sld [smem:$0x3FB3]  }
0x3d: {  	_ =	shalt  }
0x3e: {  	_ =	shalt  }
0x3f: {  	_ =	shalt  }
0x40: {  	_ =	shalt  }
0x41: {  	_ =	shalt  }
0x42: {  	_ =	shalt  }
0x43: {  	_ =	shalt  }
0x44: {  	_ =	shalt  }
0x45: {  	_ =	shalt  }
0x46: {  	_ =	shalt  }
0x47: {  	_ =	shalt  }
0x48: {  	_ =	shalt  }
0x49: {  	_ =	shalt  }
0x4a: {  	_ =	shalt  }
0x4b: {  	_ =	shalt  }
0x4c: {  	_ =	shalt  }
0x4d: {  	_ =	shalt  }
0x4e: {  	_ =	shalt  }
0x4f: {  	_ =	shalt  }
0x50: {  	_ =	shalt  }
0x51: {  	_ =	shalt  }
0x52: {  	_ =	shalt  }
0x53: {  	_ =	shalt  }
0x54: {  	_ =	shalt  }
0x55: {  	_ =	shalt  }
0x56: {  	_ =	shalt  }
0x57: {  	_ =	shalt  }
0x58: {  	_ =	shalt  }
0x59: {  	_ =	shalt  }
0x5a: {  	_ =	shalt  }
0x5b: {  	_ =	shalt  }
0x5c: {  	_ =	shalt  }
0x5d: {  	_ =	shalt  }
0x5e: {  	_ =	shalt  }
0x5f: {  	_ =	shalt  }
0x60: {  	_ =	shalt  }
0x61: {  	_ =	shalt  }
0x62: {  	_ =	shalt  }
0x63: {  	_ =	shalt  }
0x64: {  	_ =	shalt  }
0x65: {  	_ =	shalt  }
0x66: {  	_ =	shalt  }
0x67: {  	_ =	shalt  }
0x68: {  	_ =	shalt  }
0x69: {  	_ =	shalt  }
0x6a: {  	_ =	shalt  }
0x6b: {  	_ =	shalt  }
0x6c: {  	_ =	shalt  }
0x6d: {  	_ =	shalt  }
0x6e: {  	_ =	shalt  }
0x6f: {  	_ =	shalt  }
0x70: {  	_ =	shalt  }
0x71: {  	_ =	shalt  }
0x72: {  	_ =	shalt  }
0x73: {  	_ =	shalt  }
0x74: {  	_ =	shalt  }
0x75: {  	_ =	shalt  }
0x76: {  	_ =	shalt  }
0x77: {  	_ =	shalt  }
0x78: {  	_ =	shalt  }
0x79: {  	_ =	shalt  }
0x7a: {  	_ =	shalt  }
0x7b: {  	_ =	shalt  }
0x7c: {  	_ =	shalt  }
0x7d: {  	_ =	shalt  }
0x7e: {  	_ =	shalt  }
0x7f: {  	_ =	shalt  }
0x80: {  	_ =	shalt  }
0x81: {  	_ =	shalt  }
0x82: {  	_ =	shalt  }
0x83: {  	_ =	shalt  }
0x84: {  	_ =	shalt  }
0x85: {  	_ =	shalt  }
0x86: {  	_ =	shalt  }
0x87: {  	_ =	shalt  }
.Lfunc_end0:
.L_simem_size_0:
called_computation.9_lowered:
.L_overlay_start_0:
0x88: {  	s0 =	sld [smem:$0x3FD9]  }
0x89: {  	s1 =	sld [smem:$0x3FFE];
	_ =	sdelay $0x3  }
0x8a: {  	s0 =	sadd.s32 s1, s0  }
0x8b: {  	[smem:$0x3FBF] =	sst s0  }
0x8c: {  	_ = 	snop  }
0x8d: {  	(tm) =	ssettm $0x1  }
0x8e: {  	s15 =	sld [smem:$0x3FFB];
	_ =	sdelay $0x3  }
0x8f: {  	_ =	strace s15  }
0x90: {  	s0 =	sld [smem:$0x3FFC];
	_ =	sdelay $0x3  }
0x91: {  	_ =	strace s0  }
0x92: {  	s0 =	sld [smem:$0x3FFD];
	_ =	sdelay $0x3  }
0x93: {  	_ =	strace s0  }
0x94: {  	_ =	strace $0x8FFFFFFF  }
0x95: {  	s16 =	sld [smem:$0x3FDB];
	_ =	sdelay $0x1  }
0x96: {  	s17 =	simm.s32 $_scs_section_size  }
0x97: {  	s2 =	simm.s32 $_size__tile_overlayer_lowered;
	s3 =	simm.s32 $_tile_overlayer_lowered  }
0x98: {  	s20 =	simm.s32 $0x1BFF;
	s19 =	sshll.u32 s3, $0x1;
	s0 =	sadd.s32 s17, s16  }
0x99: {  	s4 =	simm.s32 $0x0;
	s18 =	sshll.u32 s2, $0x1;
	s2 =	sadd.s32 s19, s0  }
0x9a: {  	[timem:s4], [sflag:s20] =	dma.local [hbm:s2], s18  }
0x9b: {  	_ =	swait.ge [sflag:s20], s18  }
0x9c: {  	s1 =	ssub.s32 $0x0, s18;
	[sflag:s20] =	ssyncset.done $0x0  }
0x9d: {  	[sflag:s20] =	ssyncadd.s32 s1;
	_ =	sdelay $0x1  }
0x9e: {  	s21 =	simm.s32 $0x1B8B  }
0x9f: {  	_ =	swait.ge [sflag:s21], $0x1  }
0xa0: {  	[sflag:s21] =	ssyncset.done $0x0  }
0xa1: {  	s23 =	simm.s32 $0x1B8E;
	s22 =	sld [smem:$0x3FFE];
	[sflag:s21] =	ssyncadd.s32 $0xFFFFFFFF  }
0xa2: {  	s24 =	simm.s32 $execute0_lowered;
	[smem:$0x3FD2] =	sst s23  }
0xa3: {  	s2 =	sshll.u32 s24, $0x1;
	_ =	strace $0x80000061;
	[dreg:$0x1] =	wrdreg $0xFFFFFFFF  }
0xa4: {  	s25 =	simm.s32 $_size_execute0_lowered;
	s0 =	sadd.s32 s0, s2;
	[dreg:$0x0] =	wrdreg $0x0  }
0xa5: {  	s2 =	sshll.u32 s25, $0x1;
	[dreg:$0x2] =	wrdreg s0  }
0xa6: {  	[dreg:$0x3] =	wrdreg s2  }
0xa7: {  	[dreg:$0x4] =	wrdreg $0xC0  }
0xa8: {  	_ =	task [dreg:s4], $0x5FFFF  }
0xa9: {  	[dreg:$0x1] =	wrdreg $0xFFFFFFFF  }
0xaa: {  	[dreg:$0x0] =	wrdreg $0x60  }
0xab: {  	[dreg:$0x2] =	wrdreg s22  }
0xac: {  	[dreg:$0x3] =	wrdreg $0x61000  }
0xad: {  	[dreg:$0x4] =	wrdreg $0xA  }
0xae: {  	_ =	task.clear_ibuf [dreg:s4], $0x5FFFF;
	_ =	strace $0x90000061  }
0xaf: {  	s26 =	simm.s32 $0xA;
	_ =	strace $0x80000063  }
0xb0: {  	_ =	swait.ge [sflag:s26], $0x1  }
0xb1: {  	[sflag:s26] =	ssyncadd.s32 $0xFFFFFFFF  }
0xb2: {  	_ =	strace $0x90000063  }
0xb3: {  	_ =	sfence  }
0xb4: {  	s28 =	sld [smem:$0x0];
	_ =	sdelay $0x1  }
0xb5: {  	s29 =	srdreg.scid  }
0xb6: {  	s30 =	sshll.u32 s29, $0xD;
	s31 =	sshrl.u32 s29, $0x2  }
0xb7: {  	s1 =	sand.u32 $0x1, s29;
	s2 =	sand.u32 $0x4000, s30;
	s0 =	sadd.s32 s31, s28  }
0xb8: {  	s1 =	sor.u32 s2, s1;
	s0 =	sshll.u32 s0, $0x11  }
0xb9: {  	s0 =	sor.u32 s0, s1  }
0xba: {  	s0 =	sadd.s32 $0x8F2B, s0  }
0xbb: {  	[sflag:s0] =	ssyncadd.remote.s32 $0x1  }
0xbc: {  	_ =	sfence.sel $0xFFFF  }
0xbd: {  	[dreg:$0x0] =	wrdreg $0xFFFFFFFF;
	(pc) =	sbr.abs _section_cstart, $3  }
0xbe: {  	[dreg:$0x1] =	wrdreg $0xFFFFFFFF  }
0xbf: {  	_ =	task.clear_ibuf [dreg:s4], $0x2FFFF;
	_ =	strace $0x9FFFFFFF  }
0xc0: {  	(tm) =	ssettm $0x7FFFFFFF  }
0xc1: {  	_ =	shalt  }
tec
execute0_lowered:
.L_overlay_start_1:
0x0: {  	(tag) =	ssettag $0x1  }
0x1: {  	s1 =	rddreg [dreg:$0x0]  }
0x2: {  	s2 =	rddreg [dreg:$0x1]  }
0x3: {  	s0 =	rddreg [dreg:$0x2];
	s5 =	simm.s32 $0x0  }
0x4: {  	[smem:$0x7FF] =	sst s5;
	s3 =	sadd.s32 $0x31000, s1;
	s8 =	sadd.s32 $0xBAA00, s1  }
0x5: {  	s7 =	sadd.s32 $0xD9C00, s1;
	s6 =	sand.u32 $0x7E00, s5;
	s4 =	sadd.s32 $0xE3A00, s1  }
0x6: {  	s9 =	sand.u32 $0x70, s5;
	s1 =	stileid.u32;
	s10 =	sshrl.u32 s6, $0x2  }
0x7: {  	v0 =	vimm.f32 $0.0e+00;
	_ =	strace $0x80000062;
	s6 =	simm.s32 $0x40;
	s9 =	sor.u32 s9, s10  }
.LBB2_1:
0x8: {  	p0 =	sne.s32 s6, $0x7FC0  }
0x9: {  	[tilespmem:s9+$0x4100] =	vst v0;
	s5 =	sadd.s32 $0x10, s5;
	s9 =	smov.u32 s6;
	s6 =	sadd.s32 $0x40, s6  }
.Ltmp0:
0xa: {  	(pc) =	sbr.rel @p0 .LBB2_1-.Ltmp0, $4  }
0xb: {  	_ = 	snop  }
0xc: {  	s9 =	sand.u32 $0x7E00, s9  }
0xd: {  	s10 =	sand.u32 $0x70, s5;
	s9 =	sshrl.u32 s9, $0x2  }
0xe: {  	s9 =	sor.u32 s10, s9  }
0xf: {  	s5 =	smul.u32 $0x50000, s1;
	_ =	sdelay $0x1  }
0x10: {  	s5 =	sshrl.u32 s5, $0x2  }
0x11: {  	[tilespmem:s9+$0x4100] =	vst v0;
	s21 =	simm.s32 $0x4100;
	s6 =	sadd.s32 s5, s2;
	s5 =	simm.s32 $0x1  }
0x12: {  	[spmem:s6] =	stream.linear.scatter [tilespmem:s21], [sflag:$0x1], $0x2000, $0x38;
	[tilespmem:$0x1A100] =	vst v63  }
0x13: {  	_ =	swait.ge [sflag:s5], $0x2000  }
0x14: {  	[sflag:s5] =	ssyncset.done $0x0  }
0x15: {  	s10 =	sadd.s32 $0x2000, s6;
	[sflag:s5] =	ssyncadd.s32 $0xFFFFE000  }
0x16: {  	[spmem:s10] =	stream.linear.scatter [tilespmem:s21], [sflag:$0x1], $0x2000, $0x38;
	[tilespmem:$0x1A100] =	vst v63  }
0x17: {  	_ =	swait.ge [sflag:s5], $0x2000  }
0x18: {  	[sflag:s5] =	ssyncset.done $0x0  }
0x19: {  	s22 =	sadd.s32 $0x4000, s6;
	[sflag:s5] =	ssyncadd.s32 $0xFFFFE000  }
0x1a: {  	[spmem:s22] =	stream.linear.scatter [tilespmem:s21], [sflag:$0x1], $0x2000, $0x38;
	[tilespmem:$0x1A100] =	vst v63  }
0x1b: {  	_ =	swait.ge [sflag:s5], $0x2000  }
0x1c: {  	[sflag:s5] =	ssyncset.done $0x0  }
0x1d: {  	s23 =	sadd.s32 $0x6000, s6;
	[sflag:s5] =	ssyncadd.s32 $0xFFFFE000  }
0x1e: {  	[spmem:s23] =	stream.linear.scatter [tilespmem:s21], [sflag:$0x1], $0x2000, $0x38;
	[tilespmem:$0x1A100] =	vst v63  }
0x1f: {  	_ =	swait.ge [sflag:s5], $0x2000  }
0x20: {  	[sflag:s5] =	ssyncset.done $0x0  }
0x21: {  	s24 =	sadd.s32 $0x8000, s6;
	[sflag:s5] =	ssyncadd.s32 $0xFFFFE000  }
0x22: {  	[spmem:s24] =	stream.linear.scatter [tilespmem:s21], [sflag:$0x1], $0x2000, $0x38;
	[tilespmem:$0x1A100] =	vst v63  }
0x23: {  	_ =	swait.ge [sflag:s5], $0x2000  }
0x24: {  	[sflag:s5] =	ssyncset.done $0x0  }
0x25: {  	s25 =	sadd.s32 $0xA000, s6;
	[sflag:s5] =	ssyncadd.s32 $0xFFFFE000  }
0x26: {  	[spmem:s25] =	stream.linear.scatter [tilespmem:s21], [sflag:$0x1], $0x2000, $0x38;
	[tilespmem:$0x1A100] =	vst v63  }
0x27: {  	_ =	swait.ge [sflag:s5], $0x2000  }
0x28: {  	[sflag:s5] =	ssyncset.done $0x0  }
0x29: {  	s26 =	sadd.s32 $0xC000, s6;
	[sflag:s5] =	ssyncadd.s32 $0xFFFFE000  }
0x2a: {  	[spmem:s26] =	stream.linear.scatter [tilespmem:s21], [sflag:$0x1], $0x2000, $0x38;
	[tilespmem:$0x1A100] =	vst v63  }
0x2b: {  	_ =	swait.ge [sflag:s5], $0x2000  }
0x2c: {  	[sflag:s5] =	ssyncset.done $0x0  }
0x2d: {  	s28 =	sadd.s32 $0xE000, s6;
	[sflag:s5] =	ssyncadd.s32 $0xFFFFE000  }
0x2e: {  	[spmem:s28] =	stream.linear.scatter [tilespmem:s21], [sflag:$0x1], $0x2000, $0x38;
	[tilespmem:$0x1A100] =	vst v63  }
0x2f: {  	_ =	swait.ge [sflag:s5], $0x2000  }
0x30: {  	[sflag:s5] =	ssyncset.done $0x0  }
0x31: {  	s29 =	sadd.s32 $0x10000, s6;
	[sflag:s5] =	ssyncadd.s32 $0xFFFFE000  }
0x32: {  	[spmem:s29] =	stream.linear.scatter [tilespmem:s21], [sflag:$0x1], $0x2000, $0x38;
	[tilespmem:$0x1A100] =	vst v63  }
0x33: {  	_ =	swait.ge [sflag:s5], $0x2000  }
0x34: {  	[sflag:s5] =	ssyncset.done $0x0  }
0x35: {  	s30 =	sadd.s32 $0x12000, s6;
	[sflag:s5] =	ssyncadd.s32 $0xFFFFE000  }
0x36: {  	[spmem:s30] =	stream.linear.scatter [tilespmem:s21], [sflag:$0x1], $0x2000, $0x38;
	[tilespmem:$0x1A100] =	vst v63  }
0x37: {  	_ =	swait.ge [sflag:s5], $0x2000  }
0x38: {  	[sflag:s5] =	ssyncset.done $0x0  }
0x39: {  	s31 =	sshll.u32 s1, $0x4;
	[sflag:s5] =	ssyncadd.s32 $0xFFFFE000  }
0x3a: {  	s9 =	simm.s32 $0x0;
	s8 =	sadd.s32 s31, s8;
	[bflag:$0x0] =	sbarrier.arrive $0xFFFF  }
0x3b: {  	[tilespmem:s9], [sflag:$0x1] =	stream.linear.gather [hbm4b:s8+s9], $0x80, $0x38;
	[tilespmem:$0x1A100] =	vst v63  }
0x3c: {  	_ =	swait.ge [sflag:s5], $0x80  }
0x3d: {  	[sflag:s5] =	ssyncset.done $0x0  }
0x3e: {  	s7 =	sadd.s32 s31, s7;
	s10 =	simm.s32 $0x80;
	[sflag:s5] =	ssyncadd.s32 $0xFFFFFF80  }
0x3f: {  	[tilespmem:s10], [sflag:$0x1] =	stream.linear.gather [hbm4b:s7+s9], $0x80, $0x38;
	[tilespmem:$0x1A100] =	vst v63  }
0x40: {  	_ =	swait.ge [sflag:s5], $0x80  }
0x41: {  	s12 =	ssub.s32 $0x9D3, s1;
	[sflag:s5] =	ssyncset.done $0x0  }
0x42: {  	s11 =	simm.s32 $0x100;
	s12 =	sshrl.u32 s12, $0x4;
	[sflag:s5] =	ssyncadd.s32 $0xFFFFFF80  }
0x43: {  	[tilespmem:s11], [sflag:$0x1] =	stream.indirect.gather [hbm4b:s3+s10], $0x80, s9, s10, $0xb8;
	[tilespmem:$0x1A100] =	vst v63  }
0x44: {  	p0 =	sne.s32 s12, $0x1;
	_ =	swait.ge [sflag:s5], $0x4000  }
.Ltmp1:
0x45: {  	[sflag:s5] =	ssyncset.done $0x0;
	(pc) =	sbr.rel @!p0 .LBB2_4-.Ltmp1, $4  }
0x46: {  	[sflag:s5] =	ssyncadd.s32 $0xFFFFC000  }
0x47: {  	[spmem:s2] =	stream.indirect.scatter.add.f32 [tilespmem:s11], [sflag:$0x1], $0x80, s10, s10, $0xb8;
	[tilespmem:$0x1A100] =	vst v63  }
0x48: {  	_ =	swait.ge [sflag:s5], $0x4000  }
0x49: {  	s12 =	sadd.s32 $0xFFFFFFFF, s12;
	[sflag:s5] =	ssyncset.done $0x0  }
.LBB2_3:
0x4a: {  	[sflag:s5] =	ssyncadd.s32 $0xFFFFC000;
	s7 =	sadd.s32 $0x100, s7;
	s8 =	sadd.s32 $0x100, s8  }
0x4b: {  	[tilespmem:s9], [sflag:$0x1] =	stream.linear.gather [hbm4b:s8+s9], $0x80, $0x38;
	[tilespmem:$0x1A100] =	vst v63  }
0x4c: {  	p0 =	sne.s32 s12, $0x1;
	s12 =	sadd.s32 $0xFFFFFFFF, s12;
	_ =	swait.ge [sflag:s5], $0x80  }
0x4d: {  	[sflag:s5] =	ssyncset.done $0x0  }
0x4e: {  	[sflag:s5] =	ssyncadd.s32 $0xFFFFFF80  }
0x4f: {  	[tilespmem:s10], [sflag:$0x1] =	stream.linear.gather [hbm4b:s7+s9], $0x80, $0x38;
	[tilespmem:$0x1A100] =	vst v63  }
0x50: {  	_ =	swait.ge [sflag:s5], $0x80  }
0x51: {  	[sflag:s5] =	ssyncset.done $0x0  }
0x52: {  	[sflag:s5] =	ssyncadd.s32 $0xFFFFFF80  }
0x53: {  	[tilespmem:s11], [sflag:$0x1] =	stream.indirect.gather [hbm4b:s3+s10], $0x80, s9, s10, $0xb8;
	[tilespmem:$0x1A100] =	vst v63  }
0x54: {  	_ =	swait.ge [sflag:s5], $0x4000  }
.Ltmp2:
0x55: {  	[sflag:s5] =	ssyncset.done $0x0;
	(pc) =	sbr.rel @p0 .LBB2_3-.Ltmp2, $4  }
0x56: {  	[sflag:s5] =	ssyncadd.s32 $0xFFFFC000  }
0x57: {  	[spmem:s2] =	stream.indirect.scatter.add.f32 [tilespmem:s11], [sflag:$0x1], $0x80, s10, s10, $0xb8;
	[tilespmem:$0x1A100] =	vst v63  }
0x58: {  	_ =	swait.ge [sflag:s5], $0x4000  }
0x59: {  	[sflag:s5] =	ssyncset.done $0x0  }
.LBB2_4:
0x5a: {  	s2 =	smul.u32 $0x2800, s1  }
0x5b: {  	[sflag:s5] =	ssyncadd.s32 $0xFFFFC000;
	s3 =	sshll.u32 s1, $0x6;
	s31 =	sshrl.u32 s6, $0x3  }
0x5c: {  	[bflag:$0x0] =	sbarrier.arrive $0xFFFF;
	s3 =	sor.u32 $0x1C01, s3;
	s2 =	sadd.s32 s4, s2  }
0x5d: {  	[hbm:s2], [sflag:s3] =	dma.local [spmem:s31], $0x2800  }
0x5e: {  	_ =	swait.ge [sflag:s5], $0x2800  }
0x5f: {  	[sflag:s5] =	ssyncset.done $0x0  }
0x60: {  	[sflag:s5] =	ssyncadd.s32 $0xFFFFD800  }
0x61: {  	_ =	sfence.sel $0x180000  }
0x62: {  	[bflag:$0x0] =	sbarrier.arrive $0xFFFF  }
0x63: {  	p0 =	sne.s32 s1, $0x0;
	_ =	strace $0x90000062  }
0x64: {  	s0 =	sadd.s32 @!p0 $0x100000, s0;
	[bflag:$0x2] =	sbarrier.arrive $0xFFFF  }
0x65: {  	[sflag:s0] =	ssyncadd.tile.s32 @!p0 $0x1;
	_ =	shalt  }
.Lfunc_end2:
_tile_overlayer_lowered:
.L_overlay_start_2:
0x66: {  	(tag) =	ssettag $0x2  }
0x67: {  	s0 =	rddreg [dreg:$0x0];
	s2 =	stileid.u32  }
0x68: {  	s1 =	rddreg [dreg:$0x1];
	p0 =	sne.s32 s2, $0x0  }
0x69: {  	s3 =	rddreg [dreg:$0x2];
	[bflag:$0x3] =	sbarrier.arrive $0xFFFF;
	s2 =	simm.s32 @!p0 $0x1C01  }
0x6a: {  	[timem:s3], [sflag:s2] =	dma.local @!p0 [hbm:s0], s1  }
0x6b: {  	s0 =	simm.s32 @!p0 $0x1  }
0x6c: {  	_ =	swait.ge @!p0 [sflag:s0], s1  }
0x6d: {  	s1 =	ssub.s32 @!p0 $0x0, s1;
	[sflag:s0] =	ssyncset.done @!p0 $0x0  }
0x6e: {  	[sflag:s0] =	ssyncadd.s32 @!p0 s1  }
0x6f: {  	[bflag:$0x3] =	sbarrier.arrive $0xFFFF  }
0x70: {  	_ =	shalt  }

// kernel: kernel.54.cloned.1.call-start
scs
__scs_entry_jumppad:
0x0: {  	(pc) =	sbr.rel $0x88, $3  }
0x1: {  	(tag) =	ssettag $0x0;
	lr =	simm.s32 $0x1  }
0x2: {  	[smem:$0x3F98] =	sst lr;
	_ =	strace $0xD0000000  }
0x3: {  	_ = 	snop  }
0x4: {  	_ = 	snop  }
0x5: {  	_ = 	snop  }
0x6: {  	_ = 	snop  }
0x7: {  	_ = 	snop  }
__scs_overlays_trampoline_lowered:
0x8: {  	[smem:$0x3FA7] =	sst s0  }
0x9: {  	[smem:$0x3FA8] =	sst s1  }
0xa: {  	[smem:$0x3FA9] =	sst s2  }
0xb: {  	[smem:$0x3FAA] =	sst s3  }
0xc: {  	[smem:$0x3FAB] =	sst s4  }
0xd: {  	[smem:$0x3FAC] =	sst s5  }
0xe: {  	[smem:$0x3FAD] =	sst s6  }
0xf: {  	[smem:$0x3FAE] =	sst s7  }
0x10: {  	[smem:$0x3FAF] =	sst s8  }
0x11: {  	[smem:$0x3FB0] =	sst s9;
	s0 =	simm.s32 @!p0 $0x0  }
0x12: {  	s1 =	sld [smem:$0x3F96];
	s0 =	simm.s32 @p0 $0x1  }
0x13: {  	[smem:$0x3FB1] =	sst s0;
	s0 =	simm.s32 @!p1 $0x0  }
0x14: {  	s2 =	sld [smem:$0x3F95];
	s0 =	simm.s32 @p1 $0x1  }
0x15: {  	[smem:$0x3FB2] =	sst s0;
	s0 =	simm.s32 @!p2 $0x0  }
0x16: {  	s3 =	sld [smem:$0x3FDB];
	s0 =	simm.s32 @p2 $0x1  }
0x17: {  	s4 =	simm.s32 $0x1BF5;
	[smem:$0x3FB4] =	sst s0  }
0x18: {  	s0 =	sld [smem:$0x3F97];
	_ =	swait.ge [sflag:s4], $0x0  }
0x19: {  	s7 =	sld [smem:$0x3F98]  }
0x1a: {  	s8 =	sadd.s32 $0xFFFFE003, lr  }
0x1b: {  	s9 =	sadd.s32 $0xFFFFFEF7, lr;
	s5 =	simm.s32 $0xFFFFFFFF;
	p2 =	slt.u32 s8, $0xFFFFF086  }
0x1c: {  	p1 =	slt.u32 s9, $0xF7A;
	s5 =	simm.s32 @!p2 $0x0  }
0x1d: {  	s5 =	simm.s32 @p1 $0x1;
	p0 =	seq.s32 s7, s2  }
0x1e: {  	s7 =	smul.u32 @!p0 $0xF7A, s2;
	p2 =	seq.s32 @!p0 s5, $0x0  }
0x1f: {  	s9 =	smul.u32 $0xF7A, s1;
	s8 =	simm.s32 @!p0 $0x1BF5;
	p2 =	por !p2, p0  }
0x20: {  	[sflag:s8] =	ssyncset.s32 @!p0 $0xFFFFF086;
	s6 =	sadd.s32 @!p0 s3, s7;
	s7 =	simm.s32 @!p0 $0x108  }
0x21: {  	s3 =	sadd.s32 s3, s9;
	s6 =	sadd.s32 @!p0 $0x88, s6;
	s7 =	simm.s32 @p2 $0x1082  }
0x22: {  	[simem:s7], [sflag:s8] =	dma.local @!p0 [hbm:s6], $0xF7A  }
0x23: {  	s9 =	sor.u32 $0xD0000000, s2;
	s6 =	simm.s32 $0x108;
	_ =	swait.ge @!p0 [sflag:s8], $0x0  }
0x24: {  	s3 =	sadd.s32 $0x88, s3;
	s6 =	simm.s32 @!p1 $0x1082;
	[sflag:s4] =	ssyncset.s32 $0xFFFFF086  }
0x25: {  	[simem:s6], [sflag:s4] =	dma.local [hbm:s3], $0xF7A  }
0x26: {  	[smem:$0x3F98] =	sst s1;
	(tag) =	ssettag s2;
	_ =	strace s9  }
0x27: {  	s1 =	sld [smem:$0x3FA8]  }
0x28: {  	s2 =	sld [smem:$0x3FA9]  }
0x29: {  	s4 =	sld [smem:$0x3FAB]  }
0x2a: {  	p0 =	seq.s32 s5, $0x0;
	s5 =	sld [smem:$0x3FAC]  }
0x2b: {  	s6 =	sld [smem:$0x3FAD]  }
0x2c: {  	s7 =	sld [smem:$0x3FAE]  }
0x2d: {  	s3 =	simm.s32 $0x108;
	s8 =	sld [smem:$0x3FAF]  }
0x2e: {  	s3 =	simm.s32 @!p0 $0x1082;
	s9 =	sld [smem:$0x3FB0]  }
0x2f: {  	lr =	sadd.s32 s0, s3;
	s0 =	sld [smem:$0x3FA7]  }
0x30: {  	s3 =	sld [smem:$0x3FAA]  }
0x31: {  	[smem:$0x3FB3] =	sst s10  }
0x32: {  	s10 =	sld [smem:$0x3FB1];
	_ =	sdelay $0x3  }
0x33: {  	p0 =	seq.s32 s10, $0x1;
	s10 =	sld [smem:$0x3FB3];
	_ =	sdelay $0x3  }
0x34: {  	[smem:$0x3FB3] =	sst s10  }
0x35: {  	s10 =	sld [smem:$0x3FB2];
	_ =	sdelay $0x3  }
0x36: {  	p1 =	seq.s32 s10, $0x1;
	s10 =	sld [smem:$0x3FB3];
	_ =	sdelay $0x3  }
0x37: {  	[smem:$0x3FB3] =	sst s10  }
0x38: {  	s10 =	sld [smem:$0x3FB4]  }
0x39: {  	_ = 	snop;
	(pc) =	sbr.ind lr, $3  }
0x3a: {  	_ = 	snop  }
0x3b: {  	_ = 	snop  }
0x3c: {  	p2 =	seq.s32 s10, $0x1;
	s10 =	sld [smem:$0x3FB3]  }
0x3d: {  	_ =	shalt  }
0x3e: {  	_ =	shalt  }
0x3f: {  	_ =	shalt  }
0x40: {  	_ =	shalt  }
0x41: {  	_ =	shalt  }
0x42: {  	_ =	shalt  }
0x43: {  	_ =	shalt  }
0x44: {  	_ =	shalt  }
0x45: {  	_ =	shalt  }
0x46: {  	_ =	shalt  }
0x47: {  	_ =	shalt  }
0x48: {  	_ =	shalt  }
0x49: {  	_ =	shalt  }
0x4a: {  	_ =	shalt  }
0x4b: {  	_ =	shalt  }
0x4c: {  	_ =	shalt  }
0x4d: {  	_ =	shalt  }
0x4e: {  	_ =	shalt  }
0x4f: {  	_ =	shalt  }
0x50: {  	_ =	shalt  }
0x51: {  	_ =	shalt  }
0x52: {  	_ =	shalt  }
0x53: {  	_ =	shalt  }
0x54: {  	_ =	shalt  }
0x55: {  	_ =	shalt  }
0x56: {  	_ =	shalt  }
0x57: {  	_ =	shalt  }
0x58: {  	_ =	shalt  }
0x59: {  	_ =	shalt  }
0x5a: {  	_ =	shalt  }
0x5b: {  	_ =	shalt  }
0x5c: {  	_ =	shalt  }
0x5d: {  	_ =	shalt  }
0x5e: {  	_ =	shalt  }
0x5f: {  	_ =	shalt  }
0x60: {  	_ =	shalt  }
0x61: {  	_ =	shalt  }
0x62: {  	_ =	shalt  }
0x63: {  	_ =	shalt  }
0x64: {  	_ =	shalt  }
0x65: {  	_ =	shalt  }
0x66: {  	_ =	shalt  }
0x67: {  	_ =	shalt  }
0x68: {  	_ =	shalt  }
0x69: {  	_ =	shalt  }
0x6a: {  	_ =	shalt  }
0x6b: {  	_ =	shalt  }
0x6c: {  	_ =	shalt  }
0x6d: {  	_ =	shalt  }
0x6e: {  	_ =	shalt  }
0x6f: {  	_ =	shalt  }
0x70: {  	_ =	shalt  }
0x71: {  	_ =	shalt  }
0x72: {  	_ =	shalt  }
0x73: {  	_ =	shalt  }
0x74: {  	_ =	shalt  }
0x75: {  	_ =	shalt  }
0x76: {  	_ =	shalt  }
0x77: {  	_ =	shalt  }
0x78: {  	_ =	shalt  }
0x79: {  	_ =	shalt  }
0x7a: {  	_ =	shalt  }
0x7b: {  	_ =	shalt  }
0x7c: {  	_ =	shalt  }
0x7d: {  	_ =	shalt  }
0x7e: {  	_ =	shalt  }
0x7f: {  	_ =	shalt  }
0x80: {  	_ =	shalt  }
0x81: {  	_ =	shalt  }
0x82: {  	_ =	shalt  }
0x83: {  	_ =	shalt  }
0x84: {  	_ =	shalt  }
0x85: {  	_ =	shalt  }
0x86: {  	_ =	shalt  }
0x87: {  	_ =	shalt  }
.Lfunc_end0:
.L_simem_size_0:
called_computation.10_lowered:
.L_overlay_start_0:
0x88: {  	s2 =	sld [smem:$0x3FD9]  }
0x89: {  	s3 =	sld [smem:$0x3FFE];
	_ =	sdelay $0x1  }
0x8a: {  	s1 =	srdreg.scid  }
0x8b: {  	s0 =	sand.u32 $0x1, s1  }
0x8c: {  	s17 =	sshll.u32 s0, $0xA;
	s2 =	sadd.s32 s3, s2  }
0x8d: {  	s2 =	sadd.s32 s2, s17  }
0x8e: {  	[smem:$0x3FBF] =	sst s2  }
0x8f: {  	_ = 	snop  }
0x90: {  	(tm) =	ssettm $0x1  }
0x91: {  	s18 =	sld [smem:$0x3FFB];
	_ =	sdelay $0x3  }
0x92: {  	_ =	strace s18  }
0x93: {  	s2 =	sld [smem:$0x3FFC];
	_ =	sdelay $0x3  }
0x94: {  	_ =	strace s2  }
0x95: {  	s2 =	sld [smem:$0x3FFD];
	_ =	sdelay $0x3  }
0x96: {  	_ =	strace s2  }
0x97: {  	_ =	strace $0x8FFFFFFF  }
0x98: {  	s19 =	sld [smem:$0x3FDB];
	_ =	sdelay $0x1  }
0x99: {  	s20 =	simm.s32 $_scs_section_size  }
0x9a: {  	s4 =	simm.s32 $_size__tile_overlayer_lowered;
	s5 =	simm.s32 $_tile_overlayer_lowered  }
0x9b: {  	s6 =	simm.s32 $0x1BFF;
	s21 =	sshll.u32 s5, $0x1;
	s3 =	sadd.s32 s20, s19  }
0x9c: {  	s22 =	simm.s32 $0x0;
	s4 =	sshll.u32 s4, $0x1;
	s5 =	sadd.s32 s21, s3  }
0x9d: {  	[timem:s22], [sflag:s6] =	dma.local [hbm:s5], s4  }
0x9e: {  	_ =	swait.ge [sflag:s6], s4  }
0x9f: {  	s4 =	ssub.s32 $0x0, s4;
	[sflag:s6] =	ssyncset.done $0x0  }
0xa0: {  	[sflag:s6] =	ssyncadd.s32 s4;
	_ =	sdelay $0x1  }
0xa1: {  	s23 =	simm.s32 $0x1B8B  }
0xa2: {  	_ =	swait.ge [sflag:s23], $0x1  }
0xa3: {  	[sflag:s23] =	ssyncset.done $0x0  }
0xa4: {  	[sflag:s23] =	ssyncadd.s32 $0xFFFFFFFF  }
0xa5: {  	s4 =	sld [smem:$0x0]  }
0xa6: {  	s5 =	sand.u32 $0xFFFFFFFE, s1  }
0xa7: {  	p0 =	sne.s32 s1, s5  }
0xa8: {  	s5 =	sshll.u32 @p0 s5, $0xE  }
0xa9: {  	s5 =	sadd.s32 @p0 $0x11B8D, s5;
	s6 =	sshll.u32 @p0 s4, $0x11  }
0xaa: {  	s5 =	sor.u32 @p0 s6, s5  }
0xab: {  	[sflag:s5] =	ssyncadd.remote.s32 @p0 $0x1;
	_ =	sdelay $0x1  }
0xac: {  	s5 =	simm.s32 @p0 $0x1B8D  }
0xad: {  	_ =	swait.eq @p0 [sflag:s5], $0x1  }
0xae: {  	[sflag:s5] =	ssyncadd.s32 @p0 $0xFFFFFFFF  }
0xaf: {  	s6 =	sshll.u32 @!p0 s1, $0xE  }
0xb0: {  	s6 =	sor.u32 @!p0 $0x4000, s6;
	s5 =	simm.s32 @!p0 $0x1B8D  }
0xb1: {  	s4 =	sshll.u32 @!p0 s4, $0x11;
	s6 =	sadd.s32 @!p0 $0x11B8D, s6;
	_ =	swait.eq @!p0 [sflag:s5], $0x1  }
0xb2: {  	s4 =	sor.u32 @!p0 s4, s6;
	[sflag:s5] =	ssyncadd.s32 @!p0 $0xFFFFFFFF  }
0xb3: {  	s25 =	simm.s32 $0x1B8E;
	s24 =	sld [smem:$0x3FFE];
	[sflag:s4] =	ssyncadd.remote.s32 @!p0 $0x1  }
0xb4: {  	s26 =	simm.s32 $execute0_lowered;
	[smem:$0x3FD2] =	sst s25  }
0xb5: {  	s5 =	sshll.u32 s26, $0x1;
	_ =	strace $0x80000064;
	[dreg:$0x1] =	wrdreg $0xFFFFFFFF  }
0xb6: {  	s28 =	simm.s32 $_size_execute0_lowered;
	s3 =	sadd.s32 s3, s5;
	[dreg:$0x0] =	wrdreg $0x0  }
0xb7: {  	s5 =	sshll.u32 s28, $0x1;
	[dreg:$0x2] =	wrdreg s3  }
0xb8: {  	[dreg:$0x3] =	wrdreg s5  }
0xb9: {  	[dreg:$0x4] =	wrdreg $0xC0  }
0xba: {  	_ =	task [dreg:s22], $0x5FFFF  }
0xbb: {  	[dreg:$0x1] =	wrdreg $0xFFFFFFFF  }
0xbc: {  	[dreg:$0x0] =	wrdreg $0x60  }
0xbd: {  	[dreg:$0x2] =	wrdreg s24  }
0xbe: {  	[dreg:$0x3] =	wrdreg $0x1800  }
0xbf: {  	[dreg:$0x4] =	wrdreg $0x9  }
0xc0: {  	_ =	task.clear_ibuf [dreg:s22], $0x5FFFF;
	_ =	strace $0x90000064  }
0xc1: {  	s29 =	simm.s32 $0x9;
	_ =	strace $0x80000066  }
0xc2: {  	_ =	swait.ge [sflag:s29], $0x1  }
0xc3: {  	[sflag:s29] =	ssyncadd.s32 $0xFFFFFFFF  }
0xc4: {  	_ =	strace $0x90000066  }
0xc5: {  	_ =	sfence  }
0xc6: {  	s30 =	sld [smem:$0x0];
	_ =	sdelay $0x2  }
0xc7: {  	s31 =	sshll.u32 s1, $0xD;
	s1 =	sshrl.u32 s1, $0x2  }
0xc8: {  	s4 =	sand.u32 $0x4000, s31;
	s1 =	sadd.s32 s1, s30  }
0xc9: {  	s0 =	sor.u32 s4, s0;
	s1 =	sshll.u32 s1, $0x11  }
0xca: {  	s0 =	sor.u32 s1, s0  }
0xcb: {  	s0 =	sadd.s32 $0x8F2B, s0  }
0xcc: {  	[sflag:s0] =	ssyncadd.remote.s32 $0x1  }
0xcd: {  	_ =	sfence.sel $0xFFFF  }
0xce: {  	[dreg:$0x0] =	wrdreg $0xFFFFFFFF;
	(pc) =	sbr.abs _section_cstart, $3  }
0xcf: {  	[dreg:$0x1] =	wrdreg $0xFFFFFFFF  }
0xd0: {  	_ =	task.clear_ibuf [dreg:s22], $0x2FFFF;
	_ =	strace $0x9FFFFFFF  }
0xd1: {  	(tm) =	ssettm $0x7FFFFFFF  }
tec
execute0_lowered:
.L_overlay_start_1:
0x0: {  	(tag) =	ssettag $0x1  }
0x1: {  	s6 =	rddreg [dreg:$0x0]  }
0x2: {  	s1 =	rddreg [dreg:$0x1]  }
0x3: {  	s0 =	rddreg [dreg:$0x2];
	s2 =	simm.s32 $0x0  }
0x4: {  	s3 =	srdreg.scid;
	s12 =	simm.s32 $0x80;
	s16 =	simm.s32 $0x0  }
0x5: {  	[smem:$0x7FF] =	sst s2;
	s4 =	sadd.s32 $0xA6600, s6;
	s5 =	sadd.s32 $0x30400, s6  }
0x6: {  	s9 =	sand.u32 $0x1, s3;
	s3 =	stileid.u32;
	_ =	strace $0x80000065  }
0x7: {  	s7 =	sshll.u32 s9, $0x4;
	s8 =	ssub.s32 $0x2, s9;
	s11 =	sshll.u32 s3, $0x7  }
0x8: {  	s14 =	sshll.u32 s3, $0x5;
	s9 =	sshll.u32 s9, $0xB;
	s31 =	sshll.u32 s3, $0x6  }
0x9: {  	s10 =	sadd.s32 s7, s6;
	s29 =	sshrl.u32 s8, $0x1;
	s6 =	sadd.s32 s11, s1  }
0xa: {  	s7 =	sor.u32 s7, s3;
	s9 =	sor.u32 s11, s9;
	s11 =	simm.s32 $0x1  }
0xb: {  	s8 =	ssub.s32 s8, s29;
	s13 =	sadd.s32 $0xA6C00, s10;
	s30 =	ssub.s32 $0x6F, s7  }
0xc: {  	s10 =	simm.s32 $0x100;
	s15 =	sshrl.u32 s6, $0x3;
	s7 =	smax.u32 s8, $0x1  }
0xd: {  	v0 =	vimm.f32 $0.0e+00;
	s8 =	sshrl.u32 s30, $0x5;
	s13 =	sadd.s32 s14, s13;
	s14 =	sor.u32 $0x1C01, s31  }
.LBB2_1:
0xe: {  	[tilespmem:$0x100] =	vst v0  }
0xf: {  	[tilespmem:$0x110] =	vst v0  }
0x10: {  	[tilespmem:$0x120] =	vst v0  }
0x11: {  	[tilespmem:$0x130] =	vst v0  }
0x12: {  	[tilespmem:$0x140] =	vst v0  }
0x13: {  	[tilespmem:$0x150] =	vst v0  }
0x14: {  	[tilespmem:$0x160] =	vst v0  }
0x15: {  	[tilespmem:$0x170] =	vst v0;
	p1 =	sne.s32 s8, $0x1  }
0x16: {  	[spmem:s6] =	stream.linear.scatter [tilespmem:s10], [sflag:$0x1], $0x80, $0x38;
	[tilespmem:$0x200] =	vst v63  }
.Ltmp0:
0x17: {  	_ =	swait.ge [sflag:s11], $0x80;
	(pc) =	sbr.rel @!p1 .LBB2_4-.Ltmp0, $4  }
0x18: {  	[sflag:s11] =	ssyncset.done $0x0  }
0x19: {  	[sflag:s11] =	ssyncadd.s32 $0xFFFFFF80  }
0x1a: {  	[bflag:$0x0] =	sbarrier.arrive $0xFFFF  }
0x1b: {  	s18 =	sadd.s32 $0xFFFFFFFF, s8;
	s17 =	sshrl.u32 s9, $0x3;
	p0 =	por $0x0, $0x0  }
0x1c: {  	s19 =	sadd.s32 s5, s17  }
0x1d: {  	[tilespmem:s2], [sflag:$0x1] =	stream.linear.gather [hbm4b:s19+s2], $0x80, $0x38;
	[tilespmem:$0x200] =	vst v63  }
0x1e: {  	_ =	swait.ge [sflag:s11], $0x80  }
0x1f: {  	[sflag:s11] =	ssyncset.done $0x0  }
0x20: {  	s31 =	sadd.s32 s4, s17;
	[sflag:s11] =	ssyncadd.s32 $0xFFFFFF80  }
0x21: {  	[tilespmem:s12], [sflag:$0x1] =	stream.linear.gather [hbm4b:s31+s2], $0x80, $0x38;
	[tilespmem:$0x200] =	vst v63  }
0x22: {  	p1 =	sne.s32 s18, $0x1;
	_ =	swait.ge [sflag:s11], $0x80  }
.Ltmp1:
0x23: {  	[sflag:s11] =	ssyncset.done $0x0;
	(pc) =	sbr.rel @!p1 .LBB2_4-.Ltmp1, $4  }
0x24: {  	[sflag:s11] =	ssyncadd.s32 $0xFFFFFF80  }
0x25: {  	[spmem:s1] =	stream.indirect.scatter.add.f32 [tilespmem:s12], [sflag:$0x1], $0x1, s2, s12, $0xb8;
	[tilespmem:$0x200] =	vst v63  }
0x26: {  	s18 =	sadd.s32 $0xFFFFFFFF, s18;
	s19 =	sadd.s32 $0x1000, s9;
	_ =	swait.ge [sflag:s11], $0x80  }
0x27: {  	p0 =	por $0x1, $0x1;
	s17 =	sshrl.u32 s19, $0x3;
	[sflag:s11] =	ssyncset.done $0x0  }
.LBB2_3:
0x28: {  	p1 =	sne.s32 s18, $0x1;
	s20 =	sadd.s32 s5, s17;
	[sflag:s11] =	ssyncadd.s32 $0xFFFFFF80  }
0x29: {  	[tilespmem:s2], [sflag:$0x1] =	stream.linear.gather [hbm4b:s20+s2], $0x80, $0x38;
	[tilespmem:$0x200] =	vst v63  }
0x2a: {  	s18 =	sadd.s32 $0xFFFFFFFF, s18;
	_ =	swait.ge [sflag:s11], $0x80  }
0x2b: {  	[sflag:s11] =	ssyncset.done $0x0  }
0x2c: {  	s17 =	sadd.s32 s4, s17;
	[sflag:s11] =	ssyncadd.s32 $0xFFFFFF80  }
0x2d: {  	[tilespmem:s12], [sflag:$0x1] =	stream.linear.gather [hbm4b:s17+s2], $0x80, $0x38;
	[tilespmem:$0x200] =	vst v63  }
0x2e: {  	_ =	swait.ge [sflag:s11], $0x80  }
.Ltmp2:
0x2f: {  	[sflag:s11] =	ssyncset.done $0x0;
	(pc) =	sbr.rel @p1 .LBB2_3-.Ltmp2, $4  }
0x30: {  	[sflag:s11] =	ssyncadd.s32 $0xFFFFFF80  }
0x31: {  	[spmem:s1] =	stream.indirect.scatter.add.f32 [tilespmem:s12], [sflag:$0x1], $0x1, s2, s12, $0xb8;
	[tilespmem:$0x200] =	vst v63  }
0x32: {  	s19 =	sadd.s32 $0x1000, s19;
	_ =	swait.ge [sflag:s11], $0x80  }
0x33: {  	s17 =	sshrl.u32 s19, $0x3;
	[sflag:s11] =	ssyncset.done $0x0  }
.LBB2_4:
0x34: {  	s18 =	sadd.s32 s5, s17;
	[sflag:s11] =	ssyncadd.s32 @p0 $0xFFFFFF80  }
0x35: {  	[tilespmem:s2], [sflag:$0x1] =	stream.linear.gather [hbm4b:s18+s2], $0x80, $0x38;
	[tilespmem:$0x200] =	vst v63  }
0x36: {  	_ =	swait.ge [sflag:s11], $0x80  }
0x37: {  	[sflag:s11] =	ssyncset.done $0x0  }
0x38: {  	s31 =	sadd.s32 s4, s17;
	[sflag:s11] =	ssyncadd.s32 $0xFFFFFF80  }
0x39: {  	[tilespmem:s12], [sflag:$0x1] =	stream.linear.gather [hbm4b:s31+s2], $0x80, $0x38;
	[tilespmem:$0x200] =	vst v63  }
0x3a: {  	_ =	swait.ge [sflag:s11], $0x80  }
0x3b: {  	[sflag:s11] =	ssyncset.done $0x0  }
0x3c: {  	[sflag:s11] =	ssyncadd.s32 $0xFFFFFF80  }
0x3d: {  	[spmem:s1] =	stream.indirect.scatter.add.f32 [tilespmem:s12], [sflag:$0x1], $0x1, s2, s12, $0xb8;
	[tilespmem:$0x200] =	vst v63  }
0x3e: {  	_ =	swait.ge [sflag:s11], $0x80  }
0x3f: {  	s16 =	sadd.s32 $0x1, s16;
	[sflag:s11] =	ssyncset.done $0x0  }
0x40: {  	p0 =	sne.s32 s16, s7;
	[sflag:s11] =	ssyncadd.s32 $0xFFFFFF80  }
.Ltmp3:
0x41: {  	[bflag:$0x0] =	sbarrier.arrive $0xFFFF;
	(pc) =	sbr.rel @p0 .LBB2_1-.Ltmp3, $4  }
0x42: {  	[hbm:s13], [sflag:s14] =	dma.local [spmem:s15], $0x10  }
0x43: {  	_ =	swait.ge [sflag:s11], $0x10  }
0x44: {  	[sflag:s11] =	ssyncset.done $0x0  }
0x45: {  	[sflag:s11] =	ssyncadd.s32 $0xFFFFFFF0  }
0x46: {  	_ =	sfence.sel $0x180000  }
0x47: {  	[bflag:$0x0] =	sbarrier.arrive $0xFFFF  }
0x48: {  	p0 =	sne.s32 s3, $0x0;
	_ =	strace $0x90000065  }
0x49: {  	s0 =	sadd.s32 @!p0 $0x100000, s0;
	[bflag:$0x2] =	sbarrier.arrive $0xFFFF  }
0x4a: {  	[sflag:s0] =	ssyncadd.tile.s32 @!p0 $0x1;
	_ =	shalt  }
.Lfunc_end2:
_tile_overlayer_lowered:
.L_overlay_start_2:
0x4b: {  	(tag) =	ssettag $0x2  }
0x4c: {  	s0 =	rddreg [dreg:$0x0];
	s2 =	stileid.u32  }
0x4d: {  	s1 =	rddreg [dreg:$0x1];
	p0 =	sne.s32 s2, $0x0  }
0x4e: {  	s3 =	rddreg [dreg:$0x2];
	[bflag:$0x3] =	sbarrier.arrive $0xFFFF;
	s2 =	simm.s32 @!p0 $0x1C01  }
0x4f: {  	[timem:s3], [sflag:s2] =	dma.local @!p0 [hbm:s0], s1  }
0x50: {  	s0 =	simm.s32 @!p0 $0x1  }
0x51: {  	_ =	swait.ge @!p0 [sflag:s0], s1  }
0x52: {  	s1 =	ssub.s32 @!p0 $0x0, s1;
	[sflag:s0] =	ssyncset.done @!p0 $0x0  }
0x53: {  	[sflag:s0] =	ssyncadd.s32 @!p0 s1  }
0x54: {  	[bflag:$0x3] =	sbarrier.arrive $0xFFFF  }
0x55: {  	_ =	shalt  }

// kernel: kernel.57.cloned.1.call-start
scs
__scs_entry_jumppad:
0x0: {  	(pc) =	sbr.rel $0x88, $3  }
0x1: {  	(tag) =	ssettag $0x0;
	lr =	simm.s32 $0x1  }
0x2: {  	[smem:$0x3F98] =	sst lr;
	_ =	strace $0xD0000000  }
0x3: {  	_ = 	snop  }
0x4: {  	_ = 	snop  }
0x5: {  	_ = 	snop  }
0x6: {  	_ = 	snop  }
0x7: {  	_ = 	snop  }
__scs_overlays_trampoline_lowered:
0x8: {  	[smem:$0x3FA7] =	sst s0  }
0x9: {  	[smem:$0x3FA8] =	sst s1  }
0xa: {  	[smem:$0x3FA9] =	sst s2  }
0xb: {  	[smem:$0x3FAA] =	sst s3  }
0xc: {  	[smem:$0x3FAB] =	sst s4  }
0xd: {  	[smem:$0x3FAC] =	sst s5  }
0xe: {  	[smem:$0x3FAD] =	sst s6  }
0xf: {  	[smem:$0x3FAE] =	sst s7  }
0x10: {  	[smem:$0x3FAF] =	sst s8  }
0x11: {  	[smem:$0x3FB0] =	sst s9;
	s0 =	simm.s32 @!p0 $0x0  }
0x12: {  	s1 =	sld [smem:$0x3F96];
	s0 =	simm.s32 @p0 $0x1  }
0x13: {  	[smem:$0x3FB1] =	sst s0;
	s0 =	simm.s32 @!p1 $0x0  }
0x14: {  	s2 =	sld [smem:$0x3F95];
	s0 =	simm.s32 @p1 $0x1  }
0x15: {  	[smem:$0x3FB2] =	sst s0;
	s0 =	simm.s32 @!p2 $0x0  }
0x16: {  	s3 =	sld [smem:$0x3FDB];
	s0 =	simm.s32 @p2 $0x1  }
0x17: {  	s4 =	simm.s32 $0x1BF5;
	[smem:$0x3FB4] =	sst s0  }
0x18: {  	s0 =	sld [smem:$0x3F97];
	_ =	swait.ge [sflag:s4], $0x0  }
0x19: {  	s7 =	sld [smem:$0x3F98]  }
0x1a: {  	s8 =	sadd.s32 $0xFFFFE003, lr  }
0x1b: {  	s9 =	sadd.s32 $0xFFFFFEF7, lr;
	s5 =	simm.s32 $0xFFFFFFFF;
	p2 =	slt.u32 s8, $0xFFFFF086  }
0x1c: {  	p1 =	slt.u32 s9, $0xF7A;
	s5 =	simm.s32 @!p2 $0x0  }
0x1d: {  	s5 =	simm.s32 @p1 $0x1;
	p0 =	seq.s32 s7, s2  }
0x1e: {  	s7 =	smul.u32 @!p0 $0xF7A, s2;
	p2 =	seq.s32 @!p0 s5, $0x0  }
0x1f: {  	s9 =	smul.u32 $0xF7A, s1;
	s8 =	simm.s32 @!p0 $0x1BF5;
	p2 =	por !p2, p0  }
0x20: {  	[sflag:s8] =	ssyncset.s32 @!p0 $0xFFFFF086;
	s6 =	sadd.s32 @!p0 s3, s7;
	s7 =	simm.s32 @!p0 $0x108  }
0x21: {  	s3 =	sadd.s32 s3, s9;
	s6 =	sadd.s32 @!p0 $0x88, s6;
	s7 =	simm.s32 @p2 $0x1082  }
0x22: {  	[simem:s7], [sflag:s8] =	dma.local @!p0 [hbm:s6], $0xF7A  }
0x23: {  	s9 =	sor.u32 $0xD0000000, s2;
	s6 =	simm.s32 $0x108;
	_ =	swait.ge @!p0 [sflag:s8], $0x0  }
0x24: {  	s3 =	sadd.s32 $0x88, s3;
	s6 =	simm.s32 @!p1 $0x1082;
	[sflag:s4] =	ssyncset.s32 $0xFFFFF086  }
0x25: {  	[simem:s6], [sflag:s4] =	dma.local [hbm:s3], $0xF7A  }
0x26: {  	[smem:$0x3F98] =	sst s1;
	(tag) =	ssettag s2;
	_ =	strace s9  }
0x27: {  	s1 =	sld [smem:$0x3FA8]  }
0x28: {  	s2 =	sld [smem:$0x3FA9]  }
0x29: {  	s4 =	sld [smem:$0x3FAB]  }
0x2a: {  	p0 =	seq.s32 s5, $0x0;
	s5 =	sld [smem:$0x3FAC]  }
0x2b: {  	s6 =	sld [smem:$0x3FAD]  }
0x2c: {  	s7 =	sld [smem:$0x3FAE]  }
0x2d: {  	s3 =	simm.s32 $0x108;
	s8 =	sld [smem:$0x3FAF]  }
0x2e: {  	s3 =	simm.s32 @!p0 $0x1082;
	s9 =	sld [smem:$0x3FB0]  }
0x2f: {  	lr =	sadd.s32 s0, s3;
	s0 =	sld [smem:$0x3FA7]  }
0x30: {  	s3 =	sld [smem:$0x3FAA]  }
0x31: {  	[smem:$0x3FB3] =	sst s10  }
0x32: {  	s10 =	sld [smem:$0x3FB1];
	_ =	sdelay $0x3  }
0x33: {  	p0 =	seq.s32 s10, $0x1;
	s10 =	sld [smem:$0x3FB3];
	_ =	sdelay $0x3  }
0x34: {  	[smem:$0x3FB3] =	sst s10  }
0x35: {  	s10 =	sld [smem:$0x3FB2];
	_ =	sdelay $0x3  }
0x36: {  	p1 =	seq.s32 s10, $0x1;
	s10 =	sld [smem:$0x3FB3];
	_ =	sdelay $0x3  }
0x37: {  	[smem:$0x3FB3] =	sst s10  }
0x38: {  	s10 =	sld [smem:$0x3FB4]  }
0x39: {  	_ = 	snop;
	(pc) =	sbr.ind lr, $3  }
0x3a: {  	_ = 	snop  }
0x3b: {  	_ = 	snop  }
0x3c: {  	p2 =	seq.s32 s10, $0x1;
	s10 =	sld [smem:$0x3FB3]  }
0x3d: {  	_ =	shalt  }
0x3e: {  	_ =	shalt  }
0x3f: {  	_ =	shalt  }
0x40: {  	_ =	shalt  }
0x41: {  	_ =	shalt  }
0x42: {  	_ =	shalt  }
0x43: {  	_ =	shalt  }
0x44: {  	_ =	shalt  }
0x45: {  	_ =	shalt  }
0x46: {  	_ =	shalt  }
0x47: {  	_ =	shalt  }
0x48: {  	_ =	shalt  }
0x49: {  	_ =	shalt  }
0x4a: {  	_ =	shalt  }
0x4b: {  	_ =	shalt  }
0x4c: {  	_ =	shalt  }
0x4d: {  	_ =	shalt  }
0x4e: {  	_ =	shalt  }
0x4f: {  	_ =	shalt  }
0x50: {  	_ =	shalt  }
0x51: {  	_ =	shalt  }
0x52: {  	_ =	shalt  }
0x53: {  	_ =	shalt  }
0x54: {  	_ =	shalt  }
0x55: {  	_ =	shalt  }
0x56: {  	_ =	shalt  }
0x57: {  	_ =	shalt  }
0x58: {  	_ =	shalt  }
0x59: {  	_ =	shalt  }
0x5a: {  	_ =	shalt  }
0x5b: {  	_ =	shalt  }
0x5c: {  	_ =	shalt  }
0x5d: {  	_ =	shalt  }
0x5e: {  	_ =	shalt  }
0x5f: {  	_ =	shalt  }
0x60: {  	_ =	shalt  }
0x61: {  	_ =	shalt  }
0x62: {  	_ =	shalt  }
0x63: {  	_ =	shalt  }
0x64: {  	_ =	shalt  }
0x65: {  	_ =	shalt  }
0x66: {  	_ =	shalt  }
0x67: {  	_ =	shalt  }
0x68: {  	_ =	shalt  }
0x69: {  	_ =	shalt  }
0x6a: {  	_ =	shalt  }
0x6b: {  	_ =	shalt  }
0x6c: {  	_ =	shalt  }
0x6d: {  	_ =	shalt  }
0x6e: {  	_ =	shalt  }
0x6f: {  	_ =	shalt  }
0x70: {  	_ =	shalt  }
0x71: {  	_ =	shalt  }
0x72: {  	_ =	shalt  }
0x73: {  	_ =	shalt  }
0x74: {  	_ =	shalt  }
0x75: {  	_ =	shalt  }
0x76: {  	_ =	shalt  }
0x77: {  	_ =	shalt  }
0x78: {  	_ =	shalt  }
0x79: {  	_ =	shalt  }
0x7a: {  	_ =	shalt  }
0x7b: {  	_ =	shalt  }
0x7c: {  	_ =	shalt  }
0x7d: {  	_ =	shalt  }
0x7e: {  	_ =	shalt  }
0x7f: {  	_ =	shalt  }
0x80: {  	_ =	shalt  }
0x81: {  	_ =	shalt  }
0x82: {  	_ =	shalt  }
0x83: {  	_ =	shalt  }
0x84: {  	_ =	shalt  }
0x85: {  	_ =	shalt  }
0x86: {  	_ =	shalt  }
0x87: {  	_ =	shalt  }
.Lfunc_end0:
.L_simem_size_0:
called_computation.11_lowered:
.L_overlay_start_0:
0x88: {  	s0 =	sld [smem:$0x3FD9]  }
0x89: {  	s1 =	sld [smem:$0x3FFE];
	_ =	sdelay $0x3  }
0x8a: {  	s0 =	sadd.s32 s1, s0  }
0x8b: {  	[smem:$0x3FBF] =	sst s0  }
0x8c: {  	_ = 	snop  }
0x8d: {  	(tm) =	ssettm $0x1  }
0x8e: {  	s15 =	sld [smem:$0x3FFB];
	_ =	sdelay $0x3  }
0x8f: {  	_ =	strace s15  }
0x90: {  	s0 =	sld [smem:$0x3FFC];
	_ =	sdelay $0x3  }
0x91: {  	_ =	strace s0  }
0x92: {  	s0 =	sld [smem:$0x3FFD];
	_ =	sdelay $0x3  }
0x93: {  	_ =	strace s0  }
0x94: {  	_ =	strace $0x8FFFFFFF  }
0x95: {  	s16 =	sld [smem:$0x3FDB];
	_ =	sdelay $0x1  }
0x96: {  	s17 =	simm.s32 $_scs_section_size  }
0x97: {  	s2 =	simm.s32 $_size__tile_overlayer_lowered;
	s3 =	simm.s32 $_tile_overlayer_lowered  }
0x98: {  	s20 =	simm.s32 $0x1BFF;
	s19 =	sshll.u32 s3, $0x1;
	s0 =	sadd.s32 s17, s16  }
0x99: {  	s4 =	simm.s32 $0x0;
	s18 =	sshll.u32 s2, $0x1;
	s2 =	sadd.s32 s19, s0  }
0x9a: {  	[timem:s4], [sflag:s20] =	dma.local [hbm:s2], s18  }
0x9b: {  	_ =	swait.ge [sflag:s20], s18  }
0x9c: {  	s1 =	ssub.s32 $0x0, s18;
	[sflag:s20] =	ssyncset.done $0x0  }
0x9d: {  	[sflag:s20] =	ssyncadd.s32 s1;
	_ =	sdelay $0x1  }
0x9e: {  	s21 =	simm.s32 $0x1B8B  }
0x9f: {  	_ =	swait.ge [sflag:s21], $0x1  }
0xa0: {  	[sflag:s21] =	ssyncset.done $0x0  }
0xa1: {  	s23 =	simm.s32 $0x1B8E;
	s22 =	sld [smem:$0x3FFE];
	[sflag:s21] =	ssyncadd.s32 $0xFFFFFFFF  }
0xa2: {  	s24 =	simm.s32 $execute0_lowered;
	[smem:$0x3FD2] =	sst s23  }
0xa3: {  	s2 =	sshll.u32 s24, $0x1;
	_ =	strace $0x80000067;
	[dreg:$0x1] =	wrdreg $0xFFFFFFFF  }
0xa4: {  	s25 =	simm.s32 $_size_execute0_lowered;
	s0 =	sadd.s32 s0, s2;
	[dreg:$0x0] =	wrdreg $0x0  }
0xa5: {  	s2 =	sshll.u32 s25, $0x1;
	[dreg:$0x2] =	wrdreg s0  }
0xa6: {  	[dreg:$0x3] =	wrdreg s2  }
0xa7: {  	[dreg:$0x4] =	wrdreg $0xC0  }
0xa8: {  	_ =	task [dreg:s4], $0x5FFFF  }
0xa9: {  	[dreg:$0x1] =	wrdreg $0xFFFFFFFF  }
0xaa: {  	[dreg:$0x0] =	wrdreg $0x60  }
0xab: {  	[dreg:$0x2] =	wrdreg s22  }
0xac: {  	[dreg:$0x3] =	wrdreg $0x61000  }
0xad: {  	[dreg:$0x4] =	wrdreg $0xA  }
0xae: {  	_ =	task.clear_ibuf [dreg:s4], $0x5FFFF;
	_ =	strace $0x90000067  }
0xaf: {  	s26 =	simm.s32 $0xA;
	_ =	strace $0x80000069  }
0xb0: {  	_ =	swait.ge [sflag:s26], $0x1  }
0xb1: {  	[sflag:s26] =	ssyncadd.s32 $0xFFFFFFFF  }
0xb2: {  	_ =	strace $0x90000069  }
0xb3: {  	_ =	sfence  }
0xb4: {  	s28 =	sld [smem:$0x0];
	_ =	sdelay $0x1  }
0xb5: {  	s29 =	srdreg.scid  }
0xb6: {  	s30 =	sshll.u32 s29, $0xD;
	s31 =	sshrl.u32 s29, $0x2  }
0xb7: {  	s1 =	sand.u32 $0x1, s29;
	s2 =	sand.u32 $0x4000, s30;
	s0 =	sadd.s32 s31, s28  }
0xb8: {  	s1 =	sor.u32 s2, s1;
	s0 =	sshll.u32 s0, $0x11  }
0xb9: {  	s0 =	sor.u32 s0, s1  }
0xba: {  	s0 =	sadd.s32 $0x8F2B, s0  }
0xbb: {  	[sflag:s0] =	ssyncadd.remote.s32 $0x1  }
0xbc: {  	_ =	sfence.sel $0xFFFF  }
0xbd: {  	[dreg:$0x0] =	wrdreg $0xFFFFFFFF;
	(pc) =	sbr.abs _section_cstart, $3  }
0xbe: {  	[dreg:$0x1] =	wrdreg $0xFFFFFFFF  }
0xbf: {  	_ =	task.clear_ibuf [dreg:s4], $0x2FFFF;
	_ =	strace $0x9FFFFFFF  }
0xc0: {  	(tm) =	ssettm $0x7FFFFFFF  }
0xc1: {  	_ =	shalt  }
tec
execute0_lowered:
.L_overlay_start_1:
0x0: {  	(tag) =	ssettag $0x1  }
0x1: {  	s1 =	rddreg [dreg:$0x0]  }
0x2: {  	s2 =	rddreg [dreg:$0x1]  }
0x3: {  	s0 =	rddreg [dreg:$0x2];
	s7 =	simm.s32 $0x0  }
0x4: {  	[smem:$0x7FF] =	sst s7;
	s4 =	sadd.s32 $0x9200, s1;
	s6 =	sadd.s32 $0x30A00, s1  }
0x5: {  	s5 =	sadd.s32 $0x30400, s1;
	s8 =	sand.u32 $0xE00, s7;
	s3 =	sadd.s32 $0x31000, s1  }
0x6: {  	s9 =	sand.u32 $0x70, s7;
	s1 =	stileid.u32;
	s10 =	sshrl.u32 s8, $0x2  }
0x7: {  	v0 =	vimm.f32 $0.0e+00;
	_ =	strace $0x80000068;
	s8 =	simm.s32 $0x40;
	s9 =	sor.u32 s9, s10  }
.LBB2_1:
0x8: {  	p0 =	sne.s32 s8, $0xFC0  }
0x9: {  	[tilespmem:s9+$0x4100] =	vst v0;
	s7 =	sadd.s32 $0x10, s7;
	s9 =	smov.u32 s8;
	s8 =	sadd.s32 $0x40, s8  }
.Ltmp0:
0xa: {  	(pc) =	sbr.rel @p0 .LBB2_1-.Ltmp0, $4  }
0xb: {  	_ = 	snop  }
0xc: {  	s9 =	sand.u32 $0xE00, s9  }
0xd: {  	s10 =	sand.u32 $0x70, s7;
	s9 =	sshrl.u32 s9, $0x2  }
0xe: {  	s9 =	sor.u32 s10, s9  }
0xf: {  	s7 =	sshll.u32 s1, $0xA  }
0x10: {  	[tilespmem:s9+$0x4100] =	vst v0;
	s17 =	simm.s32 $0x4100;
	s18 =	simm.s32 $0x1;
	s8 =	sadd.s32 s7, s2  }
0x11: {  	[spmem:s8] =	stream.linear.scatter [tilespmem:s17], [sflag:$0x1], $0x400, $0x38;
	[tilespmem:$0x6500] =	vst v63  }
0x12: {  	_ =	swait.ge [sflag:s18], $0x400  }
0x13: {  	[sflag:s18] =	ssyncset.done $0x0  }
0x14: {  	s12 =	sshll.u32 s1, $0x4;
	[sflag:s18] =	ssyncadd.s32 $0xFFFFFC00  }
0x15: {  	s19 =	simm.s32 $0x0;
	s10 =	sadd.s32 s6, s12;
	[bflag:$0x0] =	sbarrier.arrive $0xFFFF  }
0x16: {  	[tilespmem:s19], [sflag:$0x1] =	stream.linear.gather [hbm4b:s10+s19], $0x80, $0x38;
	[tilespmem:$0x6500] =	vst v63  }
0x17: {  	_ =	swait.ge [sflag:s18], $0x80  }
0x18: {  	[sflag:s18] =	ssyncset.done $0x0  }
0x19: {  	s20 =	simm.s32 $0x80;
	s11 =	sadd.s32 s5, s12;
	[sflag:s18] =	ssyncadd.s32 $0xFFFFFF80  }
0x1a: {  	[tilespmem:s20], [sflag:$0x1] =	stream.linear.gather [hbm4b:s11+s19], $0x80, $0x38;
	[tilespmem:$0x6500] =	vst v63  }
0x1b: {  	_ =	swait.ge [sflag:s18], $0x80  }
0x1c: {  	[sflag:s18] =	ssyncset.done $0x0  }
0x1d: {  	s21 =	simm.s32 $0x100;
	[sflag:s18] =	ssyncadd.s32 $0xFFFFFF80  }
0x1e: {  	[tilespmem:s21], [sflag:$0x1] =	stream.indirect.gather [hbm4b:s4+s20], $0x80, s19, s20, $0xb8;
	[tilespmem:$0x6500] =	vst v63  }
0x1f: {  	_ =	swait.ge [sflag:s18], $0x4000  }
0x20: {  	[sflag:s18] =	ssyncset.done $0x0  }
0x21: {  	[sflag:s18] =	ssyncadd.s32 $0xFFFFC000  }
0x22: {  	[spmem:s2] =	stream.indirect.scatter.add.f32 [tilespmem:s21], [sflag:$0x1], $0x80, s20, s20, $0xb8;
	[tilespmem:$0x6500] =	vst v63  }
0x23: {  	_ =	swait.ge [sflag:s18], $0x4000  }
0x24: {  	s13 =	sor.u32 $0x100, s12;
	[sflag:s18] =	ssyncset.done $0x0  }
0x25: {  	s14 =	sadd.s32 s6, s13;
	[sflag:s18] =	ssyncadd.s32 $0xFFFFC000  }
0x26: {  	[tilespmem:s19], [sflag:$0x1] =	stream.linear.gather [hbm4b:s14+s19], $0x80, $0x38;
	[tilespmem:$0x6500] =	vst v63  }
0x27: {  	_ =	swait.ge [sflag:s18], $0x80  }
0x28: {  	[sflag:s18] =	ssyncset.done $0x0  }
0x29: {  	s13 =	sadd.s32 s5, s13;
	[sflag:s18] =	ssyncadd.s32 $0xFFFFFF80  }
0x2a: {  	[tilespmem:s20], [sflag:$0x1] =	stream.linear.gather [hbm4b:s13+s19], $0x80, $0x38;
	[tilespmem:$0x6500] =	vst v63  }
0x2b: {  	_ =	swait.ge [sflag:s18], $0x80  }
0x2c: {  	[sflag:s18] =	ssyncset.done $0x0  }
0x2d: {  	[sflag:s18] =	ssyncadd.s32 $0xFFFFFF80  }
0x2e: {  	[tilespmem:s21], [sflag:$0x1] =	stream.indirect.gather [hbm4b:s4+s20], $0x80, s19, s20, $0xb8;
	[tilespmem:$0x6500] =	vst v63  }
0x2f: {  	_ =	swait.ge [sflag:s18], $0x4000  }
0x30: {  	[sflag:s18] =	ssyncset.done $0x0  }
0x31: {  	[sflag:s18] =	ssyncadd.s32 $0xFFFFC000  }
0x32: {  	[spmem:s2] =	stream.indirect.scatter.add.f32 [tilespmem:s21], [sflag:$0x1], $0x80, s20, s20, $0xb8;
	[tilespmem:$0x6500] =	vst v63  }
0x33: {  	_ =	swait.ge [sflag:s18], $0x4000  }
0x34: {  	s22 =	sor.u32 $0x200, s12;
	[sflag:s18] =	ssyncset.done $0x0  }
0x35: {  	s23 =	sadd.s32 s6, s22;
	[sflag:s18] =	ssyncadd.s32 $0xFFFFC000  }
0x36: {  	[tilespmem:s19], [sflag:$0x1] =	stream.linear.gather [hbm4b:s23+s19], $0x80, $0x38;
	[tilespmem:$0x6500] =	vst v63  }
0x37: {  	_ =	swait.ge [sflag:s18], $0x80  }
0x38: {  	[sflag:s18] =	ssyncset.done $0x0  }
0x39: {  	s13 =	sadd.s32 s5, s22;
	[sflag:s18] =	ssyncadd.s32 $0xFFFFFF80  }
0x3a: {  	[tilespmem:s20], [sflag:$0x1] =	stream.linear.gather [hbm4b:s13+s19], $0x80, $0x38;
	[tilespmem:$0x6500] =	vst v63  }
0x3b: {  	_ =	swait.ge [sflag:s18], $0x80  }
0x3c: {  	[sflag:s18] =	ssyncset.done $0x0  }
0x3d: {  	[sflag:s18] =	ssyncadd.s32 $0xFFFFFF80  }
0x3e: {  	[tilespmem:s21], [sflag:$0x1] =	stream.indirect.gather [hbm4b:s4+s20], $0x80, s19, s20, $0xb8;
	[tilespmem:$0x6500] =	vst v63  }
0x3f: {  	_ =	swait.ge [sflag:s18], $0x4000  }
0x40: {  	[sflag:s18] =	ssyncset.done $0x0  }
0x41: {  	[sflag:s18] =	ssyncadd.s32 $0xFFFFC000  }
0x42: {  	[spmem:s2] =	stream.indirect.scatter.add.f32 [tilespmem:s21], [sflag:$0x1], $0x80, s20, s20, $0xb8;
	[tilespmem:$0x6500] =	vst v63  }
0x43: {  	_ =	swait.ge [sflag:s18], $0x4000  }
0x44: {  	s24 =	sor.u32 $0x300, s12;
	[sflag:s18] =	ssyncset.done $0x0  }
0x45: {  	s25 =	sadd.s32 s6, s24;
	[sflag:s18] =	ssyncadd.s32 $0xFFFFC000  }
0x46: {  	[tilespmem:s19], [sflag:$0x1] =	stream.linear.gather [hbm4b:s25+s19], $0x80, $0x38;
	[tilespmem:$0x6500] =	vst v63  }
0x47: {  	_ =	swait.ge [sflag:s18], $0x80  }
0x48: {  	[sflag:s18] =	ssyncset.done $0x0  }
0x49: {  	s13 =	sadd.s32 s5, s24;
	[sflag:s18] =	ssyncadd.s32 $0xFFFFFF80  }
0x4a: {  	[tilespmem:s20], [sflag:$0x1] =	stream.linear.gather [hbm4b:s13+s19], $0x80, $0x38;
	[tilespmem:$0x6500] =	vst v63  }
0x4b: {  	_ =	swait.ge [sflag:s18], $0x80  }
0x4c: {  	[sflag:s18] =	ssyncset.done $0x0  }
0x4d: {  	[sflag:s18] =	ssyncadd.s32 $0xFFFFFF80  }
0x4e: {  	[tilespmem:s21], [sflag:$0x1] =	stream.indirect.gather [hbm4b:s4+s20], $0x80, s19, s20, $0xb8;
	[tilespmem:$0x6500] =	vst v63  }
0x4f: {  	_ =	swait.ge [sflag:s18], $0x4000  }
0x50: {  	[sflag:s18] =	ssyncset.done $0x0  }
0x51: {  	[sflag:s18] =	ssyncadd.s32 $0xFFFFC000  }
0x52: {  	[spmem:s2] =	stream.indirect.scatter.add.f32 [tilespmem:s21], [sflag:$0x1], $0x80, s20, s20, $0xb8;
	[tilespmem:$0x6500] =	vst v63  }
0x53: {  	_ =	swait.ge [sflag:s18], $0x4000  }
0x54: {  	s12 =	sor.u32 $0x400, s12;
	[sflag:s18] =	ssyncset.done $0x0  }
0x55: {  	s26 =	sadd.s32 s6, s12;
	[sflag:s18] =	ssyncadd.s32 $0xFFFFC000  }
0x56: {  	[tilespmem:s19], [sflag:$0x1] =	stream.linear.gather [hbm4b:s26+s19], $0x80, $0x38;
	[tilespmem:$0x6500] =	vst v63  }
0x57: {  	_ =	swait.ge [sflag:s18], $0x80  }
0x58: {  	[sflag:s18] =	ssyncset.done $0x0  }
0x59: {  	s28 =	sadd.s32 s5, s12;
	[sflag:s18] =	ssyncadd.s32 $0xFFFFFF80  }
0x5a: {  	[tilespmem:s20], [sflag:$0x1] =	stream.linear.gather [hbm4b:s28+s19], $0x80, $0x38;
	[tilespmem:$0x6500] =	vst v63  }
0x5b: {  	_ =	swait.ge [sflag:s18], $0x80  }
0x5c: {  	[sflag:s18] =	ssyncset.done $0x0  }
0x5d: {  	[sflag:s18] =	ssyncadd.s32 $0xFFFFFF80  }
0x5e: {  	[tilespmem:s21], [sflag:$0x1] =	stream.indirect.gather [hbm4b:s4+s20], $0x80, s19, s20, $0xb8;
	[tilespmem:$0x6500] =	vst v63  }
0x5f: {  	_ =	swait.ge [sflag:s18], $0x4000  }
0x60: {  	[sflag:s18] =	ssyncset.done $0x0  }
0x61: {  	[sflag:s18] =	ssyncadd.s32 $0xFFFFC000  }
0x62: {  	[spmem:s2] =	stream.indirect.scatter.add.f32 [tilespmem:s21], [sflag:$0x1], $0x80, s20, s20, $0xb8;
	[tilespmem:$0x6500] =	vst v63  }
0x63: {  	_ =	swait.ge [sflag:s18], $0x4000  }
0x64: {  	s29 =	sshll.u32 s1, $0x7;
	[sflag:s18] =	ssyncset.done $0x0  }
0x65: {  	s30 =	sshll.u32 s1, $0x6;
	s31 =	sshrl.u32 s8, $0x3;
	[sflag:s18] =	ssyncadd.s32 $0xFFFFC000  }
0x66: {  	s2 =	sadd.s32 s3, s29;
	s3 =	sor.u32 $0x1C01, s30;
	[bflag:$0x0] =	sbarrier.arrive $0xFFFF  }
0x67: {  	[hbm:s2], [sflag:s3] =	dma.local [spmem:s31], $0x80  }
0x68: {  	_ =	swait.ge [sflag:s18], $0x80  }
0x69: {  	[sflag:s18] =	ssyncset.done $0x0  }
0x6a: {  	[sflag:s18] =	ssyncadd.s32 $0xFFFFFF80  }
0x6b: {  	_ =	sfence.sel $0x180000  }
0x6c: {  	[bflag:$0x0] =	sbarrier.arrive $0xFFFF  }
0x6d: {  	p0 =	sne.s32 s1, $0x0;
	_ =	strace $0x90000068  }
0x6e: {  	s0 =	sadd.s32 @!p0 $0x100000, s0;
	[bflag:$0x2] =	sbarrier.arrive $0xFFFF  }
0x6f: {  	[sflag:s0] =	ssyncadd.tile.s32 @!p0 $0x1;
	_ =	shalt  }
.Lfunc_end2:
_tile_overlayer_lowered:
.L_overlay_start_2:
0x70: {  	(tag) =	ssettag $0x2  }
0x71: {  	s0 =	rddreg [dreg:$0x0];
	s2 =	stileid.u32  }
0x72: {  	s1 =	rddreg [dreg:$0x1];
	p0 =	sne.s32 s2, $0x0  }
0x73: {  	s3 =	rddreg [dreg:$0x2];
	[bflag:$0x3] =	sbarrier.arrive $0xFFFF;
	s2 =	simm.s32 @!p0 $0x1C01  }
0x74: {  	[timem:s3], [sflag:s2] =	dma.local @!p0 [hbm:s0], s1  }
0x75: {  	s0 =	simm.s32 @!p0 $0x1  }
0x76: {  	_ =	swait.ge @!p0 [sflag:s0], s1  }
0x77: {  	s1 =	ssub.s32 @!p0 $0x0, s1;
	[sflag:s0] =	ssyncset.done @!p0 $0x0  }
0x78: {  	[sflag:s0] =	ssyncadd.s32 @!p0 s1  }
0x79: {  	[bflag:$0x3] =	sbarrier.arrive $0xFFFF  }
0x7a: {  	_ =	shalt  }

</sc_bundles>
